<compile_context>
chip_gen: v7x
topology: tpu7x:2x2x1
jax: 0.10.2.dev20260603
libtpu: 0.0.44.dev20260713+nightly
codegen_flags: <defaults>
</compile_context>

<pallas_src>
import functools

import jax
import numpy as np
import jax.numpy as jnp
from jax import lax
from jax.experimental import pallas as pl
from jax.experimental.pallas import tpu as pltpu
from jax.experimental.pallas import tpu_sc as plsc

N = 10000
E = 320000
D = 128
G = 64
NC = 2
NS = 16
NW = NC * NS
CHUNK = 128
NCHUNK = 80
SB = 4
NSUPER = NCHUNK // SB
EP = NW * NCHUNK * CHUNK
NPAD = 10240
RB = 2000
NRB = N // RB

_mesh = plsc.VectorSubcoreMesh(core_axis_name="c", subcore_axis_name="s")

_PAD_SRC = ((np.arange(EP - E) * 131) % N).astype(np.int32)
_PAD_DST = (N + np.arange(EP - E) % (NPAD - N)).astype(np.int32)


@functools.partial(
    pl.kernel,
    out_type=jax.ShapeDtypeStruct((NC, NPAD), jnp.float32),
    mesh=_mesh,
    scratch_types=[
        pltpu.VMEM((SB, CHUNK), jnp.int32),
        pltpu.VMEM((CHUNK,), jnp.float32),
        pltpu.VMEM((NPAD // NS,), jnp.float32),
        pltpu.VMEM_SHARED((NPAD,), jnp.float32),
    ],
)
def _sc_degree(dst4, ones_hbm, zeros_hbm, out, idxb, onev, stage, degs):
    cid = lax.axis_index("c")
    sid = lax.axis_index("s")
    wid = cid * NS + sid
    seg = NPAD // NS

    pltpu.sync_copy(zeros_hbm, stage)
    pltpu.sync_copy(stage, degs.at[pl.ds(sid * seg, seg)])
    pltpu.sync_copy(ones_hbm, onev)
    plsc.subcore_barrier()

    def body(s, _):
        pltpu.sync_copy(dst4.at[wid, s], idxb)
        for k in range(SB):
            pltpu.sync_copy(onev, degs.at[idxb.at[k]], add=True)
        return 0

    lax.fori_loop(0, NSUPER, body, 0)
    plsc.subcore_barrier()

    pltpu.sync_copy(degs.at[pl.ds(sid * seg, seg)], stage)
    pltpu.sync_copy(stage, out.at[cid, pl.ds(sid * seg, seg)])


@functools.partial(
    pl.kernel,
    out_type=jax.ShapeDtypeStruct((NC, NPAD, D), jnp.float32),
    mesh=_mesh,
    scratch_types=[
        pltpu.VMEM((2 * SB, CHUNK), jnp.int32),
        pltpu.VMEM((2 * SB, CHUNK), jnp.int32),
        pltpu.VMEM((CHUNK, D), jnp.float32),
        pltpu.VMEM((CHUNK, D), jnp.float32),
        pltpu.VMEM_SHARED((NPAD, D), jnp.float32),
        pltpu.SemaphoreType.DMA,
        pltpu.SemaphoreType.DMA,
        pltpu.SemaphoreType.DMA,
        pltpu.SemaphoreType.DMA,
    ],
)
def _sc_aggregate(h, src4, dst4, zrows_hbm, out, idxa, idxb, bufa, bufb, acc,
                  semia, semib, sema, semb):
    cid = lax.axis_index("c")
    sid = lax.axis_index("s")
    wid = cid * NS + sid
    rows_per_tile = NPAD // NS
    nzcopy = rows_per_tile // CHUNK

    pltpu.sync_copy(zrows_hbm, bufa)
    for k in range(nzcopy):
        pltpu.async_copy(bufa, acc.at[pl.ds(sid * rows_per_tile + k * CHUNK,
                                            CHUNK)], semb)
    for k in range(nzcopy):
        pltpu.make_async_copy(bufa, acc.at[pl.ds(sid * rows_per_tile
                                                 + k * CHUNK, CHUNK)],
                              semb).wait()
    plsc.subcore_barrier()

    gbufs = (bufa, bufb)
    gsems = (sema, semb)

    def process_super(icur, inxt, snxt, inxt_sem):
        for k in range(SB):
            cur, csem = gbufs[k % 2], gsems[k % 2]
            nxt, nsem = gbufs[(k + 1) % 2], gsems[(k + 1) % 2]
            if k < SB - 1:
                pltpu.async_copy(h.at[icur.at[k + 1]], nxt, nsem)
            else:
                pltpu.make_async_copy(src4.at[wid, snxt],
                                      inxt.at[pl.ds(0, SB)], inxt_sem).wait()
                pltpu.make_async_copy(dst4.at[wid, snxt],
                                      inxt.at[pl.ds(SB, SB)], inxt_sem).wait()
                pltpu.async_copy(h.at[inxt.at[0]], nxt, nsem)
            pltpu.make_async_copy(h.at[icur.at[k]], cur, csem).wait()
            pltpu.sync_copy(cur, acc.at[icur.at[SB + k]], add=True)

    pltpu.sync_copy(src4.at[wid, 0], idxa.at[pl.ds(0, SB)])
    pltpu.sync_copy(dst4.at[wid, 0], idxa.at[pl.ds(SB, SB)])
    pltpu.async_copy(h.at[idxa.at[0]], bufa, sema)

    def pair(t, _):
        s0 = 2 * t
        pltpu.async_copy(src4.at[wid, s0 + 1], idxb.at[pl.ds(0, SB)], semib)
        pltpu.async_copy(dst4.at[wid, s0 + 1], idxb.at[pl.ds(SB, SB)], semib)
        process_super(idxa, idxb, s0 + 1, semib)
        s2 = jnp.minimum(s0 + 2, NSUPER - 1)
        pltpu.async_copy(src4.at[wid, s2], idxa.at[pl.ds(0, SB)], semia)
        pltpu.async_copy(dst4.at[wid, s2], idxa.at[pl.ds(SB, SB)], semia)
        process_super(idxb, idxa, s2, semia)
        return 0

    lax.fori_loop(0, NSUPER // 2, pair, 0)
    pltpu.make_async_copy(h.at[idxa.at[0]], bufa, sema).wait()
    plsc.subcore_barrier()

    obufs = (bufa, bufb)
    osems = (sema, semb)
    r00 = sid * rows_per_tile
    pltpu.async_copy(acc.at[pl.ds(r00, CHUNK)], bufa, sema)
    for k in range(nzcopy):
        r0 = r00 + k * CHUNK
        pltpu.make_async_copy(acc.at[pl.ds(r0, CHUNK)], obufs[k % 2],
                              osems[k % 2]).wait()
        if k + 1 < nzcopy:
            pltpu.async_copy(acc.at[pl.ds(r0 + CHUNK, CHUNK)],
                             obufs[(k + 1) % 2], osems[(k + 1) % 2])
        pltpu.sync_copy(obufs[k % 2], out.at[cid, pl.ds(r0, CHUNK)])


def _tc_mm_body(x_ref, w_ref, h_ref):
    h_ref[...] = jnp.dot(x_ref[...], w_ref[...],
                         preferred_element_type=jnp.float32,
                         precision=lax.Precision.HIGHEST)


def _tc_scale_body(h_ref, d0_ref, d1_ref, hp_ref, dinv_ref):
    deg = d0_ref[...] + d1_ref[...] + 1.0
    dinv = lax.rsqrt(deg)
    hp_ref[...] = h_ref[...] * dinv
    dinv_ref[...] = dinv


def _tc_mid_body(acc0_ref, acc1_ref, hp_ref, dinv_ref, b_ref, w_ref, out_ref):
    dinv = dinv_ref[...]
    z = (acc0_ref[0] + acc1_ref[0] + hp_ref[...]) * dinv + b_ref[...]
    z = jnp.maximum(z, 0.0)
    out_ref[...] = jnp.dot(
        z, w_ref[...], preferred_element_type=jnp.float32,
        precision=lax.Precision.HIGHEST) * dinv


def _tc_last_body(acc0_ref, acc1_ref, hp_ref, dinv_ref, b_ref, batch_ref,
                  fcw_ref, fcb_ref, out_ref, sums_ref, cnts_ref):
    i = pl.program_id(0)
    z = (acc0_ref[0] + acc1_ref[0] + hp_ref[...]) * dinv_ref[...] + b_ref[...]
    z = jnp.maximum(z, 0.0)
    gid = lax.broadcasted_iota(jnp.int32, (RB, G), 1)
    onehot = (batch_ref[...] == gid).astype(jnp.float32)
    ps = lax.dot_general(onehot, z, (((0,), (0,)), ((), ())),
                         preferred_element_type=jnp.float32,
        precision=lax.Precision.HIGHEST)
    pc = lax.dot_general(onehot, jnp.ones_like(z), (((0,), (0,)), ((), ())),
                         preferred_element_type=jnp.float32,
        precision=lax.Precision.HIGHEST)

    @pl.when(i == 0)
    def _():
        sums_ref[...] = ps
        cnts_ref[...] = pc

    @pl.when(i > 0)
    def _():
        sums_ref[...] += ps
        cnts_ref[...] += pc

    @pl.when(i == NRB - 1)
    def _():
        g = sums_ref[...] / jnp.maximum(cnts_ref[...], 1.0)
        out_ref[...] = jnp.dot(
            g, fcw_ref[...], preferred_element_type=jnp.float32,
        precision=lax.Precision.HIGHEST) + fcb_ref[...]


_row_spec = pl.BlockSpec((RB, D), lambda i: (i, 0))
_col_spec = pl.BlockSpec((RB, 1), lambda i: (i, 0))
_full_w = pl.BlockSpec((D, D), lambda i: (0, 0))
_full_b = pl.BlockSpec((1, D), lambda i: (0, 0))
_acc0_spec = pl.BlockSpec((1, RB, D), lambda i: (0, i, 0))
_acc1_spec = pl.BlockSpec((1, RB, D), lambda i: (1, i, 0))

_tc_mm = pl.pallas_call(
    _tc_mm_body,
    grid=(NRB,),
    in_specs=[_row_spec, _full_w],
    out_specs=_row_spec,
    out_shape=jax.ShapeDtypeStruct((N, D), jnp.float32),
)

_tc_scale = pl.pallas_call(
    _tc_scale_body,
    grid=(NRB,),
    in_specs=[_row_spec, _col_spec, _col_spec],
    out_specs=[_row_spec, _col_spec],
    out_shape=[jax.ShapeDtypeStruct((N, D), jnp.float32),
               jax.ShapeDtypeStruct((N, 1), jnp.float32)],
)

_tc_mid = pl.pallas_call(
    _tc_mid_body,
    grid=(NRB,),
    in_specs=[_acc0_spec, _acc1_spec, _row_spec, _col_spec, _full_b, _full_w],
    out_specs=_row_spec,
    out_shape=jax.ShapeDtypeStruct((N, D), jnp.float32),
)

_tc_last = pl.pallas_call(
    _tc_last_body,
    grid=(NRB,),
    in_specs=[_acc0_spec, _acc1_spec, _row_spec, _col_spec, _full_b,
              pl.BlockSpec((RB, 1), lambda i: (i, 0)),
              pl.BlockSpec((D, 1), lambda i: (0, 0)),
              pl.BlockSpec((1, 1), lambda i: (0, 0))],
    out_specs=pl.BlockSpec((G, 1), lambda i: (0, 0)),
    out_shape=jax.ShapeDtypeStruct((G, 1), jnp.float32),
    scratch_shapes=[pltpu.VMEM((G, D), jnp.float32),
                    pltpu.VMEM((G, D), jnp.float32)],
)


def kernel(x, edge_index, batch, W1, b1, W2, b2, fcW, fcb):
    src = edge_index[0].astype(jnp.int32)
    dst = edge_index[1].astype(jnp.int32)
    src4 = jnp.concatenate([src, _PAD_SRC]).reshape(NW, NSUPER, SB, CHUNK)
    dst4 = jnp.concatenate([dst, _PAD_DST]).reshape(NW, NSUPER, SB, CHUNK)

    ones_h = jnp.ones((CHUNK,), jnp.float32)
    zeros1 = jnp.zeros((NPAD // NS,), jnp.float32)
    zrows = jnp.zeros((CHUNK, D), jnp.float32)

    deg_parts = _sc_degree(dst4, ones_h, zeros1)
    h1 = _tc_mm(x, W1)
    d0 = deg_parts[0, :N].reshape(N, 1)
    d1 = deg_parts[1, :N].reshape(N, 1)
    h1p, dinv = _tc_scale(h1, d0, d1)

    acc1 = _sc_aggregate(h1p, src4, dst4, zrows)
    h2p = _tc_mid(acc1, acc1, h1p, dinv, b1.reshape(1, D), W2)

    acc2 = _sc_aggregate(h2p, src4, dst4, zrows)
    out = _tc_last(acc2, acc2, h2p, dinv, b2.reshape(1, D),
                   batch.astype(jnp.int32).reshape(N, 1), fcW,
                   fcb.reshape(1, 1))
    return out

# --- scband reference (transcript-rebuilt; emitter-appended) ---
"""Pipeline reference for scband-gnnmodel-20117626815225 (READ-ONLY COPY).

The authoritative reference and input builder live on the scoring server;
editing this copy changes nothing except your own understanding.
"""

import jax, jax.numpy as jnp
import numpy as np

N_NODES = 10000
N_EDGES = 320000
D_IN = 128
D_HID = 128
D_OUT = 1
N_GRAPHS = 64


def setup_inputs(seed: int = 0) -> dict:
    key = jax.random.key(seed)
    ks = jax.random.split(key, 10)
    x = jax.random.normal(ks[0], (N_NODES, D_IN), dtype=jnp.float32)
    edge_index = jax.random.randint(ks[1], (2, N_EDGES), 0, N_NODES, dtype=jnp.int64)
    batch = jnp.sort(jax.random.randint(ks[2], (N_NODES,), 0, N_GRAPHS, dtype=jnp.int64))
    s1 = 1.0 / np.sqrt(D_IN)
    s2 = 1.0 / np.sqrt(D_HID)
    W1 = jax.random.uniform(ks[3], (D_IN, D_HID), minval=-s1, maxval=s1, dtype=jnp.float32)
    b1 = jnp.zeros((D_HID,), dtype=jnp.float32)
    W2 = jax.random.uniform(ks[4], (D_HID, D_HID), minval=-s2, maxval=s2, dtype=jnp.float32)
    b2 = jnp.zeros((D_HID,), dtype=jnp.float32)
    fcW = jax.random.uniform(ks[5], (D_HID, D_OUT), minval=-s2, maxval=s2, dtype=jnp.float32)
    fcb = jnp.zeros((D_OUT,), dtype=jnp.float32)
    return {"x": x, "edge_index": edge_index, "batch": batch,
            "W1": W1, "b1": b1, "W2": W2, "b2": b2, "fcW": fcW, "fcb": fcb}


def _gcn_conv(x, edge_index, W, b):
    # PyG-style GCNConv: add self-loops, symmetric normalization, scatter-add aggregation
    n = x.shape[0]
    loop = jnp.arange(n, dtype=edge_index.dtype)
    src = jnp.concatenate([edge_index[0], loop])
    dst = jnp.concatenate([edge_index[1], loop])
    deg = jnp.zeros((n,), dtype=x.dtype).at[dst].add(1.0)
    dinv = jnp.where(deg > 0, deg ** -0.5, 0.0)
    norm = dinv[src] * dinv[dst]
    h = x @ W
    msg = h[src] * norm[:, None]
    out = jnp.zeros((n, W.shape[1]), dtype=x.dtype).at[dst].add(msg)
    return out + b


def _global_mean_pool(x, batch, num_graphs):
    sums = jax.ops.segment_sum(x, batch, num_segments=num_graphs)
    cnts = jax.ops.segment_sum(jnp.ones((x.shape[0],), dtype=x.dtype), batch, num_segments=num_graphs)
    return sums / jnp.clip(cnts, 1.0)[:, None]


def reference(x, edge_index, batch, W1, b1, W2, b2, fcW, fcb):
    h = jax.nn.relu(_gcn_conv(x, edge_index, W1, b1))
    h = jax.nn.relu(_gcn_conv(h, edge_index, W2, b2))
    g = _global_mean_pool(h, batch, N_GRAPHS)
    return g @ fcW + fcb

if __name__ == "__main__":
    import jax
    _d = setup_inputs()
    print(jax.jit(kernel)(*tuple(_d.values())))

</pallas_src>

<mosaic_0001>
#map = affine_map<(d0, d1) -> (0, 0, 0, 0)>
#map1 = affine_map<(d0, d1) -> (0)>
#map2 = affine_map<(d0, d1) -> (0, 0)>
module attributes {stable_mosaic.version = 14 : i64} {
  func.func @_sc_degree(%arg0: i32, %arg1: i32, %arg2: memref<32x20x4x128xi32, #tpu.memory_space<hbm>>, %arg3: memref<128xf32, #tpu.memory_space<hbm>>, %arg4: memref<640xf32, #tpu.memory_space<hbm>>, %arg5: memref<2x10240xf32, #tpu.memory_space<hbm>>, %arg6: memref<4x128xi32, #tpu.memory_space<vmem>>, %arg7: memref<128xf32, #tpu.memory_space<vmem>>, %arg8: memref<640xf32, #tpu.memory_space<vmem>>, %arg9: memref<10240xf32, #tpu.memory_space<vmem_shared>>) attributes {dimension_semantics = [#tpu.dimension_semantics<core_parallel>, #tpu.dimension_semantics<subcore_parallel>], iteration_bounds = array<i64: 2, 16>, scalar_prefetch = 0 : i64, scratch_operands = 4 : i64, tpu.core_type = #tpu.core_type<sc_vector_subcore>, window_params = [{transform_indices = #map}, {transform_indices = #map1}, {transform_indices = #map1}, {transform_indices = #map2}]} {
    %mul3A = arith.constant 16 : i32
    %mul3A_0 = arith.muli %arg0, %mul3A : i32
    %add3A = arith.addi %mul3A_0, %arg1 : i32
    "tpu.region"() ({
      %run_scoped3A = tpu.sem_alloc : memref<!tpu.dma_semaphore, #tpu.memory_space<semaphore_mem>>
      tpu.enqueue_dma source(%arg4 : memref<640xf32, #tpu.memory_space<hbm>>) target(%arg8 : memref<640xf32, #tpu.memory_space<vmem>>) target_semaphore(%run_scoped3A : memref<!tpu.dma_semaphore, #tpu.memory_space<semaphore_mem>>)
      tpu.wait_dma2 semaphore(%run_scoped3A : memref<!tpu.dma_semaphore, #tpu.memory_space<semaphore_mem>>) src(%arg4 : memref<640xf32, #tpu.memory_space<hbm>>) dst(%arg8 : memref<640xf32, #tpu.memory_space<vmem>>)
      tpu.yield
    }) : () -> ()
    %mul3A_1 = arith.constant 640 : i32
    %mul3A_2 = arith.muli %arg1, %mul3A_1 : i32
    "tpu.region"() ({
      %run_scoped3A = tpu.sem_alloc : memref<!tpu.dma_semaphore, #tpu.memory_space<semaphore_mem>>
      %dma_start3A = tpu.memref_slice %arg9[%mul3A_2] : memref<10240xf32, #tpu.memory_space<vmem_shared>> -> memref<640xf32, #tpu.memory_space<vmem_shared>>
      %dma_start3A_14 = tpu.memref_slice %arg9[%mul3A_2] : memref<10240xf32, #tpu.memory_space<vmem_shared>> -> memref<640xf32, #tpu.memory_space<vmem_shared>>
      tpu.enqueue_dma source(%arg8 : memref<640xf32, #tpu.memory_space<vmem>>) target(%dma_start3A_14 : memref<640xf32, #tpu.memory_space<vmem_shared>>) target_semaphore(%run_scoped3A : memref<!tpu.dma_semaphore, #tpu.memory_space<semaphore_mem>>)
      %dma_wait3A = tpu.memref_slice %arg9[%mul3A_2] : memref<10240xf32, #tpu.memory_space<vmem_shared>> -> memref<640xf32, #tpu.memory_space<vmem_shared>>
      %dma_wait3A_15 = tpu.memref_slice %arg9[%mul3A_2] : memref<10240xf32, #tpu.memory_space<vmem_shared>> -> memref<640xf32, #tpu.memory_space<vmem_shared>>
      tpu.wait_dma2 semaphore(%run_scoped3A : memref<!tpu.dma_semaphore, #tpu.memory_space<semaphore_mem>>) src(%arg8 : memref<640xf32, #tpu.memory_space<vmem>>) dst(%dma_wait3A_15 : memref<640xf32, #tpu.memory_space<vmem_shared>>)
      tpu.yield
    }) : () -> ()
    "tpu.region"() ({
      %run_scoped3A = tpu.sem_alloc : memref<!tpu.dma_semaphore, #tpu.memory_space<semaphore_mem>>
      tpu.enqueue_dma source(%arg3 : memref<128xf32, #tpu.memory_space<hbm>>) target(%arg7 : memref<128xf32, #tpu.memory_space<vmem>>) target_semaphore(%run_scoped3A : memref<!tpu.dma_semaphore, #tpu.memory_space<semaphore_mem>>)
      tpu.wait_dma2 semaphore(%run_scoped3A : memref<!tpu.dma_semaphore, #tpu.memory_space<semaphore_mem>>) src(%arg3 : memref<128xf32, #tpu.memory_space<hbm>>) dst(%arg7 : memref<128xf32, #tpu.memory_space<vmem>>)
      tpu.yield
    }) : () -> ()
    %barrier3A = arith.constant 0 : index
    tpu.barrier barrier_id(%barrier3A)
    %scan3A = arith.constant 0 : i32
    %scan3A_3 = arith.constant 0 : i32
    %scan3A_4 = arith.constant 20 : i32
    %scan3A_5 = arith.addi %scan3A_3, %scan3A_4 : i32
    %scan3A_6 = arith.constant 1 : i32
    %scan3A_7 = scf.for %scan3A_14 = %scan3A_3 to %scan3A_5 step %scan3A_6 iter_args(%scan3A_15 = %scan3A) -> (i32)  : i32 {
      "tpu.region"() ({
        %run_scoped3A_20 = tpu.sem_alloc : memref<!tpu.dma_semaphore, #tpu.memory_space<semaphore_mem>>
        %dma_start3A = arith.constant 0 : i32
        %dma_start3A_21 = arith.constant 0 : i32
        %dma_start3A_22 = tpu.memref_slice %arg2[%add3A, %scan3A_14, %dma_start3A, %dma_start3A_21] : memref<32x20x4x128xi32, #tpu.memory_space<hbm>> -> memref<1x1x4x128xi32, #tpu.memory_space<hbm>>
        %dma_start3A_23 = tpu.memref_squeeze %dma_start3A_22 : memref<1x1x4x128xi32, #tpu.memory_space<hbm>> -> memref<4x128xi32, #tpu.memory_space<hbm>>
        %dma_start3A_24 = arith.constant 0 : i32
        %dma_start3A_25 = arith.constant 0 : i32
        %dma_start3A_26 = tpu.memref_slice %arg2[%add3A, %scan3A_14, %dma_start3A_24, %dma_start3A_25] : memref<32x20x4x128xi32, #tpu.memory_space<hbm>> -> memref<1x1x4x128xi32, #tpu.memory_space<hbm>>
        %dma_start3A_27 = tpu.memref_squeeze %dma_start3A_26 : memref<1x1x4x128xi32, #tpu.memory_space<hbm>> -> memref<4x128xi32, #tpu.memory_space<hbm>>
        tpu.enqueue_dma source(%dma_start3A_27 : memref<4x128xi32, #tpu.memory_space<hbm>>) target(%arg6 : memref<4x128xi32, #tpu.memory_space<vmem>>) target_semaphore(%run_scoped3A_20 : memref<!tpu.dma_semaphore, #tpu.memory_space<semaphore_mem>>)
        %dma_wait3A = arith.constant 0 : i32
        %dma_wait3A_28 = arith.constant 0 : i32
        %dma_wait3A_29 = tpu.memref_slice %arg2[%add3A, %scan3A_14, %dma_wait3A, %dma_wait3A_28] : memref<32x20x4x128xi32, #tpu.memory_space<hbm>> -> memref<1x1x4x128xi32, #tpu.memory_space<hbm>>
        %dma_wait3A_30 = tpu.memref_squeeze %dma_wait3A_29 : memref<1x1x4x128xi32, #tpu.memory_space<hbm>> -> memref<4x128xi32, #tpu.memory_space<hbm>>
        %dma_wait3A_31 = arith.constant 0 : i32
        %dma_wait3A_32 = arith.constant 0 : i32
        %dma_wait3A_33 = tpu.memref_slice %arg2[%add3A, %scan3A_14, %dma_wait3A_31, %dma_wait3A_32] : memref<32x20x4x128xi32, #tpu.memory_space<hbm>> -> memref<1x1x4x128xi32, #tpu.memory_space<hbm>>
        %dma_wait3A_34 = tpu.memref_squeeze %dma_wait3A_33 : memref<1x1x4x128xi32, #tpu.memory_space<hbm>> -> memref<4x128xi32, #tpu.memory_space<hbm>>
        tpu.wait_dma2 semaphore(%run_scoped3A_20 : memref<!tpu.dma_semaphore, #tpu.memory_space<semaphore_mem>>) src(%dma_wait3A_34 : memref<4x128xi32, #tpu.memory_space<hbm>>) dst(%arg6 : memref<4x128xi32, #tpu.memory_space<vmem>>)
        tpu.yield
      }) : () -> ()
      %run_scoped3A = arith.constant 0 : i32
      "tpu.region"() ({
        %run_scoped3A_20 = tpu.sem_alloc : memref<!tpu.dma_semaphore, #tpu.memory_space<semaphore_mem>>
        %dma_start3A = arith.constant 0 : i32
        %dma_start3A_21 = tpu.memref_slice %arg6[%run_scoped3A, %dma_start3A] : memref<4x128xi32, #tpu.memory_space<vmem>> -> memref<1x128xi32, #tpu.memory_space<vmem>>
        %dma_start3A_22 = tpu.memref_squeeze %dma_start3A_21 : memref<1x128xi32, #tpu.memory_space<vmem>> -> memref<128xi32, #tpu.memory_space<vmem>>
        %dma_start3A_23 = arith.constant 0 : i32
        %dma_start3A_24 = tpu.memref_slice %arg9[%dma_start3A_23] : memref<10240xf32, #tpu.memory_space<vmem_shared>> -> memref<10240xf32, #tpu.memory_space<vmem_shared>>
        tpu.enqueue_indirect_dma source(%arg7 : memref<128xf32, #tpu.memory_space<vmem>>) target(%dma_start3A_24 : memref<10240xf32, #tpu.memory_space<vmem_shared>>) offsets(%dma_start3A_22 : memref<128xi32, #tpu.memory_space<vmem>>) semaphore(%run_scoped3A_20 : memref<!tpu.dma_semaphore, #tpu.memory_space<semaphore_mem>>) {add = true}
        %dma_wait3A = arith.constant 0 : i32
        %dma_wait3A_25 = tpu.memref_slice %arg6[%run_scoped3A, %dma_wait3A] : memref<4x128xi32, #tpu.memory_space<vmem>> -> memref<1x128xi32, #tpu.memory_space<vmem>>
        %dma_wait3A_26 = tpu.memref_squeeze %dma_wait3A_25 : memref<1x128xi32, #tpu.memory_space<vmem>> -> memref<128xi32, #tpu.memory_space<vmem>>
        %dma_wait3A_27 = arith.constant 0 : i32
        %dma_wait3A_28 = tpu.memref_slice %arg9[%dma_wait3A_27] : memref<10240xf32, #tpu.memory_space<vmem_shared>> -> memref<10240xf32, #tpu.memory_space<vmem_shared>>
        tpu.wait_indirect_dma semaphore(%run_scoped3A_20 : memref<!tpu.dma_semaphore, #tpu.memory_space<semaphore_mem>>) src(%arg7 : memref<128xf32, #tpu.memory_space<vmem>>) dst(%dma_wait3A_28 : memref<10240xf32, #tpu.memory_space<vmem_shared>>)
        tpu.yield
      }) : () -> ()
      %run_scoped3A_16 = arith.constant 1 : i32
      "tpu.region"() ({
        %run_scoped3A_20 = tpu.sem_alloc : memref<!tpu.dma_semaphore, #tpu.memory_space<semaphore_mem>>
        %dma_start3A = arith.constant 0 : i32
        %dma_start3A_21 = tpu.memref_slice %arg6[%run_scoped3A_16, %dma_start3A] : memref<4x128xi32, #tpu.memory_space<vmem>> -> memref<1x128xi32, #tpu.memory_space<vmem>>
        %dma_start3A_22 = tpu.memref_squeeze %dma_start3A_21 : memref<1x128xi32, #tpu.memory_space<vmem>> -> memref<128xi32, #tpu.memory_space<vmem>>
        %dma_start3A_23 = arith.constant 0 : i32
        %dma_start3A_24 = tpu.memref_slice %arg9[%dma_start3A_23] : memref<10240xf32, #tpu.memory_space<vmem_shared>> -> memref<10240xf32, #tpu.memory_space<vmem_shared>>
        tpu.enqueue_indirect_dma source(%arg7 : memref<128xf32, #tpu.memory_space<vmem>>) target(%dma_start3A_24 : memref<10240xf32, #tpu.memory_space<vmem_shared>>) offsets(%dma_start3A_22 : memref<128xi32, #tpu.memory_space<vmem>>) semaphore(%run_scoped3A_20 : memref<!tpu.dma_semaphore, #tpu.memory_space<semaphore_mem>>) {add = true}
        %dma_wait3A = arith.constant 0 : i32
        %dma_wait3A_25 = tpu.memref_slice %arg6[%run_scoped3A_16, %dma_wait3A] : memref<4x128xi32, #tpu.memory_space<vmem>> -> memref<1x128xi32, #tpu.memory_space<vmem>>
        %dma_wait3A_26 = tpu.memref_squeeze %dma_wait3A_25 : memref<1x128xi32, #tpu.memory_space<vmem>> -> memref<128xi32, #tpu.memory_space<vmem>>
        %dma_wait3A_27 = arith.constant 0 : i32
        %dma_wait3A_28 = tpu.memref_slice %arg9[%dma_wait3A_27] : memref<10240xf32, #tpu.memory_space<vmem_shared>> -> memref<10240xf32, #tpu.memory_space<vmem_shared>>
        tpu.wait_indirect_dma semaphore(%run_scoped3A_20 : memref<!tpu.dma_semaphore, #tpu.memory_space<semaphore_mem>>) src(%arg7 : memref<128xf32, #tpu.memory_space<vmem>>) dst(%dma_wait3A_28 : memref<10240xf32, #tpu.memory_space<vmem_shared>>)
        tpu.yield
      }) : () -> ()
      %run_scoped3A_17 = arith.constant 2 : i32
      "tpu.region"() ({
        %run_scoped3A_20 = tpu.sem_alloc : memref<!tpu.dma_semaphore, #tpu.memory_space<semaphore_mem>>
        %dma_start3A = arith.constant 0 : i32
        %dma_start3A_21 = tpu.memref_slice %arg6[%run_scoped3A_17, %dma_start3A] : memref<4x128xi32, #tpu.memory_space<vmem>> -> memref<1x128xi32, #tpu.memory_space<vmem>>
        %dma_start3A_22 = tpu.memref_squeeze %dma_start3A_21 : memref<1x128xi32, #tpu.memory_space<vmem>> -> memref<128xi32, #tpu.memory_space<vmem>>
        %dma_start3A_23 = arith.constant 0 : i32
        %dma_start3A_24 = tpu.memref_slice %arg9[%dma_start3A_23] : memref<10240xf32, #tpu.memory_space<vmem_shared>> -> memref<10240xf32, #tpu.memory_space<vmem_shared>>
        tpu.enqueue_indirect_dma source(%arg7 : memref<128xf32, #tpu.memory_space<vmem>>) target(%dma_start3A_24 : memref<10240xf32, #tpu.memory_space<vmem_shared>>) offsets(%dma_start3A_22 : memref<128xi32, #tpu.memory_space<vmem>>) semaphore(%run_scoped3A_20 : memref<!tpu.dma_semaphore, #tpu.memory_space<semaphore_mem>>) {add = true}
        %dma_wait3A = arith.constant 0 : i32
        %dma_wait3A_25 = tpu.memref_slice %arg6[%run_scoped3A_17, %dma_wait3A] : memref<4x128xi32, #tpu.memory_space<vmem>> -> memref<1x128xi32, #tpu.memory_space<vmem>>
        %dma_wait3A_26 = tpu.memref_squeeze %dma_wait3A_25 : memref<1x128xi32, #tpu.memory_space<vmem>> -> memref<128xi32, #tpu.memory_space<vmem>>
        %dma_wait3A_27 = arith.constant 0 : i32
        %dma_wait3A_28 = tpu.memref_slice %arg9[%dma_wait3A_27] : memref<10240xf32, #tpu.memory_space<vmem_shared>> -> memref<10240xf32, #tpu.memory_space<vmem_shared>>
        tpu.wait_indirect_dma semaphore(%run_scoped3A_20 : memref<!tpu.dma_semaphore, #tpu.memory_space<semaphore_mem>>) src(%arg7 : memref<128xf32, #tpu.memory_space<vmem>>) dst(%dma_wait3A_28 : memref<10240xf32, #tpu.memory_space<vmem_shared>>)
        tpu.yield
      }) : () -> ()
      %run_scoped3A_18 = arith.constant 3 : i32
      "tpu.region"() ({
        %run_scoped3A_20 = tpu.sem_alloc : memref<!tpu.dma_semaphore, #tpu.memory_space<semaphore_mem>>
        %dma_start3A = arith.constant 0 : i32
        %dma_start3A_21 = tpu.memref_slice %arg6[%run_scoped3A_18, %dma_start3A] : memref<4x128xi32, #tpu.memory_space<vmem>> -> memref<1x128xi32, #tpu.memory_space<vmem>>
        %dma_start3A_22 = tpu.memref_squeeze %dma_start3A_21 : memref<1x128xi32, #tpu.memory_space<vmem>> -> memref<128xi32, #tpu.memory_space<vmem>>
        %dma_start3A_23 = arith.constant 0 : i32
        %dma_start3A_24 = tpu.memref_slice %arg9[%dma_start3A_23] : memref<10240xf32, #tpu.memory_space<vmem_shared>> -> memref<10240xf32, #tpu.memory_space<vmem_shared>>
        tpu.enqueue_indirect_dma source(%arg7 : memref<128xf32, #tpu.memory_space<vmem>>) target(%dma_start3A_24 : memref<10240xf32, #tpu.memory_space<vmem_shared>>) offsets(%dma_start3A_22 : memref<128xi32, #tpu.memory_space<vmem>>) semaphore(%run_scoped3A_20 : memref<!tpu.dma_semaphore, #tpu.memory_space<semaphore_mem>>) {add = true}
        %dma_wait3A = arith.constant 0 : i32
        %dma_wait3A_25 = tpu.memref_slice %arg6[%run_scoped3A_18, %dma_wait3A] : memref<4x128xi32, #tpu.memory_space<vmem>> -> memref<1x128xi32, #tpu.memory_space<vmem>>
        %dma_wait3A_26 = tpu.memref_squeeze %dma_wait3A_25 : memref<1x128xi32, #tpu.memory_space<vmem>> -> memref<128xi32, #tpu.memory_space<vmem>>
        %dma_wait3A_27 = arith.constant 0 : i32
        %dma_wait3A_28 = tpu.memref_slice %arg9[%dma_wait3A_27] : memref<10240xf32, #tpu.memory_space<vmem_shared>> -> memref<10240xf32, #tpu.memory_space<vmem_shared>>
        tpu.wait_indirect_dma semaphore(%run_scoped3A_20 : memref<!tpu.dma_semaphore, #tpu.memory_space<semaphore_mem>>) src(%arg7 : memref<128xf32, #tpu.memory_space<vmem>>) dst(%dma_wait3A_28 : memref<10240xf32, #tpu.memory_space<vmem_shared>>)
        tpu.yield
      }) : () -> ()
      %scan3A_19 = arith.constant 0 : i32
      scf.yield %scan3A_19 : i32
    }
    %scan3A_8 = arith.constant 20 : i32
    %barrier3A_9 = arith.constant 0 : index
    tpu.barrier barrier_id(%barrier3A_9)
    %mul3A_10 = arith.constant 640 : i32
    %mul3A_11 = arith.muli %arg1, %mul3A_10 : i32
    "tpu.region"() ({
      %run_scoped3A = tpu.sem_alloc : memref<!tpu.dma_semaphore, #tpu.memory_space<semaphore_mem>>
      %dma_start3A = tpu.memref_slice %arg9[%mul3A_11] : memref<10240xf32, #tpu.memory_space<vmem_shared>> -> memref<640xf32, #tpu.memory_space<vmem_shared>>
      %dma_start3A_14 = tpu.memref_slice %arg9[%mul3A_11] : memref<10240xf32, #tpu.memory_space<vmem_shared>> -> memref<640xf32, #tpu.memory_space<vmem_shared>>
      tpu.enqueue_dma source(%dma_start3A_14 : memref<640xf32, #tpu.memory_space<vmem_shared>>) target(%arg8 : memref<640xf32, #tpu.memory_space<vmem>>) target_semaphore(%run_scoped3A : memref<!tpu.dma_semaphore, #tpu.memory_space<semaphore_mem>>)
      %dma_wait3A = tpu.memref_slice %arg9[%mul3A_11] : memref<10240xf32, #tpu.memory_space<vmem_shared>> -> memref<640xf32, #tpu.memory_space<vmem_shared>>
      %dma_wait3A_15 = tpu.memref_slice %arg9[%mul3A_11] : memref<10240xf32, #tpu.memory_space<vmem_shared>> -> memref<640xf32, #tpu.memory_space<vmem_shared>>
      tpu.wait_dma2 semaphore(%run_scoped3A : memref<!tpu.dma_semaphore, #tpu.memory_space<semaphore_mem>>) src(%dma_wait3A_15 : memref<640xf32, #tpu.memory_space<vmem_shared>>) dst(%arg8 : memref<640xf32, #tpu.memory_space<vmem>>)
      tpu.yield
    }) : () -> ()
    %mul3A_12 = arith.constant 640 : i32
    %mul3A_13 = arith.muli %arg1, %mul3A_12 : i32
    "tpu.region"() ({
      %run_scoped3A = tpu.sem_alloc : memref<!tpu.dma_semaphore, #tpu.memory_space<semaphore_mem>>
      %dma_start3A = tpu.memref_slice %arg5[%arg0, %mul3A_13] : memref<2x10240xf32, #tpu.memory_space<hbm>> -> memref<1x640xf32, #tpu.memory_space<hbm>>
      %dma_start3A_14 = tpu.memref_squeeze %dma_start3A : memref<1x640xf32, #tpu.memory_space<hbm>> -> memref<640xf32, #tpu.memory_space<hbm>>
      %dma_start3A_15 = tpu.memref_slice %arg5[%arg0, %mul3A_13] : memref<2x10240xf32, #tpu.memory_space<hbm>> -> memref<1x640xf32, #tpu.memory_space<hbm>>
      %dma_start3A_16 = tpu.memref_squeeze %dma_start3A_15 : memref<1x640xf32, #tpu.memory_space<hbm>> -> memref<640xf32, #tpu.memory_space<hbm>>
      tpu.enqueue_dma source(%arg8 : memref<640xf32, #tpu.memory_space<vmem>>) target(%dma_start3A_16 : memref<640xf32, #tpu.memory_space<hbm>>) target_semaphore(%run_scoped3A : memref<!tpu.dma_semaphore, #tpu.memory_space<semaphore_mem>>)
      %dma_wait3A = tpu.memref_slice %arg5[%arg0, %mul3A_13] : memref<2x10240xf32, #tpu.memory_space<hbm>> -> memref<1x640xf32, #tpu.memory_space<hbm>>
      %dma_wait3A_17 = tpu.memref_squeeze %dma_wait3A : memref<1x640xf32, #tpu.memory_space<hbm>> -> memref<640xf32, #tpu.memory_space<hbm>>
      %dma_wait3A_18 = tpu.memref_slice %arg5[%arg0, %mul3A_13] : memref<2x10240xf32, #tpu.memory_space<hbm>> -> memref<1x640xf32, #tpu.memory_space<hbm>>
      %dma_wait3A_19 = tpu.memref_squeeze %dma_wait3A_18 : memref<1x640xf32, #tpu.memory_space<hbm>> -> memref<640xf32, #tpu.memory_space<hbm>>
      tpu.wait_dma2 semaphore(%run_scoped3A : memref<!tpu.dma_semaphore, #tpu.memory_space<semaphore_mem>>) src(%arg8 : memref<640xf32, #tpu.memory_space<vmem>>) dst(%dma_wait3A_19 : memref<640xf32, #tpu.memory_space<hbm>>)
      tpu.yield
    }) : () -> ()
    return
  }
}

#map = affine_map<(d0, d1) -> (0, 0)>
#map1 = affine_map<(d0, d1) -> (0, 0, 0, 0)>
#map2 = affine_map<(d0, d1) -> (0, 0, 0)>
module attributes {stable_mosaic.version = 14 : i64} {
  func.func @_sc_aggregate(%arg0: i32, %arg1: i32, %arg2: memref<10000x128xf32, #tpu.memory_space<hbm>>, %arg3: memref<32x20x4x128xi32, #tpu.memory_space<hbm>>, %arg4: memref<32x20x4x128xi32, #tpu.memory_space<hbm>>, %arg5: memref<128x128xf32, #tpu.memory_space<hbm>>, %arg6: memref<2x10240x128xf32, #tpu.memory_space<hbm>>, %arg7: memref<8x128xi32, #tpu.memory_space<vmem>>, %arg8: memref<8x128xi32, #tpu.memory_space<vmem>>, %arg9: memref<128x128xf32, #tpu.memory_space<vmem>>, %arg10: memref<128x128xf32, #tpu.memory_space<vmem>>, %arg11: memref<10240x128xf32, #tpu.memory_space<vmem_shared>>, %arg12: memref<!tpu.dma_semaphore, #tpu.memory_space<semaphore_mem>>, %arg13: memref<!tpu.dma_semaphore, #tpu.memory_space<semaphore_mem>>, %arg14: memref<!tpu.dma_semaphore, #tpu.memory_space<semaphore_mem>>, %arg15: memref<!tpu.dma_semaphore, #tpu.memory_space<semaphore_mem>>) attributes {dimension_semantics = [#tpu.dimension_semantics<core_parallel>, #tpu.dimension_semantics<subcore_parallel>], iteration_bounds = array<i64: 2, 16>, scalar_prefetch = 0 : i64, scratch_operands = 9 : i64, tpu.core_type = #tpu.core_type<sc_vector_subcore>, window_params = [{transform_indices = #map}, {transform_indices = #map1}, {transform_indices = #map1}, {transform_indices = #map}, {transform_indices = #map2}]} {
    %mul3A = arith.constant 16 : i32
    %mul3A_0 = arith.muli %arg0, %mul3A : i32
    %add3A = arith.addi %mul3A_0, %arg1 : i32
    "tpu.region"() ({
      %run_scoped3A_161 = tpu.sem_alloc : memref<!tpu.dma_semaphore, #tpu.memory_space<semaphore_mem>>
      tpu.enqueue_dma source(%arg5 : memref<128x128xf32, #tpu.memory_space<hbm>>) target(%arg9 : memref<128x128xf32, #tpu.memory_space<vmem>>) target_semaphore(%run_scoped3A_161 : memref<!tpu.dma_semaphore, #tpu.memory_space<semaphore_mem>>)
      tpu.wait_dma2 semaphore(%run_scoped3A_161 : memref<!tpu.dma_semaphore, #tpu.memory_space<semaphore_mem>>) src(%arg5 : memref<128x128xf32, #tpu.memory_space<hbm>>) dst(%arg9 : memref<128x128xf32, #tpu.memory_space<vmem>>)
      tpu.yield
    }) : () -> ()
    %mul3A_1 = arith.constant 640 : i32
    %mul3A_2 = arith.muli %arg1, %mul3A_1 : i32
    %add3A_3 = arith.constant 0 : i32
    %add3A_4 = arith.addi %mul3A_2, %add3A_3 : i32
    %dma_start3A = arith.constant 0 : i32
    %dma_start3A_5 = tpu.memref_slice %arg11[%add3A_4, %dma_start3A] : memref<10240x128xf32, #tpu.memory_space<vmem_shared>> -> memref<128x128xf32, #tpu.memory_space<vmem_shared>>
    %dma_start3A_6 = arith.constant 0 : i32
    %dma_start3A_7 = tpu.memref_slice %arg11[%add3A_4, %dma_start3A_6] : memref<10240x128xf32, #tpu.memory_space<vmem_shared>> -> memref<128x128xf32, #tpu.memory_space<vmem_shared>>
    tpu.enqueue_dma source(%arg9 : memref<128x128xf32, #tpu.memory_space<vmem>>) target(%dma_start3A_7 : memref<128x128xf32, #tpu.memory_space<vmem_shared>>) target_semaphore(%arg15 : memref<!tpu.dma_semaphore, #tpu.memory_space<semaphore_mem>>)
    %mul3A_8 = arith.constant 640 : i32
    %mul3A_9 = arith.muli %arg1, %mul3A_8 : i32
    %add3A_10 = arith.constant 128 : i32
    %add3A_11 = arith.addi %mul3A_9, %add3A_10 : i32
    %dma_start3A_12 = arith.constant 0 : i32
    %dma_start3A_13 = tpu.memref_slice %arg11[%add3A_11, %dma_start3A_12] : memref<10240x128xf32, #tpu.memory_space<vmem_shared>> -> memref<128x128xf32, #tpu.memory_space<vmem_shared>>
    %dma_start3A_14 = arith.constant 0 : i32
    %dma_start3A_15 = tpu.memref_slice %arg11[%add3A_11, %dma_start3A_14] : memref<10240x128xf32, #tpu.memory_space<vmem_shared>> -> memref<128x128xf32, #tpu.memory_space<vmem_shared>>
    tpu.enqueue_dma source(%arg9 : memref<128x128xf32, #tpu.memory_space<vmem>>) target(%dma_start3A_15 : memref<128x128xf32, #tpu.memory_space<vmem_shared>>) target_semaphore(%arg15 : memref<!tpu.dma_semaphore, #tpu.memory_space<semaphore_mem>>)
    %mul3A_16 = arith.constant 640 : i32
    %mul3A_17 = arith.muli %arg1, %mul3A_16 : i32
    %add3A_18 = arith.constant 256 : i32
    %add3A_19 = arith.addi %mul3A_17, %add3A_18 : i32
    %dma_start3A_20 = arith.constant 0 : i32
    %dma_start3A_21 = tpu.memref_slice %arg11[%add3A_19, %dma_start3A_20] : memref<10240x128xf32, #tpu.memory_space<vmem_shared>> -> memref<128x128xf32, #tpu.memory_space<vmem_shared>>
    %dma_start3A_22 = arith.constant 0 : i32
    %dma_start3A_23 = tpu.memref_slice %arg11[%add3A_19, %dma_start3A_22] : memref<10240x128xf32, #tpu.memory_space<vmem_shared>> -> memref<128x128xf32, #tpu.memory_space<vmem_shared>>
    tpu.enqueue_dma source(%arg9 : memref<128x128xf32, #tpu.memory_space<vmem>>) target(%dma_start3A_23 : memref<128x128xf32, #tpu.memory_space<vmem_shared>>) target_semaphore(%arg15 : memref<!tpu.dma_semaphore, #tpu.memory_space<semaphore_mem>>)
    %mul3A_24 = arith.constant 640 : i32
    %mul3A_25 = arith.muli %arg1, %mul3A_24 : i32
    %add3A_26 = arith.constant 384 : i32
    %add3A_27 = arith.addi %mul3A_25, %add3A_26 : i32
    %dma_start3A_28 = arith.constant 0 : i32
    %dma_start3A_29 = tpu.memref_slice %arg11[%add3A_27, %dma_start3A_28] : memref<10240x128xf32, #tpu.memory_space<vmem_shared>> -> memref<128x128xf32, #tpu.memory_space<vmem_shared>>
    %dma_start3A_30 = arith.constant 0 : i32
    %dma_start3A_31 = tpu.memref_slice %arg11[%add3A_27, %dma_start3A_30] : memref<10240x128xf32, #tpu.memory_space<vmem_shared>> -> memref<128x128xf32, #tpu.memory_space<vmem_shared>>
    tpu.enqueue_dma source(%arg9 : memref<128x128xf32, #tpu.memory_space<vmem>>) target(%dma_start3A_31 : memref<128x128xf32, #tpu.memory_space<vmem_shared>>) target_semaphore(%arg15 : memref<!tpu.dma_semaphore, #tpu.memory_space<semaphore_mem>>)
    %mul3A_32 = arith.constant 640 : i32
    %mul3A_33 = arith.muli %arg1, %mul3A_32 : i32
    %add3A_34 = arith.constant 512 : i32
    %add3A_35 = arith.addi %mul3A_33, %add3A_34 : i32
    %dma_start3A_36 = arith.constant 0 : i32
    %dma_start3A_37 = tpu.memref_slice %arg11[%add3A_35, %dma_start3A_36] : memref<10240x128xf32, #tpu.memory_space<vmem_shared>> -> memref<128x128xf32, #tpu.memory_space<vmem_shared>>
    %dma_start3A_38 = arith.constant 0 : i32
    %dma_start3A_39 = tpu.memref_slice %arg11[%add3A_35, %dma_start3A_38] : memref<10240x128xf32, #tpu.memory_space<vmem_shared>> -> memref<128x128xf32, #tpu.memory_space<vmem_shared>>
    tpu.enqueue_dma source(%arg9 : memref<128x128xf32, #tpu.memory_space<vmem>>) target(%dma_start3A_39 : memref<128x128xf32, #tpu.memory_space<vmem_shared>>) target_semaphore(%arg15 : memref<!tpu.dma_semaphore, #tpu.memory_space<semaphore_mem>>)
    %mul3A_40 = arith.constant 640 : i32
    %mul3A_41 = arith.muli %arg1, %mul3A_40 : i32
    %add3A_42 = arith.constant 0 : i32
    %add3A_43 = arith.addi %mul3A_41, %add3A_42 : i32
    %dma_wait3A = arith.constant 0 : i32
    %dma_wait3A_44 = tpu.memref_slice %arg11[%add3A_43, %dma_wait3A] : memref<10240x128xf32, #tpu.memory_space<vmem_shared>> -> memref<128x128xf32, #tpu.memory_space<vmem_shared>>
    %dma_wait3A_45 = arith.constant 0 : i32
    %dma_wait3A_46 = tpu.memref_slice %arg11[%add3A_43, %dma_wait3A_45] : memref<10240x128xf32, #tpu.memory_space<vmem_shared>> -> memref<128x128xf32, #tpu.memory_space<vmem_shared>>
    tpu.wait_dma2 semaphore(%arg15 : memref<!tpu.dma_semaphore, #tpu.memory_space<semaphore_mem>>) src(%arg9 : memref<128x128xf32, #tpu.memory_space<vmem>>) dst(%dma_wait3A_46 : memref<128x128xf32, #tpu.memory_space<vmem_shared>>)
    %mul3A_47 = arith.constant 640 : i32
    %mul3A_48 = arith.muli %arg1, %mul3A_47 : i32
    %add3A_49 = arith.constant 128 : i32
    %add3A_50 = arith.addi %mul3A_48, %add3A_49 : i32
    %dma_wait3A_51 = arith.constant 0 : i32
    %dma_wait3A_52 = tpu.memref_slice %arg11[%add3A_50, %dma_wait3A_51] : memref<10240x128xf32, #tpu.memory_space<vmem_shared>> -> memref<128x128xf32, #tpu.memory_space<vmem_shared>>
    %dma_wait3A_53 = arith.constant 0 : i32
    %dma_wait3A_54 = tpu.memref_slice %arg11[%add3A_50, %dma_wait3A_53] : memref<10240x128xf32, #tpu.memory_space<vmem_shared>> -> memref<128x128xf32, #tpu.memory_space<vmem_shared>>
    tpu.wait_dma2 semaphore(%arg15 : memref<!tpu.dma_semaphore, #tpu.memory_space<semaphore_mem>>) src(%arg9 : memref<128x128xf32, #tpu.memory_space<vmem>>) dst(%dma_wait3A_54 : memref<128x128xf32, #tpu.memory_space<vmem_shared>>)
    %mul3A_55 = arith.constant 640 : i32
    %mul3A_56 = arith.muli %arg1, %mul3A_55 : i32
    %add3A_57 = arith.constant 256 : i32
    %add3A_58 = arith.addi %mul3A_56, %add3A_57 : i32
    %dma_wait3A_59 = arith.constant 0 : i32
    %dma_wait3A_60 = tpu.memref_slice %arg11[%add3A_58, %dma_wait3A_59] : memref<10240x128xf32, #tpu.memory_space<vmem_shared>> -> memref<128x128xf32, #tpu.memory_space<vmem_shared>>
    %dma_wait3A_61 = arith.constant 0 : i32
    %dma_wait3A_62 = tpu.memref_slice %arg11[%add3A_58, %dma_wait3A_61] : memref<10240x128xf32, #tpu.memory_space<vmem_shared>> -> memref<128x128xf32, #tpu.memory_space<vmem_shared>>
    tpu.wait_dma2 semaphore(%arg15 : memref<!tpu.dma_semaphore, #tpu.memory_space<semaphore_mem>>) src(%arg9 : memref<128x128xf32, #tpu.memory_space<vmem>>) dst(%dma_wait3A_62 : memref<128x128xf32, #tpu.memory_space<vmem_shared>>)
    %mul3A_63 = arith.constant 640 : i32
    %mul3A_64 = arith.muli %arg1, %mul3A_63 : i32
    %add3A_65 = arith.constant 384 : i32
    %add3A_66 = arith.addi %mul3A_64, %add3A_65 : i32
    %dma_wait3A_67 = arith.constant 0 : i32
    %dma_wait3A_68 = tpu.memref_slice %arg11[%add3A_66, %dma_wait3A_67] : memref<10240x128xf32, #tpu.memory_space<vmem_shared>> -> memref<128x128xf32, #tpu.memory_space<vmem_shared>>
    %dma_wait3A_69 = arith.constant 0 : i32
    %dma_wait3A_70 = tpu.memref_slice %arg11[%add3A_66, %dma_wait3A_69] : memref<10240x128xf32, #tpu.memory_space<vmem_shared>> -> memref<128x128xf32, #tpu.memory_space<vmem_shared>>
    tpu.wait_dma2 semaphore(%arg15 : memref<!tpu.dma_semaphore, #tpu.memory_space<semaphore_mem>>) src(%arg9 : memref<128x128xf32, #tpu.memory_space<vmem>>) dst(%dma_wait3A_70 : memref<128x128xf32, #tpu.memory_space<vmem_shared>>)
    %mul3A_71 = arith.constant 640 : i32
    %mul3A_72 = arith.muli %arg1, %mul3A_71 : i32
    %add3A_73 = arith.constant 512 : i32
    %add3A_74 = arith.addi %mul3A_72, %add3A_73 : i32
    %dma_wait3A_75 = arith.constant 0 : i32
    %dma_wait3A_76 = tpu.memref_slice %arg11[%add3A_74, %dma_wait3A_75] : memref<10240x128xf32, #tpu.memory_space<vmem_shared>> -> memref<128x128xf32, #tpu.memory_space<vmem_shared>>
    %dma_wait3A_77 = arith.constant 0 : i32
    %dma_wait3A_78 = tpu.memref_slice %arg11[%add3A_74, %dma_wait3A_77] : memref<10240x128xf32, #tpu.memory_space<vmem_shared>> -> memref<128x128xf32, #tpu.memory_space<vmem_shared>>
    tpu.wait_dma2 semaphore(%arg15 : memref<!tpu.dma_semaphore, #tpu.memory_space<semaphore_mem>>) src(%arg9 : memref<128x128xf32, #tpu.memory_space<vmem>>) dst(%dma_wait3A_78 : memref<128x128xf32, #tpu.memory_space<vmem_shared>>)
    %barrier3A = arith.constant 0 : index
    tpu.barrier barrier_id(%barrier3A)
    %run_scoped3A = arith.constant 0 : i32
    "tpu.region"() ({
      %run_scoped3A_161 = tpu.sem_alloc : memref<!tpu.dma_semaphore, #tpu.memory_space<semaphore_mem>>
      %dma_start3A_162 = arith.constant 0 : i32
      %dma_start3A_163 = arith.constant 0 : i32
      %dma_start3A_164 = tpu.memref_slice %arg7[%dma_start3A_162, %dma_start3A_163] : memref<8x128xi32, #tpu.memory_space<vmem>> -> memref<4x128xi32, #tpu.memory_space<vmem>>
      %dma_start3A_165 = arith.constant 0 : i32
      %dma_start3A_166 = arith.constant 0 : i32
      %dma_start3A_167 = tpu.memref_slice %arg3[%add3A, %run_scoped3A, %dma_start3A_165, %dma_start3A_166] : memref<32x20x4x128xi32, #tpu.memory_space<hbm>> -> memref<1x1x4x128xi32, #tpu.memory_space<hbm>>
      %dma_start3A_168 = tpu.memref_squeeze %dma_start3A_167 : memref<1x1x4x128xi32, #tpu.memory_space<hbm>> -> memref<4x128xi32, #tpu.memory_space<hbm>>
      %dma_start3A_169 = arith.constant 0 : i32
      %dma_start3A_170 = arith.constant 0 : i32
      %dma_start3A_171 = tpu.memref_slice %arg7[%dma_start3A_169, %dma_start3A_170] : memref<8x128xi32, #tpu.memory_space<vmem>> -> memref<4x128xi32, #tpu.memory_space<vmem>>
      %dma_start3A_172 = arith.constant 0 : i32
      %dma_start3A_173 = arith.constant 0 : i32
      %dma_start3A_174 = tpu.memref_slice %arg3[%add3A, %run_scoped3A, %dma_start3A_172, %dma_start3A_173] : memref<32x20x4x128xi32, #tpu.memory_space<hbm>> -> memref<1x1x4x128xi32, #tpu.memory_space<hbm>>
      %dma_start3A_175 = tpu.memref_squeeze %dma_start3A_174 : memref<1x1x4x128xi32, #tpu.memory_space<hbm>> -> memref<4x128xi32, #tpu.memory_space<hbm>>
      tpu.enqueue_dma source(%dma_start3A_175 : memref<4x128xi32, #tpu.memory_space<hbm>>) target(%dma_start3A_171 : memref<4x128xi32, #tpu.memory_space<vmem>>) target_semaphore(%run_scoped3A_161 : memref<!tpu.dma_semaphore, #tpu.memory_space<semaphore_mem>>)
      %dma_wait3A_176 = arith.constant 0 : i32
      %dma_wait3A_177 = arith.constant 0 : i32
      %dma_wait3A_178 = tpu.memref_slice %arg7[%dma_wait3A_176, %dma_wait3A_177] : memref<8x128xi32, #tpu.memory_space<vmem>> -> memref<4x128xi32, #tpu.memory_space<vmem>>
      %dma_wait3A_179 = arith.constant 0 : i32
      %dma_wait3A_180 = arith.constant 0 : i32
      %dma_wait3A_181 = tpu.memref_slice %arg3[%add3A, %run_scoped3A, %dma_wait3A_179, %dma_wait3A_180] : memref<32x20x4x128xi32, #tpu.memory_space<hbm>> -> memref<1x1x4x128xi32, #tpu.memory_space<hbm>>
      %dma_wait3A_182 = tpu.memref_squeeze %dma_wait3A_181 : memref<1x1x4x128xi32, #tpu.memory_space<hbm>> -> memref<4x128xi32, #tpu.memory_space<hbm>>
      %dma_wait3A_183 = arith.constant 0 : i32
      %dma_wait3A_184 = arith.constant 0 : i32
      %dma_wait3A_185 = tpu.memref_slice %arg7[%dma_wait3A_183, %dma_wait3A_184] : memref<8x128xi32, #tpu.memory_space<vmem>> -> memref<4x128xi32, #tpu.memory_space<vmem>>
      %dma_wait3A_186 = arith.constant 0 : i32
      %dma_wait3A_187 = arith.constant 0 : i32
      %dma_wait3A_188 = tpu.memref_slice %arg3[%add3A, %run_scoped3A, %dma_wait3A_186, %dma_wait3A_187] : memref<32x20x4x128xi32, #tpu.memory_space<hbm>> -> memref<1x1x4x128xi32, #tpu.memory_space<hbm>>
      %dma_wait3A_189 = tpu.memref_squeeze %dma_wait3A_188 : memref<1x1x4x128xi32, #tpu.memory_space<hbm>> -> memref<4x128xi32, #tpu.memory_space<hbm>>
      tpu.wait_dma2 semaphore(%run_scoped3A_161 : memref<!tpu.dma_semaphore, #tpu.memory_space<semaphore_mem>>) src(%dma_wait3A_189 : memref<4x128xi32, #tpu.memory_space<hbm>>) dst(%dma_wait3A_185 : memref<4x128xi32, #tpu.memory_space<vmem>>)
      tpu.yield
    }) : () -> ()
    %run_scoped3A_79 = arith.constant 0 : i32
    "tpu.region"() ({
      %run_scoped3A_161 = tpu.sem_alloc : memref<!tpu.dma_semaphore, #tpu.memory_space<semaphore_mem>>
      %dma_start3A_162 = arith.constant 4 : i32
      %dma_start3A_163 = arith.constant 0 : i32
      %dma_start3A_164 = tpu.memref_slice %arg7[%dma_start3A_162, %dma_start3A_163] : memref<8x128xi32, #tpu.memory_space<vmem>> -> memref<4x128xi32, #tpu.memory_space<vmem>>
      %dma_start3A_165 = arith.constant 0 : i32
      %dma_start3A_166 = arith.constant 0 : i32
      %dma_start3A_167 = tpu.memref_slice %arg4[%add3A, %run_scoped3A_79, %dma_start3A_165, %dma_start3A_166] : memref<32x20x4x128xi32, #tpu.memory_space<hbm>> -> memref<1x1x4x128xi32, #tpu.memory_space<hbm>>
      %dma_start3A_168 = tpu.memref_squeeze %dma_start3A_167 : memref<1x1x4x128xi32, #tpu.memory_space<hbm>> -> memref<4x128xi32, #tpu.memory_space<hbm>>
      %dma_start3A_169 = arith.constant 4 : i32
      %dma_start3A_170 = arith.constant 0 : i32
      %dma_start3A_171 = tpu.memref_slice %arg7[%dma_start3A_169, %dma_start3A_170] : memref<8x128xi32, #tpu.memory_space<vmem>> -> memref<4x128xi32, #tpu.memory_space<vmem>>
      %dma_start3A_172 = arith.constant 0 : i32
      %dma_start3A_173 = arith.constant 0 : i32
      %dma_start3A_174 = tpu.memref_slice %arg4[%add3A, %run_scoped3A_79, %dma_start3A_172, %dma_start3A_173] : memref<32x20x4x128xi32, #tpu.memory_space<hbm>> -> memref<1x1x4x128xi32, #tpu.memory_space<hbm>>
      %dma_start3A_175 = tpu.memref_squeeze %dma_start3A_174 : memref<1x1x4x128xi32, #tpu.memory_space<hbm>> -> memref<4x128xi32, #tpu.memory_space<hbm>>
      tpu.enqueue_dma source(%dma_start3A_175 : memref<4x128xi32, #tpu.memory_space<hbm>>) target(%dma_start3A_171 : memref<4x128xi32, #tpu.memory_space<vmem>>) target_semaphore(%run_scoped3A_161 : memref<!tpu.dma_semaphore, #tpu.memory_space<semaphore_mem>>)
      %dma_wait3A_176 = arith.constant 4 : i32
      %dma_wait3A_177 = arith.constant 0 : i32
      %dma_wait3A_178 = tpu.memref_slice %arg7[%dma_wait3A_176, %dma_wait3A_177] : memref<8x128xi32, #tpu.memory_space<vmem>> -> memref<4x128xi32, #tpu.memory_space<vmem>>
      %dma_wait3A_179 = arith.constant 0 : i32
      %dma_wait3A_180 = arith.constant 0 : i32
      %dma_wait3A_181 = tpu.memref_slice %arg4[%add3A, %run_scoped3A_79, %dma_wait3A_179, %dma_wait3A_180] : memref<32x20x4x128xi32, #tpu.memory_space<hbm>> -> memref<1x1x4x128xi32, #tpu.memory_space<hbm>>
      %dma_wait3A_182 = tpu.memref_squeeze %dma_wait3A_181 : memref<1x1x4x128xi32, #tpu.memory_space<hbm>> -> memref<4x128xi32, #tpu.memory_space<hbm>>
      %dma_wait3A_183 = arith.constant 4 : i32
      %dma_wait3A_184 = arith.constant 0 : i32
      %dma_wait3A_185 = tpu.memref_slice %arg7[%dma_wait3A_183, %dma_wait3A_184] : memref<8x128xi32, #tpu.memory_space<vmem>> -> memref<4x128xi32, #tpu.memory_space<vmem>>
      %dma_wait3A_186 = arith.constant 0 : i32
      %dma_wait3A_187 = arith.constant 0 : i32
      %dma_wait3A_188 = tpu.memref_slice %arg4[%add3A, %run_scoped3A_79, %dma_wait3A_186, %dma_wait3A_187] : memref<32x20x4x128xi32, #tpu.memory_space<hbm>> -> memref<1x1x4x128xi32, #tpu.memory_space<hbm>>
      %dma_wait3A_189 = tpu.memref_squeeze %dma_wait3A_188 : memref<1x1x4x128xi32, #tpu.memory_space<hbm>> -> memref<4x128xi32, #tpu.memory_space<hbm>>
      tpu.wait_dma2 semaphore(%run_scoped3A_161 : memref<!tpu.dma_semaphore, #tpu.memory_space<semaphore_mem>>) src(%dma_wait3A_189 : memref<4x128xi32, #tpu.memory_space<hbm>>) dst(%dma_wait3A_185 : memref<4x128xi32, #tpu.memory_space<vmem>>)
      tpu.yield
    }) : () -> ()
    %dma_start3A_80 = arith.constant 0 : i32
    %dma_start3A_81 = arith.constant 0 : i32
    %dma_start3A_82 = tpu.memref_slice %arg7[%dma_start3A_80, %dma_start3A_81] : memref<8x128xi32, #tpu.memory_space<vmem>> -> memref<1x128xi32, #tpu.memory_space<vmem>>
    %dma_start3A_83 = tpu.memref_squeeze %dma_start3A_82 : memref<1x128xi32, #tpu.memory_space<vmem>> -> memref<128xi32, #tpu.memory_space<vmem>>
    %dma_start3A_84 = arith.constant 0 : i32
    %dma_start3A_85 = arith.constant 0 : i32
    %dma_start3A_86 = tpu.memref_slice %arg2[%dma_start3A_84, %dma_start3A_85] : memref<10000x128xf32, #tpu.memory_space<hbm>> -> memref<10000x128xf32, #tpu.memory_space<hbm>>
    tpu.enqueue_indirect_dma source(%dma_start3A_86 : memref<10000x128xf32, #tpu.memory_space<hbm>>) target(%arg9 : memref<128x128xf32, #tpu.memory_space<vmem>>) offsets(%dma_start3A_83 : memref<128xi32, #tpu.memory_space<vmem>>) semaphore(%arg14 : memref<!tpu.dma_semaphore, #tpu.memory_space<semaphore_mem>>)
    %scan3A = arith.constant 0 : i32
    %scan3A_87 = arith.constant 0 : i32
    %scan3A_88 = arith.constant 10 : i32
    %scan3A_89 = arith.addi %scan3A_87, %scan3A_88 : i32
    %scan3A_90 = arith.constant 1 : i32
    %scan3A_91 = scf.for %scan3A_161 = %scan3A_87 to %scan3A_89 step %scan3A_90 iter_args(%scan3A_162 = %scan3A) -> (i32)  : i32 {
      %mul3A_163 = arith.constant 2 : i32
      %mul3A_164 = arith.muli %mul3A_163, %scan3A_161 : i32
      %add3A_165 = arith.constant 1 : i32
      %add3A_166 = arith.addi %mul3A_164, %add3A_165 : i32
      %dma_start3A_167 = arith.constant 0 : i32
      %dma_start3A_168 = arith.constant 0 : i32
      %dma_start3A_169 = tpu.memref_slice %arg8[%dma_start3A_167, %dma_start3A_168] : memref<8x128xi32, #tpu.memory_space<vmem>> -> memref<4x128xi32, #tpu.memory_space<vmem>>
      %dma_start3A_170 = arith.constant 0 : i32
      %dma_start3A_171 = arith.constant 0 : i32
      %dma_start3A_172 = tpu.memref_slice %arg3[%add3A, %add3A_166, %dma_start3A_170, %dma_start3A_171] : memref<32x20x4x128xi32, #tpu.memory_space<hbm>> -> memref<1x1x4x128xi32, #tpu.memory_space<hbm>>
      %dma_start3A_173 = tpu.memref_squeeze %dma_start3A_172 : memref<1x1x4x128xi32, #tpu.memory_space<hbm>> -> memref<4x128xi32, #tpu.memory_space<hbm>>
      %dma_start3A_174 = arith.constant 0 : i32
      %dma_start3A_175 = arith.constant 0 : i32
      %dma_start3A_176 = tpu.memref_slice %arg8[%dma_start3A_174, %dma_start3A_175] : memref<8x128xi32, #tpu.memory_space<vmem>> -> memref<4x128xi32, #tpu.memory_space<vmem>>
      %dma_start3A_177 = arith.constant 0 : i32
      %dma_start3A_178 = arith.constant 0 : i32
      %dma_start3A_179 = tpu.memref_slice %arg3[%add3A, %add3A_166, %dma_start3A_177, %dma_start3A_178] : memref<32x20x4x128xi32, #tpu.memory_space<hbm>> -> memref<1x1x4x128xi32, #tpu.memory_space<hbm>>
      %dma_start3A_180 = tpu.memref_squeeze %dma_start3A_179 : memref<1x1x4x128xi32, #tpu.memory_space<hbm>> -> memref<4x128xi32, #tpu.memory_space<hbm>>
      tpu.enqueue_dma source(%dma_start3A_180 : memref<4x128xi32, #tpu.memory_space<hbm>>) target(%dma_start3A_176 : memref<4x128xi32, #tpu.memory_space<vmem>>) target_semaphore(%arg13 : memref<!tpu.dma_semaphore, #tpu.memory_space<semaphore_mem>>)
      %add3A_181 = arith.constant 1 : i32
      %add3A_182 = arith.addi %mul3A_164, %add3A_181 : i32
      %dma_start3A_183 = arith.constant 4 : i32
      %dma_start3A_184 = arith.constant 0 : i32
      %dma_start3A_185 = tpu.memref_slice %arg8[%dma_start3A_183, %dma_start3A_184] : memref<8x128xi32, #tpu.memory_space<vmem>> -> memref<4x128xi32, #tpu.memory_space<vmem>>
      %dma_start3A_186 = arith.constant 0 : i32
      %dma_start3A_187 = arith.constant 0 : i32
      %dma_start3A_188 = tpu.memref_slice %arg4[%add3A, %add3A_182, %dma_start3A_186, %dma_start3A_187] : memref<32x20x4x128xi32, #tpu.memory_space<hbm>> -> memref<1x1x4x128xi32, #tpu.memory_space<hbm>>
      %dma_start3A_189 = tpu.memref_squeeze %dma_start3A_188 : memref<1x1x4x128xi32, #tpu.memory_space<hbm>> -> memref<4x128xi32, #tpu.memory_space<hbm>>
      %dma_start3A_190 = arith.constant 4 : i32
      %dma_start3A_191 = arith.constant 0 : i32
      %dma_start3A_192 = tpu.memref_slice %arg8[%dma_start3A_190, %dma_start3A_191] : memref<8x128xi32, #tpu.memory_space<vmem>> -> memref<4x128xi32, #tpu.memory_space<vmem>>
      %dma_start3A_193 = arith.constant 0 : i32
      %dma_start3A_194 = arith.constant 0 : i32
      %dma_start3A_195 = tpu.memref_slice %arg4[%add3A, %add3A_182, %dma_start3A_193, %dma_start3A_194] : memref<32x20x4x128xi32, #tpu.memory_space<hbm>> -> memref<1x1x4x128xi32, #tpu.memory_space<hbm>>
      %dma_start3A_196 = tpu.memref_squeeze %dma_start3A_195 : memref<1x1x4x128xi32, #tpu.memory_space<hbm>> -> memref<4x128xi32, #tpu.memory_space<hbm>>
      tpu.enqueue_dma source(%dma_start3A_196 : memref<4x128xi32, #tpu.memory_space<hbm>>) target(%dma_start3A_192 : memref<4x128xi32, #tpu.memory_space<vmem>>) target_semaphore(%arg13 : memref<!tpu.dma_semaphore, #tpu.memory_space<semaphore_mem>>)
      %add3A_197 = arith.constant 1 : i32
      %add3A_198 = arith.addi %mul3A_164, %add3A_197 : i32
      %dma_start3A_199 = arith.constant 1 : i32
      %dma_start3A_200 = arith.constant 0 : i32
      %dma_start3A_201 = tpu.memref_slice %arg7[%dma_start3A_199, %dma_start3A_200] : memref<8x128xi32, #tpu.memory_space<vmem>> -> memref<1x128xi32, #tpu.memory_space<vmem>>
      %dma_start3A_202 = tpu.memref_squeeze %dma_start3A_201 : memref<1x128xi32, #tpu.memory_space<vmem>> -> memref<128xi32, #tpu.memory_space<vmem>>
      %dma_start3A_203 = arith.constant 0 : i32
      %dma_start3A_204 = arith.constant 0 : i32
      %dma_start3A_205 = tpu.memref_slice %arg2[%dma_start3A_203, %dma_start3A_204] : memref<10000x128xf32, #tpu.memory_space<hbm>> -> memref<10000x128xf32, #tpu.memory_space<hbm>>
      tpu.enqueue_indirect_dma source(%dma_start3A_205 : memref<10000x128xf32, #tpu.memory_space<hbm>>) target(%arg10 : memref<128x128xf32, #tpu.memory_space<vmem>>) offsets(%dma_start3A_202 : memref<128xi32, #tpu.memory_space<vmem>>) semaphore(%arg15 : memref<!tpu.dma_semaphore, #tpu.memory_space<semaphore_mem>>)
      %dma_wait3A_206 = arith.constant 0 : i32
      %dma_wait3A_207 = arith.constant 0 : i32
      %dma_wait3A_208 = tpu.memref_slice %arg7[%dma_wait3A_206, %dma_wait3A_207] : memref<8x128xi32, #tpu.memory_space<vmem>> -> memref<1x128xi32, #tpu.memory_space<vmem>>
      %dma_wait3A_209 = tpu.memref_squeeze %dma_wait3A_208 : memref<1x128xi32, #tpu.memory_space<vmem>> -> memref<128xi32, #tpu.memory_space<vmem>>
      %dma_wait3A_210 = arith.constant 0 : i32
      %dma_wait3A_211 = arith.constant 0 : i32
      %dma_wait3A_212 = tpu.memref_slice %arg2[%dma_wait3A_210, %dma_wait3A_211] : memref<10000x128xf32, #tpu.memory_space<hbm>> -> memref<10000x128xf32, #tpu.memory_space<hbm>>
      tpu.wait_indirect_dma semaphore(%arg14 : memref<!tpu.dma_semaphore, #tpu.memory_space<semaphore_mem>>) src(%dma_wait3A_212 : memref<10000x128xf32, #tpu.memory_space<hbm>>) dst(%arg9 : memref<128x128xf32, #tpu.memory_space<vmem>>)
      %run_scoped3A_213 = arith.constant 4 : i32
      "tpu.region"() ({
        %run_scoped3A_407 = tpu.sem_alloc : memref<!tpu.dma_semaphore, #tpu.memory_space<semaphore_mem>>
        %dma_start3A_408 = arith.constant 0 : i32
        %dma_start3A_409 = tpu.memref_slice %arg7[%run_scoped3A_213, %dma_start3A_408] : memref<8x128xi32, #tpu.memory_space<vmem>> -> memref<1x128xi32, #tpu.memory_space<vmem>>
        %dma_start3A_410 = tpu.memref_squeeze %dma_start3A_409 : memref<1x128xi32, #tpu.memory_space<vmem>> -> memref<128xi32, #tpu.memory_space<vmem>>
        %dma_start3A_411 = arith.constant 0 : i32
        %dma_start3A_412 = arith.constant 0 : i32
        %dma_start3A_413 = tpu.memref_slice %arg11[%dma_start3A_411, %dma_start3A_412] : memref<10240x128xf32, #tpu.memory_space<vmem_shared>> -> memref<10240x128xf32, #tpu.memory_space<vmem_shared>>
        tpu.enqueue_indirect_dma source(%arg9 : memref<128x128xf32, #tpu.memory_space<vmem>>) target(%dma_start3A_413 : memref<10240x128xf32, #tpu.memory_space<vmem_shared>>) offsets(%dma_start3A_410 : memref<128xi32, #tpu.memory_space<vmem>>) semaphore(%run_scoped3A_407 : memref<!tpu.dma_semaphore, #tpu.memory_space<semaphore_mem>>) {add = true}
        %dma_wait3A_414 = arith.constant 0 : i32
        %dma_wait3A_415 = tpu.memref_slice %arg7[%run_scoped3A_213, %dma_wait3A_414] : memref<8x128xi32, #tpu.memory_space<vmem>> -> memref<1x128xi32, #tpu.memory_space<vmem>>
        %dma_wait3A_416 = tpu.memref_squeeze %dma_wait3A_415 : memref<1x128xi32, #tpu.memory_space<vmem>> -> memref<128xi32, #tpu.memory_space<vmem>>
        %dma_wait3A_417 = arith.constant 0 : i32
        %dma_wait3A_418 = arith.constant 0 : i32
        %dma_wait3A_419 = tpu.memref_slice %arg11[%dma_wait3A_417, %dma_wait3A_418] : memref<10240x128xf32, #tpu.memory_space<vmem_shared>> -> memref<10240x128xf32, #tpu.memory_space<vmem_shared>>
        tpu.wait_indirect_dma semaphore(%run_scoped3A_407 : memref<!tpu.dma_semaphore, #tpu.memory_space<semaphore_mem>>) src(%arg9 : memref<128x128xf32, #tpu.memory_space<vmem>>) dst(%dma_wait3A_419 : memref<10240x128xf32, #tpu.memory_space<vmem_shared>>)
        tpu.yield
      }) : () -> ()
      %dma_start3A_214 = arith.constant 2 : i32
      %dma_start3A_215 = arith.constant 0 : i32
      %dma_start3A_216 = tpu.memref_slice %arg7[%dma_start3A_214, %dma_start3A_215] : memref<8x128xi32, #tpu.memory_space<vmem>> -> memref<1x128xi32, #tpu.memory_space<vmem>>
      %dma_start3A_217 = tpu.memref_squeeze %dma_start3A_216 : memref<1x128xi32, #tpu.memory_space<vmem>> -> memref<128xi32, #tpu.memory_space<vmem>>
      %dma_start3A_218 = arith.constant 0 : i32
      %dma_start3A_219 = arith.constant 0 : i32
      %dma_start3A_220 = tpu.memref_slice %arg2[%dma_start3A_218, %dma_start3A_219] : memref<10000x128xf32, #tpu.memory_space<hbm>> -> memref<10000x128xf32, #tpu.memory_space<hbm>>
      tpu.enqueue_indirect_dma source(%dma_start3A_220 : memref<10000x128xf32, #tpu.memory_space<hbm>>) target(%arg9 : memref<128x128xf32, #tpu.memory_space<vmem>>) offsets(%dma_start3A_217 : memref<128xi32, #tpu.memory_space<vmem>>) semaphore(%arg14 : memref<!tpu.dma_semaphore, #tpu.memory_space<semaphore_mem>>)
      %dma_wait3A_221 = arith.constant 1 : i32
      %dma_wait3A_222 = arith.constant 0 : i32
      %dma_wait3A_223 = tpu.memref_slice %arg7[%dma_wait3A_221, %dma_wait3A_222] : memref<8x128xi32, #tpu.memory_space<vmem>> -> memref<1x128xi32, #tpu.memory_space<vmem>>
      %dma_wait3A_224 = tpu.memref_squeeze %dma_wait3A_223 : memref<1x128xi32, #tpu.memory_space<vmem>> -> memref<128xi32, #tpu.memory_space<vmem>>
      %dma_wait3A_225 = arith.constant 0 : i32
      %dma_wait3A_226 = arith.constant 0 : i32
      %dma_wait3A_227 = tpu.memref_slice %arg2[%dma_wait3A_225, %dma_wait3A_226] : memref<10000x128xf32, #tpu.memory_space<hbm>> -> memref<10000x128xf32, #tpu.memory_space<hbm>>
      tpu.wait_indirect_dma semaphore(%arg15 : memref<!tpu.dma_semaphore, #tpu.memory_space<semaphore_mem>>) src(%dma_wait3A_227 : memref<10000x128xf32, #tpu.memory_space<hbm>>) dst(%arg10 : memref<128x128xf32, #tpu.memory_space<vmem>>)
      %run_scoped3A_228 = arith.constant 5 : i32
      "tpu.region"() ({
        %run_scoped3A_407 = tpu.sem_alloc : memref<!tpu.dma_semaphore, #tpu.memory_space<semaphore_mem>>
        %dma_start3A_408 = arith.constant 0 : i32
        %dma_start3A_409 = tpu.memref_slice %arg7[%run_scoped3A_228, %dma_start3A_408] : memref<8x128xi32, #tpu.memory_space<vmem>> -> memref<1x128xi32, #tpu.memory_space<vmem>>
        %dma_start3A_410 = tpu.memref_squeeze %dma_start3A_409 : memref<1x128xi32, #tpu.memory_space<vmem>> -> memref<128xi32, #tpu.memory_space<vmem>>
        %dma_start3A_411 = arith.constant 0 : i32
        %dma_start3A_412 = arith.constant 0 : i32
        %dma_start3A_413 = tpu.memref_slice %arg11[%dma_start3A_411, %dma_start3A_412] : memref<10240x128xf32, #tpu.memory_space<vmem_shared>> -> memref<10240x128xf32, #tpu.memory_space<vmem_shared>>
        tpu.enqueue_indirect_dma source(%arg10 : memref<128x128xf32, #tpu.memory_space<vmem>>) target(%dma_start3A_413 : memref<10240x128xf32, #tpu.memory_space<vmem_shared>>) offsets(%dma_start3A_410 : memref<128xi32, #tpu.memory_space<vmem>>) semaphore(%run_scoped3A_407 : memref<!tpu.dma_semaphore, #tpu.memory_space<semaphore_mem>>) {add = true}
        %dma_wait3A_414 = arith.constant 0 : i32
        %dma_wait3A_415 = tpu.memref_slice %arg7[%run_scoped3A_228, %dma_wait3A_414] : memref<8x128xi32, #tpu.memory_space<vmem>> -> memref<1x128xi32, #tpu.memory_space<vmem>>
        %dma_wait3A_416 = tpu.memref_squeeze %dma_wait3A_415 : memref<1x128xi32, #tpu.memory_space<vmem>> -> memref<128xi32, #tpu.memory_space<vmem>>
        %dma_wait3A_417 = arith.constant 0 : i32
        %dma_wait3A_418 = arith.constant 0 : i32
        %dma_wait3A_419 = tpu.memref_slice %arg11[%dma_wait3A_417, %dma_wait3A_418] : memref<10240x128xf32, #tpu.memory_space<vmem_shared>> -> memref<10240x128xf32, #tpu.memory_space<vmem_shared>>
        tpu.wait_indirect_dma semaphore(%run_scoped3A_407 : memref<!tpu.dma_semaphore, #tpu.memory_space<semaphore_mem>>) src(%arg10 : memref<128x128xf32, #tpu.memory_space<vmem>>) dst(%dma_wait3A_419 : memref<10240x128xf32, #tpu.memory_space<vmem_shared>>)
        tpu.yield
      }) : () -> ()
      %dma_start3A_229 = arith.constant 3 : i32
      %dma_start3A_230 = arith.constant 0 : i32
      %dma_start3A_231 = tpu.memref_slice %arg7[%dma_start3A_229, %dma_start3A_230] : memref<8x128xi32, #tpu.memory_space<vmem>> -> memref<1x128xi32, #tpu.memory_space<vmem>>
      %dma_start3A_232 = tpu.memref_squeeze %dma_start3A_231 : memref<1x128xi32, #tpu.memory_space<vmem>> -> memref<128xi32, #tpu.memory_space<vmem>>
      %dma_start3A_233 = arith.constant 0 : i32
      %dma_start3A_234 = arith.constant 0 : i32
      %dma_start3A_235 = tpu.memref_slice %arg2[%dma_start3A_233, %dma_start3A_234] : memref<10000x128xf32, #tpu.memory_space<hbm>> -> memref<10000x128xf32, #tpu.memory_space<hbm>>
      tpu.enqueue_indirect_dma source(%dma_start3A_235 : memref<10000x128xf32, #tpu.memory_space<hbm>>) target(%arg10 : memref<128x128xf32, #tpu.memory_space<vmem>>) offsets(%dma_start3A_232 : memref<128xi32, #tpu.memory_space<vmem>>) semaphore(%arg15 : memref<!tpu.dma_semaphore, #tpu.memory_space<semaphore_mem>>)
      %dma_wait3A_236 = arith.constant 2 : i32
      %dma_wait3A_237 = arith.constant 0 : i32
      %dma_wait3A_238 = tpu.memref_slice %arg7[%dma_wait3A_236, %dma_wait3A_237] : memref<8x128xi32, #tpu.memory_space<vmem>> -> memref<1x128xi32, #tpu.memory_space<vmem>>
      %dma_wait3A_239 = tpu.memref_squeeze %dma_wait3A_238 : memref<1x128xi32, #tpu.memory_space<vmem>> -> memref<128xi32, #tpu.memory_space<vmem>>
      %dma_wait3A_240 = arith.constant 0 : i32
      %dma_wait3A_241 = arith.constant 0 : i32
      %dma_wait3A_242 = tpu.memref_slice %arg2[%dma_wait3A_240, %dma_wait3A_241] : memref<10000x128xf32, #tpu.memory_space<hbm>> -> memref<10000x128xf32, #tpu.memory_space<hbm>>
      tpu.wait_indirect_dma semaphore(%arg14 : memref<!tpu.dma_semaphore, #tpu.memory_space<semaphore_mem>>) src(%dma_wait3A_242 : memref<10000x128xf32, #tpu.memory_space<hbm>>) dst(%arg9 : memref<128x128xf32, #tpu.memory_space<vmem>>)
      %run_scoped3A_243 = arith.constant 6 : i32
      "tpu.region"() ({
        %run_scoped3A_407 = tpu.sem_alloc : memref<!tpu.dma_semaphore, #tpu.memory_space<semaphore_mem>>
        %dma_start3A_408 = arith.constant 0 : i32
        %dma_start3A_409 = tpu.memref_slice %arg7[%run_scoped3A_243, %dma_start3A_408] : memref<8x128xi32, #tpu.memory_space<vmem>> -> memref<1x128xi32, #tpu.memory_space<vmem>>
        %dma_start3A_410 = tpu.memref_squeeze %dma_start3A_409 : memref<1x128xi32, #tpu.memory_space<vmem>> -> memref<128xi32, #tpu.memory_space<vmem>>
        %dma_start3A_411 = arith.constant 0 : i32
        %dma_start3A_412 = arith.constant 0 : i32
        %dma_start3A_413 = tpu.memref_slice %arg11[%dma_start3A_411, %dma_start3A_412] : memref<10240x128xf32, #tpu.memory_space<vmem_shared>> -> memref<10240x128xf32, #tpu.memory_space<vmem_shared>>
        tpu.enqueue_indirect_dma source(%arg9 : memref<128x128xf32, #tpu.memory_space<vmem>>) target(%dma_start3A_413 : memref<10240x128xf32, #tpu.memory_space<vmem_shared>>) offsets(%dma_start3A_410 : memref<128xi32, #tpu.memory_space<vmem>>) semaphore(%run_scoped3A_407 : memref<!tpu.dma_semaphore, #tpu.memory_space<semaphore_mem>>) {add = true}
        %dma_wait3A_414 = arith.constant 0 : i32
        %dma_wait3A_415 = tpu.memref_slice %arg7[%run_scoped3A_243, %dma_wait3A_414] : memref<8x128xi32, #tpu.memory_space<vmem>> -> memref<1x128xi32, #tpu.memory_space<vmem>>
        %dma_wait3A_416 = tpu.memref_squeeze %dma_wait3A_415 : memref<1x128xi32, #tpu.memory_space<vmem>> -> memref<128xi32, #tpu.memory_space<vmem>>
        %dma_wait3A_417 = arith.constant 0 : i32
        %dma_wait3A_418 = arith.constant 0 : i32
        %dma_wait3A_419 = tpu.memref_slice %arg11[%dma_wait3A_417, %dma_wait3A_418] : memref<10240x128xf32, #tpu.memory_space<vmem_shared>> -> memref<10240x128xf32, #tpu.memory_space<vmem_shared>>
        tpu.wait_indirect_dma semaphore(%run_scoped3A_407 : memref<!tpu.dma_semaphore, #tpu.memory_space<semaphore_mem>>) src(%arg9 : memref<128x128xf32, #tpu.memory_space<vmem>>) dst(%dma_wait3A_419 : memref<10240x128xf32, #tpu.memory_space<vmem_shared>>)
        tpu.yield
      }) : () -> ()
      %dma_wait3A_244 = arith.constant 0 : i32
      %dma_wait3A_245 = arith.constant 0 : i32
      %dma_wait3A_246 = tpu.memref_slice %arg8[%dma_wait3A_244, %dma_wait3A_245] : memref<8x128xi32, #tpu.memory_space<vmem>> -> memref<4x128xi32, #tpu.memory_space<vmem>>
      %dma_wait3A_247 = arith.constant 0 : i32
      %dma_wait3A_248 = arith.constant 0 : i32
      %dma_wait3A_249 = tpu.memref_slice %arg3[%add3A, %add3A_198, %dma_wait3A_247, %dma_wait3A_248] : memref<32x20x4x128xi32, #tpu.memory_space<hbm>> -> memref<1x1x4x128xi32, #tpu.memory_space<hbm>>
      %dma_wait3A_250 = tpu.memref_squeeze %dma_wait3A_249 : memref<1x1x4x128xi32, #tpu.memory_space<hbm>> -> memref<4x128xi32, #tpu.memory_space<hbm>>
      %dma_wait3A_251 = arith.constant 0 : i32
      %dma_wait3A_252 = arith.constant 0 : i32
      %dma_wait3A_253 = tpu.memref_slice %arg8[%dma_wait3A_251, %dma_wait3A_252] : memref<8x128xi32, #tpu.memory_space<vmem>> -> memref<4x128xi32, #tpu.memory_space<vmem>>
      %dma_wait3A_254 = arith.constant 0 : i32
      %dma_wait3A_255 = arith.constant 0 : i32
      %dma_wait3A_256 = tpu.memref_slice %arg3[%add3A, %add3A_198, %dma_wait3A_254, %dma_wait3A_255] : memref<32x20x4x128xi32, #tpu.memory_space<hbm>> -> memref<1x1x4x128xi32, #tpu.memory_space<hbm>>
      %dma_wait3A_257 = tpu.memref_squeeze %dma_wait3A_256 : memref<1x1x4x128xi32, #tpu.memory_space<hbm>> -> memref<4x128xi32, #tpu.memory_space<hbm>>
      tpu.wait_dma2 semaphore(%arg13 : memref<!tpu.dma_semaphore, #tpu.memory_space<semaphore_mem>>) src(%dma_wait3A_257 : memref<4x128xi32, #tpu.memory_space<hbm>>) dst(%dma_wait3A_253 : memref<4x128xi32, #tpu.memory_space<vmem>>)
      %dma_wait3A_258 = arith.constant 4 : i32
      %dma_wait3A_259 = arith.constant 0 : i32
      %dma_wait3A_260 = tpu.memref_slice %arg8[%dma_wait3A_258, %dma_wait3A_259] : memref<8x128xi32, #tpu.memory_space<vmem>> -> memref<4x128xi32, #tpu.memory_space<vmem>>
      %dma_wait3A_261 = arith.constant 0 : i32
      %dma_wait3A_262 = arith.constant 0 : i32
      %dma_wait3A_263 = tpu.memref_slice %arg4[%add3A, %add3A_198, %dma_wait3A_261, %dma_wait3A_262] : memref<32x20x4x128xi32, #tpu.memory_space<hbm>> -> memref<1x1x4x128xi32, #tpu.memory_space<hbm>>
      %dma_wait3A_264 = tpu.memref_squeeze %dma_wait3A_263 : memref<1x1x4x128xi32, #tpu.memory_space<hbm>> -> memref<4x128xi32, #tpu.memory_space<hbm>>
      %dma_wait3A_265 = arith.constant 4 : i32
      %dma_wait3A_266 = arith.constant 0 : i32
      %dma_wait3A_267 = tpu.memref_slice %arg8[%dma_wait3A_265, %dma_wait3A_266] : memref<8x128xi32, #tpu.memory_space<vmem>> -> memref<4x128xi32, #tpu.memory_space<vmem>>
      %dma_wait3A_268 = arith.constant 0 : i32
      %dma_wait3A_269 = arith.constant 0 : i32
      %dma_wait3A_270 = tpu.memref_slice %arg4[%add3A, %add3A_198, %dma_wait3A_268, %dma_wait3A_269] : memref<32x20x4x128xi32, #tpu.memory_space<hbm>> -> memref<1x1x4x128xi32, #tpu.memory_space<hbm>>
      %dma_wait3A_271 = tpu.memref_squeeze %dma_wait3A_270 : memref<1x1x4x128xi32, #tpu.memory_space<hbm>> -> memref<4x128xi32, #tpu.memory_space<hbm>>
      tpu.wait_dma2 semaphore(%arg13 : memref<!tpu.dma_semaphore, #tpu.memory_space<semaphore_mem>>) src(%dma_wait3A_271 : memref<4x128xi32, #tpu.memory_space<hbm>>) dst(%dma_wait3A_267 : memref<4x128xi32, #tpu.memory_space<vmem>>)
      %dma_start3A_272 = arith.constant 0 : i32
      %dma_start3A_273 = arith.constant 0 : i32
      %dma_start3A_274 = tpu.memref_slice %arg8[%dma_start3A_272, %dma_start3A_273] : memref<8x128xi32, #tpu.memory_space<vmem>> -> memref<1x128xi32, #tpu.memory_space<vmem>>
      %dma_start3A_275 = tpu.memref_squeeze %dma_start3A_274 : memref<1x128xi32, #tpu.memory_space<vmem>> -> memref<128xi32, #tpu.memory_space<vmem>>
      %dma_start3A_276 = arith.constant 0 : i32
      %dma_start3A_277 = arith.constant 0 : i32
      %dma_start3A_278 = tpu.memref_slice %arg2[%dma_start3A_276, %dma_start3A_277] : memref<10000x128xf32, #tpu.memory_space<hbm>> -> memref<10000x128xf32, #tpu.memory_space<hbm>>
      tpu.enqueue_indirect_dma source(%dma_start3A_278 : memref<10000x128xf32, #tpu.memory_space<hbm>>) target(%arg9 : memref<128x128xf32, #tpu.memory_space<vmem>>) offsets(%dma_start3A_275 : memref<128xi32, #tpu.memory_space<vmem>>) semaphore(%arg14 : memref<!tpu.dma_semaphore, #tpu.memory_space<semaphore_mem>>)
      %dma_wait3A_279 = arith.constant 3 : i32
      %dma_wait3A_280 = arith.constant 0 : i32
      %dma_wait3A_281 = tpu.memref_slice %arg7[%dma_wait3A_279, %dma_wait3A_280] : memref<8x128xi32, #tpu.memory_space<vmem>> -> memref<1x128xi32, #tpu.memory_space<vmem>>
      %dma_wait3A_282 = tpu.memref_squeeze %dma_wait3A_281 : memref<1x128xi32, #tpu.memory_space<vmem>> -> memref<128xi32, #tpu.memory_space<vmem>>
      %dma_wait3A_283 = arith.constant 0 : i32
      %dma_wait3A_284 = arith.constant 0 : i32
      %dma_wait3A_285 = tpu.memref_slice %arg2[%dma_wait3A_283, %dma_wait3A_284] : memref<10000x128xf32, #tpu.memory_space<hbm>> -> memref<10000x128xf32, #tpu.memory_space<hbm>>
      tpu.wait_indirect_dma semaphore(%arg15 : memref<!tpu.dma_semaphore, #tpu.memory_space<semaphore_mem>>) src(%dma_wait3A_285 : memref<10000x128xf32, #tpu.memory_space<hbm>>) dst(%arg10 : memref<128x128xf32, #tpu.memory_space<vmem>>)
      %run_scoped3A_286 = arith.constant 7 : i32
      "tpu.region"() ({
        %run_scoped3A_407 = tpu.sem_alloc : memref<!tpu.dma_semaphore, #tpu.memory_space<semaphore_mem>>
        %dma_start3A_408 = arith.constant 0 : i32
        %dma_start3A_409 = tpu.memref_slice %arg7[%run_scoped3A_286, %dma_start3A_408] : memref<8x128xi32, #tpu.memory_space<vmem>> -> memref<1x128xi32, #tpu.memory_space<vmem>>
        %dma_start3A_410 = tpu.memref_squeeze %dma_start3A_409 : memref<1x128xi32, #tpu.memory_space<vmem>> -> memref<128xi32, #tpu.memory_space<vmem>>
        %dma_start3A_411 = arith.constant 0 : i32
        %dma_start3A_412 = arith.constant 0 : i32
        %dma_start3A_413 = tpu.memref_slice %arg11[%dma_start3A_411, %dma_start3A_412] : memref<10240x128xf32, #tpu.memory_space<vmem_shared>> -> memref<10240x128xf32, #tpu.memory_space<vmem_shared>>
        tpu.enqueue_indirect_dma source(%arg10 : memref<128x128xf32, #tpu.memory_space<vmem>>) target(%dma_start3A_413 : memref<10240x128xf32, #tpu.memory_space<vmem_shared>>) offsets(%dma_start3A_410 : memref<128xi32, #tpu.memory_space<vmem>>) semaphore(%run_scoped3A_407 : memref<!tpu.dma_semaphore, #tpu.memory_space<semaphore_mem>>) {add = true}
        %dma_wait3A_414 = arith.constant 0 : i32
        %dma_wait3A_415 = tpu.memref_slice %arg7[%run_scoped3A_286, %dma_wait3A_414] : memref<8x128xi32, #tpu.memory_space<vmem>> -> memref<1x128xi32, #tpu.memory_space<vmem>>
        %dma_wait3A_416 = tpu.memref_squeeze %dma_wait3A_415 : memref<1x128xi32, #tpu.memory_space<vmem>> -> memref<128xi32, #tpu.memory_space<vmem>>
        %dma_wait3A_417 = arith.constant 0 : i32
        %dma_wait3A_418 = arith.constant 0 : i32
        %dma_wait3A_419 = tpu.memref_slice %arg11[%dma_wait3A_417, %dma_wait3A_418] : memref<10240x128xf32, #tpu.memory_space<vmem_shared>> -> memref<10240x128xf32, #tpu.memory_space<vmem_shared>>
        tpu.wait_indirect_dma semaphore(%run_scoped3A_407 : memref<!tpu.dma_semaphore, #tpu.memory_space<semaphore_mem>>) src(%arg10 : memref<128x128xf32, #tpu.memory_space<vmem>>) dst(%dma_wait3A_419 : memref<10240x128xf32, #tpu.memory_space<vmem_shared>>)
        tpu.yield
      }) : () -> ()
      %add3A_287 = arith.constant 2 : i32
      %add3A_288 = arith.addi %mul3A_164, %add3A_287 : i32
      %min3A = arith.constant 19 : i32
      %min3A_289 = arith.minsi %add3A_288, %min3A : i32
      %dma_start3A_290 = arith.constant 0 : i32
      %dma_start3A_291 = arith.constant 0 : i32
      %dma_start3A_292 = tpu.memref_slice %arg7[%dma_start3A_290, %dma_start3A_291] : memref<8x128xi32, #tpu.memory_space<vmem>> -> memref<4x128xi32, #tpu.memory_space<vmem>>
      %dma_start3A_293 = arith.constant 0 : i32
      %dma_start3A_294 = arith.constant 0 : i32
      %dma_start3A_295 = tpu.memref_slice %arg3[%add3A, %min3A_289, %dma_start3A_293, %dma_start3A_294] : memref<32x20x4x128xi32, #tpu.memory_space<hbm>> -> memref<1x1x4x128xi32, #tpu.memory_space<hbm>>
      %dma_start3A_296 = tpu.memref_squeeze %dma_start3A_295 : memref<1x1x4x128xi32, #tpu.memory_space<hbm>> -> memref<4x128xi32, #tpu.memory_space<hbm>>
      %dma_start3A_297 = arith.constant 0 : i32
      %dma_start3A_298 = arith.constant 0 : i32
      %dma_start3A_299 = tpu.memref_slice %arg7[%dma_start3A_297, %dma_start3A_298] : memref<8x128xi32, #tpu.memory_space<vmem>> -> memref<4x128xi32, #tpu.memory_space<vmem>>
      %dma_start3A_300 = arith.constant 0 : i32
      %dma_start3A_301 = arith.constant 0 : i32
      %dma_start3A_302 = tpu.memref_slice %arg3[%add3A, %min3A_289, %dma_start3A_300, %dma_start3A_301] : memref<32x20x4x128xi32, #tpu.memory_space<hbm>> -> memref<1x1x4x128xi32, #tpu.memory_space<hbm>>
      %dma_start3A_303 = tpu.memref_squeeze %dma_start3A_302 : memref<1x1x4x128xi32, #tpu.memory_space<hbm>> -> memref<4x128xi32, #tpu.memory_space<hbm>>
      tpu.enqueue_dma source(%dma_start3A_303 : memref<4x128xi32, #tpu.memory_space<hbm>>) target(%dma_start3A_299 : memref<4x128xi32, #tpu.memory_space<vmem>>) target_semaphore(%arg12 : memref<!tpu.dma_semaphore, #tpu.memory_space<semaphore_mem>>)
      %dma_start3A_304 = arith.constant 4 : i32
      %dma_start3A_305 = arith.constant 0 : i32
      %dma_start3A_306 = tpu.memref_slice %arg7[%dma_start3A_304, %dma_start3A_305] : memref<8x128xi32, #tpu.memory_space<vmem>> -> memref<4x128xi32, #tpu.memory_space<vmem>>
      %dma_start3A_307 = arith.constant 0 : i32
      %dma_start3A_308 = arith.constant 0 : i32
      %dma_start3A_309 = tpu.memref_slice %arg4[%add3A, %min3A_289, %dma_start3A_307, %dma_start3A_308] : memref<32x20x4x128xi32, #tpu.memory_space<hbm>> -> memref<1x1x4x128xi32, #tpu.memory_space<hbm>>
      %dma_start3A_310 = tpu.memref_squeeze %dma_start3A_309 : memref<1x1x4x128xi32, #tpu.memory_space<hbm>> -> memref<4x128xi32, #tpu.memory_space<hbm>>
      %dma_start3A_311 = arith.constant 4 : i32
      %dma_start3A_312 = arith.constant 0 : i32
      %dma_start3A_313 = tpu.memref_slice %arg7[%dma_start3A_311, %dma_start3A_312] : memref<8x128xi32, #tpu.memory_space<vmem>> -> memref<4x128xi32, #tpu.memory_space<vmem>>
      %dma_start3A_314 = arith.constant 0 : i32
      %dma_start3A_315 = arith.constant 0 : i32
      %dma_start3A_316 = tpu.memref_slice %arg4[%add3A, %min3A_289, %dma_start3A_314, %dma_start3A_315] : memref<32x20x4x128xi32, #tpu.memory_space<hbm>> -> memref<1x1x4x128xi32, #tpu.memory_space<hbm>>
      %dma_start3A_317 = tpu.memref_squeeze %dma_start3A_316 : memref<1x1x4x128xi32, #tpu.memory_space<hbm>> -> memref<4x128xi32, #tpu.memory_space<hbm>>
      tpu.enqueue_dma source(%dma_start3A_317 : memref<4x128xi32, #tpu.memory_space<hbm>>) target(%dma_start3A_313 : memref<4x128xi32, #tpu.memory_space<vmem>>) target_semaphore(%arg12 : memref<!tpu.dma_semaphore, #tpu.memory_space<semaphore_mem>>)
      %dma_start3A_318 = arith.constant 1 : i32
      %dma_start3A_319 = arith.constant 0 : i32
      %dma_start3A_320 = tpu.memref_slice %arg8[%dma_start3A_318, %dma_start3A_319] : memref<8x128xi32, #tpu.memory_space<vmem>> -> memref<1x128xi32, #tpu.memory_space<vmem>>
      %dma_start3A_321 = tpu.memref_squeeze %dma_start3A_320 : memref<1x128xi32, #tpu.memory_space<vmem>> -> memref<128xi32, #tpu.memory_space<vmem>>
      %dma_start3A_322 = arith.constant 0 : i32
      %dma_start3A_323 = arith.constant 0 : i32
      %dma_start3A_324 = tpu.memref_slice %arg2[%dma_start3A_322, %dma_start3A_323] : memref<10000x128xf32, #tpu.memory_space<hbm>> -> memref<10000x128xf32, #tpu.memory_space<hbm>>
      tpu.enqueue_indirect_dma source(%dma_start3A_324 : memref<10000x128xf32, #tpu.memory_space<hbm>>) target(%arg10 : memref<128x128xf32, #tpu.memory_space<vmem>>) offsets(%dma_start3A_321 : memref<128xi32, #tpu.memory_space<vmem>>) semaphore(%arg15 : memref<!tpu.dma_semaphore, #tpu.memory_space<semaphore_mem>>)
      %dma_wait3A_325 = arith.constant 0 : i32
      %dma_wait3A_326 = arith.constant 0 : i32
      %dma_wait3A_327 = tpu.memref_slice %arg8[%dma_wait3A_325, %dma_wait3A_326] : memref<8x128xi32, #tpu.memory_space<vmem>> -> memref<1x128xi32, #tpu.memory_space<vmem>>
      %dma_wait3A_328 = tpu.memref_squeeze %dma_wait3A_327 : memref<1x128xi32, #tpu.memory_space<vmem>> -> memref<128xi32, #tpu.memory_space<vmem>>
      %dma_wait3A_329 = arith.constant 0 : i32
      %dma_wait3A_330 = arith.constant 0 : i32
      %dma_wait3A_331 = tpu.memref_slice %arg2[%dma_wait3A_329, %dma_wait3A_330] : memref<10000x128xf32, #tpu.memory_space<hbm>> -> memref<10000x128xf32, #tpu.memory_space<hbm>>
      tpu.wait_indirect_dma semaphore(%arg14 : memref<!tpu.dma_semaphore, #tpu.memory_space<semaphore_mem>>) src(%dma_wait3A_331 : memref<10000x128xf32, #tpu.memory_space<hbm>>) dst(%arg9 : memref<128x128xf32, #tpu.memory_space<vmem>>)
      %run_scoped3A_332 = arith.constant 4 : i32
      "tpu.region"() ({
        %run_scoped3A_407 = tpu.sem_alloc : memref<!tpu.dma_semaphore, #tpu.memory_space<semaphore_mem>>
        %dma_start3A_408 = arith.constant 0 : i32
        %dma_start3A_409 = tpu.memref_slice %arg8[%run_scoped3A_332, %dma_start3A_408] : memref<8x128xi32, #tpu.memory_space<vmem>> -> memref<1x128xi32, #tpu.memory_space<vmem>>
        %dma_start3A_410 = tpu.memref_squeeze %dma_start3A_409 : memref<1x128xi32, #tpu.memory_space<vmem>> -> memref<128xi32, #tpu.memory_space<vmem>>
        %dma_start3A_411 = arith.constant 0 : i32
        %dma_start3A_412 = arith.constant 0 : i32
        %dma_start3A_413 = tpu.memref_slice %arg11[%dma_start3A_411, %dma_start3A_412] : memref<10240x128xf32, #tpu.memory_space<vmem_shared>> -> memref<10240x128xf32, #tpu.memory_space<vmem_shared>>
        tpu.enqueue_indirect_dma source(%arg9 : memref<128x128xf32, #tpu.memory_space<vmem>>) target(%dma_start3A_413 : memref<10240x128xf32, #tpu.memory_space<vmem_shared>>) offsets(%dma_start3A_410 : memref<128xi32, #tpu.memory_space<vmem>>) semaphore(%run_scoped3A_407 : memref<!tpu.dma_semaphore, #tpu.memory_space<semaphore_mem>>) {add = true}
        %dma_wait3A_414 = arith.constant 0 : i32
        %dma_wait3A_415 = tpu.memref_slice %arg8[%run_scoped3A_332, %dma_wait3A_414] : memref<8x128xi32, #tpu.memory_space<vmem>> -> memref<1x128xi32, #tpu.memory_space<vmem>>
        %dma_wait3A_416 = tpu.memref_squeeze %dma_wait3A_415 : memref<1x128xi32, #tpu.memory_space<vmem>> -> memref<128xi32, #tpu.memory_space<vmem>>
        %dma_wait3A_417 = arith.constant 0 : i32
        %dma_wait3A_418 = arith.constant 0 : i32
        %dma_wait3A_419 = tpu.memref_slice %arg11[%dma_wait3A_417, %dma_wait3A_418] : memref<10240x128xf32, #tpu.memory_space<vmem_shared>> -> memref<10240x128xf32, #tpu.memory_space<vmem_shared>>
        tpu.wait_indirect_dma semaphore(%run_scoped3A_407 : memref<!tpu.dma_semaphore, #tpu.memory_space<semaphore_mem>>) src(%arg9 : memref<128x128xf32, #tpu.memory_space<vmem>>) dst(%dma_wait3A_419 : memref<10240x128xf32, #tpu.memory_space<vmem_shared>>)
        tpu.yield
      }) : () -> ()
      %dma_start3A_333 = arith.constant 2 : i32
      %dma_start3A_334 = arith.constant 0 : i32
      %dma_start3A_335 = tpu.memref_slice %arg8[%dma_start3A_333, %dma_start3A_334] : memref<8x128xi32, #tpu.memory_space<vmem>> -> memref<1x128xi32, #tpu.memory_space<vmem>>
      %dma_start3A_336 = tpu.memref_squeeze %dma_start3A_335 : memref<1x128xi32, #tpu.memory_space<vmem>> -> memref<128xi32, #tpu.memory_space<vmem>>
      %dma_start3A_337 = arith.constant 0 : i32
      %dma_start3A_338 = arith.constant 0 : i32
      %dma_start3A_339 = tpu.memref_slice %arg2[%dma_start3A_337, %dma_start3A_338] : memref<10000x128xf32, #tpu.memory_space<hbm>> -> memref<10000x128xf32, #tpu.memory_space<hbm>>
      tpu.enqueue_indirect_dma source(%dma_start3A_339 : memref<10000x128xf32, #tpu.memory_space<hbm>>) target(%arg9 : memref<128x128xf32, #tpu.memory_space<vmem>>) offsets(%dma_start3A_336 : memref<128xi32, #tpu.memory_space<vmem>>) semaphore(%arg14 : memref<!tpu.dma_semaphore, #tpu.memory_space<semaphore_mem>>)
      %dma_wait3A_340 = arith.constant 1 : i32
      %dma_wait3A_341 = arith.constant 0 : i32
      %dma_wait3A_342 = tpu.memref_slice %arg8[%dma_wait3A_340, %dma_wait3A_341] : memref<8x128xi32, #tpu.memory_space<vmem>> -> memref<1x128xi32, #tpu.memory_space<vmem>>
      %dma_wait3A_343 = tpu.memref_squeeze %dma_wait3A_342 : memref<1x128xi32, #tpu.memory_space<vmem>> -> memref<128xi32, #tpu.memory_space<vmem>>
      %dma_wait3A_344 = arith.constant 0 : i32
      %dma_wait3A_345 = arith.constant 0 : i32
      %dma_wait3A_346 = tpu.memref_slice %arg2[%dma_wait3A_344, %dma_wait3A_345] : memref<10000x128xf32, #tpu.memory_space<hbm>> -> memref<10000x128xf32, #tpu.memory_space<hbm>>
      tpu.wait_indirect_dma semaphore(%arg15 : memref<!tpu.dma_semaphore, #tpu.memory_space<semaphore_mem>>) src(%dma_wait3A_346 : memref<10000x128xf32, #tpu.memory_space<hbm>>) dst(%arg10 : memref<128x128xf32, #tpu.memory_space<vmem>>)
      %run_scoped3A_347 = arith.constant 5 : i32
      "tpu.region"() ({
        %run_scoped3A_407 = tpu.sem_alloc : memref<!tpu.dma_semaphore, #tpu.memory_space<semaphore_mem>>
        %dma_start3A_408 = arith.constant 0 : i32
        %dma_start3A_409 = tpu.memref_slice %arg8[%run_scoped3A_347, %dma_start3A_408] : memref<8x128xi32, #tpu.memory_space<vmem>> -> memref<1x128xi32, #tpu.memory_space<vmem>>
        %dma_start3A_410 = tpu.memref_squeeze %dma_start3A_409 : memref<1x128xi32, #tpu.memory_space<vmem>> -> memref<128xi32, #tpu.memory_space<vmem>>
        %dma_start3A_411 = arith.constant 0 : i32
        %dma_start3A_412 = arith.constant 0 : i32
        %dma_start3A_413 = tpu.memref_slice %arg11[%dma_start3A_411, %dma_start3A_412] : memref<10240x128xf32, #tpu.memory_space<vmem_shared>> -> memref<10240x128xf32, #tpu.memory_space<vmem_shared>>
        tpu.enqueue_indirect_dma source(%arg10 : memref<128x128xf32, #tpu.memory_space<vmem>>) target(%dma_start3A_413 : memref<10240x128xf32, #tpu.memory_space<vmem_shared>>) offsets(%dma_start3A_410 : memref<128xi32, #tpu.memory_space<vmem>>) semaphore(%run_scoped3A_407 : memref<!tpu.dma_semaphore, #tpu.memory_space<semaphore_mem>>) {add = true}
        %dma_wait3A_414 = arith.constant 0 : i32
        %dma_wait3A_415 = tpu.memref_slice %arg8[%run_scoped3A_347, %dma_wait3A_414] : memref<8x128xi32, #tpu.memory_space<vmem>> -> memref<1x128xi32, #tpu.memory_space<vmem>>
        %dma_wait3A_416 = tpu.memref_squeeze %dma_wait3A_415 : memref<1x128xi32, #tpu.memory_space<vmem>> -> memref<128xi32, #tpu.memory_space<vmem>>
        %dma_wait3A_417 = arith.constant 0 : i32
        %dma_wait3A_418 = arith.constant 0 : i32
        %dma_wait3A_419 = tpu.memref_slice %arg11[%dma_wait3A_417, %dma_wait3A_418] : memref<10240x128xf32, #tpu.memory_space<vmem_shared>> -> memref<10240x128xf32, #tpu.memory_space<vmem_shared>>
        tpu.wait_indirect_dma semaphore(%run_scoped3A_407 : memref<!tpu.dma_semaphore, #tpu.memory_space<semaphore_mem>>) src(%arg10 : memref<128x128xf32, #tpu.memory_space<vmem>>) dst(%dma_wait3A_419 : memref<10240x128xf32, #tpu.memory_space<vmem_shared>>)
        tpu.yield
      }) : () -> ()
      %dma_start3A_348 = arith.constant 3 : i32
      %dma_start3A_349 = arith.constant 0 : i32
      %dma_start3A_350 = tpu.memref_slice %arg8[%dma_start3A_348, %dma_start3A_349] : memref<8x128xi32, #tpu.memory_space<vmem>> -> memref<1x128xi32, #tpu.memory_space<vmem>>
      %dma_start3A_351 = tpu.memref_squeeze %dma_start3A_350 : memref<1x128xi32, #tpu.memory_space<vmem>> -> memref<128xi32, #tpu.memory_space<vmem>>
      %dma_start3A_352 = arith.constant 0 : i32
      %dma_start3A_353 = arith.constant 0 : i32
      %dma_start3A_354 = tpu.memref_slice %arg2[%dma_start3A_352, %dma_start3A_353] : memref<10000x128xf32, #tpu.memory_space<hbm>> -> memref<10000x128xf32, #tpu.memory_space<hbm>>
      tpu.enqueue_indirect_dma source(%dma_start3A_354 : memref<10000x128xf32, #tpu.memory_space<hbm>>) target(%arg10 : memref<128x128xf32, #tpu.memory_space<vmem>>) offsets(%dma_start3A_351 : memref<128xi32, #tpu.memory_space<vmem>>) semaphore(%arg15 : memref<!tpu.dma_semaphore, #tpu.memory_space<semaphore_mem>>)
      %dma_wait3A_355 = arith.constant 2 : i32
      %dma_wait3A_356 = arith.constant 0 : i32
      %dma_wait3A_357 = tpu.memref_slice %arg8[%dma_wait3A_355, %dma_wait3A_356] : memref<8x128xi32, #tpu.memory_space<vmem>> -> memref<1x128xi32, #tpu.memory_space<vmem>>
      %dma_wait3A_358 = tpu.memref_squeeze %dma_wait3A_357 : memref<1x128xi32, #tpu.memory_space<vmem>> -> memref<128xi32, #tpu.memory_space<vmem>>
      %dma_wait3A_359 = arith.constant 0 : i32
      %dma_wait3A_360 = arith.constant 0 : i32
      %dma_wait3A_361 = tpu.memref_slice %arg2[%dma_wait3A_359, %dma_wait3A_360] : memref<10000x128xf32, #tpu.memory_space<hbm>> -> memref<10000x128xf32, #tpu.memory_space<hbm>>
      tpu.wait_indirect_dma semaphore(%arg14 : memref<!tpu.dma_semaphore, #tpu.memory_space<semaphore_mem>>) src(%dma_wait3A_361 : memref<10000x128xf32, #tpu.memory_space<hbm>>) dst(%arg9 : memref<128x128xf32, #tpu.memory_space<vmem>>)
      %run_scoped3A_362 = arith.constant 6 : i32
      "tpu.region"() ({
        %run_scoped3A_407 = tpu.sem_alloc : memref<!tpu.dma_semaphore, #tpu.memory_space<semaphore_mem>>
        %dma_start3A_408 = arith.constant 0 : i32
        %dma_start3A_409 = tpu.memref_slice %arg8[%run_scoped3A_362, %dma_start3A_408] : memref<8x128xi32, #tpu.memory_space<vmem>> -> memref<1x128xi32, #tpu.memory_space<vmem>>
        %dma_start3A_410 = tpu.memref_squeeze %dma_start3A_409 : memref<1x128xi32, #tpu.memory_space<vmem>> -> memref<128xi32, #tpu.memory_space<vmem>>
        %dma_start3A_411 = arith.constant 0 : i32
        %dma_start3A_412 = arith.constant 0 : i32
        %dma_start3A_413 = tpu.memref_slice %arg11[%dma_start3A_411, %dma_start3A_412] : memref<10240x128xf32, #tpu.memory_space<vmem_shared>> -> memref<10240x128xf32, #tpu.memory_space<vmem_shared>>
        tpu.enqueue_indirect_dma source(%arg9 : memref<128x128xf32, #tpu.memory_space<vmem>>) target(%dma_start3A_413 : memref<10240x128xf32, #tpu.memory_space<vmem_shared>>) offsets(%dma_start3A_410 : memref<128xi32, #tpu.memory_space<vmem>>) semaphore(%run_scoped3A_407 : memref<!tpu.dma_semaphore, #tpu.memory_space<semaphore_mem>>) {add = true}
        %dma_wait3A_414 = arith.constant 0 : i32
        %dma_wait3A_415 = tpu.memref_slice %arg8[%run_scoped3A_362, %dma_wait3A_414] : memref<8x128xi32, #tpu.memory_space<vmem>> -> memref<1x128xi32, #tpu.memory_space<vmem>>
        %dma_wait3A_416 = tpu.memref_squeeze %dma_wait3A_415 : memref<1x128xi32, #tpu.memory_space<vmem>> -> memref<128xi32, #tpu.memory_space<vmem>>
        %dma_wait3A_417 = arith.constant 0 : i32
        %dma_wait3A_418 = arith.constant 0 : i32
        %dma_wait3A_419 = tpu.memref_slice %arg11[%dma_wait3A_417, %dma_wait3A_418] : memref<10240x128xf32, #tpu.memory_space<vmem_shared>> -> memref<10240x128xf32, #tpu.memory_space<vmem_shared>>
        tpu.wait_indirect_dma semaphore(%run_scoped3A_407 : memref<!tpu.dma_semaphore, #tpu.memory_space<semaphore_mem>>) src(%arg9 : memref<128x128xf32, #tpu.memory_space<vmem>>) dst(%dma_wait3A_419 : memref<10240x128xf32, #tpu.memory_space<vmem_shared>>)
        tpu.yield
      }) : () -> ()
      %dma_wait3A_363 = arith.constant 0 : i32
      %dma_wait3A_364 = arith.constant 0 : i32
      %dma_wait3A_365 = tpu.memref_slice %arg7[%dma_wait3A_363, %dma_wait3A_364] : memref<8x128xi32, #tpu.memory_space<vmem>> -> memref<4x128xi32, #tpu.memory_space<vmem>>
      %dma_wait3A_366 = arith.constant 0 : i32
      %dma_wait3A_367 = arith.constant 0 : i32
      %dma_wait3A_368 = tpu.memref_slice %arg3[%add3A, %min3A_289, %dma_wait3A_366, %dma_wait3A_367] : memref<32x20x4x128xi32, #tpu.memory_space<hbm>> -> memref<1x1x4x128xi32, #tpu.memory_space<hbm>>
      %dma_wait3A_369 = tpu.memref_squeeze %dma_wait3A_368 : memref<1x1x4x128xi32, #tpu.memory_space<hbm>> -> memref<4x128xi32, #tpu.memory_space<hbm>>
      %dma_wait3A_370 = arith.constant 0 : i32
      %dma_wait3A_371 = arith.constant 0 : i32
      %dma_wait3A_372 = tpu.memref_slice %arg7[%dma_wait3A_370, %dma_wait3A_371] : memref<8x128xi32, #tpu.memory_space<vmem>> -> memref<4x128xi32, #tpu.memory_space<vmem>>
      %dma_wait3A_373 = arith.constant 0 : i32
      %dma_wait3A_374 = arith.constant 0 : i32
      %dma_wait3A_375 = tpu.memref_slice %arg3[%add3A, %min3A_289, %dma_wait3A_373, %dma_wait3A_374] : memref<32x20x4x128xi32, #tpu.memory_space<hbm>> -> memref<1x1x4x128xi32, #tpu.memory_space<hbm>>
      %dma_wait3A_376 = tpu.memref_squeeze %dma_wait3A_375 : memref<1x1x4x128xi32, #tpu.memory_space<hbm>> -> memref<4x128xi32, #tpu.memory_space<hbm>>
      tpu.wait_dma2 semaphore(%arg12 : memref<!tpu.dma_semaphore, #tpu.memory_space<semaphore_mem>>) src(%dma_wait3A_376 : memref<4x128xi32, #tpu.memory_space<hbm>>) dst(%dma_wait3A_372 : memref<4x128xi32, #tpu.memory_space<vmem>>)
      %dma_wait3A_377 = arith.constant 4 : i32
      %dma_wait3A_378 = arith.constant 0 : i32
      %dma_wait3A_379 = tpu.memref_slice %arg7[%dma_wait3A_377, %dma_wait3A_378] : memref<8x128xi32, #tpu.memory_space<vmem>> -> memref<4x128xi32, #tpu.memory_space<vmem>>
      %dma_wait3A_380 = arith.constant 0 : i32
      %dma_wait3A_381 = arith.constant 0 : i32
      %dma_wait3A_382 = tpu.memref_slice %arg4[%add3A, %min3A_289, %dma_wait3A_380, %dma_wait3A_381] : memref<32x20x4x128xi32, #tpu.memory_space<hbm>> -> memref<1x1x4x128xi32, #tpu.memory_space<hbm>>
      %dma_wait3A_383 = tpu.memref_squeeze %dma_wait3A_382 : memref<1x1x4x128xi32, #tpu.memory_space<hbm>> -> memref<4x128xi32, #tpu.memory_space<hbm>>
      %dma_wait3A_384 = arith.constant 4 : i32
      %dma_wait3A_385 = arith.constant 0 : i32
      %dma_wait3A_386 = tpu.memref_slice %arg7[%dma_wait3A_384, %dma_wait3A_385] : memref<8x128xi32, #tpu.memory_space<vmem>> -> memref<4x128xi32, #tpu.memory_space<vmem>>
      %dma_wait3A_387 = arith.constant 0 : i32
      %dma_wait3A_388 = arith.constant 0 : i32
      %dma_wait3A_389 = tpu.memref_slice %arg4[%add3A, %min3A_289, %dma_wait3A_387, %dma_wait3A_388] : memref<32x20x4x128xi32, #tpu.memory_space<hbm>> -> memref<1x1x4x128xi32, #tpu.memory_space<hbm>>
      %dma_wait3A_390 = tpu.memref_squeeze %dma_wait3A_389 : memref<1x1x4x128xi32, #tpu.memory_space<hbm>> -> memref<4x128xi32, #tpu.memory_space<hbm>>
      tpu.wait_dma2 semaphore(%arg12 : memref<!tpu.dma_semaphore, #tpu.memory_space<semaphore_mem>>) src(%dma_wait3A_390 : memref<4x128xi32, #tpu.memory_space<hbm>>) dst(%dma_wait3A_386 : memref<4x128xi32, #tpu.memory_space<vmem>>)
      %dma_start3A_391 = arith.constant 0 : i32
      %dma_start3A_392 = arith.constant 0 : i32
      %dma_start3A_393 = tpu.memref_slice %arg7[%dma_start3A_391, %dma_start3A_392] : memref<8x128xi32, #tpu.memory_space<vmem>> -> memref<1x128xi32, #tpu.memory_space<vmem>>
      %dma_start3A_394 = tpu.memref_squeeze %dma_start3A_393 : memref<1x128xi32, #tpu.memory_space<vmem>> -> memref<128xi32, #tpu.memory_space<vmem>>
      %dma_start3A_395 = arith.constant 0 : i32
      %dma_start3A_396 = arith.constant 0 : i32
      %dma_start3A_397 = tpu.memref_slice %arg2[%dma_start3A_395, %dma_start3A_396] : memref<10000x128xf32, #tpu.memory_space<hbm>> -> memref<10000x128xf32, #tpu.memory_space<hbm>>
      tpu.enqueue_indirect_dma source(%dma_start3A_397 : memref<10000x128xf32, #tpu.memory_space<hbm>>) target(%arg9 : memref<128x128xf32, #tpu.memory_space<vmem>>) offsets(%dma_start3A_394 : memref<128xi32, #tpu.memory_space<vmem>>) semaphore(%arg14 : memref<!tpu.dma_semaphore, #tpu.memory_space<semaphore_mem>>)
      %dma_wait3A_398 = arith.constant 3 : i32
      %dma_wait3A_399 = arith.constant 0 : i32
      %dma_wait3A_400 = tpu.memref_slice %arg8[%dma_wait3A_398, %dma_wait3A_399] : memref<8x128xi32, #tpu.memory_space<vmem>> -> memref<1x128xi32, #tpu.memory_space<vmem>>
      %dma_wait3A_401 = tpu.memref_squeeze %dma_wait3A_400 : memref<1x128xi32, #tpu.memory_space<vmem>> -> memref<128xi32, #tpu.memory_space<vmem>>
      %dma_wait3A_402 = arith.constant 0 : i32
      %dma_wait3A_403 = arith.constant 0 : i32
      %dma_wait3A_404 = tpu.memref_slice %arg2[%dma_wait3A_402, %dma_wait3A_403] : memref<10000x128xf32, #tpu.memory_space<hbm>> -> memref<10000x128xf32, #tpu.memory_space<hbm>>
      tpu.wait_indirect_dma semaphore(%arg15 : memref<!tpu.dma_semaphore, #tpu.memory_space<semaphore_mem>>) src(%dma_wait3A_404 : memref<10000x128xf32, #tpu.memory_space<hbm>>) dst(%arg10 : memref<128x128xf32, #tpu.memory_space<vmem>>)
      %run_scoped3A_405 = arith.constant 7 : i32
      "tpu.region"() ({
        %run_scoped3A_407 = tpu.sem_alloc : memref<!tpu.dma_semaphore, #tpu.memory_space<semaphore_mem>>
        %dma_start3A_408 = arith.constant 0 : i32
        %dma_start3A_409 = tpu.memref_slice %arg8[%run_scoped3A_405, %dma_start3A_408] : memref<8x128xi32, #tpu.memory_space<vmem>> -> memref<1x128xi32, #tpu.memory_space<vmem>>
        %dma_start3A_410 = tpu.memref_squeeze %dma_start3A_409 : memref<1x128xi32, #tpu.memory_space<vmem>> -> memref<128xi32, #tpu.memory_space<vmem>>
        %dma_start3A_411 = arith.constant 0 : i32
        %dma_start3A_412 = arith.constant 0 : i32
        %dma_start3A_413 = tpu.memref_slice %arg11[%dma_start3A_411, %dma_start3A_412] : memref<10240x128xf32, #tpu.memory_space<vmem_shared>> -> memref<10240x128xf32, #tpu.memory_space<vmem_shared>>
        tpu.enqueue_indirect_dma source(%arg10 : memref<128x128xf32, #tpu.memory_space<vmem>>) target(%dma_start3A_413 : memref<10240x128xf32, #tpu.memory_space<vmem_shared>>) offsets(%dma_start3A_410 : memref<128xi32, #tpu.memory_space<vmem>>) semaphore(%run_scoped3A_407 : memref<!tpu.dma_semaphore, #tpu.memory_space<semaphore_mem>>) {add = true}
        %dma_wait3A_414 = arith.constant 0 : i32
        %dma_wait3A_415 = tpu.memref_slice %arg8[%run_scoped3A_405, %dma_wait3A_414] : memref<8x128xi32, #tpu.memory_space<vmem>> -> memref<1x128xi32, #tpu.memory_space<vmem>>
        %dma_wait3A_416 = tpu.memref_squeeze %dma_wait3A_415 : memref<1x128xi32, #tpu.memory_space<vmem>> -> memref<128xi32, #tpu.memory_space<vmem>>
        %dma_wait3A_417 = arith.constant 0 : i32
        %dma_wait3A_418 = arith.constant 0 : i32
        %dma_wait3A_419 = tpu.memref_slice %arg11[%dma_wait3A_417, %dma_wait3A_418] : memref<10240x128xf32, #tpu.memory_space<vmem_shared>> -> memref<10240x128xf32, #tpu.memory_space<vmem_shared>>
        tpu.wait_indirect_dma semaphore(%run_scoped3A_407 : memref<!tpu.dma_semaphore, #tpu.memory_space<semaphore_mem>>) src(%arg10 : memref<128x128xf32, #tpu.memory_space<vmem>>) dst(%dma_wait3A_419 : memref<10240x128xf32, #tpu.memory_space<vmem_shared>>)
        tpu.yield
      }) : () -> ()
      %scan3A_406 = arith.constant 0 : i32
      scf.yield %scan3A_406 : i32
    }
    %scan3A_92 = arith.constant 10 : i32
    %dma_wait3A_93 = arith.constant 0 : i32
    %dma_wait3A_94 = arith.constant 0 : i32
    %dma_wait3A_95 = tpu.memref_slice %arg7[%dma_wait3A_93, %dma_wait3A_94] : memref<8x128xi32, #tpu.memory_space<vmem>> -> memref<1x128xi32, #tpu.memory_space<vmem>>
    %dma_wait3A_96 = tpu.memref_squeeze %dma_wait3A_95 : memref<1x128xi32, #tpu.memory_space<vmem>> -> memref<128xi32, #tpu.memory_space<vmem>>
    %dma_wait3A_97 = arith.constant 0 : i32
    %dma_wait3A_98 = arith.constant 0 : i32
    %dma_wait3A_99 = tpu.memref_slice %arg2[%dma_wait3A_97, %dma_wait3A_98] : memref<10000x128xf32, #tpu.memory_space<hbm>> -> memref<10000x128xf32, #tpu.memory_space<hbm>>
    tpu.wait_indirect_dma semaphore(%arg14 : memref<!tpu.dma_semaphore, #tpu.memory_space<semaphore_mem>>) src(%dma_wait3A_99 : memref<10000x128xf32, #tpu.memory_space<hbm>>) dst(%arg9 : memref<128x128xf32, #tpu.memory_space<vmem>>)
    %barrier3A_100 = arith.constant 0 : index
    tpu.barrier barrier_id(%barrier3A_100)
    %mul3A_101 = arith.constant 640 : i32
    %mul3A_102 = arith.muli %arg1, %mul3A_101 : i32
    %dma_start3A_103 = arith.constant 0 : i32
    %dma_start3A_104 = tpu.memref_slice %arg11[%mul3A_102, %dma_start3A_103] : memref<10240x128xf32, #tpu.memory_space<vmem_shared>> -> memref<128x128xf32, #tpu.memory_space<vmem_shared>>
    %dma_start3A_105 = arith.constant 0 : i32
    %dma_start3A_106 = tpu.memref_slice %arg11[%mul3A_102, %dma_start3A_105] : memref<10240x128xf32, #tpu.memory_space<vmem_shared>> -> memref<128x128xf32, #tpu.memory_space<vmem_shared>>
    tpu.enqueue_dma source(%dma_start3A_106 : memref<128x128xf32, #tpu.memory_space<vmem_shared>>) target(%arg9 : memref<128x128xf32, #tpu.memory_space<vmem>>) target_semaphore(%arg14 : memref<!tpu.dma_semaphore, #tpu.memory_space<semaphore_mem>>)
    %add3A_107 = arith.constant 0 : i32
    %add3A_108 = arith.addi %mul3A_102, %add3A_107 : i32
    %dma_wait3A_109 = arith.constant 0 : i32
    %dma_wait3A_110 = tpu.memref_slice %arg11[%add3A_108, %dma_wait3A_109] : memref<10240x128xf32, #tpu.memory_space<vmem_shared>> -> memref<128x128xf32, #tpu.memory_space<vmem_shared>>
    %dma_wait3A_111 = arith.constant 0 : i32
    %dma_wait3A_112 = tpu.memref_slice %arg11[%add3A_108, %dma_wait3A_111] : memref<10240x128xf32, #tpu.memory_space<vmem_shared>> -> memref<128x128xf32, #tpu.memory_space<vmem_shared>>
    tpu.wait_dma2 semaphore(%arg14 : memref<!tpu.dma_semaphore, #tpu.memory_space<semaphore_mem>>) src(%dma_wait3A_112 : memref<128x128xf32, #tpu.memory_space<vmem_shared>>) dst(%arg9 : memref<128x128xf32, #tpu.memory_space<vmem>>)
    %add3A_113 = arith.constant 128 : i32
    %add3A_114 = arith.addi %add3A_108, %add3A_113 : i32
    %dma_start3A_115 = arith.constant 0 : i32
    %dma_start3A_116 = tpu.memref_slice %arg11[%add3A_114, %dma_start3A_115] : memref<10240x128xf32, #tpu.memory_space<vmem_shared>> -> memref<128x128xf32, #tpu.memory_space<vmem_shared>>
    %dma_start3A_117 = arith.constant 0 : i32
    %dma_start3A_118 = tpu.memref_slice %arg11[%add3A_114, %dma_start3A_117] : memref<10240x128xf32, #tpu.memory_space<vmem_shared>> -> memref<128x128xf32, #tpu.memory_space<vmem_shared>>
    tpu.enqueue_dma source(%dma_start3A_118 : memref<128x128xf32, #tpu.memory_space<vmem_shared>>) target(%arg10 : memref<128x128xf32, #tpu.memory_space<vmem>>) target_semaphore(%arg15 : memref<!tpu.dma_semaphore, #tpu.memory_space<semaphore_mem>>)
    "tpu.region"() ({
      %run_scoped3A_161 = tpu.sem_alloc : memref<!tpu.dma_semaphore, #tpu.memory_space<semaphore_mem>>
      %dma_start3A_162 = arith.constant 0 : i32
      %dma_start3A_163 = tpu.memref_slice %arg6[%arg0, %add3A_108, %dma_start3A_162] : memref<2x10240x128xf32, #tpu.memory_space<hbm>> -> memref<1x128x128xf32, #tpu.memory_space<hbm>>
      %dma_start3A_164 = tpu.memref_squeeze %dma_start3A_163 : memref<1x128x128xf32, #tpu.memory_space<hbm>> -> memref<128x128xf32, #tpu.memory_space<hbm>>
      %dma_start3A_165 = arith.constant 0 : i32
      %dma_start3A_166 = tpu.memref_slice %arg6[%arg0, %add3A_108, %dma_start3A_165] : memref<2x10240x128xf32, #tpu.memory_space<hbm>> -> memref<1x128x128xf32, #tpu.memory_space<hbm>>
      %dma_start3A_167 = tpu.memref_squeeze %dma_start3A_166 : memref<1x128x128xf32, #tpu.memory_space<hbm>> -> memref<128x128xf32, #tpu.memory_space<hbm>>
      tpu.enqueue_dma source(%arg9 : memref<128x128xf32, #tpu.memory_space<vmem>>) target(%dma_start3A_167 : memref<128x128xf32, #tpu.memory_space<hbm>>) target_semaphore(%run_scoped3A_161 : memref<!tpu.dma_semaphore, #tpu.memory_space<semaphore_mem>>)
      %dma_wait3A_168 = arith.constant 0 : i32
      %dma_wait3A_169 = tpu.memref_slice %arg6[%arg0, %add3A_108, %dma_wait3A_168] : memref<2x10240x128xf32, #tpu.memory_space<hbm>> -> memref<1x128x128xf32, #tpu.memory_space<hbm>>
      %dma_wait3A_170 = tpu.memref_squeeze %dma_wait3A_169 : memref<1x128x128xf32, #tpu.memory_space<hbm>> -> memref<128x128xf32, #tpu.memory_space<hbm>>
      %dma_wait3A_171 = arith.constant 0 : i32
      %dma_wait3A_172 = tpu.memref_slice %arg6[%arg0, %add3A_108, %dma_wait3A_171] : memref<2x10240x128xf32, #tpu.memory_space<hbm>> -> memref<1x128x128xf32, #tpu.memory_space<hbm>>
      %dma_wait3A_173 = tpu.memref_squeeze %dma_wait3A_172 : memref<1x128x128xf32, #tpu.memory_space<hbm>> -> memref<128x128xf32, #tpu.memory_space<hbm>>
      tpu.wait_dma2 semaphore(%run_scoped3A_161 : memref<!tpu.dma_semaphore, #tpu.memory_space<semaphore_mem>>) src(%arg9 : memref<128x128xf32, #tpu.memory_space<vmem>>) dst(%dma_wait3A_173 : memref<128x128xf32, #tpu.memory_space<hbm>>)
      tpu.yield
    }) : () -> ()
    %add3A_119 = arith.constant 128 : i32
    %add3A_120 = arith.addi %mul3A_102, %add3A_119 : i32
    %dma_wait3A_121 = arith.constant 0 : i32
    %dma_wait3A_122 = tpu.memref_slice %arg11[%add3A_120, %dma_wait3A_121] : memref<10240x128xf32, #tpu.memory_space<vmem_shared>> -> memref<128x128xf32, #tpu.memory_space<vmem_shared>>
    %dma_wait3A_123 = arith.constant 0 : i32
    %dma_wait3A_124 = tpu.memref_slice %arg11[%add3A_120, %dma_wait3A_123] : memref<10240x128xf32, #tpu.memory_space<vmem_shared>> -> memref<128x128xf32, #tpu.memory_space<vmem_shared>>
    tpu.wait_dma2 semaphore(%arg15 : memref<!tpu.dma_semaphore, #tpu.memory_space<semaphore_mem>>) src(%dma_wait3A_124 : memref<128x128xf32, #tpu.memory_space<vmem_shared>>) dst(%arg10 : memref<128x128xf32, #tpu.memory_space<vmem>>)
    %add3A_125 = arith.constant 128 : i32
    %add3A_126 = arith.addi %add3A_120, %add3A_125 : i32
    %dma_start3A_127 = arith.constant 0 : i32
    %dma_start3A_128 = tpu.memref_slice %arg11[%add3A_126, %dma_start3A_127] : memref<10240x128xf32, #tpu.memory_space<vmem_shared>> -> memref<128x128xf32, #tpu.memory_space<vmem_shared>>
    %dma_start3A_129 = arith.constant 0 : i32
    %dma_start3A_130 = tpu.memref_slice %arg11[%add3A_126, %dma_start3A_129] : memref<10240x128xf32, #tpu.memory_space<vmem_shared>> -> memref<128x128xf32, #tpu.memory_space<vmem_shared>>
    tpu.enqueue_dma source(%dma_start3A_130 : memref<128x128xf32, #tpu.memory_space<vmem_shared>>) target(%arg9 : memref<128x128xf32, #tpu.memory_space<vmem>>) target_semaphore(%arg14 : memref<!tpu.dma_semaphore, #tpu.memory_space<semaphore_mem>>)
    "tpu.region"() ({
      %run_scoped3A_161 = tpu.sem_alloc : memref<!tpu.dma_semaphore, #tpu.memory_space<semaphore_mem>>
      %dma_start3A_162 = arith.constant 0 : i32
      %dma_start3A_163 = tpu.memref_slice %arg6[%arg0, %add3A_120, %dma_start3A_162] : memref<2x10240x128xf32, #tpu.memory_space<hbm>> -> memref<1x128x128xf32, #tpu.memory_space<hbm>>
      %dma_start3A_164 = tpu.memref_squeeze %dma_start3A_163 : memref<1x128x128xf32, #tpu.memory_space<hbm>> -> memref<128x128xf32, #tpu.memory_space<hbm>>
      %dma_start3A_165 = arith.constant 0 : i32
      %dma_start3A_166 = tpu.memref_slice %arg6[%arg0, %add3A_120, %dma_start3A_165] : memref<2x10240x128xf32, #tpu.memory_space<hbm>> -> memref<1x128x128xf32, #tpu.memory_space<hbm>>
      %dma_start3A_167 = tpu.memref_squeeze %dma_start3A_166 : memref<1x128x128xf32, #tpu.memory_space<hbm>> -> memref<128x128xf32, #tpu.memory_space<hbm>>
      tpu.enqueue_dma source(%arg10 : memref<128x128xf32, #tpu.memory_space<vmem>>) target(%dma_start3A_167 : memref<128x128xf32, #tpu.memory_space<hbm>>) target_semaphore(%run_scoped3A_161 : memref<!tpu.dma_semaphore, #tpu.memory_space<semaphore_mem>>)
      %dma_wait3A_168 = arith.constant 0 : i32
      %dma_wait3A_169 = tpu.memref_slice %arg6[%arg0, %add3A_120, %dma_wait3A_168] : memref<2x10240x128xf32, #tpu.memory_space<hbm>> -> memref<1x128x128xf32, #tpu.memory_space<hbm>>
      %dma_wait3A_170 = tpu.memref_squeeze %dma_wait3A_169 : memref<1x128x128xf32, #tpu.memory_space<hbm>> -> memref<128x128xf32, #tpu.memory_space<hbm>>
      %dma_wait3A_171 = arith.constant 0 : i32
      %dma_wait3A_172 = tpu.memref_slice %arg6[%arg0, %add3A_120, %dma_wait3A_171] : memref<2x10240x128xf32, #tpu.memory_space<hbm>> -> memref<1x128x128xf32, #tpu.memory_space<hbm>>
      %dma_wait3A_173 = tpu.memref_squeeze %dma_wait3A_172 : memref<1x128x128xf32, #tpu.memory_space<hbm>> -> memref<128x128xf32, #tpu.memory_space<hbm>>
      tpu.wait_dma2 semaphore(%run_scoped3A_161 : memref<!tpu.dma_semaphore, #tpu.memory_space<semaphore_mem>>) src(%arg10 : memref<128x128xf32, #tpu.memory_space<vmem>>) dst(%dma_wait3A_173 : memref<128x128xf32, #tpu.memory_space<hbm>>)
      tpu.yield
    }) : () -> ()
    %add3A_131 = arith.constant 256 : i32
    %add3A_132 = arith.addi %mul3A_102, %add3A_131 : i32
    %dma_wait3A_133 = arith.constant 0 : i32
    %dma_wait3A_134 = tpu.memref_slice %arg11[%add3A_132, %dma_wait3A_133] : memref<10240x128xf32, #tpu.memory_space<vmem_shared>> -> memref<128x128xf32, #tpu.memory_space<vmem_shared>>
    %dma_wait3A_135 = arith.constant 0 : i32
    %dma_wait3A_136 = tpu.memref_slice %arg11[%add3A_132, %dma_wait3A_135] : memref<10240x128xf32, #tpu.memory_space<vmem_shared>> -> memref<128x128xf32, #tpu.memory_space<vmem_shared>>
    tpu.wait_dma2 semaphore(%arg14 : memref<!tpu.dma_semaphore, #tpu.memory_space<semaphore_mem>>) src(%dma_wait3A_136 : memref<128x128xf32, #tpu.memory_space<vmem_shared>>) dst(%arg9 : memref<128x128xf32, #tpu.memory_space<vmem>>)
    %add3A_137 = arith.constant 128 : i32
    %add3A_138 = arith.addi %add3A_132, %add3A_137 : i32
    %dma_start3A_139 = arith.constant 0 : i32
    %dma_start3A_140 = tpu.memref_slice %arg11[%add3A_138, %dma_start3A_139] : memref<10240x128xf32, #tpu.memory_space<vmem_shared>> -> memref<128x128xf32, #tpu.memory_space<vmem_shared>>
    %dma_start3A_141 = arith.constant 0 : i32
    %dma_start3A_142 = tpu.memref_slice %arg11[%add3A_138, %dma_start3A_141] : memref<10240x128xf32, #tpu.memory_space<vmem_shared>> -> memref<128x128xf32, #tpu.memory_space<vmem_shared>>
    tpu.enqueue_dma source(%dma_start3A_142 : memref<128x128xf32, #tpu.memory_space<vmem_shared>>) target(%arg10 : memref<128x128xf32, #tpu.memory_space<vmem>>) target_semaphore(%arg15 : memref<!tpu.dma_semaphore, #tpu.memory_space<semaphore_mem>>)
    "tpu.region"() ({
      %run_scoped3A_161 = tpu.sem_alloc : memref<!tpu.dma_semaphore, #tpu.memory_space<semaphore_mem>>
      %dma_start3A_162 = arith.constant 0 : i32
      %dma_start3A_163 = tpu.memref_slice %arg6[%arg0, %add3A_132, %dma_start3A_162] : memref<2x10240x128xf32, #tpu.memory_space<hbm>> -> memref<1x128x128xf32, #tpu.memory_space<hbm>>
      %dma_start3A_164 = tpu.memref_squeeze %dma_start3A_163 : memref<1x128x128xf32, #tpu.memory_space<hbm>> -> memref<128x128xf32, #tpu.memory_space<hbm>>
      %dma_start3A_165 = arith.constant 0 : i32
      %dma_start3A_166 = tpu.memref_slice %arg6[%arg0, %add3A_132, %dma_start3A_165] : memref<2x10240x128xf32, #tpu.memory_space<hbm>> -> memref<1x128x128xf32, #tpu.memory_space<hbm>>
      %dma_start3A_167 = tpu.memref_squeeze %dma_start3A_166 : memref<1x128x128xf32, #tpu.memory_space<hbm>> -> memref<128x128xf32, #tpu.memory_space<hbm>>
      tpu.enqueue_dma source(%arg9 : memref<128x128xf32, #tpu.memory_space<vmem>>) target(%dma_start3A_167 : memref<128x128xf32, #tpu.memory_space<hbm>>) target_semaphore(%run_scoped3A_161 : memref<!tpu.dma_semaphore, #tpu.memory_space<semaphore_mem>>)
      %dma_wait3A_168 = arith.constant 0 : i32
      %dma_wait3A_169 = tpu.memref_slice %arg6[%arg0, %add3A_132, %dma_wait3A_168] : memref<2x10240x128xf32, #tpu.memory_space<hbm>> -> memref<1x128x128xf32, #tpu.memory_space<hbm>>
      %dma_wait3A_170 = tpu.memref_squeeze %dma_wait3A_169 : memref<1x128x128xf32, #tpu.memory_space<hbm>> -> memref<128x128xf32, #tpu.memory_space<hbm>>
      %dma_wait3A_171 = arith.constant 0 : i32
      %dma_wait3A_172 = tpu.memref_slice %arg6[%arg0, %add3A_132, %dma_wait3A_171] : memref<2x10240x128xf32, #tpu.memory_space<hbm>> -> memref<1x128x128xf32, #tpu.memory_space<hbm>>
      %dma_wait3A_173 = tpu.memref_squeeze %dma_wait3A_172 : memref<1x128x128xf32, #tpu.memory_space<hbm>> -> memref<128x128xf32, #tpu.memory_space<hbm>>
      tpu.wait_dma2 semaphore(%run_scoped3A_161 : memref<!tpu.dma_semaphore, #tpu.memory_space<semaphore_mem>>) src(%arg9 : memref<128x128xf32, #tpu.memory_space<vmem>>) dst(%dma_wait3A_173 : memref<128x128xf32, #tpu.memory_space<hbm>>)
      tpu.yield
    }) : () -> ()
    %add3A_143 = arith.constant 384 : i32
    %add3A_144 = arith.addi %mul3A_102, %add3A_143 : i32
    %dma_wait3A_145 = arith.constant 0 : i32
    %dma_wait3A_146 = tpu.memref_slice %arg11[%add3A_144, %dma_wait3A_145] : memref<10240x128xf32, #tpu.memory_space<vmem_shared>> -> memref<128x128xf32, #tpu.memory_space<vmem_shared>>
    %dma_wait3A_147 = arith.constant 0 : i32
    %dma_wait3A_148 = tpu.memref_slice %arg11[%add3A_144, %dma_wait3A_147] : memref<10240x128xf32, #tpu.memory_space<vmem_shared>> -> memref<128x128xf32, #tpu.memory_space<vmem_shared>>
    tpu.wait_dma2 semaphore(%arg15 : memref<!tpu.dma_semaphore, #tpu.memory_space<semaphore_mem>>) src(%dma_wait3A_148 : memref<128x128xf32, #tpu.memory_space<vmem_shared>>) dst(%arg10 : memref<128x128xf32, #tpu.memory_space<vmem>>)
    %add3A_149 = arith.constant 128 : i32
    %add3A_150 = arith.addi %add3A_144, %add3A_149 : i32
    %dma_start3A_151 = arith.constant 0 : i32
    %dma_start3A_152 = tpu.memref_slice %arg11[%add3A_150, %dma_start3A_151] : memref<10240x128xf32, #tpu.memory_space<vmem_shared>> -> memref<128x128xf32, #tpu.memory_space<vmem_shared>>
    %dma_start3A_153 = arith.constant 0 : i32
    %dma_start3A_154 = tpu.memref_slice %arg11[%add3A_150, %dma_start3A_153] : memref<10240x128xf32, #tpu.memory_space<vmem_shared>> -> memref<128x128xf32, #tpu.memory_space<vmem_shared>>
    tpu.enqueue_dma source(%dma_start3A_154 : memref<128x128xf32, #tpu.memory_space<vmem_shared>>) target(%arg9 : memref<128x128xf32, #tpu.memory_space<vmem>>) target_semaphore(%arg14 : memref<!tpu.dma_semaphore, #tpu.memory_space<semaphore_mem>>)
    "tpu.region"() ({
      %run_scoped3A_161 = tpu.sem_alloc : memref<!tpu.dma_semaphore, #tpu.memory_space<semaphore_mem>>
      %dma_start3A_162 = arith.constant 0 : i32
      %dma_start3A_163 = tpu.memref_slice %arg6[%arg0, %add3A_144, %dma_start3A_162] : memref<2x10240x128xf32, #tpu.memory_space<hbm>> -> memref<1x128x128xf32, #tpu.memory_space<hbm>>
      %dma_start3A_164 = tpu.memref_squeeze %dma_start3A_163 : memref<1x128x128xf32, #tpu.memory_space<hbm>> -> memref<128x128xf32, #tpu.memory_space<hbm>>
      %dma_start3A_165 = arith.constant 0 : i32
      %dma_start3A_166 = tpu.memref_slice %arg6[%arg0, %add3A_144, %dma_start3A_165] : memref<2x10240x128xf32, #tpu.memory_space<hbm>> -> memref<1x128x128xf32, #tpu.memory_space<hbm>>
      %dma_start3A_167 = tpu.memref_squeeze %dma_start3A_166 : memref<1x128x128xf32, #tpu.memory_space<hbm>> -> memref<128x128xf32, #tpu.memory_space<hbm>>
      tpu.enqueue_dma source(%arg10 : memref<128x128xf32, #tpu.memory_space<vmem>>) target(%dma_start3A_167 : memref<128x128xf32, #tpu.memory_space<hbm>>) target_semaphore(%run_scoped3A_161 : memref<!tpu.dma_semaphore, #tpu.memory_space<semaphore_mem>>)
      %dma_wait3A_168 = arith.constant 0 : i32
      %dma_wait3A_169 = tpu.memref_slice %arg6[%arg0, %add3A_144, %dma_wait3A_168] : memref<2x10240x128xf32, #tpu.memory_space<hbm>> -> memref<1x128x128xf32, #tpu.memory_space<hbm>>
      %dma_wait3A_170 = tpu.memref_squeeze %dma_wait3A_169 : memref<1x128x128xf32, #tpu.memory_space<hbm>> -> memref<128x128xf32, #tpu.memory_space<hbm>>
      %dma_wait3A_171 = arith.constant 0 : i32
      %dma_wait3A_172 = tpu.memref_slice %arg6[%arg0, %add3A_144, %dma_wait3A_171] : memref<2x10240x128xf32, #tpu.memory_space<hbm>> -> memref<1x128x128xf32, #tpu.memory_space<hbm>>
      %dma_wait3A_173 = tpu.memref_squeeze %dma_wait3A_172 : memref<1x128x128xf32, #tpu.memory_space<hbm>> -> memref<128x128xf32, #tpu.memory_space<hbm>>
      tpu.wait_dma2 semaphore(%run_scoped3A_161 : memref<!tpu.dma_semaphore, #tpu.memory_space<semaphore_mem>>) src(%arg10 : memref<128x128xf32, #tpu.memory_space<vmem>>) dst(%dma_wait3A_173 : memref<128x128xf32, #tpu.memory_space<hbm>>)
      tpu.yield
    }) : () -> ()
    %add3A_155 = arith.constant 512 : i32
    %add3A_156 = arith.addi %mul3A_102, %add3A_155 : i32
    %dma_wait3A_157 = arith.constant 0 : i32
    %dma_wait3A_158 = tpu.memref_slice %arg11[%add3A_156, %dma_wait3A_157] : memref<10240x128xf32, #tpu.memory_space<vmem_shared>> -> memref<128x128xf32, #tpu.memory_space<vmem_shared>>
    %dma_wait3A_159 = arith.constant 0 : i32
    %dma_wait3A_160 = tpu.memref_slice %arg11[%add3A_156, %dma_wait3A_159] : memref<10240x128xf32, #tpu.memory_space<vmem_shared>> -> memref<128x128xf32, #tpu.memory_space<vmem_shared>>
    tpu.wait_dma2 semaphore(%arg14 : memref<!tpu.dma_semaphore, #tpu.memory_space<semaphore_mem>>) src(%dma_wait3A_160 : memref<128x128xf32, #tpu.memory_space<vmem_shared>>) dst(%arg9 : memref<128x128xf32, #tpu.memory_space<vmem>>)
    "tpu.region"() ({
      %run_scoped3A_161 = tpu.sem_alloc : memref<!tpu.dma_semaphore, #tpu.memory_space<semaphore_mem>>
      %dma_start3A_162 = arith.constant 0 : i32
      %dma_start3A_163 = tpu.memref_slice %arg6[%arg0, %add3A_156, %dma_start3A_162] : memref<2x10240x128xf32, #tpu.memory_space<hbm>> -> memref<1x128x128xf32, #tpu.memory_space<hbm>>
      %dma_start3A_164 = tpu.memref_squeeze %dma_start3A_163 : memref<1x128x128xf32, #tpu.memory_space<hbm>> -> memref<128x128xf32, #tpu.memory_space<hbm>>
      %dma_start3A_165 = arith.constant 0 : i32
      %dma_start3A_166 = tpu.memref_slice %arg6[%arg0, %add3A_156, %dma_start3A_165] : memref<2x10240x128xf32, #tpu.memory_space<hbm>> -> memref<1x128x128xf32, #tpu.memory_space<hbm>>
      %dma_start3A_167 = tpu.memref_squeeze %dma_start3A_166 : memref<1x128x128xf32, #tpu.memory_space<hbm>> -> memref<128x128xf32, #tpu.memory_space<hbm>>
      tpu.enqueue_dma source(%arg9 : memref<128x128xf32, #tpu.memory_space<vmem>>) target(%dma_start3A_167 : memref<128x128xf32, #tpu.memory_space<hbm>>) target_semaphore(%run_scoped3A_161 : memref<!tpu.dma_semaphore, #tpu.memory_space<semaphore_mem>>)
      %dma_wait3A_168 = arith.constant 0 : i32
      %dma_wait3A_169 = tpu.memref_slice %arg6[%arg0, %add3A_156, %dma_wait3A_168] : memref<2x10240x128xf32, #tpu.memory_space<hbm>> -> memref<1x128x128xf32, #tpu.memory_space<hbm>>
      %dma_wait3A_170 = tpu.memref_squeeze %dma_wait3A_169 : memref<1x128x128xf32, #tpu.memory_space<hbm>> -> memref<128x128xf32, #tpu.memory_space<hbm>>
      %dma_wait3A_171 = arith.constant 0 : i32
      %dma_wait3A_172 = tpu.memref_slice %arg6[%arg0, %add3A_156, %dma_wait3A_171] : memref<2x10240x128xf32, #tpu.memory_space<hbm>> -> memref<1x128x128xf32, #tpu.memory_space<hbm>>
      %dma_wait3A_173 = tpu.memref_squeeze %dma_wait3A_172 : memref<1x128x128xf32, #tpu.memory_space<hbm>> -> memref<128x128xf32, #tpu.memory_space<hbm>>
      tpu.wait_dma2 semaphore(%run_scoped3A_161 : memref<!tpu.dma_semaphore, #tpu.memory_space<semaphore_mem>>) src(%arg9 : memref<128x128xf32, #tpu.memory_space<vmem>>) dst(%dma_wait3A_173 : memref<128x128xf32, #tpu.memory_space<hbm>>)
      tpu.yield
    }) : () -> ()
    return
  }
}

#map = affine_map<(d0, d1) -> (0, 0)>
#map1 = affine_map<(d0, d1) -> (0, 0, 0, 0)>
#map2 = affine_map<(d0, d1) -> (0, 0, 0)>
module attributes {stable_mosaic.version = 14 : i64} {
  func.func @_sc_aggregate(%arg0: i32, %arg1: i32, %arg2: memref<10000x128xf32, #tpu.memory_space<hbm>>, %arg3: memref<32x20x4x128xi32, #tpu.memory_space<hbm>>, %arg4: memref<32x20x4x128xi32, #tpu.memory_space<hbm>>, %arg5: memref<128x128xf32, #tpu.memory_space<hbm>>, %arg6: memref<2x10240x128xf32, #tpu.memory_space<hbm>>, %arg7: memref<8x128xi32, #tpu.memory_space<vmem>>, %arg8: memref<8x128xi32, #tpu.memory_space<vmem>>, %arg9: memref<128x128xf32, #tpu.memory_space<vmem>>, %arg10: memref<128x128xf32, #tpu.memory_space<vmem>>, %arg11: memref<10240x128xf32, #tpu.memory_space<vmem_shared>>, %arg12: memref<!tpu.dma_semaphore, #tpu.memory_space<semaphore_mem>>, %arg13: memref<!tpu.dma_semaphore, #tpu.memory_space<semaphore_mem>>, %arg14: memref<!tpu.dma_semaphore, #tpu.memory_space<semaphore_mem>>, %arg15: memref<!tpu.dma_semaphore, #tpu.memory_space<semaphore_mem>>) attributes {dimension_semantics = [#tpu.dimension_semantics<core_parallel>, #tpu.dimension_semantics<subcore_parallel>], iteration_bounds = array<i64: 2, 16>, scalar_prefetch = 0 : i64, scratch_operands = 9 : i64, tpu.core_type = #tpu.core_type<sc_vector_subcore>, window_params = [{transform_indices = #map}, {transform_indices = #map1}, {transform_indices = #map1}, {transform_indices = #map}, {transform_indices = #map2}]} {
    %mul3A = arith.constant 16 : i32
    %mul3A_0 = arith.muli %arg0, %mul3A : i32
    %add3A = arith.addi %mul3A_0, %arg1 : i32
    "tpu.region"() ({
      %run_scoped3A_161 = tpu.sem_alloc : memref<!tpu.dma_semaphore, #tpu.memory_space<semaphore_mem>>
      tpu.enqueue_dma source(%arg5 : memref<128x128xf32, #tpu.memory_space<hbm>>) target(%arg9 : memref<128x128xf32, #tpu.memory_space<vmem>>) target_semaphore(%run_scoped3A_161 : memref<!tpu.dma_semaphore, #tpu.memory_space<semaphore_mem>>)
      tpu.wait_dma2 semaphore(%run_scoped3A_161 : memref<!tpu.dma_semaphore, #tpu.memory_space<semaphore_mem>>) src(%arg5 : memref<128x128xf32, #tpu.memory_space<hbm>>) dst(%arg9 : memref<128x128xf32, #tpu.memory_space<vmem>>)
      tpu.yield
    }) : () -> ()
    %mul3A_1 = arith.constant 640 : i32
    %mul3A_2 = arith.muli %arg1, %mul3A_1 : i32
    %add3A_3 = arith.constant 0 : i32
    %add3A_4 = arith.addi %mul3A_2, %add3A_3 : i32
    %dma_start3A = arith.constant 0 : i32
    %dma_start3A_5 = tpu.memref_slice %arg11[%add3A_4, %dma_start3A] : memref<10240x128xf32, #tpu.memory_space<vmem_shared>> -> memref<128x128xf32, #tpu.memory_space<vmem_shared>>
    %dma_start3A_6 = arith.constant 0 : i32
    %dma_start3A_7 = tpu.memref_slice %arg11[%add3A_4, %dma_start3A_6] : memref<10240x128xf32, #tpu.memory_space<vmem_shared>> -> memref<128x128xf32, #tpu.memory_space<vmem_shared>>
    tpu.enqueue_dma source(%arg9 : memref<128x128xf32, #tpu.memory_space<vmem>>) target(%dma_start3A_7 : memref<128x128xf32, #tpu.memory_space<vmem_shared>>) target_semaphore(%arg15 : memref<!tpu.dma_semaphore, #tpu.memory_space<semaphore_mem>>)
    %mul3A_8 = arith.constant 640 : i32
    %mul3A_9 = arith.muli %arg1, %mul3A_8 : i32
    %add3A_10 = arith.constant 128 : i32
    %add3A_11 = arith.addi %mul3A_9, %add3A_10 : i32
    %dma_start3A_12 = arith.constant 0 : i32
    %dma_start3A_13 = tpu.memref_slice %arg11[%add3A_11, %dma_start3A_12] : memref<10240x128xf32, #tpu.memory_space<vmem_shared>> -> memref<128x128xf32, #tpu.memory_space<vmem_shared>>
    %dma_start3A_14 = arith.constant 0 : i32
    %dma_start3A_15 = tpu.memref_slice %arg11[%add3A_11, %dma_start3A_14] : memref<10240x128xf32, #tpu.memory_space<vmem_shared>> -> memref<128x128xf32, #tpu.memory_space<vmem_shared>>
    tpu.enqueue_dma source(%arg9 : memref<128x128xf32, #tpu.memory_space<vmem>>) target(%dma_start3A_15 : memref<128x128xf32, #tpu.memory_space<vmem_shared>>) target_semaphore(%arg15 : memref<!tpu.dma_semaphore, #tpu.memory_space<semaphore_mem>>)
    %mul3A_16 = arith.constant 640 : i32
    %mul3A_17 = arith.muli %arg1, %mul3A_16 : i32
    %add3A_18 = arith.constant 256 : i32
    %add3A_19 = arith.addi %mul3A_17, %add3A_18 : i32
    %dma_start3A_20 = arith.constant 0 : i32
    %dma_start3A_21 = tpu.memref_slice %arg11[%add3A_19, %dma_start3A_20] : memref<10240x128xf32, #tpu.memory_space<vmem_shared>> -> memref<128x128xf32, #tpu.memory_space<vmem_shared>>
    %dma_start3A_22 = arith.constant 0 : i32
    %dma_start3A_23 = tpu.memref_slice %arg11[%add3A_19, %dma_start3A_22] : memref<10240x128xf32, #tpu.memory_space<vmem_shared>> -> memref<128x128xf32, #tpu.memory_space<vmem_shared>>
    tpu.enqueue_dma source(%arg9 : memref<128x128xf32, #tpu.memory_space<vmem>>) target(%dma_start3A_23 : memref<128x128xf32, #tpu.memory_space<vmem_shared>>) target_semaphore(%arg15 : memref<!tpu.dma_semaphore, #tpu.memory_space<semaphore_mem>>)
    %mul3A_24 = arith.constant 640 : i32
    %mul3A_25 = arith.muli %arg1, %mul3A_24 : i32
    %add3A_26 = arith.constant 384 : i32
    %add3A_27 = arith.addi %mul3A_25, %add3A_26 : i32
    %dma_start3A_28 = arith.constant 0 : i32
    %dma_start3A_29 = tpu.memref_slice %arg11[%add3A_27, %dma_start3A_28] : memref<10240x128xf32, #tpu.memory_space<vmem_shared>> -> memref<128x128xf32, #tpu.memory_space<vmem_shared>>
    %dma_start3A_30 = arith.constant 0 : i32
    %dma_start3A_31 = tpu.memref_slice %arg11[%add3A_27, %dma_start3A_30] : memref<10240x128xf32, #tpu.memory_space<vmem_shared>> -> memref<128x128xf32, #tpu.memory_space<vmem_shared>>
    tpu.enqueue_dma source(%arg9 : memref<128x128xf32, #tpu.memory_space<vmem>>) target(%dma_start3A_31 : memref<128x128xf32, #tpu.memory_space<vmem_shared>>) target_semaphore(%arg15 : memref<!tpu.dma_semaphore, #tpu.memory_space<semaphore_mem>>)
    %mul3A_32 = arith.constant 640 : i32
    %mul3A_33 = arith.muli %arg1, %mul3A_32 : i32
    %add3A_34 = arith.constant 512 : i32
    %add3A_35 = arith.addi %mul3A_33, %add3A_34 : i32
    %dma_start3A_36 = arith.constant 0 : i32
    %dma_start3A_37 = tpu.memref_slice %arg11[%add3A_35, %dma_start3A_36] : memref<10240x128xf32, #tpu.memory_space<vmem_shared>> -> memref<128x128xf32, #tpu.memory_space<vmem_shared>>
    %dma_start3A_38 = arith.constant 0 : i32
    %dma_start3A_39 = tpu.memref_slice %arg11[%add3A_35, %dma_start3A_38] : memref<10240x128xf32, #tpu.memory_space<vmem_shared>> -> memref<128x128xf32, #tpu.memory_space<vmem_shared>>
    tpu.enqueue_dma source(%arg9 : memref<128x128xf32, #tpu.memory_space<vmem>>) target(%dma_start3A_39 : memref<128x128xf32, #tpu.memory_space<vmem_shared>>) target_semaphore(%arg15 : memref<!tpu.dma_semaphore, #tpu.memory_space<semaphore_mem>>)
    %mul3A_40 = arith.constant 640 : i32
    %mul3A_41 = arith.muli %arg1, %mul3A_40 : i32
    %add3A_42 = arith.constant 0 : i32
    %add3A_43 = arith.addi %mul3A_41, %add3A_42 : i32
    %dma_wait3A = arith.constant 0 : i32
    %dma_wait3A_44 = tpu.memref_slice %arg11[%add3A_43, %dma_wait3A] : memref<10240x128xf32, #tpu.memory_space<vmem_shared>> -> memref<128x128xf32, #tpu.memory_space<vmem_shared>>
    %dma_wait3A_45 = arith.constant 0 : i32
    %dma_wait3A_46 = tpu.memref_slice %arg11[%add3A_43, %dma_wait3A_45] : memref<10240x128xf32, #tpu.memory_space<vmem_shared>> -> memref<128x128xf32, #tpu.memory_space<vmem_shared>>
    tpu.wait_dma2 semaphore(%arg15 : memref<!tpu.dma_semaphore, #tpu.memory_space<semaphore_mem>>) src(%arg9 : memref<128x128xf32, #tpu.memory_space<vmem>>) dst(%dma_wait3A_46 : memref<128x128xf32, #tpu.memory_space<vmem_shared>>)
    %mul3A_47 = arith.constant 640 : i32
    %mul3A_48 = arith.muli %arg1, %mul3A_47 : i32
    %add3A_49 = arith.constant 128 : i32
    %add3A_50 = arith.addi %mul3A_48, %add3A_49 : i32
    %dma_wait3A_51 = arith.constant 0 : i32
    %dma_wait3A_52 = tpu.memref_slice %arg11[%add3A_50, %dma_wait3A_51] : memref<10240x128xf32, #tpu.memory_space<vmem_shared>> -> memref<128x128xf32, #tpu.memory_space<vmem_shared>>
    %dma_wait3A_53 = arith.constant 0 : i32
    %dma_wait3A_54 = tpu.memref_slice %arg11[%add3A_50, %dma_wait3A_53] : memref<10240x128xf32, #tpu.memory_space<vmem_shared>> -> memref<128x128xf32, #tpu.memory_space<vmem_shared>>
    tpu.wait_dma2 semaphore(%arg15 : memref<!tpu.dma_semaphore, #tpu.memory_space<semaphore_mem>>) src(%arg9 : memref<128x128xf32, #tpu.memory_space<vmem>>) dst(%dma_wait3A_54 : memref<128x128xf32, #tpu.memory_space<vmem_shared>>)
    %mul3A_55 = arith.constant 640 : i32
    %mul3A_56 = arith.muli %arg1, %mul3A_55 : i32
    %add3A_57 = arith.constant 256 : i32
    %add3A_58 = arith.addi %mul3A_56, %add3A_57 : i32
    %dma_wait3A_59 = arith.constant 0 : i32
    %dma_wait3A_60 = tpu.memref_slice %arg11[%add3A_58, %dma_wait3A_59] : memref<10240x128xf32, #tpu.memory_space<vmem_shared>> -> memref<128x128xf32, #tpu.memory_space<vmem_shared>>
    %dma_wait3A_61 = arith.constant 0 : i32
    %dma_wait3A_62 = tpu.memref_slice %arg11[%add3A_58, %dma_wait3A_61] : memref<10240x128xf32, #tpu.memory_space<vmem_shared>> -> memref<128x128xf32, #tpu.memory_space<vmem_shared>>
    tpu.wait_dma2 semaphore(%arg15 : memref<!tpu.dma_semaphore, #tpu.memory_space<semaphore_mem>>) src(%arg9 : memref<128x128xf32, #tpu.memory_space<vmem>>) dst(%dma_wait3A_62 : memref<128x128xf32, #tpu.memory_space<vmem_shared>>)
    %mul3A_63 = arith.constant 640 : i32
    %mul3A_64 = arith.muli %arg1, %mul3A_63 : i32
    %add3A_65 = arith.constant 384 : i32
    %add3A_66 = arith.addi %mul3A_64, %add3A_65 : i32
    %dma_wait3A_67 = arith.constant 0 : i32
    %dma_wait3A_68 = tpu.memref_slice %arg11[%add3A_66, %dma_wait3A_67] : memref<10240x128xf32, #tpu.memory_space<vmem_shared>> -> memref<128x128xf32, #tpu.memory_space<vmem_shared>>
    %dma_wait3A_69 = arith.constant 0 : i32
    %dma_wait3A_70 = tpu.memref_slice %arg11[%add3A_66, %dma_wait3A_69] : memref<10240x128xf32, #tpu.memory_space<vmem_shared>> -> memref<128x128xf32, #tpu.memory_space<vmem_shared>>
    tpu.wait_dma2 semaphore(%arg15 : memref<!tpu.dma_semaphore, #tpu.memory_space<semaphore_mem>>) src(%arg9 : memref<128x128xf32, #tpu.memory_space<vmem>>) dst(%dma_wait3A_70 : memref<128x128xf32, #tpu.memory_space<vmem_shared>>)
    %mul3A_71 = arith.constant 640 : i32
    %mul3A_72 = arith.muli %arg1, %mul3A_71 : i32
    %add3A_73 = arith.constant 512 : i32
    %add3A_74 = arith.addi %mul3A_72, %add3A_73 : i32
    %dma_wait3A_75 = arith.constant 0 : i32
    %dma_wait3A_76 = tpu.memref_slice %arg11[%add3A_74, %dma_wait3A_75] : memref<10240x128xf32, #tpu.memory_space<vmem_shared>> -> memref<128x128xf32, #tpu.memory_space<vmem_shared>>
    %dma_wait3A_77 = arith.constant 0 : i32
    %dma_wait3A_78 = tpu.memref_slice %arg11[%add3A_74, %dma_wait3A_77] : memref<10240x128xf32, #tpu.memory_space<vmem_shared>> -> memref<128x128xf32, #tpu.memory_space<vmem_shared>>
    tpu.wait_dma2 semaphore(%arg15 : memref<!tpu.dma_semaphore, #tpu.memory_space<semaphore_mem>>) src(%arg9 : memref<128x128xf32, #tpu.memory_space<vmem>>) dst(%dma_wait3A_78 : memref<128x128xf32, #tpu.memory_space<vmem_shared>>)
    %barrier3A = arith.constant 0 : index
    tpu.barrier barrier_id(%barrier3A)
    %run_scoped3A = arith.constant 0 : i32
    "tpu.region"() ({
      %run_scoped3A_161 = tpu.sem_alloc : memref<!tpu.dma_semaphore, #tpu.memory_space<semaphore_mem>>
      %dma_start3A_162 = arith.constant 0 : i32
      %dma_start3A_163 = arith.constant 0 : i32
      %dma_start3A_164 = tpu.memref_slice %arg7[%dma_start3A_162, %dma_start3A_163] : memref<8x128xi32, #tpu.memory_space<vmem>> -> memref<4x128xi32, #tpu.memory_space<vmem>>
      %dma_start3A_165 = arith.constant 0 : i32
      %dma_start3A_166 = arith.constant 0 : i32
      %dma_start3A_167 = tpu.memref_slice %arg3[%add3A, %run_scoped3A, %dma_start3A_165, %dma_start3A_166] : memref<32x20x4x128xi32, #tpu.memory_space<hbm>> -> memref<1x1x4x128xi32, #tpu.memory_space<hbm>>
      %dma_start3A_168 = tpu.memref_squeeze %dma_start3A_167 : memref<1x1x4x128xi32, #tpu.memory_space<hbm>> -> memref<4x128xi32, #tpu.memory_space<hbm>>
      %dma_start3A_169 = arith.constant 0 : i32
      %dma_start3A_170 = arith.constant 0 : i32
      %dma_start3A_171 = tpu.memref_slice %arg7[%dma_start3A_169, %dma_start3A_170] : memref<8x128xi32, #tpu.memory_space<vmem>> -> memref<4x128xi32, #tpu.memory_space<vmem>>
      %dma_start3A_172 = arith.constant 0 : i32
      %dma_start3A_173 = arith.constant 0 : i32
      %dma_start3A_174 = tpu.memref_slice %arg3[%add3A, %run_scoped3A, %dma_start3A_172, %dma_start3A_173] : memref<32x20x4x128xi32, #tpu.memory_space<hbm>> -> memref<1x1x4x128xi32, #tpu.memory_space<hbm>>
      %dma_start3A_175 = tpu.memref_squeeze %dma_start3A_174 : memref<1x1x4x128xi32, #tpu.memory_space<hbm>> -> memref<4x128xi32, #tpu.memory_space<hbm>>
      tpu.enqueue_dma source(%dma_start3A_175 : memref<4x128xi32, #tpu.memory_space<hbm>>) target(%dma_start3A_171 : memref<4x128xi32, #tpu.memory_space<vmem>>) target_semaphore(%run_scoped3A_161 : memref<!tpu.dma_semaphore, #tpu.memory_space<semaphore_mem>>)
      %dma_wait3A_176 = arith.constant 0 : i32
      %dma_wait3A_177 = arith.constant 0 : i32
      %dma_wait3A_178 = tpu.memref_slice %arg7[%dma_wait3A_176, %dma_wait3A_177] : memref<8x128xi32, #tpu.memory_space<vmem>> -> memref<4x128xi32, #tpu.memory_space<vmem>>
      %dma_wait3A_179 = arith.constant 0 : i32
      %dma_wait3A_180 = arith.constant 0 : i32
      %dma_wait3A_181 = tpu.memref_slice %arg3[%add3A, %run_scoped3A, %dma_wait3A_179, %dma_wait3A_180] : memref<32x20x4x128xi32, #tpu.memory_space<hbm>> -> memref<1x1x4x128xi32, #tpu.memory_space<hbm>>
      %dma_wait3A_182 = tpu.memref_squeeze %dma_wait3A_181 : memref<1x1x4x128xi32, #tpu.memory_space<hbm>> -> memref<4x128xi32, #tpu.memory_space<hbm>>
      %dma_wait3A_183 = arith.constant 0 : i32
      %dma_wait3A_184 = arith.constant 0 : i32
      %dma_wait3A_185 = tpu.memref_slice %arg7[%dma_wait3A_183, %dma_wait3A_184] : memref<8x128xi32, #tpu.memory_space<vmem>> -> memref<4x128xi32, #tpu.memory_space<vmem>>
      %dma_wait3A_186 = arith.constant 0 : i32
      %dma_wait3A_187 = arith.constant 0 : i32
      %dma_wait3A_188 = tpu.memref_slice %arg3[%add3A, %run_scoped3A, %dma_wait3A_186, %dma_wait3A_187] : memref<32x20x4x128xi32, #tpu.memory_space<hbm>> -> memref<1x1x4x128xi32, #tpu.memory_space<hbm>>
      %dma_wait3A_189 = tpu.memref_squeeze %dma_wait3A_188 : memref<1x1x4x128xi32, #tpu.memory_space<hbm>> -> memref<4x128xi32, #tpu.memory_space<hbm>>
      tpu.wait_dma2 semaphore(%run_scoped3A_161 : memref<!tpu.dma_semaphore, #tpu.memory_space<semaphore_mem>>) src(%dma_wait3A_189 : memref<4x128xi32, #tpu.memory_space<hbm>>) dst(%dma_wait3A_185 : memref<4x128xi32, #tpu.memory_space<vmem>>)
      tpu.yield
    }) : () -> ()
    %run_scoped3A_79 = arith.constant 0 : i32
    "tpu.region"() ({
      %run_scoped3A_161 = tpu.sem_alloc : memref<!tpu.dma_semaphore, #tpu.memory_space<semaphore_mem>>
      %dma_start3A_162 = arith.constant 4 : i32
      %dma_start3A_163 = arith.constant 0 : i32
      %dma_start3A_164 = tpu.memref_slice %arg7[%dma_start3A_162, %dma_start3A_163] : memref<8x128xi32, #tpu.memory_space<vmem>> -> memref<4x128xi32, #tpu.memory_space<vmem>>
      %dma_start3A_165 = arith.constant 0 : i32
      %dma_start3A_166 = arith.constant 0 : i32
      %dma_start3A_167 = tpu.memref_slice %arg4[%add3A, %run_scoped3A_79, %dma_start3A_165, %dma_start3A_166] : memref<32x20x4x128xi32, #tpu.memory_space<hbm>> -> memref<1x1x4x128xi32, #tpu.memory_space<hbm>>
      %dma_start3A_168 = tpu.memref_squeeze %dma_start3A_167 : memref<1x1x4x128xi32, #tpu.memory_space<hbm>> -> memref<4x128xi32, #tpu.memory_space<hbm>>
      %dma_start3A_169 = arith.constant 4 : i32
      %dma_start3A_170 = arith.constant 0 : i32
      %dma_start3A_171 = tpu.memref_slice %arg7[%dma_start3A_169, %dma_start3A_170] : memref<8x128xi32, #tpu.memory_space<vmem>> -> memref<4x128xi32, #tpu.memory_space<vmem>>
      %dma_start3A_172 = arith.constant 0 : i32
      %dma_start3A_173 = arith.constant 0 : i32
      %dma_start3A_174 = tpu.memref_slice %arg4[%add3A, %run_scoped3A_79, %dma_start3A_172, %dma_start3A_173] : memref<32x20x4x128xi32, #tpu.memory_space<hbm>> -> memref<1x1x4x128xi32, #tpu.memory_space<hbm>>
      %dma_start3A_175 = tpu.memref_squeeze %dma_start3A_174 : memref<1x1x4x128xi32, #tpu.memory_space<hbm>> -> memref<4x128xi32, #tpu.memory_space<hbm>>
      tpu.enqueue_dma source(%dma_start3A_175 : memref<4x128xi32, #tpu.memory_space<hbm>>) target(%dma_start3A_171 : memref<4x128xi32, #tpu.memory_space<vmem>>) target_semaphore(%run_scoped3A_161 : memref<!tpu.dma_semaphore, #tpu.memory_space<semaphore_mem>>)
      %dma_wait3A_176 = arith.constant 4 : i32
      %dma_wait3A_177 = arith.constant 0 : i32
      %dma_wait3A_178 = tpu.memref_slice %arg7[%dma_wait3A_176, %dma_wait3A_177] : memref<8x128xi32, #tpu.memory_space<vmem>> -> memref<4x128xi32, #tpu.memory_space<vmem>>
      %dma_wait3A_179 = arith.constant 0 : i32
      %dma_wait3A_180 = arith.constant 0 : i32
      %dma_wait3A_181 = tpu.memref_slice %arg4[%add3A, %run_scoped3A_79, %dma_wait3A_179, %dma_wait3A_180] : memref<32x20x4x128xi32, #tpu.memory_space<hbm>> -> memref<1x1x4x128xi32, #tpu.memory_space<hbm>>
      %dma_wait3A_182 = tpu.memref_squeeze %dma_wait3A_181 : memref<1x1x4x128xi32, #tpu.memory_space<hbm>> -> memref<4x128xi32, #tpu.memory_space<hbm>>
      %dma_wait3A_183 = arith.constant 4 : i32
      %dma_wait3A_184 = arith.constant 0 : i32
      %dma_wait3A_185 = tpu.memref_slice %arg7[%dma_wait3A_183, %dma_wait3A_184] : memref<8x128xi32, #tpu.memory_space<vmem>> -> memref<4x128xi32, #tpu.memory_space<vmem>>
      %dma_wait3A_186 = arith.constant 0 : i32
      %dma_wait3A_187 = arith.constant 0 : i32
      %dma_wait3A_188 = tpu.memref_slice %arg4[%add3A, %run_scoped3A_79, %dma_wait3A_186, %dma_wait3A_187] : memref<32x20x4x128xi32, #tpu.memory_space<hbm>> -> memref<1x1x4x128xi32, #tpu.memory_space<hbm>>
      %dma_wait3A_189 = tpu.memref_squeeze %dma_wait3A_188 : memref<1x1x4x128xi32, #tpu.memory_space<hbm>> -> memref<4x128xi32, #tpu.memory_space<hbm>>
      tpu.wait_dma2 semaphore(%run_scoped3A_161 : memref<!tpu.dma_semaphore, #tpu.memory_space<semaphore_mem>>) src(%dma_wait3A_189 : memref<4x128xi32, #tpu.memory_space<hbm>>) dst(%dma_wait3A_185 : memref<4x128xi32, #tpu.memory_space<vmem>>)
      tpu.yield
    }) : () -> ()
    %dma_start3A_80 = arith.constant 0 : i32
    %dma_start3A_81 = arith.constant 0 : i32
    %dma_start3A_82 = tpu.memref_slice %arg7[%dma_start3A_80, %dma_start3A_81] : memref<8x128xi32, #tpu.memory_space<vmem>> -> memref<1x128xi32, #tpu.memory_space<vmem>>
    %dma_start3A_83 = tpu.memref_squeeze %dma_start3A_82 : memref<1x128xi32, #tpu.memory_space<vmem>> -> memref<128xi32, #tpu.memory_space<vmem>>
    %dma_start3A_84 = arith.constant 0 : i32
    %dma_start3A_85 = arith.constant 0 : i32
    %dma_start3A_86 = tpu.memref_slice %arg2[%dma_start3A_84, %dma_start3A_85] : memref<10000x128xf32, #tpu.memory_space<hbm>> -> memref<10000x128xf32, #tpu.memory_space<hbm>>
    tpu.enqueue_indirect_dma source(%dma_start3A_86 : memref<10000x128xf32, #tpu.memory_space<hbm>>) target(%arg9 : memref<128x128xf32, #tpu.memory_space<vmem>>) offsets(%dma_start3A_83 : memref<128xi32, #tpu.memory_space<vmem>>) semaphore(%arg14 : memref<!tpu.dma_semaphore, #tpu.memory_space<semaphore_mem>>)
    %scan3A = arith.constant 0 : i32
    %scan3A_87 = arith.constant 0 : i32
    %scan3A_88 = arith.constant 10 : i32
    %scan3A_89 = arith.addi %scan3A_87, %scan3A_88 : i32
    %scan3A_90 = arith.constant 1 : i32
    %scan3A_91 = scf.for %scan3A_161 = %scan3A_87 to %scan3A_89 step %scan3A_90 iter_args(%scan3A_162 = %scan3A) -> (i32)  : i32 {
      %mul3A_163 = arith.constant 2 : i32
      %mul3A_164 = arith.muli %mul3A_163, %scan3A_161 : i32
      %add3A_165 = arith.constant 1 : i32
      %add3A_166 = arith.addi %mul3A_164, %add3A_165 : i32
      %dma_start3A_167 = arith.constant 0 : i32
      %dma_start3A_168 = arith.constant 0 : i32
      %dma_start3A_169 = tpu.memref_slice %arg8[%dma_start3A_167, %dma_start3A_168] : memref<8x128xi32, #tpu.memory_space<vmem>> -> memref<4x128xi32, #tpu.memory_space<vmem>>
      %dma_start3A_170 = arith.constant 0 : i32
      %dma_start3A_171 = arith.constant 0 : i32
      %dma_start3A_172 = tpu.memref_slice %arg3[%add3A, %add3A_166, %dma_start3A_170, %dma_start3A_171] : memref<32x20x4x128xi32, #tpu.memory_space<hbm>> -> memref<1x1x4x128xi32, #tpu.memory_space<hbm>>
      %dma_start3A_173 = tpu.memref_squeeze %dma_start3A_172 : memref<1x1x4x128xi32, #tpu.memory_space<hbm>> -> memref<4x128xi32, #tpu.memory_space<hbm>>
      %dma_start3A_174 = arith.constant 0 : i32
      %dma_start3A_175 = arith.constant 0 : i32
      %dma_start3A_176 = tpu.memref_slice %arg8[%dma_start3A_174, %dma_start3A_175] : memref<8x128xi32, #tpu.memory_space<vmem>> -> memref<4x128xi32, #tpu.memory_space<vmem>>
      %dma_start3A_177 = arith.constant 0 : i32
      %dma_start3A_178 = arith.constant 0 : i32
      %dma_start3A_179 = tpu.memref_slice %arg3[%add3A, %add3A_166, %dma_start3A_177, %dma_start3A_178] : memref<32x20x4x128xi32, #tpu.memory_space<hbm>> -> memref<1x1x4x128xi32, #tpu.memory_space<hbm>>
      %dma_start3A_180 = tpu.memref_squeeze %dma_start3A_179 : memref<1x1x4x128xi32, #tpu.memory_space<hbm>> -> memref<4x128xi32, #tpu.memory_space<hbm>>
      tpu.enqueue_dma source(%dma_start3A_180 : memref<4x128xi32, #tpu.memory_space<hbm>>) target(%dma_start3A_176 : memref<4x128xi32, #tpu.memory_space<vmem>>) target_semaphore(%arg13 : memref<!tpu.dma_semaphore, #tpu.memory_space<semaphore_mem>>)
      %add3A_181 = arith.constant 1 : i32
      %add3A_182 = arith.addi %mul3A_164, %add3A_181 : i32
      %dma_start3A_183 = arith.constant 4 : i32
      %dma_start3A_184 = arith.constant 0 : i32
      %dma_start3A_185 = tpu.memref_slice %arg8[%dma_start3A_183, %dma_start3A_184] : memref<8x128xi32, #tpu.memory_space<vmem>> -> memref<4x128xi32, #tpu.memory_space<vmem>>
      %dma_start3A_186 = arith.constant 0 : i32
      %dma_start3A_187 = arith.constant 0 : i32
      %dma_start3A_188 = tpu.memref_slice %arg4[%add3A, %add3A_182, %dma_start3A_186, %dma_start3A_187] : memref<32x20x4x128xi32, #tpu.memory_space<hbm>> -> memref<1x1x4x128xi32, #tpu.memory_space<hbm>>
      %dma_start3A_189 = tpu.memref_squeeze %dma_start3A_188 : memref<1x1x4x128xi32, #tpu.memory_space<hbm>> -> memref<4x128xi32, #tpu.memory_space<hbm>>
      %dma_start3A_190 = arith.constant 4 : i32
      %dma_start3A_191 = arith.constant 0 : i32
      %dma_start3A_192 = tpu.memref_slice %arg8[%dma_start3A_190, %dma_start3A_191] : memref<8x128xi32, #tpu.memory_space<vmem>> -> memref<4x128xi32, #tpu.memory_space<vmem>>
      %dma_start3A_193 = arith.constant 0 : i32
      %dma_start3A_194 = arith.constant 0 : i32
      %dma_start3A_195 = tpu.memref_slice %arg4[%add3A, %add3A_182, %dma_start3A_193, %dma_start3A_194] : memref<32x20x4x128xi32, #tpu.memory_space<hbm>> -> memref<1x1x4x128xi32, #tpu.memory_space<hbm>>
      %dma_start3A_196 = tpu.memref_squeeze %dma_start3A_195 : memref<1x1x4x128xi32, #tpu.memory_space<hbm>> -> memref<4x128xi32, #tpu.memory_space<hbm>>
      tpu.enqueue_dma source(%dma_start3A_196 : memref<4x128xi32, #tpu.memory_space<hbm>>) target(%dma_start3A_192 : memref<4x128xi32, #tpu.memory_space<vmem>>) target_semaphore(%arg13 : memref<!tpu.dma_semaphore, #tpu.memory_space<semaphore_mem>>)
      %add3A_197 = arith.constant 1 : i32
      %add3A_198 = arith.addi %mul3A_164, %add3A_197 : i32
      %dma_start3A_199 = arith.constant 1 : i32
      %dma_start3A_200 = arith.constant 0 : i32
      %dma_start3A_201 = tpu.memref_slice %arg7[%dma_start3A_199, %dma_start3A_200] : memref<8x128xi32, #tpu.memory_space<vmem>> -> memref<1x128xi32, #tpu.memory_space<vmem>>
      %dma_start3A_202 = tpu.memref_squeeze %dma_start3A_201 : memref<1x128xi32, #tpu.memory_space<vmem>> -> memref<128xi32, #tpu.memory_space<vmem>>
      %dma_start3A_203 = arith.constant 0 : i32
      %dma_start3A_204 = arith.constant 0 : i32
      %dma_start3A_205 = tpu.memref_slice %arg2[%dma_start3A_203, %dma_start3A_204] : memref<10000x128xf32, #tpu.memory_space<hbm>> -> memref<10000x128xf32, #tpu.memory_space<hbm>>
      tpu.enqueue_indirect_dma source(%dma_start3A_205 : memref<10000x128xf32, #tpu.memory_space<hbm>>) target(%arg10 : memref<128x128xf32, #tpu.memory_space<vmem>>) offsets(%dma_start3A_202 : memref<128xi32, #tpu.memory_space<vmem>>) semaphore(%arg15 : memref<!tpu.dma_semaphore, #tpu.memory_space<semaphore_mem>>)
      %dma_wait3A_206 = arith.constant 0 : i32
      %dma_wait3A_207 = arith.constant 0 : i32
      %dma_wait3A_208 = tpu.memref_slice %arg7[%dma_wait3A_206, %dma_wait3A_207] : memref<8x128xi32, #tpu.memory_space<vmem>> -> memref<1x128xi32, #tpu.memory_space<vmem>>
      %dma_wait3A_209 = tpu.memref_squeeze %dma_wait3A_208 : memref<1x128xi32, #tpu.memory_space<vmem>> -> memref<128xi32, #tpu.memory_space<vmem>>
      %dma_wait3A_210 = arith.constant 0 : i32
      %dma_wait3A_211 = arith.constant 0 : i32
      %dma_wait3A_212 = tpu.memref_slice %arg2[%dma_wait3A_210, %dma_wait3A_211] : memref<10000x128xf32, #tpu.memory_space<hbm>> -> memref<10000x128xf32, #tpu.memory_space<hbm>>
      tpu.wait_indirect_dma semaphore(%arg14 : memref<!tpu.dma_semaphore, #tpu.memory_space<semaphore_mem>>) src(%dma_wait3A_212 : memref<10000x128xf32, #tpu.memory_space<hbm>>) dst(%arg9 : memref<128x128xf32, #tpu.memory_space<vmem>>)
      %run_scoped3A_213 = arith.constant 4 : i32
      "tpu.region"() ({
        %run_scoped3A_407 = tpu.sem_alloc : memref<!tpu.dma_semaphore, #tpu.memory_space<semaphore_mem>>
        %dma_start3A_408 = arith.constant 0 : i32
        %dma_start3A_409 = tpu.memref_slice %arg7[%run_scoped3A_213, %dma_start3A_408] : memref<8x128xi32, #tpu.memory_space<vmem>> -> memref<1x128xi32, #tpu.memory_space<vmem>>
        %dma_start3A_410 = tpu.memref_squeeze %dma_start3A_409 : memref<1x128xi32, #tpu.memory_space<vmem>> -> memref<128xi32, #tpu.memory_space<vmem>>
        %dma_start3A_411 = arith.constant 0 : i32
        %dma_start3A_412 = arith.constant 0 : i32
        %dma_start3A_413 = tpu.memref_slice %arg11[%dma_start3A_411, %dma_start3A_412] : memref<10240x128xf32, #tpu.memory_space<vmem_shared>> -> memref<10240x128xf32, #tpu.memory_space<vmem_shared>>
        tpu.enqueue_indirect_dma source(%arg9 : memref<128x128xf32, #tpu.memory_space<vmem>>) target(%dma_start3A_413 : memref<10240x128xf32, #tpu.memory_space<vmem_shared>>) offsets(%dma_start3A_410 : memref<128xi32, #tpu.memory_space<vmem>>) semaphore(%run_scoped3A_407 : memref<!tpu.dma_semaphore, #tpu.memory_space<semaphore_mem>>) {add = true}
        %dma_wait3A_414 = arith.constant 0 : i32
        %dma_wait3A_415 = tpu.memref_slice %arg7[%run_scoped3A_213, %dma_wait3A_414] : memref<8x128xi32, #tpu.memory_space<vmem>> -> memref<1x128xi32, #tpu.memory_space<vmem>>
        %dma_wait3A_416 = tpu.memref_squeeze %dma_wait3A_415 : memref<1x128xi32, #tpu.memory_space<vmem>> -> memref<128xi32, #tpu.memory_space<vmem>>
        %dma_wait3A_417 = arith.constant 0 : i32
        %dma_wait3A_418 = arith.constant 0 : i32
        %dma_wait3A_419 = tpu.memref_slice %arg11[%dma_wait3A_417, %dma_wait3A_418] : memref<10240x128xf32, #tpu.memory_space<vmem_shared>> -> memref<10240x128xf32, #tpu.memory_space<vmem_shared>>
        tpu.wait_indirect_dma semaphore(%run_scoped3A_407 : memref<!tpu.dma_semaphore, #tpu.memory_space<semaphore_mem>>) src(%arg9 : memref<128x128xf32, #tpu.memory_space<vmem>>) dst(%dma_wait3A_419 : memref<10240x128xf32, #tpu.memory_space<vmem_shared>>)
        tpu.yield
      }) : () -> ()
      %dma_start3A_214 = arith.constant 2 : i32
      %dma_start3A_215 = arith.constant 0 : i32
      %dma_start3A_216 = tpu.memref_slice %arg7[%dma_start3A_214, %dma_start3A_215] : memref<8x128xi32, #tpu.memory_space<vmem>> -> memref<1x128xi32, #tpu.memory_space<vmem>>
      %dma_start3A_217 = tpu.memref_squeeze %dma_start3A_216 : memref<1x128xi32, #tpu.memory_space<vmem>> -> memref<128xi32, #tpu.memory_space<vmem>>
      %dma_start3A_218 = arith.constant 0 : i32
      %dma_start3A_219 = arith.constant 0 : i32
      %dma_start3A_220 = tpu.memref_slice %arg2[%dma_start3A_218, %dma_start3A_219] : memref<10000x128xf32, #tpu.memory_space<hbm>> -> memref<10000x128xf32, #tpu.memory_space<hbm>>
      tpu.enqueue_indirect_dma source(%dma_start3A_220 : memref<10000x128xf32, #tpu.memory_space<hbm>>) target(%arg9 : memref<128x128xf32, #tpu.memory_space<vmem>>) offsets(%dma_start3A_217 : memref<128xi32, #tpu.memory_space<vmem>>) semaphore(%arg14 : memref<!tpu.dma_semaphore, #tpu.memory_space<semaphore_mem>>)
      %dma_wait3A_221 = arith.constant 1 : i32
      %dma_wait3A_222 = arith.constant 0 : i32
      %dma_wait3A_223 = tpu.memref_slice %arg7[%dma_wait3A_221, %dma_wait3A_222] : memref<8x128xi32, #tpu.memory_space<vmem>> -> memref<1x128xi32, #tpu.memory_space<vmem>>
      %dma_wait3A_224 = tpu.memref_squeeze %dma_wait3A_223 : memref<1x128xi32, #tpu.memory_space<vmem>> -> memref<128xi32, #tpu.memory_space<vmem>>
      %dma_wait3A_225 = arith.constant 0 : i32
      %dma_wait3A_226 = arith.constant 0 : i32
      %dma_wait3A_227 = tpu.memref_slice %arg2[%dma_wait3A_225, %dma_wait3A_226] : memref<10000x128xf32, #tpu.memory_space<hbm>> -> memref<10000x128xf32, #tpu.memory_space<hbm>>
      tpu.wait_indirect_dma semaphore(%arg15 : memref<!tpu.dma_semaphore, #tpu.memory_space<semaphore_mem>>) src(%dma_wait3A_227 : memref<10000x128xf32, #tpu.memory_space<hbm>>) dst(%arg10 : memref<128x128xf32, #tpu.memory_space<vmem>>)
      %run_scoped3A_228 = arith.constant 5 : i32
      "tpu.region"() ({
        %run_scoped3A_407 = tpu.sem_alloc : memref<!tpu.dma_semaphore, #tpu.memory_space<semaphore_mem>>
        %dma_start3A_408 = arith.constant 0 : i32
        %dma_start3A_409 = tpu.memref_slice %arg7[%run_scoped3A_228, %dma_start3A_408] : memref<8x128xi32, #tpu.memory_space<vmem>> -> memref<1x128xi32, #tpu.memory_space<vmem>>
        %dma_start3A_410 = tpu.memref_squeeze %dma_start3A_409 : memref<1x128xi32, #tpu.memory_space<vmem>> -> memref<128xi32, #tpu.memory_space<vmem>>
        %dma_start3A_411 = arith.constant 0 : i32
        %dma_start3A_412 = arith.constant 0 : i32
        %dma_start3A_413 = tpu.memref_slice %arg11[%dma_start3A_411, %dma_start3A_412] : memref<10240x128xf32, #tpu.memory_space<vmem_shared>> -> memref<10240x128xf32, #tpu.memory_space<vmem_shared>>
        tpu.enqueue_indirect_dma source(%arg10 : memref<128x128xf32, #tpu.memory_space<vmem>>) target(%dma_start3A_413 : memref<10240x128xf32, #tpu.memory_space<vmem_shared>>) offsets(%dma_start3A_410 : memref<128xi32, #tpu.memory_space<vmem>>) semaphore(%run_scoped3A_407 : memref<!tpu.dma_semaphore, #tpu.memory_space<semaphore_mem>>) {add = true}
        %dma_wait3A_414 = arith.constant 0 : i32
        %dma_wait3A_415 = tpu.memref_slice %arg7[%run_scoped3A_228, %dma_wait3A_414] : memref<8x128xi32, #tpu.memory_space<vmem>> -> memref<1x128xi32, #tpu.memory_space<vmem>>
        %dma_wait3A_416 = tpu.memref_squeeze %dma_wait3A_415 : memref<1x128xi32, #tpu.memory_space<vmem>> -> memref<128xi32, #tpu.memory_space<vmem>>
        %dma_wait3A_417 = arith.constant 0 : i32
        %dma_wait3A_418 = arith.constant 0 : i32
        %dma_wait3A_419 = tpu.memref_slice %arg11[%dma_wait3A_417, %dma_wait3A_418] : memref<10240x128xf32, #tpu.memory_space<vmem_shared>> -> memref<10240x128xf32, #tpu.memory_space<vmem_shared>>
        tpu.wait_indirect_dma semaphore(%run_scoped3A_407 : memref<!tpu.dma_semaphore, #tpu.memory_space<semaphore_mem>>) src(%arg10 : memref<128x128xf32, #tpu.memory_space<vmem>>) dst(%dma_wait3A_419 : memref<10240x128xf32, #tpu.memory_space<vmem_shared>>)
        tpu.yield
      }) : () -> ()
      %dma_start3A_229 = arith.constant 3 : i32
      %dma_start3A_230 = arith.constant 0 : i32
      %dma_start3A_231 = tpu.memref_slice %arg7[%dma_start3A_229, %dma_start3A_230] : memref<8x128xi32, #tpu.memory_space<vmem>> -> memref<1x128xi32, #tpu.memory_space<vmem>>
      %dma_start3A_232 = tpu.memref_squeeze %dma_start3A_231 : memref<1x128xi32, #tpu.memory_space<vmem>> -> memref<128xi32, #tpu.memory_space<vmem>>
      %dma_start3A_233 = arith.constant 0 : i32
      %dma_start3A_234 = arith.constant 0 : i32
      %dma_start3A_235 = tpu.memref_slice %arg2[%dma_start3A_233, %dma_start3A_234] : memref<10000x128xf32, #tpu.memory_space<hbm>> -> memref<10000x128xf32, #tpu.memory_space<hbm>>
      tpu.enqueue_indirect_dma source(%dma_start3A_235 : memref<10000x128xf32, #tpu.memory_space<hbm>>) target(%arg10 : memref<128x128xf32, #tpu.memory_space<vmem>>) offsets(%dma_start3A_232 : memref<128xi32, #tpu.memory_space<vmem>>) semaphore(%arg15 : memref<!tpu.dma_semaphore, #tpu.memory_space<semaphore_mem>>)
      %dma_wait3A_236 = arith.constant 2 : i32
      %dma_wait3A_237 = arith.constant 0 : i32
      %dma_wait3A_238 = tpu.memref_slice %arg7[%dma_wait3A_236, %dma_wait3A_237] : memref<8x128xi32, #tpu.memory_space<vmem>> -> memref<1x128xi32, #tpu.memory_space<vmem>>
      %dma_wait3A_239 = tpu.memref_squeeze %dma_wait3A_238 : memref<1x128xi32, #tpu.memory_space<vmem>> -> memref<128xi32, #tpu.memory_space<vmem>>
      %dma_wait3A_240 = arith.constant 0 : i32
      %dma_wait3A_241 = arith.constant 0 : i32
      %dma_wait3A_242 = tpu.memref_slice %arg2[%dma_wait3A_240, %dma_wait3A_241] : memref<10000x128xf32, #tpu.memory_space<hbm>> -> memref<10000x128xf32, #tpu.memory_space<hbm>>
      tpu.wait_indirect_dma semaphore(%arg14 : memref<!tpu.dma_semaphore, #tpu.memory_space<semaphore_mem>>) src(%dma_wait3A_242 : memref<10000x128xf32, #tpu.memory_space<hbm>>) dst(%arg9 : memref<128x128xf32, #tpu.memory_space<vmem>>)
      %run_scoped3A_243 = arith.constant 6 : i32
      "tpu.region"() ({
        %run_scoped3A_407 = tpu.sem_alloc : memref<!tpu.dma_semaphore, #tpu.memory_space<semaphore_mem>>
        %dma_start3A_408 = arith.constant 0 : i32
        %dma_start3A_409 = tpu.memref_slice %arg7[%run_scoped3A_243, %dma_start3A_408] : memref<8x128xi32, #tpu.memory_space<vmem>> -> memref<1x128xi32, #tpu.memory_space<vmem>>
        %dma_start3A_410 = tpu.memref_squeeze %dma_start3A_409 : memref<1x128xi32, #tpu.memory_space<vmem>> -> memref<128xi32, #tpu.memory_space<vmem>>
        %dma_start3A_411 = arith.constant 0 : i32
        %dma_start3A_412 = arith.constant 0 : i32
        %dma_start3A_413 = tpu.memref_slice %arg11[%dma_start3A_411, %dma_start3A_412] : memref<10240x128xf32, #tpu.memory_space<vmem_shared>> -> memref<10240x128xf32, #tpu.memory_space<vmem_shared>>
        tpu.enqueue_indirect_dma source(%arg9 : memref<128x128xf32, #tpu.memory_space<vmem>>) target(%dma_start3A_413 : memref<10240x128xf32, #tpu.memory_space<vmem_shared>>) offsets(%dma_start3A_410 : memref<128xi32, #tpu.memory_space<vmem>>) semaphore(%run_scoped3A_407 : memref<!tpu.dma_semaphore, #tpu.memory_space<semaphore_mem>>) {add = true}
        %dma_wait3A_414 = arith.constant 0 : i32
        %dma_wait3A_415 = tpu.memref_slice %arg7[%run_scoped3A_243, %dma_wait3A_414] : memref<8x128xi32, #tpu.memory_space<vmem>> -> memref<1x128xi32, #tpu.memory_space<vmem>>
        %dma_wait3A_416 = tpu.memref_squeeze %dma_wait3A_415 : memref<1x128xi32, #tpu.memory_space<vmem>> -> memref<128xi32, #tpu.memory_space<vmem>>
        %dma_wait3A_417 = arith.constant 0 : i32
        %dma_wait3A_418 = arith.constant 0 : i32
        %dma_wait3A_419 = tpu.memref_slice %arg11[%dma_wait3A_417, %dma_wait3A_418] : memref<10240x128xf32, #tpu.memory_space<vmem_shared>> -> memref<10240x128xf32, #tpu.memory_space<vmem_shared>>
        tpu.wait_indirect_dma semaphore(%run_scoped3A_407 : memref<!tpu.dma_semaphore, #tpu.memory_space<semaphore_mem>>) src(%arg9 : memref<128x128xf32, #tpu.memory_space<vmem>>) dst(%dma_wait3A_419 : memref<10240x128xf32, #tpu.memory_space<vmem_shared>>)
        tpu.yield
      }) : () -> ()
      %dma_wait3A_244 = arith.constant 0 : i32
      %dma_wait3A_245 = arith.constant 0 : i32
      %dma_wait3A_246 = tpu.memref_slice %arg8[%dma_wait3A_244, %dma_wait3A_245] : memref<8x128xi32, #tpu.memory_space<vmem>> -> memref<4x128xi32, #tpu.memory_space<vmem>>
      %dma_wait3A_247 = arith.constant 0 : i32
      %dma_wait3A_248 = arith.constant 0 : i32
      %dma_wait3A_249 = tpu.memref_slice %arg3[%add3A, %add3A_198, %dma_wait3A_247, %dma_wait3A_248] : memref<32x20x4x128xi32, #tpu.memory_space<hbm>> -> memref<1x1x4x128xi32, #tpu.memory_space<hbm>>
      %dma_wait3A_250 = tpu.memref_squeeze %dma_wait3A_249 : memref<1x1x4x128xi32, #tpu.memory_space<hbm>> -> memref<4x128xi32, #tpu.memory_space<hbm>>
      %dma_wait3A_251 = arith.constant 0 : i32
      %dma_wait3A_252 = arith.constant 0 : i32
      %dma_wait3A_253 = tpu.memref_slice %arg8[%dma_wait3A_251, %dma_wait3A_252] : memref<8x128xi32, #tpu.memory_space<vmem>> -> memref<4x128xi32, #tpu.memory_space<vmem>>
      %dma_wait3A_254 = arith.constant 0 : i32
      %dma_wait3A_255 = arith.constant 0 : i32
      %dma_wait3A_256 = tpu.memref_slice %arg3[%add3A, %add3A_198, %dma_wait3A_254, %dma_wait3A_255] : memref<32x20x4x128xi32, #tpu.memory_space<hbm>> -> memref<1x1x4x128xi32, #tpu.memory_space<hbm>>
      %dma_wait3A_257 = tpu.memref_squeeze %dma_wait3A_256 : memref<1x1x4x128xi32, #tpu.memory_space<hbm>> -> memref<4x128xi32, #tpu.memory_space<hbm>>
      tpu.wait_dma2 semaphore(%arg13 : memref<!tpu.dma_semaphore, #tpu.memory_space<semaphore_mem>>) src(%dma_wait3A_257 : memref<4x128xi32, #tpu.memory_space<hbm>>) dst(%dma_wait3A_253 : memref<4x128xi32, #tpu.memory_space<vmem>>)
      %dma_wait3A_258 = arith.constant 4 : i32
      %dma_wait3A_259 = arith.constant 0 : i32
      %dma_wait3A_260 = tpu.memref_slice %arg8[%dma_wait3A_258, %dma_wait3A_259] : memref<8x128xi32, #tpu.memory_space<vmem>> -> memref<4x128xi32, #tpu.memory_space<vmem>>
      %dma_wait3A_261 = arith.constant 0 : i32
      %dma_wait3A_262 = arith.constant 0 : i32
      %dma_wait3A_263 = tpu.memref_slice %arg4[%add3A, %add3A_198, %dma_wait3A_261, %dma_wait3A_262] : memref<32x20x4x128xi32, #tpu.memory_space<hbm>> -> memref<1x1x4x128xi32, #tpu.memory_space<hbm>>
      %dma_wait3A_264 = tpu.memref_squeeze %dma_wait3A_263 : memref<1x1x4x128xi32, #tpu.memory_space<hbm>> -> memref<4x128xi32, #tpu.memory_space<hbm>>
      %dma_wait3A_265 = arith.constant 4 : i32
      %dma_wait3A_266 = arith.constant 0 : i32
      %dma_wait3A_267 = tpu.memref_slice %arg8[%dma_wait3A_265, %dma_wait3A_266] : memref<8x128xi32, #tpu.memory_space<vmem>> -> memref<4x128xi32, #tpu.memory_space<vmem>>
      %dma_wait3A_268 = arith.constant 0 : i32
      %dma_wait3A_269 = arith.constant 0 : i32
      %dma_wait3A_270 = tpu.memref_slice %arg4[%add3A, %add3A_198, %dma_wait3A_268, %dma_wait3A_269] : memref<32x20x4x128xi32, #tpu.memory_space<hbm>> -> memref<1x1x4x128xi32, #tpu.memory_space<hbm>>
      %dma_wait3A_271 = tpu.memref_squeeze %dma_wait3A_270 : memref<1x1x4x128xi32, #tpu.memory_space<hbm>> -> memref<4x128xi32, #tpu.memory_space<hbm>>
      tpu.wait_dma2 semaphore(%arg13 : memref<!tpu.dma_semaphore, #tpu.memory_space<semaphore_mem>>) src(%dma_wait3A_271 : memref<4x128xi32, #tpu.memory_space<hbm>>) dst(%dma_wait3A_267 : memref<4x128xi32, #tpu.memory_space<vmem>>)
      %dma_start3A_272 = arith.constant 0 : i32
      %dma_start3A_273 = arith.constant 0 : i32
      %dma_start3A_274 = tpu.memref_slice %arg8[%dma_start3A_272, %dma_start3A_273] : memref<8x128xi32, #tpu.memory_space<vmem>> -> memref<1x128xi32, #tpu.memory_space<vmem>>
      %dma_start3A_275 = tpu.memref_squeeze %dma_start3A_274 : memref<1x128xi32, #tpu.memory_space<vmem>> -> memref<128xi32, #tpu.memory_space<vmem>>
      %dma_start3A_276 = arith.constant 0 : i32
      %dma_start3A_277 = arith.constant 0 : i32
      %dma_start3A_278 = tpu.memref_slice %arg2[%dma_start3A_276, %dma_start3A_277] : memref<10000x128xf32, #tpu.memory_space<hbm>> -> memref<10000x128xf32, #tpu.memory_space<hbm>>
      tpu.enqueue_indirect_dma source(%dma_start3A_278 : memref<10000x128xf32, #tpu.memory_space<hbm>>) target(%arg9 : memref<128x128xf32, #tpu.memory_space<vmem>>) offsets(%dma_start3A_275 : memref<128xi32, #tpu.memory_space<vmem>>) semaphore(%arg14 : memref<!tpu.dma_semaphore, #tpu.memory_space<semaphore_mem>>)
      %dma_wait3A_279 = arith.constant 3 : i32
      %dma_wait3A_280 = arith.constant 0 : i32
      %dma_wait3A_281 = tpu.memref_slice %arg7[%dma_wait3A_279, %dma_wait3A_280] : memref<8x128xi32, #tpu.memory_space<vmem>> -> memref<1x128xi32, #tpu.memory_space<vmem>>
      %dma_wait3A_282 = tpu.memref_squeeze %dma_wait3A_281 : memref<1x128xi32, #tpu.memory_space<vmem>> -> memref<128xi32, #tpu.memory_space<vmem>>
      %dma_wait3A_283 = arith.constant 0 : i32
      %dma_wait3A_284 = arith.constant 0 : i32
      %dma_wait3A_285 = tpu.memref_slice %arg2[%dma_wait3A_283, %dma_wait3A_284] : memref<10000x128xf32, #tpu.memory_space<hbm>> -> memref<10000x128xf32, #tpu.memory_space<hbm>>
      tpu.wait_indirect_dma semaphore(%arg15 : memref<!tpu.dma_semaphore, #tpu.memory_space<semaphore_mem>>) src(%dma_wait3A_285 : memref<10000x128xf32, #tpu.memory_space<hbm>>) dst(%arg10 : memref<128x128xf32, #tpu.memory_space<vmem>>)
      %run_scoped3A_286 = arith.constant 7 : i32
      "tpu.region"() ({
        %run_scoped3A_407 = tpu.sem_alloc : memref<!tpu.dma_semaphore, #tpu.memory_space<semaphore_mem>>
        %dma_start3A_408 = arith.constant 0 : i32
        %dma_start3A_409 = tpu.memref_slice %arg7[%run_scoped3A_286, %dma_start3A_408] : memref<8x128xi32, #tpu.memory_space<vmem>> -> memref<1x128xi32, #tpu.memory_space<vmem>>
        %dma_start3A_410 = tpu.memref_squeeze %dma_start3A_409 : memref<1x128xi32, #tpu.memory_space<vmem>> -> memref<128xi32, #tpu.memory_space<vmem>>
        %dma_start3A_411 = arith.constant 0 : i32
        %dma_start3A_412 = arith.constant 0 : i32
        %dma_start3A_413 = tpu.memref_slice %arg11[%dma_start3A_411, %dma_start3A_412] : memref<10240x128xf32, #tpu.memory_space<vmem_shared>> -> memref<10240x128xf32, #tpu.memory_space<vmem_shared>>
        tpu.enqueue_indirect_dma source(%arg10 : memref<128x128xf32, #tpu.memory_space<vmem>>) target(%dma_start3A_413 : memref<10240x128xf32, #tpu.memory_space<vmem_shared>>) offsets(%dma_start3A_410 : memref<128xi32, #tpu.memory_space<vmem>>) semaphore(%run_scoped3A_407 : memref<!tpu.dma_semaphore, #tpu.memory_space<semaphore_mem>>) {add = true}
        %dma_wait3A_414 = arith.constant 0 : i32
        %dma_wait3A_415 = tpu.memref_slice %arg7[%run_scoped3A_286, %dma_wait3A_414] : memref<8x128xi32, #tpu.memory_space<vmem>> -> memref<1x128xi32, #tpu.memory_space<vmem>>
        %dma_wait3A_416 = tpu.memref_squeeze %dma_wait3A_415 : memref<1x128xi32, #tpu.memory_space<vmem>> -> memref<128xi32, #tpu.memory_space<vmem>>
        %dma_wait3A_417 = arith.constant 0 : i32
        %dma_wait3A_418 = arith.constant 0 : i32
        %dma_wait3A_419 = tpu.memref_slice %arg11[%dma_wait3A_417, %dma_wait3A_418] : memref<10240x128xf32, #tpu.memory_space<vmem_shared>> -> memref<10240x128xf32, #tpu.memory_space<vmem_shared>>
        tpu.wait_indirect_dma semaphore(%run_scoped3A_407 : memref<!tpu.dma_semaphore, #tpu.memory_space<semaphore_mem>>) src(%arg10 : memref<128x128xf32, #tpu.memory_space<vmem>>) dst(%dma_wait3A_419 : memref<10240x128xf32, #tpu.memory_space<vmem_shared>>)
        tpu.yield
      }) : () -> ()
      %add3A_287 = arith.constant 2 : i32
      %add3A_288 = arith.addi %mul3A_164, %add3A_287 : i32
      %min3A = arith.constant 19 : i32
      %min3A_289 = arith.minsi %add3A_288, %min3A : i32
      %dma_start3A_290 = arith.constant 0 : i32
      %dma_start3A_291 = arith.constant 0 : i32
      %dma_start3A_292 = tpu.memref_slice %arg7[%dma_start3A_290, %dma_start3A_291] : memref<8x128xi32, #tpu.memory_space<vmem>> -> memref<4x128xi32, #tpu.memory_space<vmem>>
      %dma_start3A_293 = arith.constant 0 : i32
      %dma_start3A_294 = arith.constant 0 : i32
      %dma_start3A_295 = tpu.memref_slice %arg3[%add3A, %min3A_289, %dma_start3A_293, %dma_start3A_294] : memref<32x20x4x128xi32, #tpu.memory_space<hbm>> -> memref<1x1x4x128xi32, #tpu.memory_space<hbm>>
      %dma_start3A_296 = tpu.memref_squeeze %dma_start3A_295 : memref<1x1x4x128xi32, #tpu.memory_space<hbm>> -> memref<4x128xi32, #tpu.memory_space<hbm>>
      %dma_start3A_297 = arith.constant 0 : i32
      %dma_start3A_298 = arith.constant 0 : i32
      %dma_start3A_299 = tpu.memref_slice %arg7[%dma_start3A_297, %dma_start3A_298] : memref<8x128xi32, #tpu.memory_space<vmem>> -> memref<4x128xi32, #tpu.memory_space<vmem>>
      %dma_start3A_300 = arith.constant 0 : i32
      %dma_start3A_301 = arith.constant 0 : i32
      %dma_start3A_302 = tpu.memref_slice %arg3[%add3A, %min3A_289, %dma_start3A_300, %dma_start3A_301] : memref<32x20x4x128xi32, #tpu.memory_space<hbm>> -> memref<1x1x4x128xi32, #tpu.memory_space<hbm>>
      %dma_start3A_303 = tpu.memref_squeeze %dma_start3A_302 : memref<1x1x4x128xi32, #tpu.memory_space<hbm>> -> memref<4x128xi32, #tpu.memory_space<hbm>>
      tpu.enqueue_dma source(%dma_start3A_303 : memref<4x128xi32, #tpu.memory_space<hbm>>) target(%dma_start3A_299 : memref<4x128xi32, #tpu.memory_space<vmem>>) target_semaphore(%arg12 : memref<!tpu.dma_semaphore, #tpu.memory_space<semaphore_mem>>)
      %dma_start3A_304 = arith.constant 4 : i32
      %dma_start3A_305 = arith.constant 0 : i32
      %dma_start3A_306 = tpu.memref_slice %arg7[%dma_start3A_304, %dma_start3A_305] : memref<8x128xi32, #tpu.memory_space<vmem>> -> memref<4x128xi32, #tpu.memory_space<vmem>>
      %dma_start3A_307 = arith.constant 0 : i32
      %dma_start3A_308 = arith.constant 0 : i32
      %dma_start3A_309 = tpu.memref_slice %arg4[%add3A, %min3A_289, %dma_start3A_307, %dma_start3A_308] : memref<32x20x4x128xi32, #tpu.memory_space<hbm>> -> memref<1x1x4x128xi32, #tpu.memory_space<hbm>>
      %dma_start3A_310 = tpu.memref_squeeze %dma_start3A_309 : memref<1x1x4x128xi32, #tpu.memory_space<hbm>> -> memref<4x128xi32, #tpu.memory_space<hbm>>
      %dma_start3A_311 = arith.constant 4 : i32
      %dma_start3A_312 = arith.constant 0 : i32
      %dma_start3A_313 = tpu.memref_slice %arg7[%dma_start3A_311, %dma_start3A_312] : memref<8x128xi32, #tpu.memory_space<vmem>> -> memref<4x128xi32, #tpu.memory_space<vmem>>
      %dma_start3A_314 = arith.constant 0 : i32
      %dma_start3A_315 = arith.constant 0 : i32
      %dma_start3A_316 = tpu.memref_slice %arg4[%add3A, %min3A_289, %dma_start3A_314, %dma_start3A_315] : memref<32x20x4x128xi32, #tpu.memory_space<hbm>> -> memref<1x1x4x128xi32, #tpu.memory_space<hbm>>
      %dma_start3A_317 = tpu.memref_squeeze %dma_start3A_316 : memref<1x1x4x128xi32, #tpu.memory_space<hbm>> -> memref<4x128xi32, #tpu.memory_space<hbm>>
      tpu.enqueue_dma source(%dma_start3A_317 : memref<4x128xi32, #tpu.memory_space<hbm>>) target(%dma_start3A_313 : memref<4x128xi32, #tpu.memory_space<vmem>>) target_semaphore(%arg12 : memref<!tpu.dma_semaphore, #tpu.memory_space<semaphore_mem>>)
      %dma_start3A_318 = arith.constant 1 : i32
      %dma_start3A_319 = arith.constant 0 : i32
      %dma_start3A_320 = tpu.memref_slice %arg8[%dma_start3A_318, %dma_start3A_319] : memref<8x128xi32, #tpu.memory_space<vmem>> -> memref<1x128xi32, #tpu.memory_space<vmem>>
      %dma_start3A_321 = tpu.memref_squeeze %dma_start3A_320 : memref<1x128xi32, #tpu.memory_space<vmem>> -> memref<128xi32, #tpu.memory_space<vmem>>
      %dma_start3A_322 = arith.constant 0 : i32
      %dma_start3A_323 = arith.constant 0 : i32
      %dma_start3A_324 = tpu.memref_slice %arg2[%dma_start3A_322, %dma_start3A_323] : memref<10000x128xf32, #tpu.memory_space<hbm>> -> memref<10000x128xf32, #tpu.memory_space<hbm>>
      tpu.enqueue_indirect_dma source(%dma_start3A_324 : memref<10000x128xf32, #tpu.memory_space<hbm>>) target(%arg10 : memref<128x128xf32, #tpu.memory_space<vmem>>) offsets(%dma_start3A_321 : memref<128xi32, #tpu.memory_space<vmem>>) semaphore(%arg15 : memref<!tpu.dma_semaphore, #tpu.memory_space<semaphore_mem>>)
      %dma_wait3A_325 = arith.constant 0 : i32
      %dma_wait3A_326 = arith.constant 0 : i32
      %dma_wait3A_327 = tpu.memref_slice %arg8[%dma_wait3A_325, %dma_wait3A_326] : memref<8x128xi32, #tpu.memory_space<vmem>> -> memref<1x128xi32, #tpu.memory_space<vmem>>
      %dma_wait3A_328 = tpu.memref_squeeze %dma_wait3A_327 : memref<1x128xi32, #tpu.memory_space<vmem>> -> memref<128xi32, #tpu.memory_space<vmem>>
      %dma_wait3A_329 = arith.constant 0 : i32
      %dma_wait3A_330 = arith.constant 0 : i32
      %dma_wait3A_331 = tpu.memref_slice %arg2[%dma_wait3A_329, %dma_wait3A_330] : memref<10000x128xf32, #tpu.memory_space<hbm>> -> memref<10000x128xf32, #tpu.memory_space<hbm>>
      tpu.wait_indirect_dma semaphore(%arg14 : memref<!tpu.dma_semaphore, #tpu.memory_space<semaphore_mem>>) src(%dma_wait3A_331 : memref<10000x128xf32, #tpu.memory_space<hbm>>) dst(%arg9 : memref<128x128xf32, #tpu.memory_space<vmem>>)
      %run_scoped3A_332 = arith.constant 4 : i32
      "tpu.region"() ({
        %run_scoped3A_407 = tpu.sem_alloc : memref<!tpu.dma_semaphore, #tpu.memory_space<semaphore_mem>>
        %dma_start3A_408 = arith.constant 0 : i32
        %dma_start3A_409 = tpu.memref_slice %arg8[%run_scoped3A_332, %dma_start3A_408] : memref<8x128xi32, #tpu.memory_space<vmem>> -> memref<1x128xi32, #tpu.memory_space<vmem>>
        %dma_start3A_410 = tpu.memref_squeeze %dma_start3A_409 : memref<1x128xi32, #tpu.memory_space<vmem>> -> memref<128xi32, #tpu.memory_space<vmem>>
        %dma_start3A_411 = arith.constant 0 : i32
        %dma_start3A_412 = arith.constant 0 : i32
        %dma_start3A_413 = tpu.memref_slice %arg11[%dma_start3A_411, %dma_start3A_412] : memref<10240x128xf32, #tpu.memory_space<vmem_shared>> -> memref<10240x128xf32, #tpu.memory_space<vmem_shared>>
        tpu.enqueue_indirect_dma source(%arg9 : memref<128x128xf32, #tpu.memory_space<vmem>>) target(%dma_start3A_413 : memref<10240x128xf32, #tpu.memory_space<vmem_shared>>) offsets(%dma_start3A_410 : memref<128xi32, #tpu.memory_space<vmem>>) semaphore(%run_scoped3A_407 : memref<!tpu.dma_semaphore, #tpu.memory_space<semaphore_mem>>) {add = true}
        %dma_wait3A_414 = arith.constant 0 : i32
        %dma_wait3A_415 = tpu.memref_slice %arg8[%run_scoped3A_332, %dma_wait3A_414] : memref<8x128xi32, #tpu.memory_space<vmem>> -> memref<1x128xi32, #tpu.memory_space<vmem>>
        %dma_wait3A_416 = tpu.memref_squeeze %dma_wait3A_415 : memref<1x128xi32, #tpu.memory_space<vmem>> -> memref<128xi32, #tpu.memory_space<vmem>>
        %dma_wait3A_417 = arith.constant 0 : i32
        %dma_wait3A_418 = arith.constant 0 : i32
        %dma_wait3A_419 = tpu.memref_slice %arg11[%dma_wait3A_417, %dma_wait3A_418] : memref<10240x128xf32, #tpu.memory_space<vmem_shared>> -> memref<10240x128xf32, #tpu.memory_space<vmem_shared>>
        tpu.wait_indirect_dma semaphore(%run_scoped3A_407 : memref<!tpu.dma_semaphore, #tpu.memory_space<semaphore_mem>>) src(%arg9 : memref<128x128xf32, #tpu.memory_space<vmem>>) dst(%dma_wait3A_419 : memref<10240x128xf32, #tpu.memory_space<vmem_shared>>)
        tpu.yield
      }) : () -> ()
      %dma_start3A_333 = arith.constant 2 : i32
      %dma_start3A_334 = arith.constant 0 : i32
      %dma_start3A_335 = tpu.memref_slice %arg8[%dma_start3A_333, %dma_start3A_334] : memref<8x128xi32, #tpu.memory_space<vmem>> -> memref<1x128xi32, #tpu.memory_space<vmem>>
      %dma_start3A_336 = tpu.memref_squeeze %dma_start3A_335 : memref<1x128xi32, #tpu.memory_space<vmem>> -> memref<128xi32, #tpu.memory_space<vmem>>
      %dma_start3A_337 = arith.constant 0 : i32
      %dma_start3A_338 = arith.constant 0 : i32
      %dma_start3A_339 = tpu.memref_slice %arg2[%dma_start3A_337, %dma_start3A_338] : memref<10000x128xf32, #tpu.memory_space<hbm>> -> memref<10000x128xf32, #tpu.memory_space<hbm>>
      tpu.enqueue_indirect_dma source(%dma_start3A_339 : memref<10000x128xf32, #tpu.memory_space<hbm>>) target(%arg9 : memref<128x128xf32, #tpu.memory_space<vmem>>) offsets(%dma_start3A_336 : memref<128xi32, #tpu.memory_space<vmem>>) semaphore(%arg14 : memref<!tpu.dma_semaphore, #tpu.memory_space<semaphore_mem>>)
      %dma_wait3A_340 = arith.constant 1 : i32
      %dma_wait3A_341 = arith.constant 0 : i32
      %dma_wait3A_342 = tpu.memref_slice %arg8[%dma_wait3A_340, %dma_wait3A_341] : memref<8x128xi32, #tpu.memory_space<vmem>> -> memref<1x128xi32, #tpu.memory_space<vmem>>
      %dma_wait3A_343 = tpu.memref_squeeze %dma_wait3A_342 : memref<1x128xi32, #tpu.memory_space<vmem>> -> memref<128xi32, #tpu.memory_space<vmem>>
      %dma_wait3A_344 = arith.constant 0 : i32
      %dma_wait3A_345 = arith.constant 0 : i32
      %dma_wait3A_346 = tpu.memref_slice %arg2[%dma_wait3A_344, %dma_wait3A_345] : memref<10000x128xf32, #tpu.memory_space<hbm>> -> memref<10000x128xf32, #tpu.memory_space<hbm>>
      tpu.wait_indirect_dma semaphore(%arg15 : memref<!tpu.dma_semaphore, #tpu.memory_space<semaphore_mem>>) src(%dma_wait3A_346 : memref<10000x128xf32, #tpu.memory_space<hbm>>) dst(%arg10 : memref<128x128xf32, #tpu.memory_space<vmem>>)
      %run_scoped3A_347 = arith.constant 5 : i32
      "tpu.region"() ({
        %run_scoped3A_407 = tpu.sem_alloc : memref<!tpu.dma_semaphore, #tpu.memory_space<semaphore_mem>>
        %dma_start3A_408 = arith.constant 0 : i32
        %dma_start3A_409 = tpu.memref_slice %arg8[%run_scoped3A_347, %dma_start3A_408] : memref<8x128xi32, #tpu.memory_space<vmem>> -> memref<1x128xi32, #tpu.memory_space<vmem>>
        %dma_start3A_410 = tpu.memref_squeeze %dma_start3A_409 : memref<1x128xi32, #tpu.memory_space<vmem>> -> memref<128xi32, #tpu.memory_space<vmem>>
        %dma_start3A_411 = arith.constant 0 : i32
        %dma_start3A_412 = arith.constant 0 : i32
        %dma_start3A_413 = tpu.memref_slice %arg11[%dma_start3A_411, %dma_start3A_412] : memref<10240x128xf32, #tpu.memory_space<vmem_shared>> -> memref<10240x128xf32, #tpu.memory_space<vmem_shared>>
        tpu.enqueue_indirect_dma source(%arg10 : memref<128x128xf32, #tpu.memory_space<vmem>>) target(%dma_start3A_413 : memref<10240x128xf32, #tpu.memory_space<vmem_shared>>) offsets(%dma_start3A_410 : memref<128xi32, #tpu.memory_space<vmem>>) semaphore(%run_scoped3A_407 : memref<!tpu.dma_semaphore, #tpu.memory_space<semaphore_mem>>) {add = true}
        %dma_wait3A_414 = arith.constant 0 : i32
        %dma_wait3A_415 = tpu.memref_slice %arg8[%run_scoped3A_347, %dma_wait3A_414] : memref<8x128xi32, #tpu.memory_space<vmem>> -> memref<1x128xi32, #tpu.memory_space<vmem>>
        %dma_wait3A_416 = tpu.memref_squeeze %dma_wait3A_415 : memref<1x128xi32, #tpu.memory_space<vmem>> -> memref<128xi32, #tpu.memory_space<vmem>>
        %dma_wait3A_417 = arith.constant 0 : i32
        %dma_wait3A_418 = arith.constant 0 : i32
        %dma_wait3A_419 = tpu.memref_slice %arg11[%dma_wait3A_417, %dma_wait3A_418] : memref<10240x128xf32, #tpu.memory_space<vmem_shared>> -> memref<10240x128xf32, #tpu.memory_space<vmem_shared>>
        tpu.wait_indirect_dma semaphore(%run_scoped3A_407 : memref<!tpu.dma_semaphore, #tpu.memory_space<semaphore_mem>>) src(%arg10 : memref<128x128xf32, #tpu.memory_space<vmem>>) dst(%dma_wait3A_419 : memref<10240x128xf32, #tpu.memory_space<vmem_shared>>)
        tpu.yield
      }) : () -> ()
      %dma_start3A_348 = arith.constant 3 : i32
      %dma_start3A_349 = arith.constant 0 : i32
      %dma_start3A_350 = tpu.memref_slice %arg8[%dma_start3A_348, %dma_start3A_349] : memref<8x128xi32, #tpu.memory_space<vmem>> -> memref<1x128xi32, #tpu.memory_space<vmem>>
      %dma_start3A_351 = tpu.memref_squeeze %dma_start3A_350 : memref<1x128xi32, #tpu.memory_space<vmem>> -> memref<128xi32, #tpu.memory_space<vmem>>
      %dma_start3A_352 = arith.constant 0 : i32
      %dma_start3A_353 = arith.constant 0 : i32
      %dma_start3A_354 = tpu.memref_slice %arg2[%dma_start3A_352, %dma_start3A_353] : memref<10000x128xf32, #tpu.memory_space<hbm>> -> memref<10000x128xf32, #tpu.memory_space<hbm>>
      tpu.enqueue_indirect_dma source(%dma_start3A_354 : memref<10000x128xf32, #tpu.memory_space<hbm>>) target(%arg10 : memref<128x128xf32, #tpu.memory_space<vmem>>) offsets(%dma_start3A_351 : memref<128xi32, #tpu.memory_space<vmem>>) semaphore(%arg15 : memref<!tpu.dma_semaphore, #tpu.memory_space<semaphore_mem>>)
      %dma_wait3A_355 = arith.constant 2 : i32
      %dma_wait3A_356 = arith.constant 0 : i32
      %dma_wait3A_357 = tpu.memref_slice %arg8[%dma_wait3A_355, %dma_wait3A_356] : memref<8x128xi32, #tpu.memory_space<vmem>> -> memref<1x128xi32, #tpu.memory_space<vmem>>
      %dma_wait3A_358 = tpu.memref_squeeze %dma_wait3A_357 : memref<1x128xi32, #tpu.memory_space<vmem>> -> memref<128xi32, #tpu.memory_space<vmem>>
      %dma_wait3A_359 = arith.constant 0 : i32
      %dma_wait3A_360 = arith.constant 0 : i32
      %dma_wait3A_361 = tpu.memref_slice %arg2[%dma_wait3A_359, %dma_wait3A_360] : memref<10000x128xf32, #tpu.memory_space<hbm>> -> memref<10000x128xf32, #tpu.memory_space<hbm>>
      tpu.wait_indirect_dma semaphore(%arg14 : memref<!tpu.dma_semaphore, #tpu.memory_space<semaphore_mem>>) src(%dma_wait3A_361 : memref<10000x128xf32, #tpu.memory_space<hbm>>) dst(%arg9 : memref<128x128xf32, #tpu.memory_space<vmem>>)
      %run_scoped3A_362 = arith.constant 6 : i32
      "tpu.region"() ({
        %run_scoped3A_407 = tpu.sem_alloc : memref<!tpu.dma_semaphore, #tpu.memory_space<semaphore_mem>>
        %dma_start3A_408 = arith.constant 0 : i32
        %dma_start3A_409 = tpu.memref_slice %arg8[%run_scoped3A_362, %dma_start3A_408] : memref<8x128xi32, #tpu.memory_space<vmem>> -> memref<1x128xi32, #tpu.memory_space<vmem>>
        %dma_start3A_410 = tpu.memref_squeeze %dma_start3A_409 : memref<1x128xi32, #tpu.memory_space<vmem>> -> memref<128xi32, #tpu.memory_space<vmem>>
        %dma_start3A_411 = arith.constant 0 : i32
        %dma_start3A_412 = arith.constant 0 : i32
        %dma_start3A_413 = tpu.memref_slice %arg11[%dma_start3A_411, %dma_start3A_412] : memref<10240x128xf32, #tpu.memory_space<vmem_shared>> -> memref<10240x128xf32, #tpu.memory_space<vmem_shared>>
        tpu.enqueue_indirect_dma source(%arg9 : memref<128x128xf32, #tpu.memory_space<vmem>>) target(%dma_start3A_413 : memref<10240x128xf32, #tpu.memory_space<vmem_shared>>) offsets(%dma_start3A_410 : memref<128xi32, #tpu.memory_space<vmem>>) semaphore(%run_scoped3A_407 : memref<!tpu.dma_semaphore, #tpu.memory_space<semaphore_mem>>) {add = true}
        %dma_wait3A_414 = arith.constant 0 : i32
        %dma_wait3A_415 = tpu.memref_slice %arg8[%run_scoped3A_362, %dma_wait3A_414] : memref<8x128xi32, #tpu.memory_space<vmem>> -> memref<1x128xi32, #tpu.memory_space<vmem>>
        %dma_wait3A_416 = tpu.memref_squeeze %dma_wait3A_415 : memref<1x128xi32, #tpu.memory_space<vmem>> -> memref<128xi32, #tpu.memory_space<vmem>>
        %dma_wait3A_417 = arith.constant 0 : i32
        %dma_wait3A_418 = arith.constant 0 : i32
        %dma_wait3A_419 = tpu.memref_slice %arg11[%dma_wait3A_417, %dma_wait3A_418] : memref<10240x128xf32, #tpu.memory_space<vmem_shared>> -> memref<10240x128xf32, #tpu.memory_space<vmem_shared>>
        tpu.wait_indirect_dma semaphore(%run_scoped3A_407 : memref<!tpu.dma_semaphore, #tpu.memory_space<semaphore_mem>>) src(%arg9 : memref<128x128xf32, #tpu.memory_space<vmem>>) dst(%dma_wait3A_419 : memref<10240x128xf32, #tpu.memory_space<vmem_shared>>)
        tpu.yield
      }) : () -> ()
      %dma_wait3A_363 = arith.constant 0 : i32
      %dma_wait3A_364 = arith.constant 0 : i32
      %dma_wait3A_365 = tpu.memref_slice %arg7[%dma_wait3A_363, %dma_wait3A_364] : memref<8x128xi32, #tpu.memory_space<vmem>> -> memref<4x128xi32, #tpu.memory_space<vmem>>
      %dma_wait3A_366 = arith.constant 0 : i32
      %dma_wait3A_367 = arith.constant 0 : i32
      %dma_wait3A_368 = tpu.memref_slice %arg3[%add3A, %min3A_289, %dma_wait3A_366, %dma_wait3A_367] : memref<32x20x4x128xi32, #tpu.memory_space<hbm>> -> memref<1x1x4x128xi32, #tpu.memory_space<hbm>>
      %dma_wait3A_369 = tpu.memref_squeeze %dma_wait3A_368 : memref<1x1x4x128xi32, #tpu.memory_space<hbm>> -> memref<4x128xi32, #tpu.memory_space<hbm>>
      %dma_wait3A_370 = arith.constant 0 : i32
      %dma_wait3A_371 = arith.constant 0 : i32
      %dma_wait3A_372 = tpu.memref_slice %arg7[%dma_wait3A_370, %dma_wait3A_371] : memref<8x128xi32, #tpu.memory_space<vmem>> -> memref<4x128xi32, #tpu.memory_space<vmem>>
      %dma_wait3A_373 = arith.constant 0 : i32
      %dma_wait3A_374 = arith.constant 0 : i32
      %dma_wait3A_375 = tpu.memref_slice %arg3[%add3A, %min3A_289, %dma_wait3A_373, %dma_wait3A_374] : memref<32x20x4x128xi32, #tpu.memory_space<hbm>> -> memref<1x1x4x128xi32, #tpu.memory_space<hbm>>
      %dma_wait3A_376 = tpu.memref_squeeze %dma_wait3A_375 : memref<1x1x4x128xi32, #tpu.memory_space<hbm>> -> memref<4x128xi32, #tpu.memory_space<hbm>>
      tpu.wait_dma2 semaphore(%arg12 : memref<!tpu.dma_semaphore, #tpu.memory_space<semaphore_mem>>) src(%dma_wait3A_376 : memref<4x128xi32, #tpu.memory_space<hbm>>) dst(%dma_wait3A_372 : memref<4x128xi32, #tpu.memory_space<vmem>>)
      %dma_wait3A_377 = arith.constant 4 : i32
      %dma_wait3A_378 = arith.constant 0 : i32
      %dma_wait3A_379 = tpu.memref_slice %arg7[%dma_wait3A_377, %dma_wait3A_378] : memref<8x128xi32, #tpu.memory_space<vmem>> -> memref<4x128xi32, #tpu.memory_space<vmem>>
      %dma_wait3A_380 = arith.constant 0 : i32
      %dma_wait3A_381 = arith.constant 0 : i32
      %dma_wait3A_382 = tpu.memref_slice %arg4[%add3A, %min3A_289, %dma_wait3A_380, %dma_wait3A_381] : memref<32x20x4x128xi32, #tpu.memory_space<hbm>> -> memref<1x1x4x128xi32, #tpu.memory_space<hbm>>
      %dma_wait3A_383 = tpu.memref_squeeze %dma_wait3A_382 : memref<1x1x4x128xi32, #tpu.memory_space<hbm>> -> memref<4x128xi32, #tpu.memory_space<hbm>>
      %dma_wait3A_384 = arith.constant 4 : i32
      %dma_wait3A_385 = arith.constant 0 : i32
      %dma_wait3A_386 = tpu.memref_slice %arg7[%dma_wait3A_384, %dma_wait3A_385] : memref<8x128xi32, #tpu.memory_space<vmem>> -> memref<4x128xi32, #tpu.memory_space<vmem>>
      %dma_wait3A_387 = arith.constant 0 : i32
      %dma_wait3A_388 = arith.constant 0 : i32
      %dma_wait3A_389 = tpu.memref_slice %arg4[%add3A, %min3A_289, %dma_wait3A_387, %dma_wait3A_388] : memref<32x20x4x128xi32, #tpu.memory_space<hbm>> -> memref<1x1x4x128xi32, #tpu.memory_space<hbm>>
      %dma_wait3A_390 = tpu.memref_squeeze %dma_wait3A_389 : memref<1x1x4x128xi32, #tpu.memory_space<hbm>> -> memref<4x128xi32, #tpu.memory_space<hbm>>
      tpu.wait_dma2 semaphore(%arg12 : memref<!tpu.dma_semaphore, #tpu.memory_space<semaphore_mem>>) src(%dma_wait3A_390 : memref<4x128xi32, #tpu.memory_space<hbm>>) dst(%dma_wait3A_386 : memref<4x128xi32, #tpu.memory_space<vmem>>)
      %dma_start3A_391 = arith.constant 0 : i32
      %dma_start3A_392 = arith.constant 0 : i32
      %dma_start3A_393 = tpu.memref_slice %arg7[%dma_start3A_391, %dma_start3A_392] : memref<8x128xi32, #tpu.memory_space<vmem>> -> memref<1x128xi32, #tpu.memory_space<vmem>>
      %dma_start3A_394 = tpu.memref_squeeze %dma_start3A_393 : memref<1x128xi32, #tpu.memory_space<vmem>> -> memref<128xi32, #tpu.memory_space<vmem>>
      %dma_start3A_395 = arith.constant 0 : i32
      %dma_start3A_396 = arith.constant 0 : i32
      %dma_start3A_397 = tpu.memref_slice %arg2[%dma_start3A_395, %dma_start3A_396] : memref<10000x128xf32, #tpu.memory_space<hbm>> -> memref<10000x128xf32, #tpu.memory_space<hbm>>
      tpu.enqueue_indirect_dma source(%dma_start3A_397 : memref<10000x128xf32, #tpu.memory_space<hbm>>) target(%arg9 : memref<128x128xf32, #tpu.memory_space<vmem>>) offsets(%dma_start3A_394 : memref<128xi32, #tpu.memory_space<vmem>>) semaphore(%arg14 : memref<!tpu.dma_semaphore, #tpu.memory_space<semaphore_mem>>)
      %dma_wait3A_398 = arith.constant 3 : i32
      %dma_wait3A_399 = arith.constant 0 : i32
      %dma_wait3A_400 = tpu.memref_slice %arg8[%dma_wait3A_398, %dma_wait3A_399] : memref<8x128xi32, #tpu.memory_space<vmem>> -> memref<1x128xi32, #tpu.memory_space<vmem>>
      %dma_wait3A_401 = tpu.memref_squeeze %dma_wait3A_400 : memref<1x128xi32, #tpu.memory_space<vmem>> -> memref<128xi32, #tpu.memory_space<vmem>>
      %dma_wait3A_402 = arith.constant 0 : i32
      %dma_wait3A_403 = arith.constant 0 : i32
      %dma_wait3A_404 = tpu.memref_slice %arg2[%dma_wait3A_402, %dma_wait3A_403] : memref<10000x128xf32, #tpu.memory_space<hbm>> -> memref<10000x128xf32, #tpu.memory_space<hbm>>
      tpu.wait_indirect_dma semaphore(%arg15 : memref<!tpu.dma_semaphore, #tpu.memory_space<semaphore_mem>>) src(%dma_wait3A_404 : memref<10000x128xf32, #tpu.memory_space<hbm>>) dst(%arg10 : memref<128x128xf32, #tpu.memory_space<vmem>>)
      %run_scoped3A_405 = arith.constant 7 : i32
      "tpu.region"() ({
        %run_scoped3A_407 = tpu.sem_alloc : memref<!tpu.dma_semaphore, #tpu.memory_space<semaphore_mem>>
        %dma_start3A_408 = arith.constant 0 : i32
        %dma_start3A_409 = tpu.memref_slice %arg8[%run_scoped3A_405, %dma_start3A_408] : memref<8x128xi32, #tpu.memory_space<vmem>> -> memref<1x128xi32, #tpu.memory_space<vmem>>
        %dma_start3A_410 = tpu.memref_squeeze %dma_start3A_409 : memref<1x128xi32, #tpu.memory_space<vmem>> -> memref<128xi32, #tpu.memory_space<vmem>>
        %dma_start3A_411 = arith.constant 0 : i32
        %dma_start3A_412 = arith.constant 0 : i32
        %dma_start3A_413 = tpu.memref_slice %arg11[%dma_start3A_411, %dma_start3A_412] : memref<10240x128xf32, #tpu.memory_space<vmem_shared>> -> memref<10240x128xf32, #tpu.memory_space<vmem_shared>>
        tpu.enqueue_indirect_dma source(%arg10 : memref<128x128xf32, #tpu.memory_space<vmem>>) target(%dma_start3A_413 : memref<10240x128xf32, #tpu.memory_space<vmem_shared>>) offsets(%dma_start3A_410 : memref<128xi32, #tpu.memory_space<vmem>>) semaphore(%run_scoped3A_407 : memref<!tpu.dma_semaphore, #tpu.memory_space<semaphore_mem>>) {add = true}
        %dma_wait3A_414 = arith.constant 0 : i32
        %dma_wait3A_415 = tpu.memref_slice %arg8[%run_scoped3A_405, %dma_wait3A_414] : memref<8x128xi32, #tpu.memory_space<vmem>> -> memref<1x128xi32, #tpu.memory_space<vmem>>
        %dma_wait3A_416 = tpu.memref_squeeze %dma_wait3A_415 : memref<1x128xi32, #tpu.memory_space<vmem>> -> memref<128xi32, #tpu.memory_space<vmem>>
        %dma_wait3A_417 = arith.constant 0 : i32
        %dma_wait3A_418 = arith.constant 0 : i32
        %dma_wait3A_419 = tpu.memref_slice %arg11[%dma_wait3A_417, %dma_wait3A_418] : memref<10240x128xf32, #tpu.memory_space<vmem_shared>> -> memref<10240x128xf32, #tpu.memory_space<vmem_shared>>
        tpu.wait_indirect_dma semaphore(%run_scoped3A_407 : memref<!tpu.dma_semaphore, #tpu.memory_space<semaphore_mem>>) src(%arg10 : memref<128x128xf32, #tpu.memory_space<vmem>>) dst(%dma_wait3A_419 : memref<10240x128xf32, #tpu.memory_space<vmem_shared>>)
        tpu.yield
      }) : () -> ()
      %scan3A_406 = arith.constant 0 : i32
      scf.yield %scan3A_406 : i32
    }
    %scan3A_92 = arith.constant 10 : i32
    %dma_wait3A_93 = arith.constant 0 : i32
    %dma_wait3A_94 = arith.constant 0 : i32
    %dma_wait3A_95 = tpu.memref_slice %arg7[%dma_wait3A_93, %dma_wait3A_94] : memref<8x128xi32, #tpu.memory_space<vmem>> -> memref<1x128xi32, #tpu.memory_space<vmem>>
    %dma_wait3A_96 = tpu.memref_squeeze %dma_wait3A_95 : memref<1x128xi32, #tpu.memory_space<vmem>> -> memref<128xi32, #tpu.memory_space<vmem>>
    %dma_wait3A_97 = arith.constant 0 : i32
    %dma_wait3A_98 = arith.constant 0 : i32
    %dma_wait3A_99 = tpu.memref_slice %arg2[%dma_wait3A_97, %dma_wait3A_98] : memref<10000x128xf32, #tpu.memory_space<hbm>> -> memref<10000x128xf32, #tpu.memory_space<hbm>>
    tpu.wait_indirect_dma semaphore(%arg14 : memref<!tpu.dma_semaphore, #tpu.memory_space<semaphore_mem>>) src(%dma_wait3A_99 : memref<10000x128xf32, #tpu.memory_space<hbm>>) dst(%arg9 : memref<128x128xf32, #tpu.memory_space<vmem>>)
    %barrier3A_100 = arith.constant 0 : index
    tpu.barrier barrier_id(%barrier3A_100)
    %mul3A_101 = arith.constant 640 : i32
    %mul3A_102 = arith.muli %arg1, %mul3A_101 : i32
    %dma_start3A_103 = arith.constant 0 : i32
    %dma_start3A_104 = tpu.memref_slice %arg11[%mul3A_102, %dma_start3A_103] : memref<10240x128xf32, #tpu.memory_space<vmem_shared>> -> memref<128x128xf32, #tpu.memory_space<vmem_shared>>
    %dma_start3A_105 = arith.constant 0 : i32
    %dma_start3A_106 = tpu.memref_slice %arg11[%mul3A_102, %dma_start3A_105] : memref<10240x128xf32, #tpu.memory_space<vmem_shared>> -> memref<128x128xf32, #tpu.memory_space<vmem_shared>>
    tpu.enqueue_dma source(%dma_start3A_106 : memref<128x128xf32, #tpu.memory_space<vmem_shared>>) target(%arg9 : memref<128x128xf32, #tpu.memory_space<vmem>>) target_semaphore(%arg14 : memref<!tpu.dma_semaphore, #tpu.memory_space<semaphore_mem>>)
    %add3A_107 = arith.constant 0 : i32
    %add3A_108 = arith.addi %mul3A_102, %add3A_107 : i32
    %dma_wait3A_109 = arith.constant 0 : i32
    %dma_wait3A_110 = tpu.memref_slice %arg11[%add3A_108, %dma_wait3A_109] : memref<10240x128xf32, #tpu.memory_space<vmem_shared>> -> memref<128x128xf32, #tpu.memory_space<vmem_shared>>
    %dma_wait3A_111 = arith.constant 0 : i32
    %dma_wait3A_112 = tpu.memref_slice %arg11[%add3A_108, %dma_wait3A_111] : memref<10240x128xf32, #tpu.memory_space<vmem_shared>> -> memref<128x128xf32, #tpu.memory_space<vmem_shared>>
    tpu.wait_dma2 semaphore(%arg14 : memref<!tpu.dma_semaphore, #tpu.memory_space<semaphore_mem>>) src(%dma_wait3A_112 : memref<128x128xf32, #tpu.memory_space<vmem_shared>>) dst(%arg9 : memref<128x128xf32, #tpu.memory_space<vmem>>)
    %add3A_113 = arith.constant 128 : i32
    %add3A_114 = arith.addi %add3A_108, %add3A_113 : i32
    %dma_start3A_115 = arith.constant 0 : i32
    %dma_start3A_116 = tpu.memref_slice %arg11[%add3A_114, %dma_start3A_115] : memref<10240x128xf32, #tpu.memory_space<vmem_shared>> -> memref<128x128xf32, #tpu.memory_space<vmem_shared>>
    %dma_start3A_117 = arith.constant 0 : i32
    %dma_start3A_118 = tpu.memref_slice %arg11[%add3A_114, %dma_start3A_117] : memref<10240x128xf32, #tpu.memory_space<vmem_shared>> -> memref<128x128xf32, #tpu.memory_space<vmem_shared>>
    tpu.enqueue_dma source(%dma_start3A_118 : memref<128x128xf32, #tpu.memory_space<vmem_shared>>) target(%arg10 : memref<128x128xf32, #tpu.memory_space<vmem>>) target_semaphore(%arg15 : memref<!tpu.dma_semaphore, #tpu.memory_space<semaphore_mem>>)
    "tpu.region"() ({
      %run_scoped3A_161 = tpu.sem_alloc : memref<!tpu.dma_semaphore, #tpu.memory_space<semaphore_mem>>
      %dma_start3A_162 = arith.constant 0 : i32
      %dma_start3A_163 = tpu.memref_slice %arg6[%arg0, %add3A_108, %dma_start3A_162] : memref<2x10240x128xf32, #tpu.memory_space<hbm>> -> memref<1x128x128xf32, #tpu.memory_space<hbm>>
      %dma_start3A_164 = tpu.memref_squeeze %dma_start3A_163 : memref<1x128x128xf32, #tpu.memory_space<hbm>> -> memref<128x128xf32, #tpu.memory_space<hbm>>
      %dma_start3A_165 = arith.constant 0 : i32
      %dma_start3A_166 = tpu.memref_slice %arg6[%arg0, %add3A_108, %dma_start3A_165] : memref<2x10240x128xf32, #tpu.memory_space<hbm>> -> memref<1x128x128xf32, #tpu.memory_space<hbm>>
      %dma_start3A_167 = tpu.memref_squeeze %dma_start3A_166 : memref<1x128x128xf32, #tpu.memory_space<hbm>> -> memref<128x128xf32, #tpu.memory_space<hbm>>
      tpu.enqueue_dma source(%arg9 : memref<128x128xf32, #tpu.memory_space<vmem>>) target(%dma_start3A_167 : memref<128x128xf32, #tpu.memory_space<hbm>>) target_semaphore(%run_scoped3A_161 : memref<!tpu.dma_semaphore, #tpu.memory_space<semaphore_mem>>)
      %dma_wait3A_168 = arith.constant 0 : i32
      %dma_wait3A_169 = tpu.memref_slice %arg6[%arg0, %add3A_108, %dma_wait3A_168] : memref<2x10240x128xf32, #tpu.memory_space<hbm>> -> memref<1x128x128xf32, #tpu.memory_space<hbm>>
      %dma_wait3A_170 = tpu.memref_squeeze %dma_wait3A_169 : memref<1x128x128xf32, #tpu.memory_space<hbm>> -> memref<128x128xf32, #tpu.memory_space<hbm>>
      %dma_wait3A_171 = arith.constant 0 : i32
      %dma_wait3A_172 = tpu.memref_slice %arg6[%arg0, %add3A_108, %dma_wait3A_171] : memref<2x10240x128xf32, #tpu.memory_space<hbm>> -> memref<1x128x128xf32, #tpu.memory_space<hbm>>
      %dma_wait3A_173 = tpu.memref_squeeze %dma_wait3A_172 : memref<1x128x128xf32, #tpu.memory_space<hbm>> -> memref<128x128xf32, #tpu.memory_space<hbm>>
      tpu.wait_dma2 semaphore(%run_scoped3A_161 : memref<!tpu.dma_semaphore, #tpu.memory_space<semaphore_mem>>) src(%arg9 : memref<128x128xf32, #tpu.memory_space<vmem>>) dst(%dma_wait3A_173 : memref<128x128xf32, #tpu.memory_space<hbm>>)
      tpu.yield
    }) : () -> ()
    %add3A_119 = arith.constant 128 : i32
    %add3A_120 = arith.addi %mul3A_102, %add3A_119 : i32
    %dma_wait3A_121 = arith.constant 0 : i32
    %dma_wait3A_122 = tpu.memref_slice %arg11[%add3A_120, %dma_wait3A_121] : memref<10240x128xf32, #tpu.memory_space<vmem_shared>> -> memref<128x128xf32, #tpu.memory_space<vmem_shared>>
    %dma_wait3A_123 = arith.constant 0 : i32
    %dma_wait3A_124 = tpu.memref_slice %arg11[%add3A_120, %dma_wait3A_123] : memref<10240x128xf32, #tpu.memory_space<vmem_shared>> -> memref<128x128xf32, #tpu.memory_space<vmem_shared>>
    tpu.wait_dma2 semaphore(%arg15 : memref<!tpu.dma_semaphore, #tpu.memory_space<semaphore_mem>>) src(%dma_wait3A_124 : memref<128x128xf32, #tpu.memory_space<vmem_shared>>) dst(%arg10 : memref<128x128xf32, #tpu.memory_space<vmem>>)
    %add3A_125 = arith.constant 128 : i32
    %add3A_126 = arith.addi %add3A_120, %add3A_125 : i32
    %dma_start3A_127 = arith.constant 0 : i32
    %dma_start3A_128 = tpu.memref_slice %arg11[%add3A_126, %dma_start3A_127] : memref<10240x128xf32, #tpu.memory_space<vmem_shared>> -> memref<128x128xf32, #tpu.memory_space<vmem_shared>>
    %dma_start3A_129 = arith.constant 0 : i32
    %dma_start3A_130 = tpu.memref_slice %arg11[%add3A_126, %dma_start3A_129] : memref<10240x128xf32, #tpu.memory_space<vmem_shared>> -> memref<128x128xf32, #tpu.memory_space<vmem_shared>>
    tpu.enqueue_dma source(%dma_start3A_130 : memref<128x128xf32, #tpu.memory_space<vmem_shared>>) target(%arg9 : memref<128x128xf32, #tpu.memory_space<vmem>>) target_semaphore(%arg14 : memref<!tpu.dma_semaphore, #tpu.memory_space<semaphore_mem>>)
    "tpu.region"() ({
      %run_scoped3A_161 = tpu.sem_alloc : memref<!tpu.dma_semaphore, #tpu.memory_space<semaphore_mem>>
      %dma_start3A_162 = arith.constant 0 : i32
      %dma_start3A_163 = tpu.memref_slice %arg6[%arg0, %add3A_120, %dma_start3A_162] : memref<2x10240x128xf32, #tpu.memory_space<hbm>> -> memref<1x128x128xf32, #tpu.memory_space<hbm>>
      %dma_start3A_164 = tpu.memref_squeeze %dma_start3A_163 : memref<1x128x128xf32, #tpu.memory_space<hbm>> -> memref<128x128xf32, #tpu.memory_space<hbm>>
      %dma_start3A_165 = arith.constant 0 : i32
      %dma_start3A_166 = tpu.memref_slice %arg6[%arg0, %add3A_120, %dma_start3A_165] : memref<2x10240x128xf32, #tpu.memory_space<hbm>> -> memref<1x128x128xf32, #tpu.memory_space<hbm>>
      %dma_start3A_167 = tpu.memref_squeeze %dma_start3A_166 : memref<1x128x128xf32, #tpu.memory_space<hbm>> -> memref<128x128xf32, #tpu.memory_space<hbm>>
      tpu.enqueue_dma source(%arg10 : memref<128x128xf32, #tpu.memory_space<vmem>>) target(%dma_start3A_167 : memref<128x128xf32, #tpu.memory_space<hbm>>) target_semaphore(%run_scoped3A_161 : memref<!tpu.dma_semaphore, #tpu.memory_space<semaphore_mem>>)
      %dma_wait3A_168 = arith.constant 0 : i32
      %dma_wait3A_169 = tpu.memref_slice %arg6[%arg0, %add3A_120, %dma_wait3A_168] : memref<2x10240x128xf32, #tpu.memory_space<hbm>> -> memref<1x128x128xf32, #tpu.memory_space<hbm>>
      %dma_wait3A_170 = tpu.memref_squeeze %dma_wait3A_169 : memref<1x128x128xf32, #tpu.memory_space<hbm>> -> memref<128x128xf32, #tpu.memory_space<hbm>>
      %dma_wait3A_171 = arith.constant 0 : i32
      %dma_wait3A_172 = tpu.memref_slice %arg6[%arg0, %add3A_120, %dma_wait3A_171] : memref<2x10240x128xf32, #tpu.memory_space<hbm>> -> memref<1x128x128xf32, #tpu.memory_space<hbm>>
      %dma_wait3A_173 = tpu.memref_squeeze %dma_wait3A_172 : memref<1x128x128xf32, #tpu.memory_space<hbm>> -> memref<128x128xf32, #tpu.memory_space<hbm>>
      tpu.wait_dma2 semaphore(%run_scoped3A_161 : memref<!tpu.dma_semaphore, #tpu.memory_space<semaphore_mem>>) src(%arg10 : memref<128x128xf32, #tpu.memory_space<vmem>>) dst(%dma_wait3A_173 : memref<128x128xf32, #tpu.memory_space<hbm>>)
      tpu.yield
    }) : () -> ()
    %add3A_131 = arith.constant 256 : i32
    %add3A_132 = arith.addi %mul3A_102, %add3A_131 : i32
    %dma_wait3A_133 = arith.constant 0 : i32
    %dma_wait3A_134 = tpu.memref_slice %arg11[%add3A_132, %dma_wait3A_133] : memref<10240x128xf32, #tpu.memory_space<vmem_shared>> -> memref<128x128xf32, #tpu.memory_space<vmem_shared>>
    %dma_wait3A_135 = arith.constant 0 : i32
    %dma_wait3A_136 = tpu.memref_slice %arg11[%add3A_132, %dma_wait3A_135] : memref<10240x128xf32, #tpu.memory_space<vmem_shared>> -> memref<128x128xf32, #tpu.memory_space<vmem_shared>>
    tpu.wait_dma2 semaphore(%arg14 : memref<!tpu.dma_semaphore, #tpu.memory_space<semaphore_mem>>) src(%dma_wait3A_136 : memref<128x128xf32, #tpu.memory_space<vmem_shared>>) dst(%arg9 : memref<128x128xf32, #tpu.memory_space<vmem>>)
    %add3A_137 = arith.constant 128 : i32
    %add3A_138 = arith.addi %add3A_132, %add3A_137 : i32
    %dma_start3A_139 = arith.constant 0 : i32
    %dma_start3A_140 = tpu.memref_slice %arg11[%add3A_138, %dma_start3A_139] : memref<10240x128xf32, #tpu.memory_space<vmem_shared>> -> memref<128x128xf32, #tpu.memory_space<vmem_shared>>
    %dma_start3A_141 = arith.constant 0 : i32
    %dma_start3A_142 = tpu.memref_slice %arg11[%add3A_138, %dma_start3A_141] : memref<10240x128xf32, #tpu.memory_space<vmem_shared>> -> memref<128x128xf32, #tpu.memory_space<vmem_shared>>
    tpu.enqueue_dma source(%dma_start3A_142 : memref<128x128xf32, #tpu.memory_space<vmem_shared>>) target(%arg10 : memref<128x128xf32, #tpu.memory_space<vmem>>) target_semaphore(%arg15 : memref<!tpu.dma_semaphore, #tpu.memory_space<semaphore_mem>>)
    "tpu.region"() ({
      %run_scoped3A_161 = tpu.sem_alloc : memref<!tpu.dma_semaphore, #tpu.memory_space<semaphore_mem>>
      %dma_start3A_162 = arith.constant 0 : i32
      %dma_start3A_163 = tpu.memref_slice %arg6[%arg0, %add3A_132, %dma_start3A_162] : memref<2x10240x128xf32, #tpu.memory_space<hbm>> -> memref<1x128x128xf32, #tpu.memory_space<hbm>>
      %dma_start3A_164 = tpu.memref_squeeze %dma_start3A_163 : memref<1x128x128xf32, #tpu.memory_space<hbm>> -> memref<128x128xf32, #tpu.memory_space<hbm>>
      %dma_start3A_165 = arith.constant 0 : i32
      %dma_start3A_166 = tpu.memref_slice %arg6[%arg0, %add3A_132, %dma_start3A_165] : memref<2x10240x128xf32, #tpu.memory_space<hbm>> -> memref<1x128x128xf32, #tpu.memory_space<hbm>>
      %dma_start3A_167 = tpu.memref_squeeze %dma_start3A_166 : memref<1x128x128xf32, #tpu.memory_space<hbm>> -> memref<128x128xf32, #tpu.memory_space<hbm>>
      tpu.enqueue_dma source(%arg9 : memref<128x128xf32, #tpu.memory_space<vmem>>) target(%dma_start3A_167 : memref<128x128xf32, #tpu.memory_space<hbm>>) target_semaphore(%run_scoped3A_161 : memref<!tpu.dma_semaphore, #tpu.memory_space<semaphore_mem>>)
      %dma_wait3A_168 = arith.constant 0 : i32
      %dma_wait3A_169 = tpu.memref_slice %arg6[%arg0, %add3A_132, %dma_wait3A_168] : memref<2x10240x128xf32, #tpu.memory_space<hbm>> -> memref<1x128x128xf32, #tpu.memory_space<hbm>>
      %dma_wait3A_170 = tpu.memref_squeeze %dma_wait3A_169 : memref<1x128x128xf32, #tpu.memory_space<hbm>> -> memref<128x128xf32, #tpu.memory_space<hbm>>
      %dma_wait3A_171 = arith.constant 0 : i32
      %dma_wait3A_172 = tpu.memref_slice %arg6[%arg0, %add3A_132, %dma_wait3A_171] : memref<2x10240x128xf32, #tpu.memory_space<hbm>> -> memref<1x128x128xf32, #tpu.memory_space<hbm>>
      %dma_wait3A_173 = tpu.memref_squeeze %dma_wait3A_172 : memref<1x128x128xf32, #tpu.memory_space<hbm>> -> memref<128x128xf32, #tpu.memory_space<hbm>>
      tpu.wait_dma2 semaphore(%run_scoped3A_161 : memref<!tpu.dma_semaphore, #tpu.memory_space<semaphore_mem>>) src(%arg9 : memref<128x128xf32, #tpu.memory_space<vmem>>) dst(%dma_wait3A_173 : memref<128x128xf32, #tpu.memory_space<hbm>>)
      tpu.yield
    }) : () -> ()
    %add3A_143 = arith.constant 384 : i32
    %add3A_144 = arith.addi %mul3A_102, %add3A_143 : i32
    %dma_wait3A_145 = arith.constant 0 : i32
    %dma_wait3A_146 = tpu.memref_slice %arg11[%add3A_144, %dma_wait3A_145] : memref<10240x128xf32, #tpu.memory_space<vmem_shared>> -> memref<128x128xf32, #tpu.memory_space<vmem_shared>>
    %dma_wait3A_147 = arith.constant 0 : i32
    %dma_wait3A_148 = tpu.memref_slice %arg11[%add3A_144, %dma_wait3A_147] : memref<10240x128xf32, #tpu.memory_space<vmem_shared>> -> memref<128x128xf32, #tpu.memory_space<vmem_shared>>
    tpu.wait_dma2 semaphore(%arg15 : memref<!tpu.dma_semaphore, #tpu.memory_space<semaphore_mem>>) src(%dma_wait3A_148 : memref<128x128xf32, #tpu.memory_space<vmem_shared>>) dst(%arg10 : memref<128x128xf32, #tpu.memory_space<vmem>>)
    %add3A_149 = arith.constant 128 : i32
    %add3A_150 = arith.addi %add3A_144, %add3A_149 : i32
    %dma_start3A_151 = arith.constant 0 : i32
    %dma_start3A_152 = tpu.memref_slice %arg11[%add3A_150, %dma_start3A_151] : memref<10240x128xf32, #tpu.memory_space<vmem_shared>> -> memref<128x128xf32, #tpu.memory_space<vmem_shared>>
    %dma_start3A_153 = arith.constant 0 : i32
    %dma_start3A_154 = tpu.memref_slice %arg11[%add3A_150, %dma_start3A_153] : memref<10240x128xf32, #tpu.memory_space<vmem_shared>> -> memref<128x128xf32, #tpu.memory_space<vmem_shared>>
    tpu.enqueue_dma source(%dma_start3A_154 : memref<128x128xf32, #tpu.memory_space<vmem_shared>>) target(%arg9 : memref<128x128xf32, #tpu.memory_space<vmem>>) target_semaphore(%arg14 : memref<!tpu.dma_semaphore, #tpu.memory_space<semaphore_mem>>)
    "tpu.region"() ({
      %run_scoped3A_161 = tpu.sem_alloc : memref<!tpu.dma_semaphore, #tpu.memory_space<semaphore_mem>>
      %dma_start3A_162 = arith.constant 0 : i32
      %dma_start3A_163 = tpu.memref_slice %arg6[%arg0, %add3A_144, %dma_start3A_162] : memref<2x10240x128xf32, #tpu.memory_space<hbm>> -> memref<1x128x128xf32, #tpu.memory_space<hbm>>
      %dma_start3A_164 = tpu.memref_squeeze %dma_start3A_163 : memref<1x128x128xf32, #tpu.memory_space<hbm>> -> memref<128x128xf32, #tpu.memory_space<hbm>>
      %dma_start3A_165 = arith.constant 0 : i32
      %dma_start3A_166 = tpu.memref_slice %arg6[%arg0, %add3A_144, %dma_start3A_165] : memref<2x10240x128xf32, #tpu.memory_space<hbm>> -> memref<1x128x128xf32, #tpu.memory_space<hbm>>
      %dma_start3A_167 = tpu.memref_squeeze %dma_start3A_166 : memref<1x128x128xf32, #tpu.memory_space<hbm>> -> memref<128x128xf32, #tpu.memory_space<hbm>>
      tpu.enqueue_dma source(%arg10 : memref<128x128xf32, #tpu.memory_space<vmem>>) target(%dma_start3A_167 : memref<128x128xf32, #tpu.memory_space<hbm>>) target_semaphore(%run_scoped3A_161 : memref<!tpu.dma_semaphore, #tpu.memory_space<semaphore_mem>>)
      %dma_wait3A_168 = arith.constant 0 : i32
      %dma_wait3A_169 = tpu.memref_slice %arg6[%arg0, %add3A_144, %dma_wait3A_168] : memref<2x10240x128xf32, #tpu.memory_space<hbm>> -> memref<1x128x128xf32, #tpu.memory_space<hbm>>
      %dma_wait3A_170 = tpu.memref_squeeze %dma_wait3A_169 : memref<1x128x128xf32, #tpu.memory_space<hbm>> -> memref<128x128xf32, #tpu.memory_space<hbm>>
      %dma_wait3A_171 = arith.constant 0 : i32
      %dma_wait3A_172 = tpu.memref_slice %arg6[%arg0, %add3A_144, %dma_wait3A_171] : memref<2x10240x128xf32, #tpu.memory_space<hbm>> -> memref<1x128x128xf32, #tpu.memory_space<hbm>>
      %dma_wait3A_173 = tpu.memref_squeeze %dma_wait3A_172 : memref<1x128x128xf32, #tpu.memory_space<hbm>> -> memref<128x128xf32, #tpu.memory_space<hbm>>
      tpu.wait_dma2 semaphore(%run_scoped3A_161 : memref<!tpu.dma_semaphore, #tpu.memory_space<semaphore_mem>>) src(%arg10 : memref<128x128xf32, #tpu.memory_space<vmem>>) dst(%dma_wait3A_173 : memref<128x128xf32, #tpu.memory_space<hbm>>)
      tpu.yield
    }) : () -> ()
    %add3A_155 = arith.constant 512 : i32
    %add3A_156 = arith.addi %mul3A_102, %add3A_155 : i32
    %dma_wait3A_157 = arith.constant 0 : i32
    %dma_wait3A_158 = tpu.memref_slice %arg11[%add3A_156, %dma_wait3A_157] : memref<10240x128xf32, #tpu.memory_space<vmem_shared>> -> memref<128x128xf32, #tpu.memory_space<vmem_shared>>
    %dma_wait3A_159 = arith.constant 0 : i32
    %dma_wait3A_160 = tpu.memref_slice %arg11[%add3A_156, %dma_wait3A_159] : memref<10240x128xf32, #tpu.memory_space<vmem_shared>> -> memref<128x128xf32, #tpu.memory_space<vmem_shared>>
    tpu.wait_dma2 semaphore(%arg14 : memref<!tpu.dma_semaphore, #tpu.memory_space<semaphore_mem>>) src(%dma_wait3A_160 : memref<128x128xf32, #tpu.memory_space<vmem_shared>>) dst(%arg9 : memref<128x128xf32, #tpu.memory_space<vmem>>)
    "tpu.region"() ({
      %run_scoped3A_161 = tpu.sem_alloc : memref<!tpu.dma_semaphore, #tpu.memory_space<semaphore_mem>>
      %dma_start3A_162 = arith.constant 0 : i32
      %dma_start3A_163 = tpu.memref_slice %arg6[%arg0, %add3A_156, %dma_start3A_162] : memref<2x10240x128xf32, #tpu.memory_space<hbm>> -> memref<1x128x128xf32, #tpu.memory_space<hbm>>
      %dma_start3A_164 = tpu.memref_squeeze %dma_start3A_163 : memref<1x128x128xf32, #tpu.memory_space<hbm>> -> memref<128x128xf32, #tpu.memory_space<hbm>>
      %dma_start3A_165 = arith.constant 0 : i32
      %dma_start3A_166 = tpu.memref_slice %arg6[%arg0, %add3A_156, %dma_start3A_165] : memref<2x10240x128xf32, #tpu.memory_space<hbm>> -> memref<1x128x128xf32, #tpu.memory_space<hbm>>
      %dma_start3A_167 = tpu.memref_squeeze %dma_start3A_166 : memref<1x128x128xf32, #tpu.memory_space<hbm>> -> memref<128x128xf32, #tpu.memory_space<hbm>>
      tpu.enqueue_dma source(%arg9 : memref<128x128xf32, #tpu.memory_space<vmem>>) target(%dma_start3A_167 : memref<128x128xf32, #tpu.memory_space<hbm>>) target_semaphore(%run_scoped3A_161 : memref<!tpu.dma_semaphore, #tpu.memory_space<semaphore_mem>>)
      %dma_wait3A_168 = arith.constant 0 : i32
      %dma_wait3A_169 = tpu.memref_slice %arg6[%arg0, %add3A_156, %dma_wait3A_168] : memref<2x10240x128xf32, #tpu.memory_space<hbm>> -> memref<1x128x128xf32, #tpu.memory_space<hbm>>
      %dma_wait3A_170 = tpu.memref_squeeze %dma_wait3A_169 : memref<1x128x128xf32, #tpu.memory_space<hbm>> -> memref<128x128xf32, #tpu.memory_space<hbm>>
      %dma_wait3A_171 = arith.constant 0 : i32
      %dma_wait3A_172 = tpu.memref_slice %arg6[%arg0, %add3A_156, %dma_wait3A_171] : memref<2x10240x128xf32, #tpu.memory_space<hbm>> -> memref<1x128x128xf32, #tpu.memory_space<hbm>>
      %dma_wait3A_173 = tpu.memref_squeeze %dma_wait3A_172 : memref<1x128x128xf32, #tpu.memory_space<hbm>> -> memref<128x128xf32, #tpu.memory_space<hbm>>
      tpu.wait_dma2 semaphore(%run_scoped3A_161 : memref<!tpu.dma_semaphore, #tpu.memory_space<semaphore_mem>>) src(%arg9 : memref<128x128xf32, #tpu.memory_space<vmem>>) dst(%dma_wait3A_173 : memref<128x128xf32, #tpu.memory_space<hbm>>)
      tpu.yield
    }) : () -> ()
    return
  }
}

module attributes {stable_mosaic.version = 14 : i64} {
  func.func @_tc_mm_body(%arg0: i32, %arg1: memref<2000x128xf32, #tpu.memory_space<vmem>>, %arg2: memref<128x128xf32, #tpu.memory_space<vmem>>, %arg3: memref<2000x128xf32, #tpu.memory_space<vmem>>) attributes {dimension_semantics = [#tpu.dimension_semantics<arbitrary>], iteration_bounds = array<i64: 5>, scalar_prefetch = 0 : i64, scratch_operands = 0 : i64, tpu.core_type = #tpu.core_type<tc>, window_params = [{transform_indices = @transform_0, window_bounds = array<i64: 2000, 128>}, {pipeline_mode = #tpu.pipeline_mode<synchronous>, transform_indices = @transform_1, window_bounds = array<i64: 128, 128>}, {transform_indices = @transform_2, window_bounds = array<i64: 2000, 128>}]} {
    %get3A = arith.constant 0 : index
    %get3A_0 = arith.constant 0 : index
    %get3A_1 = vector.load %arg1[%get3A, %get3A_0] : memref<2000x128xf32, #tpu.memory_space<vmem>>, vector<2000x128xf32>
    %get3A_2 = arith.constant 0 : index
    %get3A_3 = arith.constant 0 : index
    %get3A_4 = vector.load %arg2[%get3A_2, %get3A_3] : memref<128x128xf32, #tpu.memory_space<vmem>>, vector<128x128xf32>
    %dot_general3A = arith.constant dense<0.000000e+00> : vector<2000x128xf32>
    %dot_general3A_5 = tpu.matmul %get3A_1, %get3A_4, %dot_general3A {dimension_numbers = #tpu.dot_dimension_numbers<[1], [0], [0], [1], [0, 0, 1, 1], [], []>, precision = #tpu.contract_precision<fp32>, transpose_lhs_hint = false} : vector<2000x128xf32>, vector<128x128xf32>, vector<2000x128xf32> -> vector<2000x128xf32>
    %swap3A = arith.constant 0 : index
    %swap3A_6 = arith.constant 0 : index
    %swap3A_7 = vector.load %arg3[%swap3A, %swap3A_6] : memref<2000x128xf32, #tpu.memory_space<vmem>>, vector<2000x128xf32>
    tpu.vector_store %arg3[%swap3A, %swap3A_6], %dot_general3A_5 {strides = array<i32>} : memref<2000x128xf32, #tpu.memory_space<vmem>>, vector<2000x128xf32>,
    return
  }
  func.func @transform_0(%arg0: i32) -> (i32, i32) {
    %c0_i32 = arith.constant 0 : i32
    %c0_i32_0 = arith.constant 0 : i32
    return %arg0, %c0_i32 : i32, i32
  }
  func.func @transform_1(%arg0: i32) -> (i32, i32) {
    %c0_i32 = arith.constant 0 : i32
    %c0_i32_0 = arith.constant 0 : i32
    %c0_i32_1 = arith.constant 0 : i32
    return %c0_i32, %c0_i32_0 : i32, i32
  }
  func.func @transform_2(%arg0: i32) -> (i32, i32) {
    %c0_i32 = arith.constant 0 : i32
    %c0_i32_0 = arith.constant 0 : i32
    return %arg0, %c0_i32 : i32, i32
  }
}

module attributes {stable_mosaic.version = 14 : i64} {
  func.func @_tc_scale_body(%arg0: i32, %arg1: memref<2000x128xf32, #tpu.memory_space<vmem>>, %arg2: memref<2000x1xf32, #tpu.memory_space<vmem>>, %arg3: memref<2000x1xf32, #tpu.memory_space<vmem>>, %arg4: memref<2000x128xf32, #tpu.memory_space<vmem>>, %arg5: memref<2000x1xf32, #tpu.memory_space<vmem>>) attributes {dimension_semantics = [#tpu.dimension_semantics<arbitrary>], iteration_bounds = array<i64: 5>, scalar_prefetch = 0 : i64, scratch_operands = 0 : i64, tpu.core_type = #tpu.core_type<tc>, window_params = [{transform_indices = @transform_0, window_bounds = array<i64: 2000, 128>}, {transform_indices = @transform_1, window_bounds = array<i64: 2000, 1>}, {transform_indices = @transform_2, window_bounds = array<i64: 2000, 1>}, {transform_indices = @transform_3, window_bounds = array<i64: 2000, 128>}, {transform_indices = @transform_4, window_bounds = array<i64: 2000, 1>}]} {
    %get3A = arith.constant 0 : index
    %get3A_0 = arith.constant 0 : index
    %get3A_1 = vector.load %arg2[%get3A, %get3A_0] : memref<2000x1xf32, #tpu.memory_space<vmem>>, vector<2000x1xf32>
    %get3A_2 = arith.constant 0 : index
    %get3A_3 = arith.constant 0 : index
    %get3A_4 = vector.load %arg3[%get3A_2, %get3A_3] : memref<2000x1xf32, #tpu.memory_space<vmem>>, vector<2000x1xf32>
    %add3A = arith.addf %get3A_1, %get3A_4 : vector<2000x1xf32>
    %add3A_5 = arith.constant 1.000000e+00 : f32
    %add3A_6 = vector.broadcast %add3A_5 : f32 to vector<2000x1xf32>
    %add3A_7 = arith.addf %add3A, %add3A_6 : vector<2000x1xf32>
    %rsqrt3A = math.rsqrt %add3A_7 : vector<2000x1xf32>
    %get3A_8 = arith.constant 0 : index
    %get3A_9 = arith.constant 0 : index
    %get3A_10 = vector.load %arg1[%get3A_8, %get3A_9] : memref<2000x128xf32, #tpu.memory_space<vmem>>, vector<2000x128xf32>
    %mul3A = vector.broadcast %rsqrt3A : vector<2000x1xf32> to vector<2000x128xf32>
    %mul3A_11 = arith.mulf %get3A_10, %mul3A : vector<2000x128xf32>
    %swap3A = arith.constant 0 : index
    %swap3A_12 = arith.constant 0 : index
    %swap3A_13 = vector.load %arg4[%swap3A, %swap3A_12] : memref<2000x128xf32, #tpu.memory_space<vmem>>, vector<2000x128xf32>
    tpu.vector_store %arg4[%swap3A, %swap3A_12], %mul3A_11 {strides = array<i32>} : memref<2000x128xf32, #tpu.memory_space<vmem>>, vector<2000x128xf32>,
    %swap3A_14 = arith.constant 0 : index
    %swap3A_15 = arith.constant 0 : index
    %swap3A_16 = vector.load %arg5[%swap3A_14, %swap3A_15] : memref<2000x1xf32, #tpu.memory_space<vmem>>, vector<2000x1xf32>
    tpu.vector_store %arg5[%swap3A_14, %swap3A_15], %rsqrt3A {strides = array<i32>} : memref<2000x1xf32, #tpu.memory_space<vmem>>, vector<2000x1xf32>,
    return
  }
  func.func @transform_0(%arg0: i32) -> (i32, i32) {
    %c0_i32 = arith.constant 0 : i32
    %c0_i32_0 = arith.constant 0 : i32
    return %arg0, %c0_i32 : i32, i32
  }
  func.func @transform_1(%arg0: i32) -> (i32, i32) {
    %c0_i32 = arith.constant 0 : i32
    %c0_i32_0 = arith.constant 0 : i32
    return %arg0, %c0_i32 : i32, i32
  }
  func.func @transform_2(%arg0: i32) -> (i32, i32) {
    %c0_i32 = arith.constant 0 : i32
    %c0_i32_0 = arith.constant 0 : i32
    return %arg0, %c0_i32 : i32, i32
  }
  func.func @transform_3(%arg0: i32) -> (i32, i32) {
    %c0_i32 = arith.constant 0 : i32
    %c0_i32_0 = arith.constant 0 : i32
    return %arg0, %c0_i32 : i32, i32
  }
  func.func @transform_4(%arg0: i32) -> (i32, i32) {
    %c0_i32 = arith.constant 0 : i32
    %c0_i32_0 = arith.constant 0 : i32
    return %arg0, %c0_i32 : i32, i32
  }
}

module attributes {stable_mosaic.version = 14 : i64} {
  func.func @_tc_mid_body(%arg0: i32, %arg1: memref<1x2000x128xf32, #tpu.memory_space<vmem>>, %arg2: memref<1x2000x128xf32, #tpu.memory_space<vmem>>, %arg3: memref<2000x128xf32, #tpu.memory_space<vmem>>, %arg4: memref<2000x1xf32, #tpu.memory_space<vmem>>, %arg5: memref<1x128xf32, #tpu.memory_space<vmem>>, %arg6: memref<128x128xf32, #tpu.memory_space<vmem>>, %arg7: memref<2000x128xf32, #tpu.memory_space<vmem>>) attributes {dimension_semantics = [#tpu.dimension_semantics<arbitrary>], iteration_bounds = array<i64: 5>, scalar_prefetch = 0 : i64, scratch_operands = 0 : i64, tpu.core_type = #tpu.core_type<tc>, window_params = [{transform_indices = @transform_0, window_bounds = array<i64: 1, 2000, 128>}, {transform_indices = @transform_1, window_bounds = array<i64: 1, 2000, 128>}, {transform_indices = @transform_2, window_bounds = array<i64: 2000, 128>}, {transform_indices = @transform_3, window_bounds = array<i64: 2000, 1>}, {pipeline_mode = #tpu.pipeline_mode<synchronous>, transform_indices = @transform_4, window_bounds = array<i64: 1, 128>}, {pipeline_mode = #tpu.pipeline_mode<synchronous>, transform_indices = @transform_5, window_bounds = array<i64: 128, 128>}, {transform_indices = @transform_6, window_bounds = array<i64: 2000, 128>}]} {
    %get3A = arith.constant 0 : index
    %get3A_0 = arith.constant 0 : index
    %get3A_1 = vector.load %arg4[%get3A, %get3A_0] : memref<2000x1xf32, #tpu.memory_space<vmem>>, vector<2000x1xf32>
    %get3A_2 = arith.constant 0 : index
    %get3A_3 = arith.constant 0 : index
    %get3A_4 = arith.constant 0 : index
    %get3A_5 = vector.load %arg1[%get3A_2, %get3A_3, %get3A_4] : memref<1x2000x128xf32, #tpu.memory_space<vmem>>, vector<1x2000x128xf32>
    %get3A_6 = vector.shape_cast %get3A_5 : vector<1x2000x128xf32> to vector<2000x128xf32>
    %get3A_7 = arith.constant 0 : index
    %get3A_8 = arith.constant 0 : index
    %get3A_9 = arith.constant 0 : index
    %get3A_10 = vector.load %arg2[%get3A_7, %get3A_8, %get3A_9] : memref<1x2000x128xf32, #tpu.memory_space<vmem>>, vector<1x2000x128xf32>
    %get3A_11 = vector.shape_cast %get3A_10 : vector<1x2000x128xf32> to vector<2000x128xf32>
    %add3A = arith.addf %get3A_6, %get3A_11 : vector<2000x128xf32>
    %get3A_12 = arith.constant 0 : index
    %get3A_13 = arith.constant 0 : index
    %get3A_14 = vector.load %arg3[%get3A_12, %get3A_13] : memref<2000x128xf32, #tpu.memory_space<vmem>>, vector<2000x128xf32>
    %add3A_15 = arith.addf %add3A, %get3A_14 : vector<2000x128xf32>
    %mul3A = vector.broadcast %get3A_1 : vector<2000x1xf32> to vector<2000x128xf32>
    %mul3A_16 = arith.mulf %add3A_15, %mul3A : vector<2000x128xf32>
    %get3A_17 = arith.constant 0 : index
    %get3A_18 = arith.constant 0 : index
    %get3A_19 = vector.load %arg5[%get3A_17, %get3A_18] : memref<1x128xf32, #tpu.memory_space<vmem>>, vector<1x128xf32>
    %add3A_20 = vector.broadcast %get3A_19 : vector<1x128xf32> to vector<2000x128xf32>
    %add3A_21 = arith.addf %mul3A_16, %add3A_20 : vector<2000x128xf32>
    %max3A = arith.constant 0.000000e+00 : f32
    %max3A_22 = vector.broadcast %max3A : f32 to vector<2000x128xf32>
    %max3A_23 = arith.maximumf %add3A_21, %max3A_22 : vector<2000x128xf32>
    %get3A_24 = arith.constant 0 : index
    %get3A_25 = arith.constant 0 : index
    %get3A_26 = vector.load %arg6[%get3A_24, %get3A_25] : memref<128x128xf32, #tpu.memory_space<vmem>>, vector<128x128xf32>
    %dot_general3A = arith.constant dense<0.000000e+00> : vector<2000x128xf32>
    %dot_general3A_27 = tpu.matmul %max3A_23, %get3A_26, %dot_general3A {dimension_numbers = #tpu.dot_dimension_numbers<[1], [0], [0], [1], [0, 0, 1, 1], [], []>, precision = #tpu.contract_precision<fp32>, transpose_lhs_hint = false} : vector<2000x128xf32>, vector<128x128xf32>, vector<2000x128xf32> -> vector<2000x128xf32>
    %mul3A_28 = vector.broadcast %get3A_1 : vector<2000x1xf32> to vector<2000x128xf32>
    %mul3A_29 = arith.mulf %dot_general3A_27, %mul3A_28 : vector<2000x128xf32>
    %swap3A = arith.constant 0 : index
    %swap3A_30 = arith.constant 0 : index
    %swap3A_31 = vector.load %arg7[%swap3A, %swap3A_30] : memref<2000x128xf32, #tpu.memory_space<vmem>>, vector<2000x128xf32>
    tpu.vector_store %arg7[%swap3A, %swap3A_30], %mul3A_29 {strides = array<i32>} : memref<2000x128xf32, #tpu.memory_space<vmem>>, vector<2000x128xf32>,
    return
  }
  func.func @transform_0(%arg0: i32) -> (i32, i32, i32) {
    %c0_i32 = arith.constant 0 : i32
    %c0_i32_0 = arith.constant 0 : i32
    %c0_i32_1 = arith.constant 0 : i32
    return %c0_i32, %arg0, %c0_i32_0 : i32, i32, i32
  }
  func.func @transform_1(%arg0: i32) -> (i32, i32, i32) {
    %c1_i32 = arith.constant 1 : i32
    %c0_i32 = arith.constant 0 : i32
    %c0_i32_0 = arith.constant 0 : i32
    return %c1_i32, %arg0, %c0_i32 : i32, i32, i32
  }
  func.func @transform_2(%arg0: i32) -> (i32, i32) {
    %c0_i32 = arith.constant 0 : i32
    %c0_i32_0 = arith.constant 0 : i32
    return %arg0, %c0_i32 : i32, i32
  }
  func.func @transform_3(%arg0: i32) -> (i32, i32) {
    %c0_i32 = arith.constant 0 : i32
    %c0_i32_0 = arith.constant 0 : i32
    return %arg0, %c0_i32 : i32, i32
  }
  func.func @transform_4(%arg0: i32) -> (i32, i32) {
    %c0_i32 = arith.constant 0 : i32
    %c0_i32_0 = arith.constant 0 : i32
    %c0_i32_1 = arith.constant 0 : i32
    return %c0_i32, %c0_i32_0 : i32, i32
  }
  func.func @transform_5(%arg0: i32) -> (i32, i32) {
    %c0_i32 = arith.constant 0 : i32
    %c0_i32_0 = arith.constant 0 : i32
    %c0_i32_1 = arith.constant 0 : i32
    return %c0_i32, %c0_i32_0 : i32, i32
  }
  func.func @transform_6(%arg0: i32) -> (i32, i32) {
    %c0_i32 = arith.constant 0 : i32
    %c0_i32_0 = arith.constant 0 : i32
    return %arg0, %c0_i32 : i32, i32
  }
}

module attributes {stable_mosaic.version = 14 : i64} {
  func.func @_tc_last_body(%arg0: i32, %arg1: memref<1x2000x128xf32, #tpu.memory_space<vmem>>, %arg2: memref<1x2000x128xf32, #tpu.memory_space<vmem>>, %arg3: memref<2000x128xf32, #tpu.memory_space<vmem>>, %arg4: memref<2000x1xf32, #tpu.memory_space<vmem>>, %arg5: memref<1x128xf32, #tpu.memory_space<vmem>>, %arg6: memref<2000x1xi32, #tpu.memory_space<vmem>>, %arg7: memref<128x1xf32, #tpu.memory_space<vmem>>, %arg8: memref<1x1xf32, #tpu.memory_space<vmem>>, %arg9: memref<64x1xf32, #tpu.memory_space<vmem>>, %arg10: memref<64x128xf32, #tpu.memory_space<vmem>>, %arg11: memref<64x128xf32, #tpu.memory_space<vmem>>) attributes {dimension_semantics = [#tpu.dimension_semantics<arbitrary>], iteration_bounds = array<i64: 5>, scalar_prefetch = 0 : i64, scratch_operands = 2 : i64, tpu.core_type = #tpu.core_type<tc>, window_params = [{transform_indices = @transform_0, window_bounds = array<i64: 1, 2000, 128>}, {transform_indices = @transform_1, window_bounds = array<i64: 1, 2000, 128>}, {transform_indices = @transform_2, window_bounds = array<i64: 2000, 128>}, {transform_indices = @transform_3, window_bounds = array<i64: 2000, 1>}, {pipeline_mode = #tpu.pipeline_mode<synchronous>, transform_indices = @transform_4, window_bounds = array<i64: 1, 128>}, {transform_indices = @transform_5, window_bounds = array<i64: 2000, 1>}, {pipeline_mode = #tpu.pipeline_mode<synchronous>, transform_indices = @transform_6, window_bounds = array<i64: 128, 1>}, {pipeline_mode = #tpu.pipeline_mode<synchronous>, transform_indices = @transform_7, window_bounds = array<i64: 1, 1>}, {pipeline_mode = #tpu.pipeline_mode<synchronous>, transform_indices = @transform_8, window_bounds = array<i64: 64, 1>}]} {
    %get3A = arith.constant 0 : index
    %get3A_0 = arith.constant 0 : index
    %get3A_1 = arith.constant 0 : index
    %get3A_2 = vector.load %arg1[%get3A, %get3A_0, %get3A_1] : memref<1x2000x128xf32, #tpu.memory_space<vmem>>, vector<1x2000x128xf32>
    %get3A_3 = vector.shape_cast %get3A_2 : vector<1x2000x128xf32> to vector<2000x128xf32>
    %get3A_4 = arith.constant 0 : index
    %get3A_5 = arith.constant 0 : index
    %get3A_6 = arith.constant 0 : index
    %get3A_7 = vector.load %arg2[%get3A_4, %get3A_5, %get3A_6] : memref<1x2000x128xf32, #tpu.memory_space<vmem>>, vector<1x2000x128xf32>
    %get3A_8 = vector.shape_cast %get3A_7 : vector<1x2000x128xf32> to vector<2000x128xf32>
    %add3A = arith.addf %get3A_3, %get3A_8 : vector<2000x128xf32>
    %get3A_9 = arith.constant 0 : index
    %get3A_10 = arith.constant 0 : index
    %get3A_11 = vector.load %arg3[%get3A_9, %get3A_10] : memref<2000x128xf32, #tpu.memory_space<vmem>>, vector<2000x128xf32>
    %add3A_12 = arith.addf %add3A, %get3A_11 : vector<2000x128xf32>
    %get3A_13 = arith.constant 0 : index
    %get3A_14 = arith.constant 0 : index
    %get3A_15 = vector.load %arg4[%get3A_13, %get3A_14] : memref<2000x1xf32, #tpu.memory_space<vmem>>, vector<2000x1xf32>
    %mul3A = vector.broadcast %get3A_15 : vector<2000x1xf32> to vector<2000x128xf32>
    %mul3A_16 = arith.mulf %add3A_12, %mul3A : vector<2000x128xf32>
    %get3A_17 = arith.constant 0 : index
    %get3A_18 = arith.constant 0 : index
    %get3A_19 = vector.load %arg5[%get3A_17, %get3A_18] : memref<1x128xf32, #tpu.memory_space<vmem>>, vector<1x128xf32>
    %add3A_20 = vector.broadcast %get3A_19 : vector<1x128xf32> to vector<2000x128xf32>
    %add3A_21 = arith.addf %mul3A_16, %add3A_20 : vector<2000x128xf32>
    %max3A = arith.constant 0.000000e+00 : f32
    %max3A_22 = vector.broadcast %max3A : f32 to vector<2000x128xf32>
    %max3A_23 = arith.maximumf %add3A_21, %max3A_22 : vector<2000x128xf32>
    %iota3A = tpu.iota {dimensions = array<i32: 1>} : vector<2000x64xi32>
    %get3A_24 = arith.constant 0 : index
    %get3A_25 = arith.constant 0 : index
    %get3A_26 = vector.load %arg6[%get3A_24, %get3A_25] : memref<2000x1xi32, #tpu.memory_space<vmem>>, vector<2000x1xi32>
    %eq3A = vector.broadcast %get3A_26 : vector<2000x1xi32> to vector<2000x64xi32>
    %eq3A_27 = arith.cmpi eq, %eq3A, %iota3A : vector<2000x64xi32>
    %convert_element_type3A = arith.extui %eq3A_27 : vector<2000x64xi1> to vector<2000x64xi32>
    %convert_element_type3A_28 = arith.sitofp %convert_element_type3A : vector<2000x64xi32> to vector<2000x64xf32>
    %dot_general3A = arith.constant dense<0.000000e+00> : vector<64x128xf32>
    %dot_general3A_29 = tpu.matmul %convert_element_type3A_28, %max3A_23, %dot_general3A {dimension_numbers = #tpu.dot_dimension_numbers<[0], [0], [1], [1], [0, 1, 1, 1], [], []>, precision = #tpu.contract_precision<fp32>, transpose_lhs_hint = false} : vector<2000x64xf32>, vector<2000x128xf32>, vector<64x128xf32> -> vector<64x128xf32>
    %broadcast_in_dim3A = arith.constant 1.000000e+00 : f32
    %broadcast_in_dim3A_30 = vector.broadcast %broadcast_in_dim3A : f32 to vector<2000x128xf32>
    %dot_general3A_31 = arith.constant dense<0.000000e+00> : vector<64x128xf32>
    %dot_general3A_32 = tpu.matmul %convert_element_type3A_28, %broadcast_in_dim3A_30, %dot_general3A_31 {dimension_numbers = #tpu.dot_dimension_numbers<[0], [0], [1], [1], [0, 1, 1, 1], [], []>, precision = #tpu.contract_precision<fp32>, transpose_lhs_hint = false} : vector<2000x64xf32>, vector<2000x128xf32>, vector<64x128xf32> -> vector<64x128xf32>
    %eq3A_33 = arith.constant 0 : i32
    %eq3A_34 = arith.cmpi eq, %arg0, %eq3A_33 : i32
    %convert_element_type3A_35 = arith.extui %eq3A_34 : i1 to i32
    %cond3A = arith.constant 0 : i32
    %cond3A_36 = arith.cmpi ne, %convert_element_type3A_35, %cond3A : i32
    scf.if %cond3A_36 {
      %swap3A = arith.constant 0 : index
      %swap3A_46 = arith.constant 0 : index
      %swap3A_47 = vector.load %arg10[%swap3A, %swap3A_46] : memref<64x128xf32, #tpu.memory_space<vmem>>, vector<64x128xf32>
      tpu.vector_store %arg10[%swap3A, %swap3A_46], %dot_general3A_29 {strides = array<i32>} : memref<64x128xf32, #tpu.memory_space<vmem>>, vector<64x128xf32>,
      %swap3A_48 = arith.constant 0 : index
      %swap3A_49 = arith.constant 0 : index
      %swap3A_50 = vector.load %arg11[%swap3A_48, %swap3A_49] : memref<64x128xf32, #tpu.memory_space<vmem>>, vector<64x128xf32>
      tpu.vector_store %arg11[%swap3A_48, %swap3A_49], %dot_general3A_32 {strides = array<i32>} : memref<64x128xf32, #tpu.memory_space<vmem>>, vector<64x128xf32>,
    } else {
    }
    %gt3A = arith.constant 0 : i32
    %gt3A_37 = arith.cmpi sgt, %arg0, %gt3A : i32
    %convert_element_type3A_38 = arith.extui %gt3A_37 : i1 to i32
    %cond3A_39 = arith.constant 0 : i32
    %cond3A_40 = arith.cmpi ne, %convert_element_type3A_38, %cond3A_39 : i32
    scf.if %cond3A_40 {
      %get3A_46 = arith.constant 0 : index
      %get3A_47 = arith.constant 0 : index
      %get3A_48 = vector.load %arg10[%get3A_46, %get3A_47] : memref<64x128xf32, #tpu.memory_space<vmem>>, vector<64x128xf32>
      %add3A_49 = arith.addf %get3A_48, %dot_general3A_29 : vector<64x128xf32>
      %swap3A = arith.constant 0 : index
      %swap3A_50 = arith.constant 0 : index
      %swap3A_51 = vector.load %arg10[%swap3A, %swap3A_50] : memref<64x128xf32, #tpu.memory_space<vmem>>, vector<64x128xf32>
      tpu.vector_store %arg10[%swap3A, %swap3A_50], %add3A_49 {strides = array<i32>} : memref<64x128xf32, #tpu.memory_space<vmem>>, vector<64x128xf32>,
      %get3A_52 = arith.constant 0 : index
      %get3A_53 = arith.constant 0 : index
      %get3A_54 = vector.load %arg11[%get3A_52, %get3A_53] : memref<64x128xf32, #tpu.memory_space<vmem>>, vector<64x128xf32>
      %add3A_55 = arith.addf %get3A_54, %dot_general3A_32 : vector<64x128xf32>
      %swap3A_56 = arith.constant 0 : index
      %swap3A_57 = arith.constant 0 : index
      %swap3A_58 = vector.load %arg11[%swap3A_56, %swap3A_57] : memref<64x128xf32, #tpu.memory_space<vmem>>, vector<64x128xf32>
      tpu.vector_store %arg11[%swap3A_56, %swap3A_57], %add3A_55 {strides = array<i32>} : memref<64x128xf32, #tpu.memory_space<vmem>>, vector<64x128xf32>,
    } else {
    }
    %eq3A_41 = arith.constant 4 : i32
    %eq3A_42 = arith.cmpi eq, %arg0, %eq3A_41 : i32
    %convert_element_type3A_43 = arith.extui %eq3A_42 : i1 to i32
    %cond3A_44 = arith.constant 0 : i32
    %cond3A_45 = arith.cmpi ne, %convert_element_type3A_43, %cond3A_44 : i32
    scf.if %cond3A_45 {
      %get3A_46 = arith.constant 0 : index
      %get3A_47 = arith.constant 0 : index
      %get3A_48 = vector.load %arg10[%get3A_46, %get3A_47] : memref<64x128xf32, #tpu.memory_space<vmem>>, vector<64x128xf32>
      %get3A_49 = arith.constant 0 : index
      %get3A_50 = arith.constant 0 : index
      %get3A_51 = vector.load %arg11[%get3A_49, %get3A_50] : memref<64x128xf32, #tpu.memory_space<vmem>>, vector<64x128xf32>
      %max3A_52 = arith.constant 1.000000e+00 : f32
      %max3A_53 = vector.broadcast %max3A_52 : f32 to vector<64x128xf32>
      %max3A_54 = arith.maximumf %get3A_51, %max3A_53 : vector<64x128xf32>
      %div3A = arith.divf %get3A_48, %max3A_54 : vector<64x128xf32>
      %get3A_55 = arith.constant 0 : index
      %get3A_56 = arith.constant 0 : index
      %get3A_57 = vector.load %arg7[%get3A_55, %get3A_56] : memref<128x1xf32, #tpu.memory_space<vmem>>, vector<128x1xf32>
      %dot_general3A_58 = arith.constant dense<0.000000e+00> : vector<64x1xf32>
      %dot_general3A_59 = tpu.matmul %div3A, %get3A_57, %dot_general3A_58 {dimension_numbers = #tpu.dot_dimension_numbers<[1], [0], [0], [1], [0, 0, 1, 1], [], []>, precision = #tpu.contract_precision<fp32>, transpose_lhs_hint = false} : vector<64x128xf32>, vector<128x1xf32>, vector<64x1xf32> -> vector<64x1xf32>
      %get3A_60 = arith.constant 0 : index
      %get3A_61 = arith.constant 0 : index
      %get3A_62 = vector.load %arg8[%get3A_60, %get3A_61] : memref<1x1xf32, #tpu.memory_space<vmem>>, vector<1x1xf32>
      %add3A_63 = vector.broadcast %get3A_62 : vector<1x1xf32> to vector<64x1xf32>
      %add3A_64 = arith.addf %dot_general3A_59, %add3A_63 : vector<64x1xf32>
      %swap3A = arith.constant 0 : index
      %swap3A_65 = arith.constant 0 : index
      %swap3A_66 = vector.load %arg9[%swap3A, %swap3A_65] : memref<64x1xf32, #tpu.memory_space<vmem>>, vector<64x1xf32>
      tpu.vector_store %arg9[%swap3A, %swap3A_65], %add3A_64 {strides = array<i32>} : memref<64x1xf32, #tpu.memory_space<vmem>>, vector<64x1xf32>,
    } else {
    }
    return
  }
  func.func @transform_0(%arg0: i32) -> (i32, i32, i32) {
    %c0_i32 = arith.constant 0 : i32
    %c0_i32_0 = arith.constant 0 : i32
    %c0_i32_1 = arith.constant 0 : i32
    return %c0_i32, %arg0, %c0_i32_0 : i32, i32, i32
  }
  func.func @transform_1(%arg0: i32) -> (i32, i32, i32) {
    %c1_i32 = arith.constant 1 : i32
    %c0_i32 = arith.constant 0 : i32
    %c0_i32_0 = arith.constant 0 : i32
    return %c1_i32, %arg0, %c0_i32 : i32, i32, i32
  }
  func.func @transform_2(%arg0: i32) -> (i32, i32) {
    %c0_i32 = arith.constant 0 : i32
    %c0_i32_0 = arith.constant 0 : i32
    return %arg0, %c0_i32 : i32, i32
  }
  func.func @transform_3(%arg0: i32) -> (i32, i32) {
    %c0_i32 = arith.constant 0 : i32
    %c0_i32_0 = arith.constant 0 : i32
    return %arg0, %c0_i32 : i32, i32
  }
  func.func @transform_4(%arg0: i32) -> (i32, i32) {
    %c0_i32 = arith.constant 0 : i32
    %c0_i32_0 = arith.constant 0 : i32
    %c0_i32_1 = arith.constant 0 : i32
    return %c0_i32, %c0_i32_0 : i32, i32
  }
  func.func @transform_5(%arg0: i32) -> (i32, i32) {
    %c0_i32 = arith.constant 0 : i32
    %c0_i32_0 = arith.constant 0 : i32
    return %arg0, %c0_i32 : i32, i32
  }
  func.func @transform_6(%arg0: i32) -> (i32, i32) {
    %c0_i32 = arith.constant 0 : i32
    %c0_i32_0 = arith.constant 0 : i32
    %c0_i32_1 = arith.constant 0 : i32
    return %c0_i32, %c0_i32_0 : i32, i32
  }
  func.func @transform_7(%arg0: i32) -> (i32, i32) {
    %c0_i32 = arith.constant 0 : i32
    %c0_i32_0 = arith.constant 0 : i32
    %c0_i32_1 = arith.constant 0 : i32
    return %c0_i32, %c0_i32_0 : i32, i32
  }
  func.func @transform_8(%arg0: i32) -> (i32, i32) {
    %c0_i32 = arith.constant 0 : i32
    %c0_i32_0 = arith.constant 0 : i32
    %c0_i32_1 = arith.constant 0 : i32
    return %c0_i32, %c0_i32_0 : i32, i32
  }
}

</mosaic_0001>

<sc_bundles>
// kernel: kernel.12.cloned.1.call-start
scs
__scs_entry_jumppad:
0x0: {  	(pc) =	sbr.rel $0x88, $3  }
0x1: {  	(tag) =	ssettag $0x0;
	lr =	simm.s32 $0x1  }
0x2: {  	[smem:$0x3F98] =	sst lr;
	_ =	strace $0xD0000000  }
0x3: {  	_ = 	snop  }
0x4: {  	_ = 	snop  }
0x5: {  	_ = 	snop  }
0x6: {  	_ = 	snop  }
0x7: {  	_ = 	snop  }
__scs_overlays_trampoline_lowered:
0x8: {  	[smem:$0x3FA7] =	sst s0  }
0x9: {  	[smem:$0x3FA8] =	sst s1  }
0xa: {  	[smem:$0x3FA9] =	sst s2  }
0xb: {  	[smem:$0x3FAA] =	sst s3  }
0xc: {  	[smem:$0x3FAB] =	sst s4  }
0xd: {  	[smem:$0x3FAC] =	sst s5  }
0xe: {  	[smem:$0x3FAD] =	sst s6  }
0xf: {  	[smem:$0x3FAE] =	sst s7  }
0x10: {  	[smem:$0x3FAF] =	sst s8  }
0x11: {  	[smem:$0x3FB0] =	sst s9;
	s0 =	simm.s32 @!p0 $0x0  }
0x12: {  	s1 =	sld [smem:$0x3F96];
	s0 =	simm.s32 @p0 $0x1  }
0x13: {  	[smem:$0x3FB1] =	sst s0;
	s0 =	simm.s32 @!p1 $0x0  }
0x14: {  	s2 =	sld [smem:$0x3F95];
	s0 =	simm.s32 @p1 $0x1  }
0x15: {  	[smem:$0x3FB2] =	sst s0;
	s0 =	simm.s32 @!p2 $0x0  }
0x16: {  	s3 =	sld [smem:$0x3FDB];
	s0 =	simm.s32 @p2 $0x1  }
0x17: {  	s4 =	simm.s32 $0x1BF5;
	[smem:$0x3FB4] =	sst s0  }
0x18: {  	s0 =	sld [smem:$0x3F97];
	_ =	swait.ge [sflag:s4], $0x0  }
0x19: {  	s7 =	sld [smem:$0x3F98]  }
0x1a: {  	s8 =	sadd.s32 $0xFFFFE003, lr  }
0x1b: {  	s9 =	sadd.s32 $0xFFFFFEF7, lr;
	s5 =	simm.s32 $0xFFFFFFFF;
	p2 =	slt.u32 s8, $0xFFFFF086  }
0x1c: {  	p1 =	slt.u32 s9, $0xF7A;
	s5 =	simm.s32 @!p2 $0x0  }
0x1d: {  	s5 =	simm.s32 @p1 $0x1;
	p0 =	seq.s32 s7, s2  }
0x1e: {  	s7 =	smul.u32 @!p0 $0xF7A, s2;
	p2 =	seq.s32 @!p0 s5, $0x0  }
0x1f: {  	s9 =	smul.u32 $0xF7A, s1;
	s8 =	simm.s32 @!p0 $0x1BF5;
	p2 =	por !p2, p0  }
0x20: {  	[sflag:s8] =	ssyncset.s32 @!p0 $0xFFFFF086;
	s6 =	sadd.s32 @!p0 s3, s7;
	s7 =	simm.s32 @!p0 $0x108  }
0x21: {  	s3 =	sadd.s32 s3, s9;
	s6 =	sadd.s32 @!p0 $0x88, s6;
	s7 =	simm.s32 @p2 $0x1082  }
0x22: {  	[simem:s7], [sflag:s8] =	dma.local @!p0 [hbm:s6], $0xF7A  }
0x23: {  	s9 =	sor.u32 $0xD0000000, s2;
	s6 =	simm.s32 $0x108;
	_ =	swait.ge @!p0 [sflag:s8], $0x0  }
0x24: {  	s3 =	sadd.s32 $0x88, s3;
	s6 =	simm.s32 @!p1 $0x1082;
	[sflag:s4] =	ssyncset.s32 $0xFFFFF086  }
0x25: {  	[simem:s6], [sflag:s4] =	dma.local [hbm:s3], $0xF7A  }
0x26: {  	[smem:$0x3F98] =	sst s1;
	(tag) =	ssettag s2;
	_ =	strace s9  }
0x27: {  	s1 =	sld [smem:$0x3FA8]  }
0x28: {  	s2 =	sld [smem:$0x3FA9]  }
0x29: {  	s4 =	sld [smem:$0x3FAB]  }
0x2a: {  	p0 =	seq.s32 s5, $0x0;
	s5 =	sld [smem:$0x3FAC]  }
0x2b: {  	s6 =	sld [smem:$0x3FAD]  }
0x2c: {  	s7 =	sld [smem:$0x3FAE]  }
0x2d: {  	s3 =	simm.s32 $0x108;
	s8 =	sld [smem:$0x3FAF]  }
0x2e: {  	s3 =	simm.s32 @!p0 $0x1082;
	s9 =	sld [smem:$0x3FB0]  }
0x2f: {  	lr =	sadd.s32 s0, s3;
	s0 =	sld [smem:$0x3FA7]  }
0x30: {  	s3 =	sld [smem:$0x3FAA]  }
0x31: {  	[smem:$0x3FB3] =	sst s10  }
0x32: {  	s10 =	sld [smem:$0x3FB1];
	_ =	sdelay $0x3  }
0x33: {  	p0 =	seq.s32 s10, $0x1;
	s10 =	sld [smem:$0x3FB3];
	_ =	sdelay $0x3  }
0x34: {  	[smem:$0x3FB3] =	sst s10  }
0x35: {  	s10 =	sld [smem:$0x3FB2];
	_ =	sdelay $0x3  }
0x36: {  	p1 =	seq.s32 s10, $0x1;
	s10 =	sld [smem:$0x3FB3];
	_ =	sdelay $0x3  }
0x37: {  	[smem:$0x3FB3] =	sst s10  }
0x38: {  	s10 =	sld [smem:$0x3FB4]  }
0x39: {  	_ = 	snop;
	(pc) =	sbr.ind lr, $3  }
0x3a: {  	_ = 	snop  }
0x3b: {  	_ = 	snop  }
0x3c: {  	p2 =	seq.s32 s10, $0x1;
	s10 =	sld [smem:$0x3FB3]  }
0x3d: {  	_ =	shalt  }
0x3e: {  	_ =	shalt  }
0x3f: {  	_ =	shalt  }
0x40: {  	_ =	shalt  }
0x41: {  	_ =	shalt  }
0x42: {  	_ =	shalt  }
0x43: {  	_ =	shalt  }
0x44: {  	_ =	shalt  }
0x45: {  	_ =	shalt  }
0x46: {  	_ =	shalt  }
0x47: {  	_ =	shalt  }
0x48: {  	_ =	shalt  }
0x49: {  	_ =	shalt  }
0x4a: {  	_ =	shalt  }
0x4b: {  	_ =	shalt  }
0x4c: {  	_ =	shalt  }
0x4d: {  	_ =	shalt  }
0x4e: {  	_ =	shalt  }
0x4f: {  	_ =	shalt  }
0x50: {  	_ =	shalt  }
0x51: {  	_ =	shalt  }
0x52: {  	_ =	shalt  }
0x53: {  	_ =	shalt  }
0x54: {  	_ =	shalt  }
0x55: {  	_ =	shalt  }
0x56: {  	_ =	shalt  }
0x57: {  	_ =	shalt  }
0x58: {  	_ =	shalt  }
0x59: {  	_ =	shalt  }
0x5a: {  	_ =	shalt  }
0x5b: {  	_ =	shalt  }
0x5c: {  	_ =	shalt  }
0x5d: {  	_ =	shalt  }
0x5e: {  	_ =	shalt  }
0x5f: {  	_ =	shalt  }
0x60: {  	_ =	shalt  }
0x61: {  	_ =	shalt  }
0x62: {  	_ =	shalt  }
0x63: {  	_ =	shalt  }
0x64: {  	_ =	shalt  }
0x65: {  	_ =	shalt  }
0x66: {  	_ =	shalt  }
0x67: {  	_ =	shalt  }
0x68: {  	_ =	shalt  }
0x69: {  	_ =	shalt  }
0x6a: {  	_ =	shalt  }
0x6b: {  	_ =	shalt  }
0x6c: {  	_ =	shalt  }
0x6d: {  	_ =	shalt  }
0x6e: {  	_ =	shalt  }
0x6f: {  	_ =	shalt  }
0x70: {  	_ =	shalt  }
0x71: {  	_ =	shalt  }
0x72: {  	_ =	shalt  }
0x73: {  	_ =	shalt  }
0x74: {  	_ =	shalt  }
0x75: {  	_ =	shalt  }
0x76: {  	_ =	shalt  }
0x77: {  	_ =	shalt  }
0x78: {  	_ =	shalt  }
0x79: {  	_ =	shalt  }
0x7a: {  	_ =	shalt  }
0x7b: {  	_ =	shalt  }
0x7c: {  	_ =	shalt  }
0x7d: {  	_ =	shalt  }
0x7e: {  	_ =	shalt  }
0x7f: {  	_ =	shalt  }
0x80: {  	_ =	shalt  }
0x81: {  	_ =	shalt  }
0x82: {  	_ =	shalt  }
0x83: {  	_ =	shalt  }
0x84: {  	_ =	shalt  }
0x85: {  	_ =	shalt  }
0x86: {  	_ =	shalt  }
0x87: {  	_ =	shalt  }
.Lfunc_end0:
.L_simem_size_0:
called_computation.1_lowered:
.L_overlay_start_0:
0x88: {  	s2 =	sld [smem:$0x3FD9]  }
0x89: {  	s3 =	sld [smem:$0x3FFE];
	_ =	sdelay $0x1  }
0x8a: {  	s1 =	srdreg.scid  }
0x8b: {  	s0 =	sand.u32 $0x1, s1  }
0x8c: {  	s16 =	sshll.u32 s0, $0xA;
	s2 =	sadd.s32 s3, s2  }
0x8d: {  	s2 =	sadd.s32 s2, s16  }
0x8e: {  	[smem:$0x3FBF] =	sst s2  }
0x8f: {  	_ = 	snop  }
0x90: {  	(tm) =	ssettm $0x1  }
0x91: {  	s17 =	sld [smem:$0x3FFB];
	_ =	sdelay $0x3  }
0x92: {  	_ =	strace s17  }
0x93: {  	s2 =	sld [smem:$0x3FFC];
	_ =	sdelay $0x3  }
0x94: {  	_ =	strace s2  }
0x95: {  	s2 =	sld [smem:$0x3FFD];
	_ =	sdelay $0x3  }
0x96: {  	_ =	strace s2  }
0x97: {  	_ =	strace $0x8FFFFFFF  }
0x98: {  	s18 =	sld [smem:$0x3FDB];
	_ =	sdelay $0x1  }
0x99: {  	s19 =	simm.s32 $_scs_section_size  }
0x9a: {  	s4 =	simm.s32 $_size__tile_overlayer_lowered;
	s5 =	simm.s32 $_tile_overlayer_lowered  }
0x9b: {  	s22 =	simm.s32 $0x1BFF;
	s21 =	sshll.u32 s5, $0x1;
	s2 =	sadd.s32 s19, s18  }
0x9c: {  	s6 =	simm.s32 $0x0;
	s20 =	sshll.u32 s4, $0x1;
	s4 =	sadd.s32 s21, s2  }
0x9d: {  	[timem:s6], [sflag:s22] =	dma.local [hbm:s4], s20  }
0x9e: {  	_ =	swait.ge [sflag:s22], s20  }
0x9f: {  	s3 =	ssub.s32 $0x0, s20;
	[sflag:s22] =	ssyncset.done $0x0  }
0xa0: {  	[sflag:s22] =	ssyncadd.s32 s3;
	_ =	sdelay $0x1  }
0xa1: {  	s23 =	simm.s32 $0x1B8B  }
0xa2: {  	_ =	swait.ge [sflag:s23], $0x1  }
0xa3: {  	[sflag:s23] =	ssyncset.done $0x0  }
0xa4: {  	s25 =	simm.s32 $0x1B8E;
	s24 =	sld [smem:$0x3FFE];
	[sflag:s23] =	ssyncadd.s32 $0xFFFFFFFF  }
0xa5: {  	s26 =	simm.s32 $execute0_lowered;
	[smem:$0x3FD2] =	sst s25  }
0xa6: {  	s4 =	sshll.u32 s26, $0x1;
	_ =	strace $0x80000049;
	[dreg:$0x1] =	wrdreg $0xFFFFFFFF  }
0xa7: {  	s28 =	simm.s32 $_size_execute0_lowered;
	s2 =	sadd.s32 s2, s4;
	[dreg:$0x0] =	wrdreg $0x0  }
0xa8: {  	s4 =	sshll.u32 s28, $0x1;
	[dreg:$0x2] =	wrdreg s2  }
0xa9: {  	[dreg:$0x3] =	wrdreg s4  }
0xaa: {  	[dreg:$0x4] =	wrdreg $0xC0  }
0xab: {  	_ =	task [dreg:s6], $0x5FFFF  }
0xac: {  	[dreg:$0x1] =	wrdreg $0xFFFFFFFF  }
0xad: {  	[dreg:$0x0] =	wrdreg $0x60  }
0xae: {  	[dreg:$0x2] =	wrdreg s24  }
0xaf: {  	[dreg:$0x3] =	wrdreg $0x88000  }
0xb0: {  	[dreg:$0x4] =	wrdreg $0x9  }
0xb1: {  	_ =	task.clear_ibuf [dreg:s6], $0x5FFFF;
	_ =	strace $0x90000049  }
0xb2: {  	s29 =	simm.s32 $0x9;
	_ =	strace $0x8000004B  }
0xb3: {  	_ =	swait.ge [sflag:s29], $0x1  }
0xb4: {  	[sflag:s29] =	ssyncadd.s32 $0xFFFFFFFF  }
0xb5: {  	_ =	strace $0x9000004B  }
0xb6: {  	_ =	sfence  }
0xb7: {  	s30 =	sld [smem:$0x0];
	_ =	sdelay $0x2  }
0xb8: {  	s31 =	sshll.u32 s1, $0xD;
	s1 =	sshrl.u32 s1, $0x2  }
0xb9: {  	s3 =	sand.u32 $0x4000, s31;
	s1 =	sadd.s32 s1, s30  }
0xba: {  	s0 =	sor.u32 s3, s0;
	s1 =	sshll.u32 s1, $0x11  }
0xbb: {  	s0 =	sor.u32 s1, s0  }
0xbc: {  	s0 =	sadd.s32 $0x8F2B, s0  }
0xbd: {  	[sflag:s0] =	ssyncadd.remote.s32 $0x1  }
0xbe: {  	_ =	sfence.sel $0xFFFF  }
0xbf: {  	[dreg:$0x0] =	wrdreg $0xFFFFFFFF;
	(pc) =	sbr.abs _section_cstart, $3  }
0xc0: {  	[dreg:$0x1] =	wrdreg $0xFFFFFFFF  }
0xc1: {  	_ =	task.clear_ibuf [dreg:s6], $0x2FFFF;
	_ =	strace $0x9FFFFFFF  }
0xc2: {  	(tm) =	ssettm $0x7FFFFFFF  }
0xc3: {  	_ =	shalt  }
tec
execute0_lowered:
.L_overlay_start_1:
0x0: {  	(tag) =	ssettag $0x1  }
0x1: {  	s0 =	rddreg [dreg:$0x0]  }
0x2: {  	s1 =	rddreg [dreg:$0x1];
	s2 =	simm.s32 $0x0  }
0x3: {  	s3 =	srdreg.scid;
	s20 =	stileid.u32;
	s28 =	simm.s32 $0x80  }
0x4: {  	s29 =	simm.s32 $0x400;
	s30 =	simm.s32 $0x600;
	s31 =	simm.s32 $0x4800  }
0x5: {  	[smem:$0x7FF] =	sst s2;
	s4 =	sadd.s32 $0x17000, s0;
	s3 =	sand.u32 $0x1, s3  }
0x6: {  	s5 =	sadd.s32 $0xD000, s0;
	s8 =	smul.u32 $0x50000, s20;
	s6 =	sadd.s32 $0x3000, s0  }
0x7: {  	s13 =	smul.u32 $0x14000, s20;
	s10 =	sadd.s32 $0x3E200, s0;
	s0 =	sadd.s32 $0x3EA00, s0  }
0x8: {  	_ =	strace $0x8000004A;
	s7 =	ssub.s32 $0x2, s3;
	s19 =	smul.u32 $0x140000, s3  }
0x9: {  	[dreg:$0xb] =	wrdreg s10;
	s23 =	sshll.u32 s3, $0x4;
	s3 =	smul.u32 $0x28000, s3  }
0xa: {  	s9 =	sshrl.u32 s7, $0x1;
	s8 =	sshrl.u32 s8, $0x2;
	s14 =	sadd.s32 $0x4000, s13  }
0xb: {  	s24 =	sor.u32 s20, s23;
	s25 =	sadd.s32 $0x8000, s13;
	s15 =	sadd.s32 $0xC000, s13  }
0xc: {  	s17 =	sadd.s32 $0x10000, s13;
	s7 =	ssub.s32 s7, s9;
	s9 =	sadd.s32 s8, s1  }
0xd: {  	s21 =	sadd.s32 s14, s1;
	s16 =	smul.u32 $0x2800, s24;
	s22 =	sadd.s32 s25, s1  }
0xe: {  	s26 =	sadd.s32 s15, s1;
	s11 =	sadd.s32 s17, s1;
	s13 =	sadd.s32 s13, s19  }
0xf: {  	s14 =	sadd.s32 s19, s14;
	s8 =	sadd.s32 s19, s25;
	s10 =	sadd.s32 s19, s17  }
0x10: {  	s17 =	simm.s32 $0x280;
	s13 =	sshrl.u32 s13, $0x3;
	s14 =	sshrl.u32 s14, $0x3  }
0x11: {  	[dreg:$0x5] =	wrdreg s17;
	s18 =	sshrl.u32 s16, $0x3;
	s16 =	sor.u32 $0x400, s16  }
0x12: {  	s8 =	sshrl.u32 s8, $0x3;
	s24 =	sadd.s32 s0, s13;
	[dreg:$0x3] =	wrdreg s16  }
0x13: {  	s17 =	simm.s32 $0x0;
	s25 =	sadd.s32 s0, s14;
	[dreg:$0xe] =	wrdreg s24  }
0x14: {  	s14 =	sshrl.u32 s10, $0x3;
	s8 =	sadd.s32 s0, s8;
	[dreg:$0xf] =	wrdreg s25  }
0x15: {  	s12 =	sadd.s32 s5, s18;
	s23 =	sadd.s32 s6, s18;
	[dreg:$0x10] =	wrdreg s8  }
0x16: {  	s18 =	smov.u32 s26;
	s26 =	sadd.s32 s19, s15;
	[dreg:$0xc] =	wrdreg s12  }
0x17: {  	s16 =	simm.s32 $0x100;
	s19 =	simm.s32 $0x180;
	[dreg:$0xd] =	wrdreg s23  }
0x18: {  	s24 =	simm.s32 $0x380;
	s25 =	simm.s32 $0x480;
	[dreg:$0x4] =	wrdreg s16  }
0x19: {  	s13 =	sshrl.u32 s26, $0x3;
	s12 =	smul.u32 $0x2800, s20;
	[dreg:$0x6] =	wrdreg s19  }
0x1a: {  	s23 =	simm.s32 $0x300;
	[dreg:$0x8] =	wrdreg s24;
	s24 =	simm.s32 $0x5  }
0x1b: {  	[dreg:$0x9] =	wrdreg s25;
	s26 =	simm.s32 $0x500;
	s25 =	simm.s32 $0x4  }
0x1c: {  	s16 =	simm.s32 $0x780;
	s13 =	sadd.s32 s0, s13;
	[dreg:$0x7] =	wrdreg s23  }
0x1d: {  	s0 =	sadd.s32 s0, s14;
	s14 =	smax.u32 s7, $0x1;
	[dreg:$0xa] =	wrdreg s26  }
0x1e: {  	s23 =	simm.s32 $0x800;
	[dreg:$0x11] =	wrdreg s13;
	s15 =	sadd.s32 s12, s3  }
0x1f: {  	s26 =	simm.s32 $0x200;
	[dreg:$0x12] =	wrdreg s0;
	s0 =	sor.u32 $0x200, s15  }
0x20: {  	s7 =	simm.s32 $0x680;
	[dreg:$0x13] =	wrdreg s14;
	s0 =	sshrl.u32 s0, $0x3  }
0x21: {  	s3 =	simm.s32 $0x2;
	s13 =	simm.s32 $0x580;
	s20 =	sadd.s32 s0, s6  }
0x22: {  	s14 =	simm.s32 $0x700;
	s0 =	sadd.s32 s0, s5;
	[dreg:$0x14] =	wrdreg s20  }
0x23: {  	s15 =	simm.s32 $0x1;
	[dreg:$0x15] =	wrdreg s0;
	s0 =	simm.s32 $0x3  }
.LBB2_1:
0x24: {  	s8 =	rddreg [dreg:$0xb]  }
0x25: {  	[tilespmem:s23], [sflag:$0x5] =	stream.linear.gather [hbm4b:s8+s2], $0x4000, $0x38;
	[tilespmem:$0x1C800] =	vst v63  }
0x26: {  	_ =	swait.ge [sflag:s24], $0x4000  }
0x27: {  	[sflag:s24] =	ssyncset.done $0x0  }
0x28: {  	[sflag:s24] =	ssyncadd.s32 $0xFFFFC000  }
0x29: {  	[spmem:s9] =	stream.linear.scatter [tilespmem:s23], [sflag:$0x4], $0x4000, $0x38;
	[tilespmem:$0x1C800] =	vst v63  }
0x2a: {  	_ = 	snop  }
0x2b: {  	[spmem:s21] =	stream.linear.scatter [tilespmem:s23], [sflag:$0x4], $0x4000, $0x38;
	[tilespmem:$0x1C800] =	vst v63  }
0x2c: {  	_ = 	snop  }
0x2d: {  	[spmem:s22] =	stream.linear.scatter [tilespmem:s23], [sflag:$0x4], $0x4000, $0x38;
	[tilespmem:$0x1C800] =	vst v63  }
0x2e: {  	_ = 	snop  }
0x2f: {  	[spmem:s18] =	stream.linear.scatter [tilespmem:s23], [sflag:$0x4], $0x4000, $0x38;
	[tilespmem:$0x1C800] =	vst v63  }
0x30: {  	s10 =	smov.u32 s9;
	s9 =	smov.u32 s11  }
0x31: {  	[spmem:s9] =	stream.linear.scatter [tilespmem:s23], [sflag:$0x4], $0x4000, $0x38;
	[tilespmem:$0x1C800] =	vst v63  }
0x32: {  	_ =	swait.ge [sflag:s25], $0x4000  }
0x33: {  	[sflag:s25] =	ssyncset.done $0x0  }
0x34: {  	[sflag:s25] =	ssyncadd.s32 $0xFFFFC000  }
0x35: {  	_ =	swait.ge [sflag:s25], $0x4000  }
0x36: {  	[sflag:s25] =	ssyncset.done $0x0  }
0x37: {  	[sflag:s25] =	ssyncadd.s32 $0xFFFFC000  }
0x38: {  	_ =	swait.ge [sflag:s25], $0x4000  }
0x39: {  	[sflag:s25] =	ssyncset.done $0x0  }
0x3a: {  	[sflag:s25] =	ssyncadd.s32 $0xFFFFC000  }
0x3b: {  	_ =	swait.ge [sflag:s25], $0x4000  }
0x3c: {  	[sflag:s25] =	ssyncset.done $0x0  }
0x3d: {  	[sflag:s25] =	ssyncadd.s32 $0xFFFFC000  }
0x3e: {  	_ =	swait.ge [sflag:s25], $0x4000  }
0x3f: {  	[sflag:s25] =	ssyncset.done $0x0  }
0x40: {  	[sflag:s25] =	ssyncadd.s32 $0xFFFFC000  }
0x41: {  	[bflag:$0x0] =	sbarrier.arrive $0xFFFF  }
0x42: {  	s12 =	smov.u32 s22;
	s22 =	rddreg [dreg:$0xc]  }
0x43: {  	[tilespmem:s2], [sflag:$0x5] =	stream.linear.gather [hbm4b:s22+s2], $0x200, $0x38;
	[tilespmem:$0x1C800] =	vst v63  }
0x44: {  	_ =	swait.ge [sflag:s24], $0x200  }
0x45: {  	[sflag:s24] =	ssyncset.done $0x0  }
0x46: {  	s20 =	smov.u32 s9;
	s9 =	rddreg [dreg:$0xd];
	[sflag:s24] =	ssyncadd.s32 $0xFFFFFE00  }
0x47: {  	[tilespmem:s26], [sflag:$0x5] =	stream.linear.gather [hbm4b:s9+s2], $0x200, $0x38;
	[tilespmem:$0x1C800] =	vst v63  }
0x48: {  	_ =	swait.ge [sflag:s24], $0x200  }
0x49: {  	[sflag:s24] =	ssyncset.done $0x0  }
0x4a: {  	[sflag:s24] =	ssyncadd.s32 $0xFFFFFE00  }
0x4b: {  	[tilespmem:s23], [sflag:$0x3] =	stream.indirect.gather [hbm4b:s4+s28], $0x80, s2, s28, $0xb8;
	[tilespmem:$0x1C800] =	vst v63  }
0x4c: {  	s22 =	rddreg [dreg:$0x15]  }
0x4d: {  	[tilespmem:s29], [sflag:$0x2] =	stream.linear.gather [hbm4b:s22+s2], $0x200, $0x38;
	[tilespmem:$0x1C800] =	vst v63  }
0x4e: {  	s11 =	smov.u32 s21;
	s21 =	rddreg [dreg:$0x14]  }
0x4f: {  	[tilespmem:s30], [sflag:$0x2] =	stream.linear.gather [hbm4b:s21+s2], $0x200, $0x38;
	[tilespmem:$0x1C800] =	vst v63  }
0x50: {  	_ = 	snop  }
0x51: {  	[tilespmem:s31], [sflag:$0x4] =	stream.indirect.gather [hbm4b:s4+s28], $0x80, s28, s28, $0xb8;
	[tilespmem:$0x1C800] =	vst v63  }
0x52: {  	_ =	swait.ge [sflag:s0], $0x4000  }
0x53: {  	[sflag:s0] =	ssyncset.done $0x0  }
0x54: {  	[sflag:s0] =	ssyncadd.s32 $0xFFFFC000  }
0x55: {  	[spmem:s1] =	stream.indirect.scatter.add.f32 [tilespmem:s23], [sflag:$0x5], $0x80, s26, s28, $0xb8;
	[tilespmem:$0x1C800] =	vst v63  }
0x56: {  	_ =	swait.ge [sflag:s24], $0x4000  }
0x57: {  	[sflag:s24] =	ssyncset.done $0x0  }
0x58: {  	s19 =	smov.u32 s18;
	s18 =	rddreg [dreg:$0x4];
	[sflag:s24] =	ssyncadd.s32 $0xFFFFC000  }
0x59: {  	[tilespmem:s23], [sflag:$0x3] =	stream.indirect.gather [hbm4b:s4+s28], $0x80, s18, s28, $0xb8;
	[tilespmem:$0x1C800] =	vst v63  }
0x5a: {  	_ =	swait.ge [sflag:s25], $0x4000  }
0x5b: {  	[sflag:s25] =	ssyncset.done $0x0  }
0x5c: {  	s9 =	rddreg [dreg:$0x5];
	[sflag:s25] =	ssyncadd.s32 $0xFFFFC000  }
0x5d: {  	[spmem:s1] =	stream.indirect.scatter.add.f32 [tilespmem:s31], [sflag:$0x5], $0x80, s9, s28, $0xb8;
	[tilespmem:$0x1C800] =	vst v63  }
0x5e: {  	_ =	swait.ge [sflag:s24], $0x4000  }
0x5f: {  	[sflag:s24] =	ssyncset.done $0x0  }
0x60: {  	s18 =	rddreg [dreg:$0x6];
	[sflag:s24] =	ssyncadd.s32 $0xFFFFC000  }
0x61: {  	[tilespmem:s31], [sflag:$0x4] =	stream.indirect.gather [hbm4b:s4+s28], $0x80, s18, s28, $0xb8;
	[tilespmem:$0x1C800] =	vst v63  }
0x62: {  	_ =	swait.ge [sflag:s0], $0x4000  }
0x63: {  	[sflag:s0] =	ssyncset.done $0x0  }
0x64: {  	s9 =	rddreg [dreg:$0x7];
	[sflag:s0] =	ssyncadd.s32 $0xFFFFC000  }
0x65: {  	[spmem:s1] =	stream.indirect.scatter.add.f32 [tilespmem:s23], [sflag:$0x5], $0x80, s9, s28, $0xb8;
	[tilespmem:$0x1C800] =	vst v63  }
0x66: {  	_ =	swait.ge [sflag:s24], $0x4000  }
0x67: {  	[sflag:s24] =	ssyncset.done $0x0  }
0x68: {  	[sflag:s24] =	ssyncadd.s32 $0xFFFFC000  }
0x69: {  	_ =	swait.ge [sflag:s3], $0x200  }
0x6a: {  	[sflag:s3] =	ssyncset.done $0x0  }
0x6b: {  	[sflag:s3] =	ssyncadd.s32 $0xFFFFFE00  }
0x6c: {  	_ =	swait.ge [sflag:s3], $0x200  }
0x6d: {  	[sflag:s3] =	ssyncset.done $0x0  }
0x6e: {  	[sflag:s3] =	ssyncadd.s32 $0xFFFFFE00  }
0x6f: {  	[tilespmem:s23], [sflag:$0x3] =	stream.indirect.gather [hbm4b:s4+s28], $0x80, s29, s28, $0xb8;
	[tilespmem:$0x1C800] =	vst v63  }
0x70: {  	_ =	swait.ge [sflag:s25], $0x4000  }
0x71: {  	[sflag:s25] =	ssyncset.done $0x0  }
0x72: {  	s18 =	rddreg [dreg:$0x8];
	[sflag:s25] =	ssyncadd.s32 $0xFFFFC000  }
0x73: {  	[spmem:s1] =	stream.indirect.scatter.add.f32 [tilespmem:s31], [sflag:$0x5], $0x80, s18, s28, $0xb8;
	[tilespmem:$0x1C800] =	vst v63  }
0x74: {  	s9 =	smin.u32 s2, $0x11;
	_ =	swait.ge [sflag:s24], $0x4000  }
0x75: {  	s18 =	sshll.u32 s9, $0x9;
	s8 =	rddreg [dreg:$0x3]  }
0x76: {  	s8 =	sadd.s32 s18, s8  }
0x77: {  	[sflag:s24] =	ssyncset.done $0x0;
	s8 =	sshrl.u32 s8, $0x3  }
0x78: {  	[sflag:s24] =	ssyncadd.s32 $0xFFFFC000;
	s9 =	sadd.s32 s5, s8  }
0x79: {  	[tilespmem:s2], [sflag:$0x1] =	stream.linear.gather [hbm4b:s9+s2], $0x200, $0x38;
	[tilespmem:$0x1C800] =	vst v63  }
0x7a: {  	s8 =	sadd.s32 s6, s8  }
0x7b: {  	[tilespmem:s26], [sflag:$0x1] =	stream.linear.gather [hbm4b:s8+s2], $0x200, $0x38;
	[tilespmem:$0x1C800] =	vst v63  }
0x7c: {  	s9 =	rddreg [dreg:$0x9]  }
0x7d: {  	[tilespmem:s31], [sflag:$0x4] =	stream.indirect.gather [hbm4b:s4+s28], $0x80, s9, s28, $0xb8;
	[tilespmem:$0x1C800] =	vst v63  }
0x7e: {  	_ =	swait.ge [sflag:s0], $0x4000  }
0x7f: {  	[sflag:s0] =	ssyncset.done $0x0  }
0x80: {  	[sflag:s0] =	ssyncadd.s32 $0xFFFFC000  }
0x81: {  	[spmem:s1] =	stream.indirect.scatter.add.f32 [tilespmem:s23], [sflag:$0x5], $0x80, s30, s28, $0xb8;
	[tilespmem:$0x1C800] =	vst v63  }
0x82: {  	_ =	swait.ge [sflag:s24], $0x4000  }
0x83: {  	[sflag:s24] =	ssyncset.done $0x0  }
0x84: {  	s18 =	rddreg [dreg:$0xa];
	[sflag:s24] =	ssyncadd.s32 $0xFFFFC000  }
0x85: {  	[tilespmem:s23], [sflag:$0x3] =	stream.indirect.gather [hbm4b:s4+s28], $0x80, s18, s28, $0xb8;
	[tilespmem:$0x1C800] =	vst v63  }
0x86: {  	_ =	swait.ge [sflag:s25], $0x4000  }
0x87: {  	[sflag:s25] =	ssyncset.done $0x0  }
0x88: {  	[sflag:s25] =	ssyncadd.s32 $0xFFFFC000  }
0x89: {  	[spmem:s1] =	stream.indirect.scatter.add.f32 [tilespmem:s31], [sflag:$0x5], $0x80, s7, s28, $0xb8;
	[tilespmem:$0x1C800] =	vst v63  }
0x8a: {  	_ =	swait.ge [sflag:s24], $0x4000  }
0x8b: {  	[sflag:s24] =	ssyncset.done $0x0  }
0x8c: {  	[sflag:s24] =	ssyncadd.s32 $0xFFFFC000  }
0x8d: {  	[tilespmem:s31], [sflag:$0x4] =	stream.indirect.gather [hbm4b:s4+s28], $0x80, s13, s28, $0xb8;
	[tilespmem:$0x1C800] =	vst v63  }
0x8e: {  	_ =	swait.ge [sflag:s0], $0x4000  }
0x8f: {  	[sflag:s0] =	ssyncset.done $0x0  }
0x90: {  	[sflag:s0] =	ssyncadd.s32 $0xFFFFC000  }
0x91: {  	[spmem:s1] =	stream.indirect.scatter.add.f32 [tilespmem:s23], [sflag:$0x5], $0x80, s14, s28, $0xb8;
	[tilespmem:$0x1C800] =	vst v63  }
0x92: {  	_ =	swait.ge [sflag:s24], $0x4000  }
0x93: {  	[sflag:s24] =	ssyncset.done $0x0  }
0x94: {  	[sflag:s24] =	ssyncadd.s32 $0xFFFFC000  }
0x95: {  	_ =	swait.ge [sflag:s15], $0x200  }
0x96: {  	[sflag:s15] =	ssyncset.done $0x0  }
0x97: {  	[sflag:s15] =	ssyncadd.s32 $0xFFFFFE00  }
0x98: {  	_ =	swait.ge [sflag:s15], $0x200  }
0x99: {  	[sflag:s15] =	ssyncset.done $0x0  }
0x9a: {  	[sflag:s15] =	ssyncadd.s32 $0xFFFFFE00  }
0x9b: {  	[tilespmem:s23], [sflag:$0x3] =	stream.indirect.gather [hbm4b:s4+s28], $0x80, s2, s28, $0xb8;
	[tilespmem:$0x1C800] =	vst v63  }
0x9c: {  	_ =	swait.ge [sflag:s25], $0x4000  }
0x9d: {  	[sflag:s25] =	ssyncset.done $0x0  }
0x9e: {  	[sflag:s25] =	ssyncadd.s32 $0xFFFFC000  }
0x9f: {  	[spmem:s1] =	stream.indirect.scatter.add.f32 [tilespmem:s31], [sflag:$0x5], $0x80, s16, s28, $0xb8;
	[tilespmem:$0x1C800] =	vst v63  }
0xa0: {  	_ =	swait.ge [sflag:s24], $0x4000  }
0xa1: {  	s18 =	simm.s32 $0x2;
	[sflag:s24] =	ssyncset.done $0x0  }
.LBB2_2:
0xa2: {  	[sflag:s24] =	ssyncadd.s32 $0xFFFFC000;
	s22 =	sadd.s32 $0x80, s22  }
0xa3: {  	[tilespmem:s29], [sflag:$0x2] =	stream.linear.gather [hbm4b:s22+s2], $0x200, $0x38;
	[tilespmem:$0x1C800] =	vst v63  }
0xa4: {  	s21 =	sadd.s32 $0x80, s21  }
0xa5: {  	[tilespmem:s30], [sflag:$0x2] =	stream.linear.gather [hbm4b:s21+s2], $0x200, $0x38;
	[tilespmem:$0x1C800] =	vst v63  }
0xa6: {  	_ = 	snop  }
0xa7: {  	[tilespmem:s31], [sflag:$0x4] =	stream.indirect.gather [hbm4b:s4+s28], $0x80, s28, s28, $0xb8;
	[tilespmem:$0x1C800] =	vst v63  }
0xa8: {  	_ =	swait.ge [sflag:s0], $0x4000  }
0xa9: {  	[sflag:s0] =	ssyncset.done $0x0  }
0xaa: {  	[sflag:s0] =	ssyncadd.s32 $0xFFFFC000  }
0xab: {  	[spmem:s1] =	stream.indirect.scatter.add.f32 [tilespmem:s23], [sflag:$0x5], $0x80, s26, s28, $0xb8;
	[tilespmem:$0x1C800] =	vst v63  }
0xac: {  	_ =	swait.ge [sflag:s24], $0x4000  }
0xad: {  	[sflag:s24] =	ssyncset.done $0x0  }
0xae: {  	s9 =	rddreg [dreg:$0x4];
	[sflag:s24] =	ssyncadd.s32 $0xFFFFC000  }
0xaf: {  	[tilespmem:s23], [sflag:$0x3] =	stream.indirect.gather [hbm4b:s4+s28], $0x80, s9, s28, $0xb8;
	[tilespmem:$0x1C800] =	vst v63  }
0xb0: {  	_ =	swait.ge [sflag:s25], $0x4000  }
0xb1: {  	[sflag:s25] =	ssyncset.done $0x0  }
0xb2: {  	s9 =	rddreg [dreg:$0x5];
	[sflag:s25] =	ssyncadd.s32 $0xFFFFC000  }
0xb3: {  	[spmem:s1] =	stream.indirect.scatter.add.f32 [tilespmem:s31], [sflag:$0x5], $0x80, s9, s28, $0xb8;
	[tilespmem:$0x1C800] =	vst v63  }
0xb4: {  	_ =	swait.ge [sflag:s24], $0x4000  }
0xb5: {  	[sflag:s24] =	ssyncset.done $0x0  }
0xb6: {  	s9 =	rddreg [dreg:$0x6];
	[sflag:s24] =	ssyncadd.s32 $0xFFFFC000  }
0xb7: {  	[tilespmem:s31], [sflag:$0x4] =	stream.indirect.gather [hbm4b:s4+s28], $0x80, s9, s28, $0xb8;
	[tilespmem:$0x1C800] =	vst v63  }
0xb8: {  	_ =	swait.ge [sflag:s0], $0x4000  }
0xb9: {  	[sflag:s0] =	ssyncset.done $0x0  }
0xba: {  	s9 =	rddreg [dreg:$0x7];
	[sflag:s0] =	ssyncadd.s32 $0xFFFFC000  }
0xbb: {  	[spmem:s1] =	stream.indirect.scatter.add.f32 [tilespmem:s23], [sflag:$0x5], $0x80, s9, s28, $0xb8;
	[tilespmem:$0x1C800] =	vst v63  }
0xbc: {  	_ =	swait.ge [sflag:s24], $0x4000  }
0xbd: {  	[sflag:s24] =	ssyncset.done $0x0  }
0xbe: {  	[sflag:s24] =	ssyncadd.s32 $0xFFFFC000  }
0xbf: {  	_ =	swait.ge [sflag:s3], $0x200  }
0xc0: {  	[sflag:s3] =	ssyncset.done $0x0  }
0xc1: {  	[sflag:s3] =	ssyncadd.s32 $0xFFFFFE00  }
0xc2: {  	_ =	swait.ge [sflag:s3], $0x200  }
0xc3: {  	[sflag:s3] =	ssyncset.done $0x0  }
0xc4: {  	[sflag:s3] =	ssyncadd.s32 $0xFFFFFE00  }
0xc5: {  	[tilespmem:s23], [sflag:$0x3] =	stream.indirect.gather [hbm4b:s4+s28], $0x80, s29, s28, $0xb8;
	[tilespmem:$0x1C800] =	vst v63  }
0xc6: {  	_ =	swait.ge [sflag:s25], $0x4000  }
0xc7: {  	[sflag:s25] =	ssyncset.done $0x0  }
0xc8: {  	s8 =	smov.u32 s18;
	s9 =	rddreg [dreg:$0x8];
	[sflag:s25] =	ssyncadd.s32 $0xFFFFC000  }
0xc9: {  	[spmem:s1] =	stream.indirect.scatter.add.f32 [tilespmem:s31], [sflag:$0x5], $0x80, s9, s28, $0xb8;
	[tilespmem:$0x1C800] =	vst v63  }
0xca: {  	s8 =	smin.u32 s8, $0x11;
	_ =	swait.ge [sflag:s24], $0x4000  }
0xcb: {  	s8 =	sshll.u32 s8, $0x9;
	s9 =	rddreg [dreg:$0x3]  }
0xcc: {  	s8 =	sadd.s32 s8, s9  }
0xcd: {  	[sflag:s24] =	ssyncset.done $0x0;
	s8 =	sshrl.u32 s8, $0x3  }
0xce: {  	[sflag:s24] =	ssyncadd.s32 $0xFFFFC000;
	s9 =	sadd.s32 s5, s8  }
0xcf: {  	[tilespmem:s2], [sflag:$0x1] =	stream.linear.gather [hbm4b:s9+s2], $0x200, $0x38;
	[tilespmem:$0x1C800] =	vst v63  }
0xd0: {  	s8 =	sadd.s32 s6, s8  }
0xd1: {  	[tilespmem:s26], [sflag:$0x1] =	stream.linear.gather [hbm4b:s8+s2], $0x200, $0x38;
	[tilespmem:$0x1C800] =	vst v63  }
0xd2: {  	s9 =	rddreg [dreg:$0x9]  }
0xd3: {  	[tilespmem:s31], [sflag:$0x4] =	stream.indirect.gather [hbm4b:s4+s28], $0x80, s9, s28, $0xb8;
	[tilespmem:$0x1C800] =	vst v63  }
0xd4: {  	_ =	swait.ge [sflag:s0], $0x4000  }
0xd5: {  	[sflag:s0] =	ssyncset.done $0x0  }
0xd6: {  	[sflag:s0] =	ssyncadd.s32 $0xFFFFC000  }
0xd7: {  	[spmem:s1] =	stream.indirect.scatter.add.f32 [tilespmem:s23], [sflag:$0x5], $0x80, s30, s28, $0xb8;
	[tilespmem:$0x1C800] =	vst v63  }
0xd8: {  	_ =	swait.ge [sflag:s24], $0x4000  }
0xd9: {  	[sflag:s24] =	ssyncset.done $0x0  }
0xda: {  	s9 =	rddreg [dreg:$0xa];
	[sflag:s24] =	ssyncadd.s32 $0xFFFFC000  }
0xdb: {  	[tilespmem:s23], [sflag:$0x3] =	stream.indirect.gather [hbm4b:s4+s28], $0x80, s9, s28, $0xb8;
	[tilespmem:$0x1C800] =	vst v63  }
0xdc: {  	_ =	swait.ge [sflag:s25], $0x4000  }
0xdd: {  	[sflag:s25] =	ssyncset.done $0x0  }
0xde: {  	[sflag:s25] =	ssyncadd.s32 $0xFFFFC000  }
0xdf: {  	[spmem:s1] =	stream.indirect.scatter.add.f32 [tilespmem:s31], [sflag:$0x5], $0x80, s7, s28, $0xb8;
	[tilespmem:$0x1C800] =	vst v63  }
0xe0: {  	_ =	swait.ge [sflag:s24], $0x4000  }
0xe1: {  	[sflag:s24] =	ssyncset.done $0x0  }
0xe2: {  	[sflag:s24] =	ssyncadd.s32 $0xFFFFC000  }
0xe3: {  	[tilespmem:s31], [sflag:$0x4] =	stream.indirect.gather [hbm4b:s4+s28], $0x80, s13, s28, $0xb8;
	[tilespmem:$0x1C800] =	vst v63  }
0xe4: {  	_ =	swait.ge [sflag:s0], $0x4000  }
0xe5: {  	[sflag:s0] =	ssyncset.done $0x0  }
0xe6: {  	[sflag:s0] =	ssyncadd.s32 $0xFFFFC000  }
0xe7: {  	[spmem:s1] =	stream.indirect.scatter.add.f32 [tilespmem:s23], [sflag:$0x5], $0x80, s14, s28, $0xb8;
	[tilespmem:$0x1C800] =	vst v63  }
0xe8: {  	_ =	swait.ge [sflag:s24], $0x4000  }
0xe9: {  	[sflag:s24] =	ssyncset.done $0x0  }
0xea: {  	[sflag:s24] =	ssyncadd.s32 $0xFFFFC000  }
0xeb: {  	_ =	swait.ge [sflag:s15], $0x200  }
0xec: {  	[sflag:s15] =	ssyncset.done $0x0  }
0xed: {  	[sflag:s15] =	ssyncadd.s32 $0xFFFFFE00  }
0xee: {  	_ =	swait.ge [sflag:s15], $0x200  }
0xef: {  	[sflag:s15] =	ssyncset.done $0x0  }
0xf0: {  	[sflag:s15] =	ssyncadd.s32 $0xFFFFFE00  }
0xf1: {  	[tilespmem:s23], [sflag:$0x3] =	stream.indirect.gather [hbm4b:s4+s28], $0x80, s2, s28, $0xb8;
	[tilespmem:$0x1C800] =	vst v63  }
0xf2: {  	p0 =	sne.s32 s18, $0x12;
	_ =	swait.ge [sflag:s25], $0x4000  }
.Ltmp0:
0xf3: {  	[sflag:s25] =	ssyncset.done $0x0;
	(pc) =	sbr.rel @p0 .LBB2_2-.Ltmp0, $4  }
0xf4: {  	[sflag:s25] =	ssyncadd.s32 $0xFFFFC000  }
0xf5: {  	[spmem:s1] =	stream.indirect.scatter.add.f32 [tilespmem:s31], [sflag:$0x5], $0x80, s16, s28, $0xb8;
	[tilespmem:$0x1C800] =	vst v63  }
0xf6: {  	_ =	swait.ge [sflag:s24], $0x4000  }
0xf7: {  	s18 =	sadd.s32 $0x2, s18;
	[sflag:s24] =	ssyncset.done $0x0  }
0xf8: {  	[sflag:s24] =	ssyncadd.s32 $0xFFFFC000  }
0xf9: {  	_ =	swait.ge [sflag:s0], $0x4000  }
0xfa: {  	[sflag:s0] =	ssyncset.done $0x0  }
0xfb: {  	[sflag:s0] =	ssyncadd.s32 $0xFFFFC000  }
0xfc: {  	[bflag:$0x0] =	sbarrier.arrive $0xFFFF  }
0xfd: {  	[tilespmem:s23], [sflag:$0x3] =	stream.linear.gather [spmem:s10], $0x4000, $0x38;
	[tilespmem:$0x1C800] =	vst v63  }
0xfe: {  	_ =	swait.ge [sflag:s0], $0x4000  }
0xff: {  	[sflag:s0] =	ssyncset.done $0x0  }
0x100: {  	[sflag:s0] =	ssyncadd.s32 $0xFFFFC000  }
0x101: {  	[tilespmem:s31], [sflag:$0x4] =	stream.linear.gather [spmem:s11], $0x4000, $0x38;
	[tilespmem:$0x1C800] =	vst v63  }
0x102: {  	s8 =	rddreg [dreg:$0xe]  }
0x103: {  	[hbm4b:s8+s2] =	stream.linear.scatter [tilespmem:s23], [sflag:$0x5], $0x4000, $0x38;
	[tilespmem:$0x1C800] =	vst v63  }
0x104: {  	_ =	swait.ge [sflag:s24], $0x4000  }
0x105: {  	[sflag:s24] =	ssyncset.done $0x0  }
0x106: {  	[sflag:s24] =	ssyncadd.s32 $0xFFFFC000  }
0x107: {  	_ =	swait.ge [sflag:s25], $0x4000  }
0x108: {  	[sflag:s25] =	ssyncset.done $0x0  }
0x109: {  	[sflag:s25] =	ssyncadd.s32 $0xFFFFC000  }
0x10a: {  	[tilespmem:s23], [sflag:$0x3] =	stream.linear.gather [spmem:s12], $0x4000, $0x38;
	[tilespmem:$0x1C800] =	vst v63  }
0x10b: {  	s9 =	smov.u32 s10;
	s10 =	rddreg [dreg:$0xf]  }
0x10c: {  	[hbm4b:s10+s2] =	stream.linear.scatter [tilespmem:s31], [sflag:$0x5], $0x4000, $0x38;
	[tilespmem:$0x1C800] =	vst v63  }
0x10d: {  	_ =	swait.ge [sflag:s24], $0x4000  }
0x10e: {  	[sflag:s24] =	ssyncset.done $0x0  }
0x10f: {  	[sflag:s24] =	ssyncadd.s32 $0xFFFFC000  }
0x110: {  	_ =	swait.ge [sflag:s0], $0x4000  }
0x111: {  	[sflag:s0] =	ssyncset.done $0x0  }
0x112: {  	[sflag:s0] =	ssyncadd.s32 $0xFFFFC000  }
0x113: {  	[tilespmem:s31], [sflag:$0x4] =	stream.linear.gather [spmem:s19], $0x4000, $0x38;
	[tilespmem:$0x1C800] =	vst v63  }
0x114: {  	s21 =	smov.u32 s11;
	s11 =	rddreg [dreg:$0x10]  }
0x115: {  	[hbm4b:s11+s2] =	stream.linear.scatter [tilespmem:s23], [sflag:$0x5], $0x4000, $0x38;
	[tilespmem:$0x1C800] =	vst v63  }
0x116: {  	_ =	swait.ge [sflag:s24], $0x4000  }
0x117: {  	[sflag:s24] =	ssyncset.done $0x0  }
0x118: {  	[sflag:s24] =	ssyncadd.s32 $0xFFFFC000  }
0x119: {  	_ =	swait.ge [sflag:s25], $0x4000  }
0x11a: {  	[sflag:s25] =	ssyncset.done $0x0  }
0x11b: {  	[sflag:s25] =	ssyncadd.s32 $0xFFFFC000  }
0x11c: {  	[tilespmem:s23], [sflag:$0x3] =	stream.linear.gather [spmem:s20], $0x4000, $0x38;
	[tilespmem:$0x1C800] =	vst v63  }
0x11d: {  	s22 =	smov.u32 s12;
	s12 =	rddreg [dreg:$0x11]  }
0x11e: {  	[hbm4b:s12+s2] =	stream.linear.scatter [tilespmem:s31], [sflag:$0x5], $0x4000, $0x38;
	[tilespmem:$0x1C800] =	vst v63  }
0x11f: {  	_ =	swait.ge [sflag:s24], $0x4000  }
0x120: {  	[sflag:s24] =	ssyncset.done $0x0  }
0x121: {  	[sflag:s24] =	ssyncadd.s32 $0xFFFFC000  }
0x122: {  	_ =	swait.ge [sflag:s0], $0x4000  }
0x123: {  	[sflag:s0] =	ssyncset.done $0x0  }
0x124: {  	s18 =	smov.u32 s19;
	s19 =	rddreg [dreg:$0x12];
	[sflag:s0] =	ssyncadd.s32 $0xFFFFC000  }
0x125: {  	[hbm4b:s19+s2] =	stream.linear.scatter [tilespmem:s23], [sflag:$0x5], $0x4000, $0x38;
	[tilespmem:$0x1C800] =	vst v63  }
0x126: {  	_ =	swait.ge [sflag:s24], $0x4000  }
0x127: {  	s17 =	sadd.s32 $0x1, s17;
	s11 =	smov.u32 s20;
	s20 =	rddreg [dreg:$0x13]  }
0x128: {  	p0 =	sne.s32 s17, s20  }
.Ltmp1:
0x129: {  	_ = 	snop;
	(pc) =	sbr.rel @p0 .LBB2_1-.Ltmp1, $3  }
0x12a: {  	_ =	sdelay $0x1  }
0x12b: {  	[sflag:s24] =	ssyncset.done $0x0  }
0x12c: {  	[sflag:s24] =	ssyncadd.s32 $0xFFFFC000  }
0x12d: {  	_ =	sfence.sel $0x180000  }
0x12e: {  	[bflag:$0x0] =	sbarrier.arrive $0xFFFF  }
0x12f: {  	_ =	strace $0x9000004A  }
0x130: {  	s0 =	stileid.u32;
	[bflag:$0x2] =	sbarrier.arrive $0xFFFF  }
0x131: {  	p0 =	sne.s32 s0, $0x0;
	s0 =	rddreg [dreg:$0x2]  }
0x132: {  	s0 =	sadd.s32 @!p0 $0x100000, s0  }
0x133: {  	[sflag:s0] =	ssyncadd.tile.s32 @!p0 $0x1;
	_ =	shalt  }
.Lfunc_end2:
_tile_overlayer_lowered:
.L_overlay_start_2:
0x134: {  	(tag) =	ssettag $0x2  }
0x135: {  	s0 =	rddreg [dreg:$0x0];
	s2 =	stileid.u32  }
0x136: {  	s1 =	rddreg [dreg:$0x1];
	p0 =	sne.s32 s2, $0x0  }
0x137: {  	s3 =	rddreg [dreg:$0x2];
	[bflag:$0x3] =	sbarrier.arrive $0xFFFF;
	s2 =	simm.s32 @!p0 $0x1C05  }
0x138: {  	[timem:s3], [sflag:s2] =	dma.local @!p0 [hbm:s0], s1  }
0x139: {  	s0 =	simm.s32 @!p0 $0x5  }
0x13a: {  	_ =	swait.ge @!p0 [sflag:s0], s1  }
0x13b: {  	s1 =	ssub.s32 @!p0 $0x0, s1;
	[sflag:s0] =	ssyncset.done @!p0 $0x0  }
0x13c: {  	[sflag:s0] =	ssyncadd.s32 @!p0 s1  }
0x13d: {  	[bflag:$0x3] =	sbarrier.arrive $0xFFFF  }
0x13e: {  	_ =	shalt  }

// kernel: kernel.15.cloned.1.call-start
scs
__scs_entry_jumppad:
0x0: {  	(pc) =	sbr.rel $0x88, $3  }
0x1: {  	(tag) =	ssettag $0x0;
	lr =	simm.s32 $0x1  }
0x2: {  	[smem:$0x3F98] =	sst lr;
	_ =	strace $0xD0000000  }
0x3: {  	_ = 	snop  }
0x4: {  	_ = 	snop  }
0x5: {  	_ = 	snop  }
0x6: {  	_ = 	snop  }
0x7: {  	_ = 	snop  }
__scs_overlays_trampoline_lowered:
0x8: {  	[smem:$0x3FA7] =	sst s0  }
0x9: {  	[smem:$0x3FA8] =	sst s1  }
0xa: {  	[smem:$0x3FA9] =	sst s2  }
0xb: {  	[smem:$0x3FAA] =	sst s3  }
0xc: {  	[smem:$0x3FAB] =	sst s4  }
0xd: {  	[smem:$0x3FAC] =	sst s5  }
0xe: {  	[smem:$0x3FAD] =	sst s6  }
0xf: {  	[smem:$0x3FAE] =	sst s7  }
0x10: {  	[smem:$0x3FAF] =	sst s8  }
0x11: {  	[smem:$0x3FB0] =	sst s9;
	s0 =	simm.s32 @!p0 $0x0  }
0x12: {  	s1 =	sld [smem:$0x3F96];
	s0 =	simm.s32 @p0 $0x1  }
0x13: {  	[smem:$0x3FB1] =	sst s0;
	s0 =	simm.s32 @!p1 $0x0  }
0x14: {  	s2 =	sld [smem:$0x3F95];
	s0 =	simm.s32 @p1 $0x1  }
0x15: {  	[smem:$0x3FB2] =	sst s0;
	s0 =	simm.s32 @!p2 $0x0  }
0x16: {  	s3 =	sld [smem:$0x3FDB];
	s0 =	simm.s32 @p2 $0x1  }
0x17: {  	s4 =	simm.s32 $0x1BF5;
	[smem:$0x3FB4] =	sst s0  }
0x18: {  	s0 =	sld [smem:$0x3F97];
	_ =	swait.ge [sflag:s4], $0x0  }
0x19: {  	s7 =	sld [smem:$0x3F98]  }
0x1a: {  	s8 =	sadd.s32 $0xFFFFE003, lr  }
0x1b: {  	s9 =	sadd.s32 $0xFFFFFEF7, lr;
	s5 =	simm.s32 $0xFFFFFFFF;
	p2 =	slt.u32 s8, $0xFFFFF086  }
0x1c: {  	p1 =	slt.u32 s9, $0xF7A;
	s5 =	simm.s32 @!p2 $0x0  }
0x1d: {  	s5 =	simm.s32 @p1 $0x1;
	p0 =	seq.s32 s7, s2  }
0x1e: {  	s7 =	smul.u32 @!p0 $0xF7A, s2;
	p2 =	seq.s32 @!p0 s5, $0x0  }
0x1f: {  	s9 =	smul.u32 $0xF7A, s1;
	s8 =	simm.s32 @!p0 $0x1BF5;
	p2 =	por !p2, p0  }
0x20: {  	[sflag:s8] =	ssyncset.s32 @!p0 $0xFFFFF086;
	s6 =	sadd.s32 @!p0 s3, s7;
	s7 =	simm.s32 @!p0 $0x108  }
0x21: {  	s3 =	sadd.s32 s3, s9;
	s6 =	sadd.s32 @!p0 $0x88, s6;
	s7 =	simm.s32 @p2 $0x1082  }
0x22: {  	[simem:s7], [sflag:s8] =	dma.local @!p0 [hbm:s6], $0xF7A  }
0x23: {  	s9 =	sor.u32 $0xD0000000, s2;
	s6 =	simm.s32 $0x108;
	_ =	swait.ge @!p0 [sflag:s8], $0x0  }
0x24: {  	s3 =	sadd.s32 $0x88, s3;
	s6 =	simm.s32 @!p1 $0x1082;
	[sflag:s4] =	ssyncset.s32 $0xFFFFF086  }
0x25: {  	[simem:s6], [sflag:s4] =	dma.local [hbm:s3], $0xF7A  }
0x26: {  	[smem:$0x3F98] =	sst s1;
	(tag) =	ssettag s2;
	_ =	strace s9  }
0x27: {  	s1 =	sld [smem:$0x3FA8]  }
0x28: {  	s2 =	sld [smem:$0x3FA9]  }
0x29: {  	s4 =	sld [smem:$0x3FAB]  }
0x2a: {  	p0 =	seq.s32 s5, $0x0;
	s5 =	sld [smem:$0x3FAC]  }
0x2b: {  	s6 =	sld [smem:$0x3FAD]  }
0x2c: {  	s7 =	sld [smem:$0x3FAE]  }
0x2d: {  	s3 =	simm.s32 $0x108;
	s8 =	sld [smem:$0x3FAF]  }
0x2e: {  	s3 =	simm.s32 @!p0 $0x1082;
	s9 =	sld [smem:$0x3FB0]  }
0x2f: {  	lr =	sadd.s32 s0, s3;
	s0 =	sld [smem:$0x3FA7]  }
0x30: {  	s3 =	sld [smem:$0x3FAA]  }
0x31: {  	[smem:$0x3FB3] =	sst s10  }
0x32: {  	s10 =	sld [smem:$0x3FB1];
	_ =	sdelay $0x3  }
0x33: {  	p0 =	seq.s32 s10, $0x1;
	s10 =	sld [smem:$0x3FB3];
	_ =	sdelay $0x3  }
0x34: {  	[smem:$0x3FB3] =	sst s10  }
0x35: {  	s10 =	sld [smem:$0x3FB2];
	_ =	sdelay $0x3  }
0x36: {  	p1 =	seq.s32 s10, $0x1;
	s10 =	sld [smem:$0x3FB3];
	_ =	sdelay $0x3  }
0x37: {  	[smem:$0x3FB3] =	sst s10  }
0x38: {  	s10 =	sld [smem:$0x3FB4]  }
0x39: {  	_ = 	snop;
	(pc) =	sbr.ind lr, $3  }
0x3a: {  	_ = 	snop  }
0x3b: {  	_ = 	snop  }
0x3c: {  	p2 =	seq.s32 s10, $0x1;
	s10 =	sld [smem:$0x3FB3]  }
0x3d: {  	_ =	shalt  }
0x3e: {  	_ =	shalt  }
0x3f: {  	_ =	shalt  }
0x40: {  	_ =	shalt  }
0x41: {  	_ =	shalt  }
0x42: {  	_ =	shalt  }
0x43: {  	_ =	shalt  }
0x44: {  	_ =	shalt  }
0x45: {  	_ =	shalt  }
0x46: {  	_ =	shalt  }
0x47: {  	_ =	shalt  }
0x48: {  	_ =	shalt  }
0x49: {  	_ =	shalt  }
0x4a: {  	_ =	shalt  }
0x4b: {  	_ =	shalt  }
0x4c: {  	_ =	shalt  }
0x4d: {  	_ =	shalt  }
0x4e: {  	_ =	shalt  }
0x4f: {  	_ =	shalt  }
0x50: {  	_ =	shalt  }
0x51: {  	_ =	shalt  }
0x52: {  	_ =	shalt  }
0x53: {  	_ =	shalt  }
0x54: {  	_ =	shalt  }
0x55: {  	_ =	shalt  }
0x56: {  	_ =	shalt  }
0x57: {  	_ =	shalt  }
0x58: {  	_ =	shalt  }
0x59: {  	_ =	shalt  }
0x5a: {  	_ =	shalt  }
0x5b: {  	_ =	shalt  }
0x5c: {  	_ =	shalt  }
0x5d: {  	_ =	shalt  }
0x5e: {  	_ =	shalt  }
0x5f: {  	_ =	shalt  }
0x60: {  	_ =	shalt  }
0x61: {  	_ =	shalt  }
0x62: {  	_ =	shalt  }
0x63: {  	_ =	shalt  }
0x64: {  	_ =	shalt  }
0x65: {  	_ =	shalt  }
0x66: {  	_ =	shalt  }
0x67: {  	_ =	shalt  }
0x68: {  	_ =	shalt  }
0x69: {  	_ =	shalt  }
0x6a: {  	_ =	shalt  }
0x6b: {  	_ =	shalt  }
0x6c: {  	_ =	shalt  }
0x6d: {  	_ =	shalt  }
0x6e: {  	_ =	shalt  }
0x6f: {  	_ =	shalt  }
0x70: {  	_ =	shalt  }
0x71: {  	_ =	shalt  }
0x72: {  	_ =	shalt  }
0x73: {  	_ =	shalt  }
0x74: {  	_ =	shalt  }
0x75: {  	_ =	shalt  }
0x76: {  	_ =	shalt  }
0x77: {  	_ =	shalt  }
0x78: {  	_ =	shalt  }
0x79: {  	_ =	shalt  }
0x7a: {  	_ =	shalt  }
0x7b: {  	_ =	shalt  }
0x7c: {  	_ =	shalt  }
0x7d: {  	_ =	shalt  }
0x7e: {  	_ =	shalt  }
0x7f: {  	_ =	shalt  }
0x80: {  	_ =	shalt  }
0x81: {  	_ =	shalt  }
0x82: {  	_ =	shalt  }
0x83: {  	_ =	shalt  }
0x84: {  	_ =	shalt  }
0x85: {  	_ =	shalt  }
0x86: {  	_ =	shalt  }
0x87: {  	_ =	shalt  }
.Lfunc_end0:
.L_simem_size_0:
called_computation.2_lowered:
.L_overlay_start_0:
0x88: {  	s2 =	sld [smem:$0x3FD9]  }
0x89: {  	s3 =	sld [smem:$0x3FFE];
	_ =	sdelay $0x1  }
0x8a: {  	s1 =	srdreg.scid  }
0x8b: {  	s0 =	sand.u32 $0x1, s1  }
0x8c: {  	s16 =	sshll.u32 s0, $0xA;
	s2 =	sadd.s32 s3, s2  }
0x8d: {  	s2 =	sadd.s32 s2, s16  }
0x8e: {  	[smem:$0x3FBF] =	sst s2  }
0x8f: {  	_ = 	snop  }
0x90: {  	(tm) =	ssettm $0x1  }
0x91: {  	s17 =	sld [smem:$0x3FFB];
	_ =	sdelay $0x3  }
0x92: {  	_ =	strace s17  }
0x93: {  	s2 =	sld [smem:$0x3FFC];
	_ =	sdelay $0x3  }
0x94: {  	_ =	strace s2  }
0x95: {  	s2 =	sld [smem:$0x3FFD];
	_ =	sdelay $0x3  }
0x96: {  	_ =	strace s2  }
0x97: {  	_ =	strace $0x8FFFFFFF  }
0x98: {  	s18 =	sld [smem:$0x3FDB];
	_ =	sdelay $0x1  }
0x99: {  	s19 =	simm.s32 $_scs_section_size  }
0x9a: {  	s4 =	simm.s32 $_size__tile_overlayer_lowered;
	s5 =	simm.s32 $_tile_overlayer_lowered  }
0x9b: {  	s22 =	simm.s32 $0x1BFF;
	s21 =	sshll.u32 s5, $0x1;
	s2 =	sadd.s32 s19, s18  }
0x9c: {  	s6 =	simm.s32 $0x0;
	s20 =	sshll.u32 s4, $0x1;
	s4 =	sadd.s32 s21, s2  }
0x9d: {  	[timem:s6], [sflag:s22] =	dma.local [hbm:s4], s20  }
0x9e: {  	_ =	swait.ge [sflag:s22], s20  }
0x9f: {  	s3 =	ssub.s32 $0x0, s20;
	[sflag:s22] =	ssyncset.done $0x0  }
0xa0: {  	[sflag:s22] =	ssyncadd.s32 s3;
	_ =	sdelay $0x1  }
0xa1: {  	s23 =	simm.s32 $0x1B8B  }
0xa2: {  	_ =	swait.ge [sflag:s23], $0x1  }
0xa3: {  	[sflag:s23] =	ssyncset.done $0x0  }
0xa4: {  	s25 =	simm.s32 $0x1B8E;
	s24 =	sld [smem:$0x3FFE];
	[sflag:s23] =	ssyncadd.s32 $0xFFFFFFFF  }
0xa5: {  	s26 =	simm.s32 $execute0_lowered;
	[smem:$0x3FD2] =	sst s25  }
0xa6: {  	s4 =	sshll.u32 s26, $0x1;
	_ =	strace $0x8000004C;
	[dreg:$0x1] =	wrdreg $0xFFFFFFFF  }
0xa7: {  	s28 =	simm.s32 $_size_execute0_lowered;
	s2 =	sadd.s32 s2, s4;
	[dreg:$0x0] =	wrdreg $0x0  }
0xa8: {  	s4 =	sshll.u32 s28, $0x1;
	[dreg:$0x2] =	wrdreg s2  }
0xa9: {  	[dreg:$0x3] =	wrdreg s4  }
0xaa: {  	[dreg:$0x4] =	wrdreg $0xC0  }
0xab: {  	_ =	task [dreg:s6], $0x5FFFF  }
0xac: {  	[dreg:$0x1] =	wrdreg $0xFFFFFFFF  }
0xad: {  	[dreg:$0x0] =	wrdreg $0x60  }
0xae: {  	[dreg:$0x2] =	wrdreg s24  }
0xaf: {  	[dreg:$0x3] =	wrdreg $0x88000  }
0xb0: {  	[dreg:$0x4] =	wrdreg $0x9  }
0xb1: {  	_ =	task.clear_ibuf [dreg:s6], $0x5FFFF;
	_ =	strace $0x9000004C  }
0xb2: {  	s29 =	simm.s32 $0x9;
	_ =	strace $0x8000004E  }
0xb3: {  	_ =	swait.ge [sflag:s29], $0x1  }
0xb4: {  	[sflag:s29] =	ssyncadd.s32 $0xFFFFFFFF  }
0xb5: {  	_ =	strace $0x9000004E  }
0xb6: {  	_ =	sfence  }
0xb7: {  	s30 =	sld [smem:$0x0];
	_ =	sdelay $0x2  }
0xb8: {  	s31 =	sshll.u32 s1, $0xD;
	s1 =	sshrl.u32 s1, $0x2  }
0xb9: {  	s3 =	sand.u32 $0x4000, s31;
	s1 =	sadd.s32 s1, s30  }
0xba: {  	s0 =	sor.u32 s3, s0;
	s1 =	sshll.u32 s1, $0x11  }
0xbb: {  	s0 =	sor.u32 s1, s0  }
0xbc: {  	s0 =	sadd.s32 $0x8F2B, s0  }
0xbd: {  	[sflag:s0] =	ssyncadd.remote.s32 $0x1  }
0xbe: {  	_ =	sfence.sel $0xFFFF  }
0xbf: {  	[dreg:$0x0] =	wrdreg $0xFFFFFFFF;
	(pc) =	sbr.abs _section_cstart, $3  }
0xc0: {  	[dreg:$0x1] =	wrdreg $0xFFFFFFFF  }
0xc1: {  	_ =	task.clear_ibuf [dreg:s6], $0x2FFFF;
	_ =	strace $0x9FFFFFFF  }
0xc2: {  	(tm) =	ssettm $0x7FFFFFFF  }
0xc3: {  	_ =	shalt  }
tec
execute0_lowered:
.L_overlay_start_1:
0x0: {  	(tag) =	ssettag $0x1  }
0x1: {  	s0 =	rddreg [dreg:$0x0]  }
0x2: {  	s1 =	rddreg [dreg:$0x1];
	s2 =	simm.s32 $0x0  }
0x3: {  	s3 =	srdreg.scid;
	s20 =	stileid.u32;
	s28 =	simm.s32 $0x80  }
0x4: {  	s29 =	simm.s32 $0x400;
	s30 =	simm.s32 $0x600;
	s31 =	simm.s32 $0x4800  }
0x5: {  	[smem:$0x7FF] =	sst s2;
	s4 =	sadd.s32 $0x17000, s0;
	s3 =	sand.u32 $0x1, s3  }
0x6: {  	s5 =	sadd.s32 $0xD000, s0;
	s8 =	smul.u32 $0x50000, s20;
	s6 =	sadd.s32 $0x3000, s0  }
0x7: {  	s13 =	smul.u32 $0x14000, s20;
	s10 =	sadd.s32 $0x3E200, s0;
	s0 =	sadd.s32 $0x3EA00, s0  }
0x8: {  	_ =	strace $0x8000004D;
	s7 =	ssub.s32 $0x2, s3;
	s19 =	smul.u32 $0x140000, s3  }
0x9: {  	[dreg:$0xb] =	wrdreg s10;
	s23 =	sshll.u32 s3, $0x4;
	s3 =	smul.u32 $0x28000, s3  }
0xa: {  	s9 =	sshrl.u32 s7, $0x1;
	s8 =	sshrl.u32 s8, $0x2;
	s14 =	sadd.s32 $0x4000, s13  }
0xb: {  	s24 =	sor.u32 s20, s23;
	s25 =	sadd.s32 $0x8000, s13;
	s15 =	sadd.s32 $0xC000, s13  }
0xc: {  	s17 =	sadd.s32 $0x10000, s13;
	s7 =	ssub.s32 s7, s9;
	s9 =	sadd.s32 s8, s1  }
0xd: {  	s21 =	sadd.s32 s14, s1;
	s16 =	smul.u32 $0x2800, s24;
	s22 =	sadd.s32 s25, s1  }
0xe: {  	s26 =	sadd.s32 s15, s1;
	s11 =	sadd.s32 s17, s1;
	s13 =	sadd.s32 s13, s19  }
0xf: {  	s14 =	sadd.s32 s19, s14;
	s8 =	sadd.s32 s19, s25;
	s10 =	sadd.s32 s19, s17  }
0x10: {  	s17 =	simm.s32 $0x280;
	s13 =	sshrl.u32 s13, $0x3;
	s14 =	sshrl.u32 s14, $0x3  }
0x11: {  	[dreg:$0x5] =	wrdreg s17;
	s18 =	sshrl.u32 s16, $0x3;
	s16 =	sor.u32 $0x400, s16  }
0x12: {  	s8 =	sshrl.u32 s8, $0x3;
	s24 =	sadd.s32 s0, s13;
	[dreg:$0x3] =	wrdreg s16  }
0x13: {  	s17 =	simm.s32 $0x0;
	s25 =	sadd.s32 s0, s14;
	[dreg:$0xe] =	wrdreg s24  }
0x14: {  	s14 =	sshrl.u32 s10, $0x3;
	s8 =	sadd.s32 s0, s8;
	[dreg:$0xf] =	wrdreg s25  }
0x15: {  	s12 =	sadd.s32 s5, s18;
	s23 =	sadd.s32 s6, s18;
	[dreg:$0x10] =	wrdreg s8  }
0x16: {  	s18 =	smov.u32 s26;
	s26 =	sadd.s32 s19, s15;
	[dreg:$0xc] =	wrdreg s12  }
0x17: {  	s16 =	simm.s32 $0x100;
	s19 =	simm.s32 $0x180;
	[dreg:$0xd] =	wrdreg s23  }
0x18: {  	s24 =	simm.s32 $0x380;
	s25 =	simm.s32 $0x480;
	[dreg:$0x4] =	wrdreg s16  }
0x19: {  	s13 =	sshrl.u32 s26, $0x3;
	s12 =	smul.u32 $0x2800, s20;
	[dreg:$0x6] =	wrdreg s19  }
0x1a: {  	s23 =	simm.s32 $0x300;
	[dreg:$0x8] =	wrdreg s24;
	s24 =	simm.s32 $0x5  }
0x1b: {  	[dreg:$0x9] =	wrdreg s25;
	s26 =	simm.s32 $0x500;
	s25 =	simm.s32 $0x4  }
0x1c: {  	s16 =	simm.s32 $0x780;
	s13 =	sadd.s32 s0, s13;
	[dreg:$0x7] =	wrdreg s23  }
0x1d: {  	s0 =	sadd.s32 s0, s14;
	s14 =	smax.u32 s7, $0x1;
	[dreg:$0xa] =	wrdreg s26  }
0x1e: {  	s23 =	simm.s32 $0x800;
	[dreg:$0x11] =	wrdreg s13;
	s15 =	sadd.s32 s12, s3  }
0x1f: {  	s26 =	simm.s32 $0x200;
	[dreg:$0x12] =	wrdreg s0;
	s0 =	sor.u32 $0x200, s15  }
0x20: {  	s7 =	simm.s32 $0x680;
	[dreg:$0x13] =	wrdreg s14;
	s0 =	sshrl.u32 s0, $0x3  }
0x21: {  	s3 =	simm.s32 $0x2;
	s13 =	simm.s32 $0x580;
	s20 =	sadd.s32 s0, s6  }
0x22: {  	s14 =	simm.s32 $0x700;
	s0 =	sadd.s32 s0, s5;
	[dreg:$0x14] =	wrdreg s20  }
0x23: {  	s15 =	simm.s32 $0x1;
	[dreg:$0x15] =	wrdreg s0;
	s0 =	simm.s32 $0x3  }
.LBB2_1:
0x24: {  	s8 =	rddreg [dreg:$0xb]  }
0x25: {  	[tilespmem:s23], [sflag:$0x5] =	stream.linear.gather [hbm4b:s8+s2], $0x4000, $0x38;
	[tilespmem:$0x1C800] =	vst v63  }
0x26: {  	_ =	swait.ge [sflag:s24], $0x4000  }
0x27: {  	[sflag:s24] =	ssyncset.done $0x0  }
0x28: {  	[sflag:s24] =	ssyncadd.s32 $0xFFFFC000  }
0x29: {  	[spmem:s9] =	stream.linear.scatter [tilespmem:s23], [sflag:$0x4], $0x4000, $0x38;
	[tilespmem:$0x1C800] =	vst v63  }
0x2a: {  	_ = 	snop  }
0x2b: {  	[spmem:s21] =	stream.linear.scatter [tilespmem:s23], [sflag:$0x4], $0x4000, $0x38;
	[tilespmem:$0x1C800] =	vst v63  }
0x2c: {  	_ = 	snop  }
0x2d: {  	[spmem:s22] =	stream.linear.scatter [tilespmem:s23], [sflag:$0x4], $0x4000, $0x38;
	[tilespmem:$0x1C800] =	vst v63  }
0x2e: {  	_ = 	snop  }
0x2f: {  	[spmem:s18] =	stream.linear.scatter [tilespmem:s23], [sflag:$0x4], $0x4000, $0x38;
	[tilespmem:$0x1C800] =	vst v63  }
0x30: {  	s10 =	smov.u32 s9;
	s9 =	smov.u32 s11  }
0x31: {  	[spmem:s9] =	stream.linear.scatter [tilespmem:s23], [sflag:$0x4], $0x4000, $0x38;
	[tilespmem:$0x1C800] =	vst v63  }
0x32: {  	_ =	swait.ge [sflag:s25], $0x4000  }
0x33: {  	[sflag:s25] =	ssyncset.done $0x0  }
0x34: {  	[sflag:s25] =	ssyncadd.s32 $0xFFFFC000  }
0x35: {  	_ =	swait.ge [sflag:s25], $0x4000  }
0x36: {  	[sflag:s25] =	ssyncset.done $0x0  }
0x37: {  	[sflag:s25] =	ssyncadd.s32 $0xFFFFC000  }
0x38: {  	_ =	swait.ge [sflag:s25], $0x4000  }
0x39: {  	[sflag:s25] =	ssyncset.done $0x0  }
0x3a: {  	[sflag:s25] =	ssyncadd.s32 $0xFFFFC000  }
0x3b: {  	_ =	swait.ge [sflag:s25], $0x4000  }
0x3c: {  	[sflag:s25] =	ssyncset.done $0x0  }
0x3d: {  	[sflag:s25] =	ssyncadd.s32 $0xFFFFC000  }
0x3e: {  	_ =	swait.ge [sflag:s25], $0x4000  }
0x3f: {  	[sflag:s25] =	ssyncset.done $0x0  }
0x40: {  	[sflag:s25] =	ssyncadd.s32 $0xFFFFC000  }
0x41: {  	[bflag:$0x0] =	sbarrier.arrive $0xFFFF  }
0x42: {  	s12 =	smov.u32 s22;
	s22 =	rddreg [dreg:$0xc]  }
0x43: {  	[tilespmem:s2], [sflag:$0x5] =	stream.linear.gather [hbm4b:s22+s2], $0x200, $0x38;
	[tilespmem:$0x1C800] =	vst v63  }
0x44: {  	_ =	swait.ge [sflag:s24], $0x200  }
0x45: {  	[sflag:s24] =	ssyncset.done $0x0  }
0x46: {  	s20 =	smov.u32 s9;
	s9 =	rddreg [dreg:$0xd];
	[sflag:s24] =	ssyncadd.s32 $0xFFFFFE00  }
0x47: {  	[tilespmem:s26], [sflag:$0x5] =	stream.linear.gather [hbm4b:s9+s2], $0x200, $0x38;
	[tilespmem:$0x1C800] =	vst v63  }
0x48: {  	_ =	swait.ge [sflag:s24], $0x200  }
0x49: {  	[sflag:s24] =	ssyncset.done $0x0  }
0x4a: {  	[sflag:s24] =	ssyncadd.s32 $0xFFFFFE00  }
0x4b: {  	[tilespmem:s23], [sflag:$0x3] =	stream.indirect.gather [hbm4b:s4+s28], $0x80, s2, s28, $0xb8;
	[tilespmem:$0x1C800] =	vst v63  }
0x4c: {  	s22 =	rddreg [dreg:$0x15]  }
0x4d: {  	[tilespmem:s29], [sflag:$0x2] =	stream.linear.gather [hbm4b:s22+s2], $0x200, $0x38;
	[tilespmem:$0x1C800] =	vst v63  }
0x4e: {  	s11 =	smov.u32 s21;
	s21 =	rddreg [dreg:$0x14]  }
0x4f: {  	[tilespmem:s30], [sflag:$0x2] =	stream.linear.gather [hbm4b:s21+s2], $0x200, $0x38;
	[tilespmem:$0x1C800] =	vst v63  }
0x50: {  	_ = 	snop  }
0x51: {  	[tilespmem:s31], [sflag:$0x4] =	stream.indirect.gather [hbm4b:s4+s28], $0x80, s28, s28, $0xb8;
	[tilespmem:$0x1C800] =	vst v63  }
0x52: {  	_ =	swait.ge [sflag:s0], $0x4000  }
0x53: {  	[sflag:s0] =	ssyncset.done $0x0  }
0x54: {  	[sflag:s0] =	ssyncadd.s32 $0xFFFFC000  }
0x55: {  	[spmem:s1] =	stream.indirect.scatter.add.f32 [tilespmem:s23], [sflag:$0x5], $0x80, s26, s28, $0xb8;
	[tilespmem:$0x1C800] =	vst v63  }
0x56: {  	_ =	swait.ge [sflag:s24], $0x4000  }
0x57: {  	[sflag:s24] =	ssyncset.done $0x0  }
0x58: {  	s19 =	smov.u32 s18;
	s18 =	rddreg [dreg:$0x4];
	[sflag:s24] =	ssyncadd.s32 $0xFFFFC000  }
0x59: {  	[tilespmem:s23], [sflag:$0x3] =	stream.indirect.gather [hbm4b:s4+s28], $0x80, s18, s28, $0xb8;
	[tilespmem:$0x1C800] =	vst v63  }
0x5a: {  	_ =	swait.ge [sflag:s25], $0x4000  }
0x5b: {  	[sflag:s25] =	ssyncset.done $0x0  }
0x5c: {  	s9 =	rddreg [dreg:$0x5];
	[sflag:s25] =	ssyncadd.s32 $0xFFFFC000  }
0x5d: {  	[spmem:s1] =	stream.indirect.scatter.add.f32 [tilespmem:s31], [sflag:$0x5], $0x80, s9, s28, $0xb8;
	[tilespmem:$0x1C800] =	vst v63  }
0x5e: {  	_ =	swait.ge [sflag:s24], $0x4000  }
0x5f: {  	[sflag:s24] =	ssyncset.done $0x0  }
0x60: {  	s18 =	rddreg [dreg:$0x6];
	[sflag:s24] =	ssyncadd.s32 $0xFFFFC000  }
0x61: {  	[tilespmem:s31], [sflag:$0x4] =	stream.indirect.gather [hbm4b:s4+s28], $0x80, s18, s28, $0xb8;
	[tilespmem:$0x1C800] =	vst v63  }
0x62: {  	_ =	swait.ge [sflag:s0], $0x4000  }
0x63: {  	[sflag:s0] =	ssyncset.done $0x0  }
0x64: {  	s9 =	rddreg [dreg:$0x7];
	[sflag:s0] =	ssyncadd.s32 $0xFFFFC000  }
0x65: {  	[spmem:s1] =	stream.indirect.scatter.add.f32 [tilespmem:s23], [sflag:$0x5], $0x80, s9, s28, $0xb8;
	[tilespmem:$0x1C800] =	vst v63  }
0x66: {  	_ =	swait.ge [sflag:s24], $0x4000  }
0x67: {  	[sflag:s24] =	ssyncset.done $0x0  }
0x68: {  	[sflag:s24] =	ssyncadd.s32 $0xFFFFC000  }
0x69: {  	_ =	swait.ge [sflag:s3], $0x200  }
0x6a: {  	[sflag:s3] =	ssyncset.done $0x0  }
0x6b: {  	[sflag:s3] =	ssyncadd.s32 $0xFFFFFE00  }
0x6c: {  	_ =	swait.ge [sflag:s3], $0x200  }
0x6d: {  	[sflag:s3] =	ssyncset.done $0x0  }
0x6e: {  	[sflag:s3] =	ssyncadd.s32 $0xFFFFFE00  }
0x6f: {  	[tilespmem:s23], [sflag:$0x3] =	stream.indirect.gather [hbm4b:s4+s28], $0x80, s29, s28, $0xb8;
	[tilespmem:$0x1C800] =	vst v63  }
0x70: {  	_ =	swait.ge [sflag:s25], $0x4000  }
0x71: {  	[sflag:s25] =	ssyncset.done $0x0  }
0x72: {  	s18 =	rddreg [dreg:$0x8];
	[sflag:s25] =	ssyncadd.s32 $0xFFFFC000  }
0x73: {  	[spmem:s1] =	stream.indirect.scatter.add.f32 [tilespmem:s31], [sflag:$0x5], $0x80, s18, s28, $0xb8;
	[tilespmem:$0x1C800] =	vst v63  }
0x74: {  	s9 =	smin.u32 s2, $0x11;
	_ =	swait.ge [sflag:s24], $0x4000  }
0x75: {  	s18 =	sshll.u32 s9, $0x9;
	s8 =	rddreg [dreg:$0x3]  }
0x76: {  	s8 =	sadd.s32 s18, s8  }
0x77: {  	[sflag:s24] =	ssyncset.done $0x0;
	s8 =	sshrl.u32 s8, $0x3  }
0x78: {  	[sflag:s24] =	ssyncadd.s32 $0xFFFFC000;
	s9 =	sadd.s32 s5, s8  }
0x79: {  	[tilespmem:s2], [sflag:$0x1] =	stream.linear.gather [hbm4b:s9+s2], $0x200, $0x38;
	[tilespmem:$0x1C800] =	vst v63  }
0x7a: {  	s8 =	sadd.s32 s6, s8  }
0x7b: {  	[tilespmem:s26], [sflag:$0x1] =	stream.linear.gather [hbm4b:s8+s2], $0x200, $0x38;
	[tilespmem:$0x1C800] =	vst v63  }
0x7c: {  	s9 =	rddreg [dreg:$0x9]  }
0x7d: {  	[tilespmem:s31], [sflag:$0x4] =	stream.indirect.gather [hbm4b:s4+s28], $0x80, s9, s28, $0xb8;
	[tilespmem:$0x1C800] =	vst v63  }
0x7e: {  	_ =	swait.ge [sflag:s0], $0x4000  }
0x7f: {  	[sflag:s0] =	ssyncset.done $0x0  }
0x80: {  	[sflag:s0] =	ssyncadd.s32 $0xFFFFC000  }
0x81: {  	[spmem:s1] =	stream.indirect.scatter.add.f32 [tilespmem:s23], [sflag:$0x5], $0x80, s30, s28, $0xb8;
	[tilespmem:$0x1C800] =	vst v63  }
0x82: {  	_ =	swait.ge [sflag:s24], $0x4000  }
0x83: {  	[sflag:s24] =	ssyncset.done $0x0  }
0x84: {  	s18 =	rddreg [dreg:$0xa];
	[sflag:s24] =	ssyncadd.s32 $0xFFFFC000  }
0x85: {  	[tilespmem:s23], [sflag:$0x3] =	stream.indirect.gather [hbm4b:s4+s28], $0x80, s18, s28, $0xb8;
	[tilespmem:$0x1C800] =	vst v63  }
0x86: {  	_ =	swait.ge [sflag:s25], $0x4000  }
0x87: {  	[sflag:s25] =	ssyncset.done $0x0  }
0x88: {  	[sflag:s25] =	ssyncadd.s32 $0xFFFFC000  }
0x89: {  	[spmem:s1] =	stream.indirect.scatter.add.f32 [tilespmem:s31], [sflag:$0x5], $0x80, s7, s28, $0xb8;
	[tilespmem:$0x1C800] =	vst v63  }
0x8a: {  	_ =	swait.ge [sflag:s24], $0x4000  }
0x8b: {  	[sflag:s24] =	ssyncset.done $0x0  }
0x8c: {  	[sflag:s24] =	ssyncadd.s32 $0xFFFFC000  }
0x8d: {  	[tilespmem:s31], [sflag:$0x4] =	stream.indirect.gather [hbm4b:s4+s28], $0x80, s13, s28, $0xb8;
	[tilespmem:$0x1C800] =	vst v63  }
0x8e: {  	_ =	swait.ge [sflag:s0], $0x4000  }
0x8f: {  	[sflag:s0] =	ssyncset.done $0x0  }
0x90: {  	[sflag:s0] =	ssyncadd.s32 $0xFFFFC000  }
0x91: {  	[spmem:s1] =	stream.indirect.scatter.add.f32 [tilespmem:s23], [sflag:$0x5], $0x80, s14, s28, $0xb8;
	[tilespmem:$0x1C800] =	vst v63  }
0x92: {  	_ =	swait.ge [sflag:s24], $0x4000  }
0x93: {  	[sflag:s24] =	ssyncset.done $0x0  }
0x94: {  	[sflag:s24] =	ssyncadd.s32 $0xFFFFC000  }
0x95: {  	_ =	swait.ge [sflag:s15], $0x200  }
0x96: {  	[sflag:s15] =	ssyncset.done $0x0  }
0x97: {  	[sflag:s15] =	ssyncadd.s32 $0xFFFFFE00  }
0x98: {  	_ =	swait.ge [sflag:s15], $0x200  }
0x99: {  	[sflag:s15] =	ssyncset.done $0x0  }
0x9a: {  	[sflag:s15] =	ssyncadd.s32 $0xFFFFFE00  }
0x9b: {  	[tilespmem:s23], [sflag:$0x3] =	stream.indirect.gather [hbm4b:s4+s28], $0x80, s2, s28, $0xb8;
	[tilespmem:$0x1C800] =	vst v63  }
0x9c: {  	_ =	swait.ge [sflag:s25], $0x4000  }
0x9d: {  	[sflag:s25] =	ssyncset.done $0x0  }
0x9e: {  	[sflag:s25] =	ssyncadd.s32 $0xFFFFC000  }
0x9f: {  	[spmem:s1] =	stream.indirect.scatter.add.f32 [tilespmem:s31], [sflag:$0x5], $0x80, s16, s28, $0xb8;
	[tilespmem:$0x1C800] =	vst v63  }
0xa0: {  	_ =	swait.ge [sflag:s24], $0x4000  }
0xa1: {  	s18 =	simm.s32 $0x2;
	[sflag:s24] =	ssyncset.done $0x0  }
.LBB2_2:
0xa2: {  	[sflag:s24] =	ssyncadd.s32 $0xFFFFC000;
	s22 =	sadd.s32 $0x80, s22  }
0xa3: {  	[tilespmem:s29], [sflag:$0x2] =	stream.linear.gather [hbm4b:s22+s2], $0x200, $0x38;
	[tilespmem:$0x1C800] =	vst v63  }
0xa4: {  	s21 =	sadd.s32 $0x80, s21  }
0xa5: {  	[tilespmem:s30], [sflag:$0x2] =	stream.linear.gather [hbm4b:s21+s2], $0x200, $0x38;
	[tilespmem:$0x1C800] =	vst v63  }
0xa6: {  	_ = 	snop  }
0xa7: {  	[tilespmem:s31], [sflag:$0x4] =	stream.indirect.gather [hbm4b:s4+s28], $0x80, s28, s28, $0xb8;
	[tilespmem:$0x1C800] =	vst v63  }
0xa8: {  	_ =	swait.ge [sflag:s0], $0x4000  }
0xa9: {  	[sflag:s0] =	ssyncset.done $0x0  }
0xaa: {  	[sflag:s0] =	ssyncadd.s32 $0xFFFFC000  }
0xab: {  	[spmem:s1] =	stream.indirect.scatter.add.f32 [tilespmem:s23], [sflag:$0x5], $0x80, s26, s28, $0xb8;
	[tilespmem:$0x1C800] =	vst v63  }
0xac: {  	_ =	swait.ge [sflag:s24], $0x4000  }
0xad: {  	[sflag:s24] =	ssyncset.done $0x0  }
0xae: {  	s9 =	rddreg [dreg:$0x4];
	[sflag:s24] =	ssyncadd.s32 $0xFFFFC000  }
0xaf: {  	[tilespmem:s23], [sflag:$0x3] =	stream.indirect.gather [hbm4b:s4+s28], $0x80, s9, s28, $0xb8;
	[tilespmem:$0x1C800] =	vst v63  }
0xb0: {  	_ =	swait.ge [sflag:s25], $0x4000  }
0xb1: {  	[sflag:s25] =	ssyncset.done $0x0  }
0xb2: {  	s9 =	rddreg [dreg:$0x5];
	[sflag:s25] =	ssyncadd.s32 $0xFFFFC000  }
0xb3: {  	[spmem:s1] =	stream.indirect.scatter.add.f32 [tilespmem:s31], [sflag:$0x5], $0x80, s9, s28, $0xb8;
	[tilespmem:$0x1C800] =	vst v63  }
0xb4: {  	_ =	swait.ge [sflag:s24], $0x4000  }
0xb5: {  	[sflag:s24] =	ssyncset.done $0x0  }
0xb6: {  	s9 =	rddreg [dreg:$0x6];
	[sflag:s24] =	ssyncadd.s32 $0xFFFFC000  }
0xb7: {  	[tilespmem:s31], [sflag:$0x4] =	stream.indirect.gather [hbm4b:s4+s28], $0x80, s9, s28, $0xb8;
	[tilespmem:$0x1C800] =	vst v63  }
0xb8: {  	_ =	swait.ge [sflag:s0], $0x4000  }
0xb9: {  	[sflag:s0] =	ssyncset.done $0x0  }
0xba: {  	s9 =	rddreg [dreg:$0x7];
	[sflag:s0] =	ssyncadd.s32 $0xFFFFC000  }
0xbb: {  	[spmem:s1] =	stream.indirect.scatter.add.f32 [tilespmem:s23], [sflag:$0x5], $0x80, s9, s28, $0xb8;
	[tilespmem:$0x1C800] =	vst v63  }
0xbc: {  	_ =	swait.ge [sflag:s24], $0x4000  }
0xbd: {  	[sflag:s24] =	ssyncset.done $0x0  }
0xbe: {  	[sflag:s24] =	ssyncadd.s32 $0xFFFFC000  }
0xbf: {  	_ =	swait.ge [sflag:s3], $0x200  }
0xc0: {  	[sflag:s3] =	ssyncset.done $0x0  }
0xc1: {  	[sflag:s3] =	ssyncadd.s32 $0xFFFFFE00  }
0xc2: {  	_ =	swait.ge [sflag:s3], $0x200  }
0xc3: {  	[sflag:s3] =	ssyncset.done $0x0  }
0xc4: {  	[sflag:s3] =	ssyncadd.s32 $0xFFFFFE00  }
0xc5: {  	[tilespmem:s23], [sflag:$0x3] =	stream.indirect.gather [hbm4b:s4+s28], $0x80, s29, s28, $0xb8;
	[tilespmem:$0x1C800] =	vst v63  }
0xc6: {  	_ =	swait.ge [sflag:s25], $0x4000  }
0xc7: {  	[sflag:s25] =	ssyncset.done $0x0  }
0xc8: {  	s8 =	smov.u32 s18;
	s9 =	rddreg [dreg:$0x8];
	[sflag:s25] =	ssyncadd.s32 $0xFFFFC000  }
0xc9: {  	[spmem:s1] =	stream.indirect.scatter.add.f32 [tilespmem:s31], [sflag:$0x5], $0x80, s9, s28, $0xb8;
	[tilespmem:$0x1C800] =	vst v63  }
0xca: {  	s8 =	smin.u32 s8, $0x11;
	_ =	swait.ge [sflag:s24], $0x4000  }
0xcb: {  	s8 =	sshll.u32 s8, $0x9;
	s9 =	rddreg [dreg:$0x3]  }
0xcc: {  	s8 =	sadd.s32 s8, s9  }
0xcd: {  	[sflag:s24] =	ssyncset.done $0x0;
	s8 =	sshrl.u32 s8, $0x3  }
0xce: {  	[sflag:s24] =	ssyncadd.s32 $0xFFFFC000;
	s9 =	sadd.s32 s5, s8  }
0xcf: {  	[tilespmem:s2], [sflag:$0x1] =	stream.linear.gather [hbm4b:s9+s2], $0x200, $0x38;
	[tilespmem:$0x1C800] =	vst v63  }
0xd0: {  	s8 =	sadd.s32 s6, s8  }
0xd1: {  	[tilespmem:s26], [sflag:$0x1] =	stream.linear.gather [hbm4b:s8+s2], $0x200, $0x38;
	[tilespmem:$0x1C800] =	vst v63  }
0xd2: {  	s9 =	rddreg [dreg:$0x9]  }
0xd3: {  	[tilespmem:s31], [sflag:$0x4] =	stream.indirect.gather [hbm4b:s4+s28], $0x80, s9, s28, $0xb8;
	[tilespmem:$0x1C800] =	vst v63  }
0xd4: {  	_ =	swait.ge [sflag:s0], $0x4000  }
0xd5: {  	[sflag:s0] =	ssyncset.done $0x0  }
0xd6: {  	[sflag:s0] =	ssyncadd.s32 $0xFFFFC000  }
0xd7: {  	[spmem:s1] =	stream.indirect.scatter.add.f32 [tilespmem:s23], [sflag:$0x5], $0x80, s30, s28, $0xb8;
	[tilespmem:$0x1C800] =	vst v63  }
0xd8: {  	_ =	swait.ge [sflag:s24], $0x4000  }
0xd9: {  	[sflag:s24] =	ssyncset.done $0x0  }
0xda: {  	s9 =	rddreg [dreg:$0xa];
	[sflag:s24] =	ssyncadd.s32 $0xFFFFC000  }
0xdb: {  	[tilespmem:s23], [sflag:$0x3] =	stream.indirect.gather [hbm4b:s4+s28], $0x80, s9, s28, $0xb8;
	[tilespmem:$0x1C800] =	vst v63  }
0xdc: {  	_ =	swait.ge [sflag:s25], $0x4000  }
0xdd: {  	[sflag:s25] =	ssyncset.done $0x0  }
0xde: {  	[sflag:s25] =	ssyncadd.s32 $0xFFFFC000  }
0xdf: {  	[spmem:s1] =	stream.indirect.scatter.add.f32 [tilespmem:s31], [sflag:$0x5], $0x80, s7, s28, $0xb8;
	[tilespmem:$0x1C800] =	vst v63  }
0xe0: {  	_ =	swait.ge [sflag:s24], $0x4000  }
0xe1: {  	[sflag:s24] =	ssyncset.done $0x0  }
0xe2: {  	[sflag:s24] =	ssyncadd.s32 $0xFFFFC000  }
0xe3: {  	[tilespmem:s31], [sflag:$0x4] =	stream.indirect.gather [hbm4b:s4+s28], $0x80, s13, s28, $0xb8;
	[tilespmem:$0x1C800] =	vst v63  }
0xe4: {  	_ =	swait.ge [sflag:s0], $0x4000  }
0xe5: {  	[sflag:s0] =	ssyncset.done $0x0  }
0xe6: {  	[sflag:s0] =	ssyncadd.s32 $0xFFFFC000  }
0xe7: {  	[spmem:s1] =	stream.indirect.scatter.add.f32 [tilespmem:s23], [sflag:$0x5], $0x80, s14, s28, $0xb8;
	[tilespmem:$0x1C800] =	vst v63  }
0xe8: {  	_ =	swait.ge [sflag:s24], $0x4000  }
0xe9: {  	[sflag:s24] =	ssyncset.done $0x0  }
0xea: {  	[sflag:s24] =	ssyncadd.s32 $0xFFFFC000  }
0xeb: {  	_ =	swait.ge [sflag:s15], $0x200  }
0xec: {  	[sflag:s15] =	ssyncset.done $0x0  }
0xed: {  	[sflag:s15] =	ssyncadd.s32 $0xFFFFFE00  }
0xee: {  	_ =	swait.ge [sflag:s15], $0x200  }
0xef: {  	[sflag:s15] =	ssyncset.done $0x0  }
0xf0: {  	[sflag:s15] =	ssyncadd.s32 $0xFFFFFE00  }
0xf1: {  	[tilespmem:s23], [sflag:$0x3] =	stream.indirect.gather [hbm4b:s4+s28], $0x80, s2, s28, $0xb8;
	[tilespmem:$0x1C800] =	vst v63  }
0xf2: {  	p0 =	sne.s32 s18, $0x12;
	_ =	swait.ge [sflag:s25], $0x4000  }
.Ltmp0:
0xf3: {  	[sflag:s25] =	ssyncset.done $0x0;
	(pc) =	sbr.rel @p0 .LBB2_2-.Ltmp0, $4  }
0xf4: {  	[sflag:s25] =	ssyncadd.s32 $0xFFFFC000  }
0xf5: {  	[spmem:s1] =	stream.indirect.scatter.add.f32 [tilespmem:s31], [sflag:$0x5], $0x80, s16, s28, $0xb8;
	[tilespmem:$0x1C800] =	vst v63  }
0xf6: {  	_ =	swait.ge [sflag:s24], $0x4000  }
0xf7: {  	s18 =	sadd.s32 $0x2, s18;
	[sflag:s24] =	ssyncset.done $0x0  }
0xf8: {  	[sflag:s24] =	ssyncadd.s32 $0xFFFFC000  }
0xf9: {  	_ =	swait.ge [sflag:s0], $0x4000  }
0xfa: {  	[sflag:s0] =	ssyncset.done $0x0  }
0xfb: {  	[sflag:s0] =	ssyncadd.s32 $0xFFFFC000  }
0xfc: {  	[bflag:$0x0] =	sbarrier.arrive $0xFFFF  }
0xfd: {  	[tilespmem:s23], [sflag:$0x3] =	stream.linear.gather [spmem:s10], $0x4000, $0x38;
	[tilespmem:$0x1C800] =	vst v63  }
0xfe: {  	_ =	swait.ge [sflag:s0], $0x4000  }
0xff: {  	[sflag:s0] =	ssyncset.done $0x0  }
0x100: {  	[sflag:s0] =	ssyncadd.s32 $0xFFFFC000  }
0x101: {  	[tilespmem:s31], [sflag:$0x4] =	stream.linear.gather [spmem:s11], $0x4000, $0x38;
	[tilespmem:$0x1C800] =	vst v63  }
0x102: {  	s8 =	rddreg [dreg:$0xe]  }
0x103: {  	[hbm4b:s8+s2] =	stream.linear.scatter [tilespmem:s23], [sflag:$0x5], $0x4000, $0x38;
	[tilespmem:$0x1C800] =	vst v63  }
0x104: {  	_ =	swait.ge [sflag:s24], $0x4000  }
0x105: {  	[sflag:s24] =	ssyncset.done $0x0  }
0x106: {  	[sflag:s24] =	ssyncadd.s32 $0xFFFFC000  }
0x107: {  	_ =	swait.ge [sflag:s25], $0x4000  }
0x108: {  	[sflag:s25] =	ssyncset.done $0x0  }
0x109: {  	[sflag:s25] =	ssyncadd.s32 $0xFFFFC000  }
0x10a: {  	[tilespmem:s23], [sflag:$0x3] =	stream.linear.gather [spmem:s12], $0x4000, $0x38;
	[tilespmem:$0x1C800] =	vst v63  }
0x10b: {  	s9 =	smov.u32 s10;
	s10 =	rddreg [dreg:$0xf]  }
0x10c: {  	[hbm4b:s10+s2] =	stream.linear.scatter [tilespmem:s31], [sflag:$0x5], $0x4000, $0x38;
	[tilespmem:$0x1C800] =	vst v63  }
0x10d: {  	_ =	swait.ge [sflag:s24], $0x4000  }
0x10e: {  	[sflag:s24] =	ssyncset.done $0x0  }
0x10f: {  	[sflag:s24] =	ssyncadd.s32 $0xFFFFC000  }
0x110: {  	_ =	swait.ge [sflag:s0], $0x4000  }
0x111: {  	[sflag:s0] =	ssyncset.done $0x0  }
0x112: {  	[sflag:s0] =	ssyncadd.s32 $0xFFFFC000  }
0x113: {  	[tilespmem:s31], [sflag:$0x4] =	stream.linear.gather [spmem:s19], $0x4000, $0x38;
	[tilespmem:$0x1C800] =	vst v63  }
0x114: {  	s21 =	smov.u32 s11;
	s11 =	rddreg [dreg:$0x10]  }
0x115: {  	[hbm4b:s11+s2] =	stream.linear.scatter [tilespmem:s23], [sflag:$0x5], $0x4000, $0x38;
	[tilespmem:$0x1C800] =	vst v63  }
0x116: {  	_ =	swait.ge [sflag:s24], $0x4000  }
0x117: {  	[sflag:s24] =	ssyncset.done $0x0  }
0x118: {  	[sflag:s24] =	ssyncadd.s32 $0xFFFFC000  }
0x119: {  	_ =	swait.ge [sflag:s25], $0x4000  }
0x11a: {  	[sflag:s25] =	ssyncset.done $0x0  }
0x11b: {  	[sflag:s25] =	ssyncadd.s32 $0xFFFFC000  }
0x11c: {  	[tilespmem:s23], [sflag:$0x3] =	stream.linear.gather [spmem:s20], $0x4000, $0x38;
	[tilespmem:$0x1C800] =	vst v63  }
0x11d: {  	s22 =	smov.u32 s12;
	s12 =	rddreg [dreg:$0x11]  }
0x11e: {  	[hbm4b:s12+s2] =	stream.linear.scatter [tilespmem:s31], [sflag:$0x5], $0x4000, $0x38;
	[tilespmem:$0x1C800] =	vst v63  }
0x11f: {  	_ =	swait.ge [sflag:s24], $0x4000  }
0x120: {  	[sflag:s24] =	ssyncset.done $0x0  }
0x121: {  	[sflag:s24] =	ssyncadd.s32 $0xFFFFC000  }
0x122: {  	_ =	swait.ge [sflag:s0], $0x4000  }
0x123: {  	[sflag:s0] =	ssyncset.done $0x0  }
0x124: {  	s18 =	smov.u32 s19;
	s19 =	rddreg [dreg:$0x12];
	[sflag:s0] =	ssyncadd.s32 $0xFFFFC000  }
0x125: {  	[hbm4b:s19+s2] =	stream.linear.scatter [tilespmem:s23], [sflag:$0x5], $0x4000, $0x38;
	[tilespmem:$0x1C800] =	vst v63  }
0x126: {  	_ =	swait.ge [sflag:s24], $0x4000  }
0x127: {  	s17 =	sadd.s32 $0x1, s17;
	s11 =	smov.u32 s20;
	s20 =	rddreg [dreg:$0x13]  }
0x128: {  	p0 =	sne.s32 s17, s20  }
.Ltmp1:
0x129: {  	_ = 	snop;
	(pc) =	sbr.rel @p0 .LBB2_1-.Ltmp1, $3  }
0x12a: {  	_ =	sdelay $0x1  }
0x12b: {  	[sflag:s24] =	ssyncset.done $0x0  }
0x12c: {  	[sflag:s24] =	ssyncadd.s32 $0xFFFFC000  }
0x12d: {  	_ =	sfence.sel $0x180000  }
0x12e: {  	[bflag:$0x0] =	sbarrier.arrive $0xFFFF  }
0x12f: {  	_ =	strace $0x9000004D  }
0x130: {  	s0 =	stileid.u32;
	[bflag:$0x2] =	sbarrier.arrive $0xFFFF  }
0x131: {  	p0 =	sne.s32 s0, $0x0;
	s0 =	rddreg [dreg:$0x2]  }
0x132: {  	s0 =	sadd.s32 @!p0 $0x100000, s0  }
0x133: {  	[sflag:s0] =	ssyncadd.tile.s32 @!p0 $0x1;
	_ =	shalt  }
.Lfunc_end2:
_tile_overlayer_lowered:
.L_overlay_start_2:
0x134: {  	(tag) =	ssettag $0x2  }
0x135: {  	s0 =	rddreg [dreg:$0x0];
	s2 =	stileid.u32  }
0x136: {  	s1 =	rddreg [dreg:$0x1];
	p0 =	sne.s32 s2, $0x0  }
0x137: {  	s3 =	rddreg [dreg:$0x2];
	[bflag:$0x3] =	sbarrier.arrive $0xFFFF;
	s2 =	simm.s32 @!p0 $0x1C05  }
0x138: {  	[timem:s3], [sflag:s2] =	dma.local @!p0 [hbm:s0], s1  }
0x139: {  	s0 =	simm.s32 @!p0 $0x5  }
0x13a: {  	_ =	swait.ge @!p0 [sflag:s0], s1  }
0x13b: {  	s1 =	ssub.s32 @!p0 $0x0, s1;
	[sflag:s0] =	ssyncset.done @!p0 $0x0  }
0x13c: {  	[sflag:s0] =	ssyncadd.s32 @!p0 s1  }
0x13d: {  	[bflag:$0x3] =	sbarrier.arrive $0xFFFF  }
0x13e: {  	_ =	shalt  }

// kernel: kernel.9.cloned.1.call-start
scs
__scs_entry_jumppad:
0x0: {  	(pc) =	sbr.rel $0x88, $3  }
0x1: {  	(tag) =	ssettag $0x0;
	lr =	simm.s32 $0x1  }
0x2: {  	[smem:$0x3F98] =	sst lr;
	_ =	strace $0xD0000000  }
0x3: {  	_ = 	snop  }
0x4: {  	_ = 	snop  }
0x5: {  	_ = 	snop  }
0x6: {  	_ = 	snop  }
0x7: {  	_ = 	snop  }
__scs_overlays_trampoline_lowered:
0x8: {  	[smem:$0x3FA7] =	sst s0  }
0x9: {  	[smem:$0x3FA8] =	sst s1  }
0xa: {  	[smem:$0x3FA9] =	sst s2  }
0xb: {  	[smem:$0x3FAA] =	sst s3  }
0xc: {  	[smem:$0x3FAB] =	sst s4  }
0xd: {  	[smem:$0x3FAC] =	sst s5  }
0xe: {  	[smem:$0x3FAD] =	sst s6  }
0xf: {  	[smem:$0x3FAE] =	sst s7  }
0x10: {  	[smem:$0x3FAF] =	sst s8  }
0x11: {  	[smem:$0x3FB0] =	sst s9;
	s0 =	simm.s32 @!p0 $0x0  }
0x12: {  	s1 =	sld [smem:$0x3F96];
	s0 =	simm.s32 @p0 $0x1  }
0x13: {  	[smem:$0x3FB1] =	sst s0;
	s0 =	simm.s32 @!p1 $0x0  }
0x14: {  	s2 =	sld [smem:$0x3F95];
	s0 =	simm.s32 @p1 $0x1  }
0x15: {  	[smem:$0x3FB2] =	sst s0;
	s0 =	simm.s32 @!p2 $0x0  }
0x16: {  	s3 =	sld [smem:$0x3FDB];
	s0 =	simm.s32 @p2 $0x1  }
0x17: {  	s4 =	simm.s32 $0x1BF5;
	[smem:$0x3FB4] =	sst s0  }
0x18: {  	s0 =	sld [smem:$0x3F97];
	_ =	swait.ge [sflag:s4], $0x0  }
0x19: {  	s7 =	sld [smem:$0x3F98]  }
0x1a: {  	s8 =	sadd.s32 $0xFFFFE003, lr  }
0x1b: {  	s9 =	sadd.s32 $0xFFFFFEF7, lr;
	s5 =	simm.s32 $0xFFFFFFFF;
	p2 =	slt.u32 s8, $0xFFFFF086  }
0x1c: {  	p1 =	slt.u32 s9, $0xF7A;
	s5 =	simm.s32 @!p2 $0x0  }
0x1d: {  	s5 =	simm.s32 @p1 $0x1;
	p0 =	seq.s32 s7, s2  }
0x1e: {  	s7 =	smul.u32 @!p0 $0xF7A, s2;
	p2 =	seq.s32 @!p0 s5, $0x0  }
0x1f: {  	s9 =	smul.u32 $0xF7A, s1;
	s8 =	simm.s32 @!p0 $0x1BF5;
	p2 =	por !p2, p0  }
0x20: {  	[sflag:s8] =	ssyncset.s32 @!p0 $0xFFFFF086;
	s6 =	sadd.s32 @!p0 s3, s7;
	s7 =	simm.s32 @!p0 $0x108  }
0x21: {  	s3 =	sadd.s32 s3, s9;
	s6 =	sadd.s32 @!p0 $0x88, s6;
	s7 =	simm.s32 @p2 $0x1082  }
0x22: {  	[simem:s7], [sflag:s8] =	dma.local @!p0 [hbm:s6], $0xF7A  }
0x23: {  	s9 =	sor.u32 $0xD0000000, s2;
	s6 =	simm.s32 $0x108;
	_ =	swait.ge @!p0 [sflag:s8], $0x0  }
0x24: {  	s3 =	sadd.s32 $0x88, s3;
	s6 =	simm.s32 @!p1 $0x1082;
	[sflag:s4] =	ssyncset.s32 $0xFFFFF086  }
0x25: {  	[simem:s6], [sflag:s4] =	dma.local [hbm:s3], $0xF7A  }
0x26: {  	[smem:$0x3F98] =	sst s1;
	(tag) =	ssettag s2;
	_ =	strace s9  }
0x27: {  	s1 =	sld [smem:$0x3FA8]  }
0x28: {  	s2 =	sld [smem:$0x3FA9]  }
0x29: {  	s4 =	sld [smem:$0x3FAB]  }
0x2a: {  	p0 =	seq.s32 s5, $0x0;
	s5 =	sld [smem:$0x3FAC]  }
0x2b: {  	s6 =	sld [smem:$0x3FAD]  }
0x2c: {  	s7 =	sld [smem:$0x3FAE]  }
0x2d: {  	s3 =	simm.s32 $0x108;
	s8 =	sld [smem:$0x3FAF]  }
0x2e: {  	s3 =	simm.s32 @!p0 $0x1082;
	s9 =	sld [smem:$0x3FB0]  }
0x2f: {  	lr =	sadd.s32 s0, s3;
	s0 =	sld [smem:$0x3FA7]  }
0x30: {  	s3 =	sld [smem:$0x3FAA]  }
0x31: {  	[smem:$0x3FB3] =	sst s10  }
0x32: {  	s10 =	sld [smem:$0x3FB1];
	_ =	sdelay $0x3  }
0x33: {  	p0 =	seq.s32 s10, $0x1;
	s10 =	sld [smem:$0x3FB3];
	_ =	sdelay $0x3  }
0x34: {  	[smem:$0x3FB3] =	sst s10  }
0x35: {  	s10 =	sld [smem:$0x3FB2];
	_ =	sdelay $0x3  }
0x36: {  	p1 =	seq.s32 s10, $0x1;
	s10 =	sld [smem:$0x3FB3];
	_ =	sdelay $0x3  }
0x37: {  	[smem:$0x3FB3] =	sst s10  }
0x38: {  	s10 =	sld [smem:$0x3FB4]  }
0x39: {  	_ = 	snop;
	(pc) =	sbr.ind lr, $3  }
0x3a: {  	_ = 	snop  }
0x3b: {  	_ = 	snop  }
0x3c: {  	p2 =	seq.s32 s10, $0x1;
	s10 =	sld [smem:$0x3FB3]  }
0x3d: {  	_ =	shalt  }
0x3e: {  	_ =	shalt  }
0x3f: {  	_ =	shalt  }
0x40: {  	_ =	shalt  }
0x41: {  	_ =	shalt  }
0x42: {  	_ =	shalt  }
0x43: {  	_ =	shalt  }
0x44: {  	_ =	shalt  }
0x45: {  	_ =	shalt  }
0x46: {  	_ =	shalt  }
0x47: {  	_ =	shalt  }
0x48: {  	_ =	shalt  }
0x49: {  	_ =	shalt  }
0x4a: {  	_ =	shalt  }
0x4b: {  	_ =	shalt  }
0x4c: {  	_ =	shalt  }
0x4d: {  	_ =	shalt  }
0x4e: {  	_ =	shalt  }
0x4f: {  	_ =	shalt  }
0x50: {  	_ =	shalt  }
0x51: {  	_ =	shalt  }
0x52: {  	_ =	shalt  }
0x53: {  	_ =	shalt  }
0x54: {  	_ =	shalt  }
0x55: {  	_ =	shalt  }
0x56: {  	_ =	shalt  }
0x57: {  	_ =	shalt  }
0x58: {  	_ =	shalt  }
0x59: {  	_ =	shalt  }
0x5a: {  	_ =	shalt  }
0x5b: {  	_ =	shalt  }
0x5c: {  	_ =	shalt  }
0x5d: {  	_ =	shalt  }
0x5e: {  	_ =	shalt  }
0x5f: {  	_ =	shalt  }
0x60: {  	_ =	shalt  }
0x61: {  	_ =	shalt  }
0x62: {  	_ =	shalt  }
0x63: {  	_ =	shalt  }
0x64: {  	_ =	shalt  }
0x65: {  	_ =	shalt  }
0x66: {  	_ =	shalt  }
0x67: {  	_ =	shalt  }
0x68: {  	_ =	shalt  }
0x69: {  	_ =	shalt  }
0x6a: {  	_ =	shalt  }
0x6b: {  	_ =	shalt  }
0x6c: {  	_ =	shalt  }
0x6d: {  	_ =	shalt  }
0x6e: {  	_ =	shalt  }
0x6f: {  	_ =	shalt  }
0x70: {  	_ =	shalt  }
0x71: {  	_ =	shalt  }
0x72: {  	_ =	shalt  }
0x73: {  	_ =	shalt  }
0x74: {  	_ =	shalt  }
0x75: {  	_ =	shalt  }
0x76: {  	_ =	shalt  }
0x77: {  	_ =	shalt  }
0x78: {  	_ =	shalt  }
0x79: {  	_ =	shalt  }
0x7a: {  	_ =	shalt  }
0x7b: {  	_ =	shalt  }
0x7c: {  	_ =	shalt  }
0x7d: {  	_ =	shalt  }
0x7e: {  	_ =	shalt  }
0x7f: {  	_ =	shalt  }
0x80: {  	_ =	shalt  }
0x81: {  	_ =	shalt  }
0x82: {  	_ =	shalt  }
0x83: {  	_ =	shalt  }
0x84: {  	_ =	shalt  }
0x85: {  	_ =	shalt  }
0x86: {  	_ =	shalt  }
0x87: {  	_ =	shalt  }
.Lfunc_end0:
.L_simem_size_0:
called_computation_lowered:
.L_overlay_start_0:
0x88: {  	s2 =	sld [smem:$0x3FD9]  }
0x89: {  	s3 =	sld [smem:$0x3FFE];
	_ =	sdelay $0x1  }
0x8a: {  	s1 =	srdreg.scid  }
0x8b: {  	s0 =	sand.u32 $0x1, s1  }
0x8c: {  	s17 =	sshll.u32 s0, $0xA;
	s2 =	sadd.s32 s3, s2  }
0x8d: {  	s2 =	sadd.s32 s2, s17  }
0x8e: {  	[smem:$0x3FBF] =	sst s2  }
0x8f: {  	_ = 	snop  }
0x90: {  	s2 =	sld [smem:$0x3FD0];
	(tm) =	ssettm $0x1  }
0x91: {  	s18 =	sld [smem:$0x3FFB];
	_ =	sdelay $0x3  }
0x92: {  	_ =	strace s18  }
0x93: {  	s3 =	sld [smem:$0x3FFC];
	_ =	sdelay $0x3  }
0x94: {  	_ =	strace s3  }
0x95: {  	s3 =	sld [smem:$0x3FFD];
	_ =	sdelay $0x3  }
0x96: {  	_ =	strace s3  }
0x97: {  	_ =	strace $0x8FFFFFFF  }
0x98: {  	s19 =	sld [smem:$0x3FDB];
	_ =	sdelay $0x1  }
0x99: {  	s4 =	simm.s32 $_scs_section_size  }
0x9a: {  	s5 =	simm.s32 $_size__tile_overlayer_lowered;
	s6 =	simm.s32 $_tile_overlayer_lowered  }
0x9b: {  	s22 =	simm.s32 $0x1BFF;
	s21 =	sshll.u32 s6, $0x1;
	s3 =	sadd.s32 s4, s19  }
0x9c: {  	s7 =	simm.s32 $0x0;
	s20 =	sshll.u32 s5, $0x1;
	s5 =	sadd.s32 s21, s3  }
0x9d: {  	[timem:s7], [sflag:s22] =	dma.local [hbm:s5], s20  }
0x9e: {  	_ =	swait.ge [sflag:s22], s20  }
0x9f: {  	s4 =	ssub.s32 $0x0, s20;
	[sflag:s22] =	ssyncset.done $0x0  }
0xa0: {  	[sflag:s22] =	ssyncadd.s32 s4;
	_ =	sdelay $0x1  }
0xa1: {  	s23 =	simm.s32 $0x1B8B  }
0xa2: {  	_ =	swait.ge [sflag:s23], $0x1  }
0xa3: {  	[sflag:s23] =	ssyncset.done $0x0  }
0xa4: {  	s25 =	simm.s32 $0x1B8E;
	s24 =	sld [smem:$0x3FFE];
	[sflag:s23] =	ssyncadd.s32 $0xFFFFFFFF  }
0xa5: {  	s26 =	simm.s32 $execute0_lowered;
	[smem:$0x3FD2] =	sst s25  }
0xa6: {  	s5 =	sshll.u32 s26, $0x1;
	_ =	strace $0x80000046;
	[dreg:$0x1] =	wrdreg $0xFFFFFFFF  }
0xa7: {  	s28 =	simm.s32 $_size_execute0_lowered;
	s3 =	sadd.s32 s3, s5;
	[dreg:$0x0] =	wrdreg $0x0  }
0xa8: {  	s5 =	sshll.u32 s28, $0x1;
	[dreg:$0x2] =	wrdreg s3  }
0xa9: {  	[dreg:$0x3] =	wrdreg s5  }
0xaa: {  	[dreg:$0x4] =	wrdreg $0xC0  }
0xab: {  	_ =	task [dreg:s7], $0x5FFFF  }
0xac: {  	[dreg:$0x1] =	wrdreg $0xFFFFFFFF  }
0xad: {  	[dreg:$0x0] =	wrdreg $0x60  }
0xae: {  	[dreg:$0x2] =	wrdreg s24  }
0xaf: {  	[dreg:$0x3] =	wrdreg s2  }
0xb0: {  	[dreg:$0x4] =	wrdreg $0x5000  }
0xb1: {  	[dreg:$0x5] =	wrdreg $0x9  }
0xb2: {  	_ =	task.clear_ibuf [dreg:s7], $0x6FFFF;
	_ =	strace $0x90000046  }
0xb3: {  	s29 =	simm.s32 $0x9;
	_ =	strace $0x80000048  }
0xb4: {  	_ =	swait.ge [sflag:s29], $0x1  }
0xb5: {  	[sflag:s29] =	ssyncadd.s32 $0xFFFFFFFF  }
0xb6: {  	_ =	strace $0x90000048  }
0xb7: {  	_ =	sfence  }
0xb8: {  	s30 =	sld [smem:$0x0];
	_ =	sdelay $0x2  }
0xb9: {  	s31 =	sshll.u32 s1, $0xD;
	s1 =	sshrl.u32 s1, $0x2  }
0xba: {  	s3 =	sand.u32 $0x4000, s31;
	s1 =	sadd.s32 s1, s30  }
0xbb: {  	s0 =	sor.u32 s3, s0;
	s1 =	sshll.u32 s1, $0x11  }
0xbc: {  	s0 =	sor.u32 s1, s0  }
0xbd: {  	s0 =	sadd.s32 $0x8F2B, s0  }
0xbe: {  	[sflag:s0] =	ssyncadd.remote.s32 $0x1  }
0xbf: {  	_ =	sfence.sel $0xFFFF  }
0xc0: {  	[dreg:$0x0] =	wrdreg $0xFFFFFFFF;
	(pc) =	sbr.abs _section_cstart, $3  }
0xc1: {  	[dreg:$0x1] =	wrdreg $0xFFFFFFFF  }
0xc2: {  	_ =	task.clear_ibuf [dreg:s7], $0x2FFFF;
	_ =	strace $0x9FFFFFFF  }
0xc3: {  	(tm) =	ssettm $0x7FFFFFFF  }
tec
execute0_lowered:
.L_overlay_start_1:
0x0: {  	(tag) =	ssettag $0x1  }
0x1: {  	s6 =	rddreg [dreg:$0x0]  }
0x2: {  	s2 =	rddreg [dreg:$0x1]  }
0x3: {  	s0 =	srdreg.scid;
	s3 =	rddreg [dreg:$0x2]  }
0x4: {  	s1 =	rddreg [dreg:$0x3];
	s4 =	simm.s32 $0x0;
	s7 =	sand.u32 $0x1, s0  }
0x5: {  	s12 =	simm.s32 $0x200;
	s0 =	stileid.u32;
	s5 =	smul.u32 $0x28000, s7  }
0x6: {  	s13 =	simm.s32 $0x80;
	s14 =	simm.s32 $0x100;
	s8 =	smul.u32 $0x2800, s0  }
0x7: {  	s15 =	simm.s32 $0x180;
	[smem:$0x7FF] =	sst s4;
	s29 =	smul.u32 $0x500, s0  }
0x8: {  	s9 =	sshll.u32 s7, $0x7;
	s30 =	smul.u32 $0xA00, s0;
	s7 =	ssub.s32 $0x2, s7  }
0x9: {  	s16 =	simm.s32 $0x0;
	_ =	strace $0x80000047;
	s31 =	sshrl.u32 s7, $0x1  }
0xa: {  	s5 =	sadd.s32 s8, s5;
	s8 =	sor.u32 s9, s29;
	s9 =	sshrl.u32 s30, $0x2  }
0xb: {  	s11 =	ssub.s32 s7, s31;
	s5 =	sshrl.u32 s5, $0x3;
	s8 =	sshrl.u32 s8, $0x3  }
0xc: {  	s10 =	sadd.s32 s5, s6;
	s5 =	sadd.s32 $0x17000, s6;
	s8 =	sadd.s32 s8, s6  }
0xd: {  	s6 =	sadd.s32 s9, s3;
	s7 =	sadd.s32 $0x17200, s8;
	s8 =	smax.u32 s11, $0x1  }
0xe: {  	s9 =	sadd.s32 $0x3000, s10;
	s10 =	simm.s32 $0x280;
	s11 =	simm.s32 $0x1  }
.LBB2_1:
0xf: {  	[tilespmem:s10], [sflag:$0x1] =	stream.linear.gather [hbm4b:s5+s4], $0x280, $0x38;
	[tilespmem:$0x780] =	vst v63  }
0x10: {  	_ =	swait.ge [sflag:s11], $0x280  }
0x11: {  	[sflag:s11] =	ssyncset.done $0x0  }
0x12: {  	[sflag:s11] =	ssyncadd.s32 $0xFFFFFD80  }
0x13: {  	[spmem:s6] =	stream.linear.scatter [tilespmem:s10], [sflag:$0x1], $0x280, $0x38;
	[tilespmem:$0x780] =	vst v63  }
0x14: {  	_ =	swait.ge [sflag:s11], $0x280  }
0x15: {  	[sflag:s11] =	ssyncset.done $0x0  }
0x16: {  	[sflag:s11] =	ssyncadd.s32 $0xFFFFFD80  }
0x17: {  	[tilespmem:s12], [sflag:$0x1] =	stream.linear.gather [hbm4b:s2+s4], $0x80, $0x38;
	[tilespmem:$0x780] =	vst v63  }
0x18: {  	_ =	swait.ge [sflag:s11], $0x80  }
0x19: {  	[sflag:s11] =	ssyncset.done $0x0  }
0x1a: {  	[sflag:s11] =	ssyncadd.s32 $0xFFFFFF80  }
0x1b: {  	s17 =	sadd.s32 $0x0, s9;
	[bflag:$0x0] =	sbarrier.arrive $0xFFFF  }
0x1c: {  	[tilespmem:s4], [sflag:$0x1] =	stream.linear.gather [hbm4b:s17+s4], $0x200, $0x38;
	[tilespmem:$0x780] =	vst v63  }
0x1d: {  	_ =	swait.ge [sflag:s11], $0x200  }
0x1e: {  	[sflag:s11] =	ssyncset.done $0x0  }
0x1f: {  	[sflag:s11] =	ssyncadd.s32 $0xFFFFFE00  }
0x20: {  	[spmem:s3] =	stream.indirect.scatter.add.f32 [tilespmem:s12], [sflag:$0x1], $0x1, s4, s13, $0xb8;
	[tilespmem:$0x780] =	vst v63  }
0x21: {  	_ =	swait.ge [sflag:s11], $0x80  }
0x22: {  	[sflag:s11] =	ssyncset.done $0x0  }
0x23: {  	[sflag:s11] =	ssyncadd.s32 $0xFFFFFF80  }
0x24: {  	[spmem:s3] =	stream.indirect.scatter.add.f32 [tilespmem:s12], [sflag:$0x1], $0x1, s13, s13, $0xb8;
	[tilespmem:$0x780] =	vst v63  }
0x25: {  	_ =	swait.ge [sflag:s11], $0x80  }
0x26: {  	[sflag:s11] =	ssyncset.done $0x0  }
0x27: {  	[sflag:s11] =	ssyncadd.s32 $0xFFFFFF80  }
0x28: {  	[spmem:s3] =	stream.indirect.scatter.add.f32 [tilespmem:s12], [sflag:$0x1], $0x1, s14, s13, $0xb8;
	[tilespmem:$0x780] =	vst v63  }
0x29: {  	_ =	swait.ge [sflag:s11], $0x80  }
0x2a: {  	[sflag:s11] =	ssyncset.done $0x0  }
0x2b: {  	[sflag:s11] =	ssyncadd.s32 $0xFFFFFF80  }
0x2c: {  	[spmem:s3] =	stream.indirect.scatter.add.f32 [tilespmem:s12], [sflag:$0x1], $0x1, s15, s13, $0xb8;
	[tilespmem:$0x780] =	vst v63  }
0x2d: {  	_ =	swait.ge [sflag:s11], $0x80  }
0x2e: {  	s18 =	simm.s32 $0x80;
	s17 =	simm.s32 $0x40;
	[sflag:s11] =	ssyncset.done $0x0  }
.LBB2_2:
0x2f: {  	s19 =	sadd.s32 s17, s9  }
0x30: {  	[sflag:s11] =	ssyncadd.s32 $0xFFFFFF80;
	s17 =	smov.u32 s18;
	s20 =	sadd.s32 $0x40, s18  }
0x31: {  	[tilespmem:s4], [sflag:$0x1] =	stream.linear.gather [hbm4b:s19+s4], $0x200, $0x38;
	[tilespmem:$0x780] =	vst v63  }
0x32: {  	p0 =	sne.s32 s18, $0x4C0;
	_ =	swait.ge [sflag:s11], $0x200  }
0x33: {  	[sflag:s11] =	ssyncset.done $0x0  }
0x34: {  	[sflag:s11] =	ssyncadd.s32 $0xFFFFFE00  }
0x35: {  	[spmem:s3] =	stream.indirect.scatter.add.f32 [tilespmem:s12], [sflag:$0x1], $0x1, s4, s13, $0xb8;
	[tilespmem:$0x780] =	vst v63  }
0x36: {  	_ =	swait.ge [sflag:s11], $0x80  }
0x37: {  	[sflag:s11] =	ssyncset.done $0x0  }
0x38: {  	[sflag:s11] =	ssyncadd.s32 $0xFFFFFF80  }
0x39: {  	[spmem:s3] =	stream.indirect.scatter.add.f32 [tilespmem:s12], [sflag:$0x1], $0x1, s13, s13, $0xb8;
	[tilespmem:$0x780] =	vst v63  }
0x3a: {  	_ =	swait.ge [sflag:s11], $0x80  }
0x3b: {  	[sflag:s11] =	ssyncset.done $0x0  }
0x3c: {  	[sflag:s11] =	ssyncadd.s32 $0xFFFFFF80  }
0x3d: {  	[spmem:s3] =	stream.indirect.scatter.add.f32 [tilespmem:s12], [sflag:$0x1], $0x1, s14, s13, $0xb8;
	[tilespmem:$0x780] =	vst v63  }
0x3e: {  	_ =	swait.ge [sflag:s11], $0x80  }
.Ltmp0:
0x3f: {  	[sflag:s11] =	ssyncset.done $0x0;
	(pc) =	sbr.rel @p0 .LBB2_2-.Ltmp0, $4  }
0x40: {  	[sflag:s11] =	ssyncadd.s32 $0xFFFFFF80  }
0x41: {  	[spmem:s3] =	stream.indirect.scatter.add.f32 [tilespmem:s12], [sflag:$0x1], $0x1, s15, s13, $0xb8;
	[tilespmem:$0x780] =	vst v63  }
0x42: {  	_ =	swait.ge [sflag:s11], $0x80  }
0x43: {  	s18 =	smov.u32 s20;
	[sflag:s11] =	ssyncset.done $0x0  }
0x44: {  	s17 =	sadd.s32 s17, s9;
	[sflag:s11] =	ssyncadd.s32 $0xFFFFFF80  }
0x45: {  	[tilespmem:s4], [sflag:$0x1] =	stream.linear.gather [hbm4b:s17+s4], $0x200, $0x38;
	[tilespmem:$0x780] =	vst v63  }
0x46: {  	_ =	swait.ge [sflag:s11], $0x200  }
0x47: {  	[sflag:s11] =	ssyncset.done $0x0  }
0x48: {  	[sflag:s11] =	ssyncadd.s32 $0xFFFFFE00  }
0x49: {  	[spmem:s3] =	stream.indirect.scatter.add.f32 [tilespmem:s12], [sflag:$0x1], $0x1, s4, s13, $0xb8;
	[tilespmem:$0x780] =	vst v63  }
0x4a: {  	_ =	swait.ge [sflag:s11], $0x80  }
0x4b: {  	[sflag:s11] =	ssyncset.done $0x0  }
0x4c: {  	[sflag:s11] =	ssyncadd.s32 $0xFFFFFF80  }
0x4d: {  	[spmem:s3] =	stream.indirect.scatter.add.f32 [tilespmem:s12], [sflag:$0x1], $0x1, s13, s13, $0xb8;
	[tilespmem:$0x780] =	vst v63  }
0x4e: {  	_ =	swait.ge [sflag:s11], $0x80  }
0x4f: {  	[sflag:s11] =	ssyncset.done $0x0  }
0x50: {  	[sflag:s11] =	ssyncadd.s32 $0xFFFFFF80  }
0x51: {  	[spmem:s3] =	stream.indirect.scatter.add.f32 [tilespmem:s12], [sflag:$0x1], $0x1, s14, s13, $0xb8;
	[tilespmem:$0x780] =	vst v63  }
0x52: {  	_ =	swait.ge [sflag:s11], $0x80  }
0x53: {  	[sflag:s11] =	ssyncset.done $0x0  }
0x54: {  	[sflag:s11] =	ssyncadd.s32 $0xFFFFFF80  }
0x55: {  	[spmem:s3] =	stream.indirect.scatter.add.f32 [tilespmem:s12], [sflag:$0x1], $0x1, s15, s13, $0xb8;
	[tilespmem:$0x780] =	vst v63  }
0x56: {  	_ =	swait.ge [sflag:s11], $0x80  }
0x57: {  	[sflag:s11] =	ssyncset.done $0x0  }
0x58: {  	[sflag:s11] =	ssyncadd.s32 $0xFFFFFF80  }
0x59: {  	[bflag:$0x0] =	sbarrier.arrive $0xFFFF  }
0x5a: {  	[tilespmem:s10], [sflag:$0x1] =	stream.linear.gather [spmem:s6], $0x280, $0x38;
	[tilespmem:$0x780] =	vst v63  }
0x5b: {  	s16 =	sadd.s32 $0x1, s16;
	_ =	swait.ge [sflag:s11], $0x280  }
0x5c: {  	p0 =	sne.s32 s16, s8;
	[sflag:s11] =	ssyncset.done $0x0  }
.Ltmp1:
0x5d: {  	[sflag:s11] =	ssyncadd.s32 $0xFFFFFD80;
	(pc) =	sbr.rel @p0 .LBB2_1-.Ltmp1, $4  }
0x5e: {  	[hbm4b:s7+s13] =	stream.strided.scatter [tilespmem:s10], [sflag:$0x1], $0x280, s14, s13, $0x38;
	[tilespmem:$0x780] =	vst v63  }
0x5f: {  	_ =	swait.ge [sflag:s11], $0x280  }
0x60: {  	[sflag:s11] =	ssyncset.done $0x0  }
0x61: {  	[sflag:s11] =	ssyncadd.s32 $0xFFFFFD80  }
0x62: {  	_ =	sfence.sel $0x180000  }
0x63: {  	[bflag:$0x0] =	sbarrier.arrive $0xFFFF  }
0x64: {  	p0 =	sne.s32 s0, $0x0;
	_ =	strace $0x90000047  }
0x65: {  	s0 =	sadd.s32 @!p0 $0x100000, s1;
	[bflag:$0x2] =	sbarrier.arrive $0xFFFF  }
0x66: {  	[sflag:s0] =	ssyncadd.tile.s32 @!p0 $0x1;
	_ =	shalt  }
.Lfunc_end2:
_tile_overlayer_lowered:
.L_overlay_start_2:
0x67: {  	(tag) =	ssettag $0x2  }
0x68: {  	s0 =	rddreg [dreg:$0x0];
	s2 =	stileid.u32  }
0x69: {  	s1 =	rddreg [dreg:$0x1];
	p0 =	sne.s32 s2, $0x0  }
0x6a: {  	s3 =	rddreg [dreg:$0x2];
	[bflag:$0x3] =	sbarrier.arrive $0xFFFF;
	s2 =	simm.s32 @!p0 $0x1C01  }
0x6b: {  	[timem:s3], [sflag:s2] =	dma.local @!p0 [hbm:s0], s1  }
0x6c: {  	s0 =	simm.s32 @!p0 $0x1  }
0x6d: {  	_ =	swait.ge @!p0 [sflag:s0], s1  }
0x6e: {  	s1 =	ssub.s32 @!p0 $0x0, s1;
	[sflag:s0] =	ssyncset.done @!p0 $0x0  }
0x6f: {  	[sflag:s0] =	ssyncadd.s32 @!p0 s1  }
0x70: {  	[bflag:$0x3] =	sbarrier.arrive $0xFFFF  }
0x71: {  	_ =	shalt  }

</sc_bundles>
